<compile_context>
chip_gen: v7x
topology: tpu7x:2x2x1
jax: 0.10.2.dev20260603
libtpu: 0.0.44.dev20260713+nightly
codegen_flags: <defaults>
</compile_context>

<pallas_src>
import jax
import jax.numpy as jnp
from jax import lax
from jax.experimental import pallas as pl
from jax.experimental.pallas import tpu as pltpu
from jax.experimental.pallas import tpu_sc as plsc

B = 16384
F = 26
FIELD = 100000
TOTAL = F * FIELD
K = 16

NC = 2
NS = 16
NW = NC * NS
ROWS_PER_W = B // NW
CHUNK = 128
NCHUNK = ROWS_PER_W // CHUNK
NBUF = 2


SB = 1024
NSB = TOTAL // SB
NTAIL = TOTAL - NSB * SB


def _tr_body(wt_hbm, wtail_hbm, out_hbm, xb0, xb1, zb0, zb1,
             si0, si1, so0, so1):
    wid = lax.axis_index("s") * NC + lax.axis_index("c")
    lanes = lax.iota(jnp.int32, 16)
    nfull = NSB // NW + jnp.where(wid < NSB % NW, 1, 0)

    def start_in(b, xb, si):
        pltpu.async_copy(wt_hbm.at[pl.ds(0, 8), pl.ds(b * SB, SB)],
                         xb.at[pl.ds(0, 8), :], si)
        pltpu.async_copy(wt_hbm.at[pl.ds(8, 8), pl.ds(b * SB, SB)],
                         xb.at[pl.ds(8, 8), :], si)

    def wait_in(xb, si):
        pltpu.make_async_copy(wt_hbm.at[:, pl.ds(0, SB)], xb, si).wait()

    def wait_out(zb, so):
        pltpu.make_async_copy(out_hbm.at[pl.ds(0, SB * K)], zb, so).wait()

    def permute(xb, zb, ncol, cbase):
        mask = ncol - 1
        lanes17 = lanes * 17

        @plsc.parallel_loop(0, ncol // 16, step=1, unroll=2)
        def _(g):
            t = lanes17 + g * 16
            for jj in range(16):
                cv = cbase + ((t + jj) & mask)
                col = plsc.load_gather(xb, [lanes, cv])
                sv = (cv - cbase) * 16 + lanes
                plsc.store_scatter(zb, [sv], col)

    npair = nfull // 2
    odd = nfull - npair * 2

    start_in(wid, xb0, si0)

    def pair_body(i2, carry):
        b0 = wid + (2 * i2) * NW
        start_in(b0 + NW, xb1, si1)

        @pl.when(i2 >= 1)
        def _():
            wait_out(zb0, so0)

        wait_in(xb0, si0)
        permute(xb0, zb0, SB, 0)
        pltpu.async_copy(zb0, out_hbm.at[pl.ds(b0 * (SB * K), SB * K)], so0)

        @pl.when(2 * i2 + 2 < nfull)
        def _():
            start_in(b0 + 2 * NW, xb0, si0)

        @pl.when(i2 >= 1)
        def _():
            wait_out(zb1, so1)

        wait_in(xb1, si1)
        permute(xb1, zb1, SB, 0)
        pltpu.async_copy(zb1, out_hbm.at[pl.ds((b0 + NW) * (SB * K), SB * K)],
                         so1)
        return carry

    @pl.when(npair >= 1)
    def _():
        lax.fori_loop(0, npair, pair_body, 0)
        wait_out(zb0, so0)
        wait_out(zb1, so1)

    @pl.when(odd == 1)
    def _():
        b = wid + (nfull - 1) * NW
        wait_in(xb0, si0)
        permute(xb0, zb0, SB, 0)
        pltpu.async_copy(zb0, out_hbm.at[pl.ds(b * (SB * K), SB * K)],
                         so0).wait()

    @pl.when(wid == NW - 1)
    def _tail():
        pltpu.async_copy(wtail_hbm, xb0.at[:, pl.ds(0, 128)], si0).wait()
        permute(xb0, zb0, NTAIL, 64)
        pltpu.async_copy(zb0.at[pl.ds(0, NTAIL * K)],
                         out_hbm.at[pl.ds(NSB * SB * K, NTAIL * K)],
                         so0).wait()


@jax.jit
def _tr_call(wt, wtail):
    mesh = plsc.VectorSubcoreMesh(core_axis_name="c", subcore_axis_name="s")
    return pl.kernel(
        _tr_body,
        mesh=mesh,
        compiler_params=pltpu.CompilerParams(
            needs_layout_passes=False, use_tc_tiling_on_sc=True),
        out_type=jax.ShapeDtypeStruct((TOTAL * K,), jnp.float32),
        scratch_types=[
            pltpu.VMEM((16, SB), jnp.float32),
            pltpu.VMEM((16, SB), jnp.float32),
            pltpu.VMEM((SB * K,), jnp.float32),
            pltpu.VMEM((SB * K,), jnp.float32),
            pltpu.SemaphoreType.DMA,
            pltpu.SemaphoreType.DMA,
            pltpu.SemaphoreType.DMA,
            pltpu.SemaphoreType.DMA,
        ],
    )(wt, wtail)


def _fm_body(idx_hbm, wso_hbm, wlin_hbm, bias_hbm, out_hbm,
             xTc0, xTc1, rows, lin, tb, outb, biasv, sem_idx, sem_rows, sem_lin):
    xTc = (xTc0, xTc1)
    wid = lax.axis_index("s") * NC + lax.axis_index("c")
    base = wid * ROWS_PER_W

    pltpu.sync_copy(bias_hbm, biasv)
    bv = biasv[...]

    def fetch(c):
        buf = c % NBUF
        pltpu.sync_copy(idx_hbm.at[wid, c], xTc[buf])
        h_rows = pltpu.async_copy(wso_hbm.at[xTc[buf]], rows.at[buf], sem_rows)
        h_lin = pltpu.async_copy(wlin_hbm.at[xTc[buf]], lin.at[buf], sem_lin)
        return h_rows, h_lin

    handles = fetch(0)
    for c in range(NCHUNK):
        buf = c % NBUF
        h_rows, h_lin = handles
        if c + 1 < NCHUNK:
            handles = fetch(c + 1)
        h_rows.wait()

        @plsc.parallel_loop(0, CHUNK, step=1, unroll=2)
        def row_body(b, buf=buf):
            v = rows[buf, b, :]
            acc = v
            acc2 = v * v
            for f in range(1, F):
                v = rows[buf, f * CHUNK + b, :]
                acc = acc + v
                acc2 = acc2 + v * v
            tb[pl.ds(b * 16, 16)] = acc * acc - acc2

        h_lin.wait()

        @plsc.parallel_loop(0, CHUNK // 16, step=1, unroll=2)
        def grp_body(g, buf=buf, c=c):
            colbase = g * 256 + lax.iota(jnp.int32, 16) * 16
            sv = plsc.load_gather(tb, [colbase])
            for j in range(1, 16):
                sv = sv + plsc.load_gather(tb, [colbase + j])
            lv = lin[buf, pl.ds(g * 16, 16)]
            for f in range(1, F):
                lv = lv + lin[buf, pl.ds(f * CHUNK + g * 16, 16)]
            outb[pl.ds(c * CHUNK + g * 16, 16)] = 0.5 * sv + lv + bv

    pltpu.sync_copy(outb, out_hbm.at[pl.ds(base, ROWS_PER_W)])


@jax.jit
def _fm_call(idx, wso, wlin, bias16):
    mesh = plsc.VectorSubcoreMesh(core_axis_name="c", subcore_axis_name="s")
    return pl.kernel(
        _fm_body,
        mesh=mesh,
        compiler_params=pltpu.CompilerParams(
            needs_layout_passes=False, use_tc_tiling_on_sc=False),
        out_type=jax.ShapeDtypeStruct((B,), jnp.float32),
        scratch_types=[
            pltpu.VMEM((F * CHUNK,), jnp.int32),
            pltpu.VMEM((F * CHUNK,), jnp.int32),
            pltpu.VMEM((NBUF, F * CHUNK, K), jnp.float32),
            pltpu.VMEM((NBUF, F * CHUNK), jnp.float32),
            pltpu.VMEM((CHUNK * 16,), jnp.float32),
            pltpu.VMEM((ROWS_PER_W,), jnp.float32),
            pltpu.VMEM((16,), jnp.float32),
            pltpu.SemaphoreType.DMA,
            pltpu.SemaphoreType.DMA,
            pltpu.SemaphoreType.DMA,
        ],
    )(idx, wso, wlin, bias16)


def kernel(sparse_x, W_lin, W_so, bias):
    offsets = jnp.arange(F, dtype=sparse_x.dtype) * FIELD
    x = sparse_x + offsets[None, :]
    idx = (x.reshape(NW, NCHUNK, CHUNK, F)
            .transpose(0, 1, 3, 2)
            .reshape(NW, NCHUNK, F * CHUNK))
    wlin1 = W_lin.T[0]
    wt = W_so.T
    wtail = W_so[TOTAL - 128:].T
    wso_rm = _tr_call(wt, wtail).reshape(TOTAL, K)
    bias16 = jnp.broadcast_to(bias, (16,))
    return _fm_call(idx, wso_rm, wlin1, bias16)

# --- scband reference (transcript-rebuilt; emitter-appended) ---
"""Pipeline reference for scband-fmv1-75282186764753 (READ-ONLY COPY).

The authoritative reference and input builder live on the scoring server;
editing this copy changes nothing except your own understanding.
"""

import jax, jax.numpy as jnp
import numpy as np

B = 16384
F = 26
FIELD = 100000
TOTAL = F * FIELD
K = 16


def setup_inputs(seed: int = 0) -> dict:
    key = jax.random.key(seed)
    k1, k2, k3 = jax.random.split(key, 3)
    sparse_x = jax.random.randint(k1, (B, F), 0, FIELD)
    W_lin = jax.random.normal(k2, (TOTAL, 1), dtype=jnp.float32) * 0.01
    W_so = jax.random.normal(k3, (TOTAL, K), dtype=jnp.float32) * 0.01
    bias = jnp.zeros((1,), dtype=jnp.float32)
    return {"sparse_x": sparse_x, "W_lin": W_lin, "W_so": W_so, "bias": bias}


def reference(sparse_x, W_lin, W_so, bias):
    fields = [FIELD] * F
    offsets = jnp.asarray(np.concatenate([[0], np.cumsum(fields)[:-1]]), dtype=sparse_x.dtype)
    x = sparse_x + offsets[None, :]
    # first-order term: gather [B, F, 1] -> squeeze -> sum over fields
    linear_feature = jnp.take(W_lin, x, axis=0).squeeze(-1).sum(axis=1)
    # second-order term: gather [B, F, K]
    so = jnp.take(W_so, x, axis=0)
    a = jnp.sum(jnp.sum(so, axis=1) ** 2, axis=1)
    b = jnp.sum(jnp.sum(so ** 2, axis=1), axis=1)
    second_order_feature = 0.5 * (a - b)
    return bias + linear_feature + second_order_feature

if __name__ == "__main__":
    import jax
    _d = setup_inputs()
    print(jax.jit(kernel)(*tuple(_d.values())))

</pallas_src>

<mosaic_0001>
#map = affine_map<(d0, d1) -> (0, 0)>
#map1 = affine_map<(d0, d1) -> (0)>
module attributes {stable_mosaic.version = 14 : i64} {
  func.func @_tr_body(%arg0: i32, %arg1: i32, %arg2: memref<16x2600000xf32, #tpu.memory_space<hbm>>, %arg3: memref<16x128xf32, #tpu.memory_space<hbm>>, %arg4: memref<41600000xf32, #tpu.memory_space<hbm>>, %arg5: memref<16x1024xf32, #tpu.memory_space<vmem>>, %arg6: memref<16x1024xf32, #tpu.memory_space<vmem>>, %arg7: memref<16384xf32, #tpu.memory_space<vmem>>, %arg8: memref<16384xf32, #tpu.memory_space<vmem>>, %arg9: memref<!tpu.dma_semaphore, #tpu.memory_space<semaphore_mem>>, %arg10: memref<!tpu.dma_semaphore, #tpu.memory_space<semaphore_mem>>, %arg11: memref<!tpu.dma_semaphore, #tpu.memory_space<semaphore_mem>>, %arg12: memref<!tpu.dma_semaphore, #tpu.memory_space<semaphore_mem>>) attributes {dimension_semantics = [#tpu.dimension_semantics<core_parallel>, #tpu.dimension_semantics<subcore_parallel>], iteration_bounds = array<i64: 2, 16>, scalar_prefetch = 0 : i64, scratch_operands = 8 : i64, tpu.core_type = #tpu.core_type<sc_vector_subcore>, window_params = [{transform_indices = #map}, {transform_indices = #map}, {transform_indices = #map1}]} {
    %mul3A = arith.constant 2 : i32
    %mul3A_0 = arith.muli %arg1, %mul3A : i32
    %add3A = arith.addi %mul3A_0, %arg0 : i32
    %iota3A = tpu.iota {dimensions = array<i32: 0>} : vector<16xi32>
    %lt3A = arith.constant 11 : i32
    %lt3A_1 = arith.cmpi slt, %add3A, %lt3A : i32
    %jit3A = arith.constant 1 : i32
    %jit3A_2 = arith.constant 0 : i32
    %select_n3A = arith.select %lt3A_1, %jit3A, %jit3A_2 : i32
    %add3A_3 = arith.constant 79 : i32
    %add3A_4 = arith.addi %add3A_3, %select_n3A : i32
    %jit3A_5 = arith.constant 2 : i32
    %div3A = arith.divsi %add3A_4, %jit3A_5 : i32
    %sign3A = arith.constant 0 : i32
    %sign3A_6 = arith.cmpi sgt, %add3A_4, %sign3A : i32
    %sign3A_7 = arith.extui %sign3A_6 : i1 to i32
    %sign3A_8 = arith.constant 0 : i32
    %sign3A_9 = arith.cmpi slt, %add3A_4, %sign3A_8 : i32
    %sign3A_10 = arith.extui %sign3A_9 : i1 to i32
    %sign3A_11 = arith.subi %sign3A_7, %sign3A_10 : i32
    %sign3A_12 = arith.constant 0 : i32
    %sign3A_13 = arith.cmpi sgt, %jit3A_5, %sign3A_12 : i32
    %sign3A_14 = arith.extui %sign3A_13 : i1 to i32
    %sign3A_15 = arith.constant 0 : i32
    %sign3A_16 = arith.cmpi slt, %jit3A_5, %sign3A_15 : i32
    %sign3A_17 = arith.extui %sign3A_16 : i1 to i32
    %sign3A_18 = arith.subi %sign3A_14, %sign3A_17 : i32
    %ne3A = arith.cmpi ne, %sign3A_11, %sign3A_18 : i32
    %rem3A = arith.remsi %add3A_4, %jit3A_5 : i32
    %ne3A_19 = arith.constant 0 : i32
    %ne3A_20 = arith.cmpi ne, %rem3A, %ne3A_19 : i32
    %and3A = arith.andi %ne3A, %ne3A_20 : i1
    %sub3A = arith.constant 1 : i32
    %sub3A_21 = arith.subi %div3A, %sub3A : i32
    %select_n3A_22 = arith.select %and3A, %sub3A_21, %div3A : i32
    %mul3A_23 = arith.constant 2 : i32
    %mul3A_24 = arith.muli %select_n3A_22, %mul3A_23 : i32
    %sub3A_25 = arith.subi %add3A_4, %mul3A_24 : i32
    %mul3A_26 = arith.constant 1024 : i32
    %mul3A_27 = arith.muli %add3A, %mul3A_26 : i32
    %dma_start3A = arith.constant 0 : i32
    %dma_start3A_28 = arith.constant 0 : i32
    %dma_start3A_29 = tpu.memref_slice %arg5[%dma_start3A, %dma_start3A_28] : memref<16x1024xf32, #tpu.memory_space<vmem>> -> memref<8x1024xf32, #tpu.memory_space<vmem>>
    %dma_start3A_30 = arith.constant 0 : i32
    %dma_start3A_31 = tpu.memref_slice %arg2[%dma_start3A_30, %mul3A_27] : memref<16x2600000xf32, #tpu.memory_space<hbm>> -> memref<8x1024xf32, #tpu.memory_space<hbm>>
    %dma_start3A_32 = arith.constant 0 : i32
    %dma_start3A_33 = arith.constant 0 : i32
    %dma_start3A_34 = tpu.memref_slice %arg5[%dma_start3A_32, %dma_start3A_33] : memref<16x1024xf32, #tpu.memory_space<vmem>> -> memref<8x1024xf32, #tpu.memory_space<vmem>>
    %dma_start3A_35 = arith.constant 0 : i32
    %dma_start3A_36 = tpu.memref_slice %arg2[%dma_start3A_35, %mul3A_27] : memref<16x2600000xf32, #tpu.memory_space<hbm>> -> memref<8x1024xf32, #tpu.memory_space<hbm>>
    tpu.enqueue_dma source(%dma_start3A_36 : memref<8x1024xf32, #tpu.memory_space<hbm>>) target(%dma_start3A_34 : memref<8x1024xf32, #tpu.memory_space<vmem>>) target_semaphore(%arg9 : memref<!tpu.dma_semaphore, #tpu.memory_space<semaphore_mem>>)
    %mul3A_37 = arith.constant 1024 : i32
    %mul3A_38 = arith.muli %add3A, %mul3A_37 : i32
    %dma_start3A_39 = arith.constant 8 : i32
    %dma_start3A_40 = arith.constant 0 : i32
    %dma_start3A_41 = tpu.memref_slice %arg5[%dma_start3A_39, %dma_start3A_40] : memref<16x1024xf32, #tpu.memory_space<vmem>> -> memref<8x1024xf32, #tpu.memory_space<vmem>>
    %dma_start3A_42 = arith.constant 8 : i32
    %dma_start3A_43 = tpu.memref_slice %arg2[%dma_start3A_42, %mul3A_38] : memref<16x2600000xf32, #tpu.memory_space<hbm>> -> memref<8x1024xf32, #tpu.memory_space<hbm>>
    %dma_start3A_44 = arith.constant 8 : i32
    %dma_start3A_45 = arith.constant 0 : i32
    %dma_start3A_46 = tpu.memref_slice %arg5[%dma_start3A_44, %dma_start3A_45] : memref<16x1024xf32, #tpu.memory_space<vmem>> -> memref<8x1024xf32, #tpu.memory_space<vmem>>
    %dma_start3A_47 = arith.constant 8 : i32
    %dma_start3A_48 = tpu.memref_slice %arg2[%dma_start3A_47, %mul3A_38] : memref<16x2600000xf32, #tpu.memory_space<hbm>> -> memref<8x1024xf32, #tpu.memory_space<hbm>>
    tpu.enqueue_dma source(%dma_start3A_48 : memref<8x1024xf32, #tpu.memory_space<hbm>>) target(%dma_start3A_46 : memref<8x1024xf32, #tpu.memory_space<vmem>>) target_semaphore(%arg9 : memref<!tpu.dma_semaphore, #tpu.memory_space<semaphore_mem>>)
    %ge3A = arith.constant 1 : i32
    %ge3A_49 = arith.cmpi sge, %select_n3A_22, %ge3A : i32
    %convert_element_type3A = arith.extui %ge3A_49 : i1 to i32
    %cond3A = arith.constant 0 : i32
    %cond3A_50 = arith.cmpi ne, %convert_element_type3A, %cond3A : i32
    scf.if %cond3A_50 {
      %while3A = arith.constant 0 : i32
      %while3A_60 = arith.constant 0 : i32
      %while3A_61 = arith.subi %select_n3A_22, %while3A_60 : i32
      %while3A_62 = arith.addi %while3A_60, %while3A_61 : i32
      %while3A_63 = arith.constant 1 : i32
      %while3A_64 = arith.divsi %while3A_61, %while3A_63 : i32
      %while3A_65 = arith.muli %while3A_64, %while3A_63 : i32
      %while3A_66 = arith.addi %while3A_60, %while3A_65 : i32
      %while3A_67 = arith.constant 1 : i32
      scf.for %while3A_76 = %while3A_60 to %while3A_66 step %while3A_67  : i32 {
        %mul3A_77 = arith.constant 2 : i32
        %mul3A_78 = arith.muli %mul3A_77, %while3A_76 : i32
        %mul3A_79 = arith.constant 32 : i32
        %mul3A_80 = arith.muli %mul3A_78, %mul3A_79 : i32
        %add3A_81 = arith.addi %add3A, %mul3A_80 : i32
        %add3A_82 = arith.constant 32 : i32
        %add3A_83 = arith.addi %add3A_81, %add3A_82 : i32
        %mul3A_84 = arith.constant 1024 : i32
        %mul3A_85 = arith.muli %add3A_83, %mul3A_84 : i32
        %dma_start3A_86 = arith.constant 0 : i32
        %dma_start3A_87 = arith.constant 0 : i32
        %dma_start3A_88 = tpu.memref_slice %arg6[%dma_start3A_86, %dma_start3A_87] : memref<16x1024xf32, #tpu.memory_space<vmem>> -> memref<8x1024xf32, #tpu.memory_space<vmem>>
        %dma_start3A_89 = arith.constant 0 : i32
        %dma_start3A_90 = tpu.memref_slice %arg2[%dma_start3A_89, %mul3A_85] : memref<16x2600000xf32, #tpu.memory_space<hbm>> -> memref<8x1024xf32, #tpu.memory_space<hbm>>
        %dma_start3A_91 = arith.constant 0 : i32
        %dma_start3A_92 = arith.constant 0 : i32
        %dma_start3A_93 = tpu.memref_slice %arg6[%dma_start3A_91, %dma_start3A_92] : memref<16x1024xf32, #tpu.memory_space<vmem>> -> memref<8x1024xf32, #tpu.memory_space<vmem>>
        %dma_start3A_94 = arith.constant 0 : i32
        %dma_start3A_95 = tpu.memref_slice %arg2[%dma_start3A_94, %mul3A_85] : memref<16x2600000xf32, #tpu.memory_space<hbm>> -> memref<8x1024xf32, #tpu.memory_space<hbm>>
        tpu.enqueue_dma source(%dma_start3A_95 : memref<8x1024xf32, #tpu.memory_space<hbm>>) target(%dma_start3A_93 : memref<8x1024xf32, #tpu.memory_space<vmem>>) target_semaphore(%arg10 : memref<!tpu.dma_semaphore, #tpu.memory_space<semaphore_mem>>)
        %mul3A_96 = arith.constant 1024 : i32
        %mul3A_97 = arith.muli %add3A_83, %mul3A_96 : i32
        %dma_start3A_98 = arith.constant 8 : i32
        %dma_start3A_99 = arith.constant 0 : i32
        %dma_start3A_100 = tpu.memref_slice %arg6[%dma_start3A_98, %dma_start3A_99] : memref<16x1024xf32, #tpu.memory_space<vmem>> -> memref<8x1024xf32, #tpu.memory_space<vmem>>
        %dma_start3A_101 = arith.constant 8 : i32
        %dma_start3A_102 = tpu.memref_slice %arg2[%dma_start3A_101, %mul3A_97] : memref<16x2600000xf32, #tpu.memory_space<hbm>> -> memref<8x1024xf32, #tpu.memory_space<hbm>>
        %dma_start3A_103 = arith.constant 8 : i32
        %dma_start3A_104 = arith.constant 0 : i32
        %dma_start3A_105 = tpu.memref_slice %arg6[%dma_start3A_103, %dma_start3A_104] : memref<16x1024xf32, #tpu.memory_space<vmem>> -> memref<8x1024xf32, #tpu.memory_space<vmem>>
        %dma_start3A_106 = arith.constant 8 : i32
        %dma_start3A_107 = tpu.memref_slice %arg2[%dma_start3A_106, %mul3A_97] : memref<16x2600000xf32, #tpu.memory_space<hbm>> -> memref<8x1024xf32, #tpu.memory_space<hbm>>
        tpu.enqueue_dma source(%dma_start3A_107 : memref<8x1024xf32, #tpu.memory_space<hbm>>) target(%dma_start3A_105 : memref<8x1024xf32, #tpu.memory_space<vmem>>) target_semaphore(%arg10 : memref<!tpu.dma_semaphore, #tpu.memory_space<semaphore_mem>>)
        %ge3A_108 = arith.constant 1 : i32
        %ge3A_109 = arith.cmpi sge, %while3A_76, %ge3A_108 : i32
        %convert_element_type3A_110 = arith.extui %ge3A_109 : i1 to i32
        %cond3A_111 = arith.constant 0 : i32
        %cond3A_112 = arith.cmpi ne, %convert_element_type3A_110, %cond3A_111 : i32
        scf.if %cond3A_112 {
          %dma_wait3A_159 = arith.constant 0 : i32
          %dma_wait3A_160 = tpu.memref_slice %arg4[%dma_wait3A_159] : memref<41600000xf32, #tpu.memory_space<hbm>> -> memref<16384xf32, #tpu.memory_space<hbm>>
          %dma_wait3A_161 = arith.constant 0 : i32
          %dma_wait3A_162 = tpu.memref_slice %arg4[%dma_wait3A_161] : memref<41600000xf32, #tpu.memory_space<hbm>> -> memref<16384xf32, #tpu.memory_space<hbm>>
          tpu.wait_dma2 semaphore(%arg11 : memref<!tpu.dma_semaphore, #tpu.memory_space<semaphore_mem>>) src(%dma_wait3A_162 : memref<16384xf32, #tpu.memory_space<hbm>>) dst(%arg7 : memref<16384xf32, #tpu.memory_space<vmem>>)
        } else {
        }
        %dma_wait3A_113 = arith.constant 0 : i32
        %dma_wait3A_114 = arith.constant 0 : i32
        %dma_wait3A_115 = tpu.memref_slice %arg2[%dma_wait3A_113, %dma_wait3A_114] : memref<16x2600000xf32, #tpu.memory_space<hbm>> -> memref<16x1024xf32, #tpu.memory_space<hbm>>
        %dma_wait3A_116 = arith.constant 0 : i32
        %dma_wait3A_117 = arith.constant 0 : i32
        %dma_wait3A_118 = tpu.memref_slice %arg2[%dma_wait3A_116, %dma_wait3A_117] : memref<16x2600000xf32, #tpu.memory_space<hbm>> -> memref<16x1024xf32, #tpu.memory_space<hbm>>
        tpu.wait_dma2 semaphore(%arg9 : memref<!tpu.dma_semaphore, #tpu.memory_space<semaphore_mem>>) src(%dma_wait3A_118 : memref<16x1024xf32, #tpu.memory_space<hbm>>) dst(%arg5 : memref<16x1024xf32, #tpu.memory_space<vmem>>)
        %mul3A_119 = arith.constant 17 : i32
        %mul3A_120 = vector.broadcast %mul3A_119 : i32 to vector<16xi32>
        %mul3A_121 = arith.muli %iota3A, %mul3A_120 : vector<16xi32>
        %parallel_loop3A = arith.constant 0 : i32
        %parallel_loop3A_122 = arith.constant 64 : i32
        %parallel_loop3A_123 = arith.constant 1 : i32
        scf.for %parallel_loop3A_159 = %parallel_loop3A to %parallel_loop3A_122 step %parallel_loop3A_123  : i32 {
          %parallel_loop3A_160 = arith.constant 16 : i32
          %parallel_loop3A_161 = arith.muli %parallel_loop3A_159, %parallel_loop3A_160 : i32
          %parallel_loop3A_162 = vector.broadcast %parallel_loop3A_161 : i32 to vector<16xi32>
          %parallel_loop3A_163 = arith.addi %mul3A_121, %parallel_loop3A_162 : vector<16xi32>
          %parallel_loop3A_164 = arith.constant 0 : i32
          %parallel_loop3A_165 = vector.broadcast %parallel_loop3A_164 : i32 to vector<16xi32>
          %parallel_loop3A_166 = arith.addi %parallel_loop3A_163, %parallel_loop3A_165 : vector<16xi32>
          %parallel_loop3A_167 = arith.constant 1023 : i32
          %parallel_loop3A_168 = vector.broadcast %parallel_loop3A_167 : i32 to vector<16xi32>
          %parallel_loop3A_169 = arith.andi %parallel_loop3A_166, %parallel_loop3A_168 : vector<16xi32>
          %parallel_loop3A_170 = arith.constant 0 : i32
          %parallel_loop3A_171 = vector.broadcast %parallel_loop3A_170 : i32 to vector<16xi32>
          %parallel_loop3A_172 = arith.addi %parallel_loop3A_171, %parallel_loop3A_169 : vector<16xi32>
          %parallel_loop3A_173 = tpu.vector_load_idx %arg5[%iota3A, %parallel_loop3A_172] : memref<16x1024xf32, #tpu.memory_space<vmem>>[vector<16xi32>, vector<16xi32>], vector<16xf32>,
          %parallel_loop3A_174 = arith.constant 0 : i32
          %parallel_loop3A_175 = vector.broadcast %parallel_loop3A_174 : i32 to vector<16xi32>
          %parallel_loop3A_176 = arith.subi %parallel_loop3A_172, %parallel_loop3A_175 : vector<16xi32>
          %parallel_loop3A_177 = arith.constant 16 : i32
          %parallel_loop3A_178 = vector.broadcast %parallel_loop3A_177 : i32 to vector<16xi32>
          %parallel_loop3A_179 = arith.muli %parallel_loop3A_176, %parallel_loop3A_178 : vector<16xi32>
          %parallel_loop3A_180 = arith.addi %parallel_loop3A_179, %iota3A : vector<16xi32>
          tpu.vector_store_idx %arg7[%parallel_loop3A_180], %parallel_loop3A_173 : memref<16384xf32, #tpu.memory_space<vmem>>[vector<16xi32>], vector<16xf32>,
          %parallel_loop3A_181 = arith.constant 1 : i32
          %parallel_loop3A_182 = vector.broadcast %parallel_loop3A_181 : i32 to vector<16xi32>
          %parallel_loop3A_183 = arith.addi %parallel_loop3A_163, %parallel_loop3A_182 : vector<16xi32>
          %parallel_loop3A_184 = arith.constant 1023 : i32
          %parallel_loop3A_185 = vector.broadcast %parallel_loop3A_184 : i32 to vector<16xi32>
          %parallel_loop3A_186 = arith.andi %parallel_loop3A_183, %parallel_loop3A_185 : vector<16xi32>
          %parallel_loop3A_187 = arith.constant 0 : i32
          %parallel_loop3A_188 = vector.broadcast %parallel_loop3A_187 : i32 to vector<16xi32>
          %parallel_loop3A_189 = arith.addi %parallel_loop3A_188, %parallel_loop3A_186 : vector<16xi32>
          %parallel_loop3A_190 = tpu.vector_load_idx %arg5[%iota3A, %parallel_loop3A_189] : memref<16x1024xf32, #tpu.memory_space<vmem>>[vector<16xi32>, vector<16xi32>], vector<16xf32>,
          %parallel_loop3A_191 = arith.constant 0 : i32
          %parallel_loop3A_192 = vector.broadcast %parallel_loop3A_191 : i32 to vector<16xi32>
          %parallel_loop3A_193 = arith.subi %parallel_loop3A_189, %parallel_loop3A_192 : vector<16xi32>
          %parallel_loop3A_194 = arith.constant 16 : i32
          %parallel_loop3A_195 = vector.broadcast %parallel_loop3A_194 : i32 to vector<16xi32>
          %parallel_loop3A_196 = arith.muli %parallel_loop3A_193, %parallel_loop3A_195 : vector<16xi32>
          %parallel_loop3A_197 = arith.addi %parallel_loop3A_196, %iota3A : vector<16xi32>
          tpu.vector_store_idx %arg7[%parallel_loop3A_197], %parallel_loop3A_190 : memref<16384xf32, #tpu.memory_space<vmem>>[vector<16xi32>], vector<16xf32>,
          %parallel_loop3A_198 = arith.constant 2 : i32
          %parallel_loop3A_199 = vector.broadcast %parallel_loop3A_198 : i32 to vector<16xi32>
          %parallel_loop3A_200 = arith.addi %parallel_loop3A_163, %parallel_loop3A_199 : vector<16xi32>
          %parallel_loop3A_201 = arith.constant 1023 : i32
          %parallel_loop3A_202 = vector.broadcast %parallel_loop3A_201 : i32 to vector<16xi32>
          %parallel_loop3A_203 = arith.andi %parallel_loop3A_200, %parallel_loop3A_202 : vector<16xi32>
          %parallel_loop3A_204 = arith.constant 0 : i32
          %parallel_loop3A_205 = vector.broadcast %parallel_loop3A_204 : i32 to vector<16xi32>
          %parallel_loop3A_206 = arith.addi %parallel_loop3A_205, %parallel_loop3A_203 : vector<16xi32>
          %parallel_loop3A_207 = tpu.vector_load_idx %arg5[%iota3A, %parallel_loop3A_206] : memref<16x1024xf32, #tpu.memory_space<vmem>>[vector<16xi32>, vector<16xi32>], vector<16xf32>,
          %parallel_loop3A_208 = arith.constant 0 : i32
          %parallel_loop3A_209 = vector.broadcast %parallel_loop3A_208 : i32 to vector<16xi32>
          %parallel_loop3A_210 = arith.subi %parallel_loop3A_206, %parallel_loop3A_209 : vector<16xi32>
          %parallel_loop3A_211 = arith.constant 16 : i32
          %parallel_loop3A_212 = vector.broadcast %parallel_loop3A_211 : i32 to vector<16xi32>
          %parallel_loop3A_213 = arith.muli %parallel_loop3A_210, %parallel_loop3A_212 : vector<16xi32>
          %parallel_loop3A_214 = arith.addi %parallel_loop3A_213, %iota3A : vector<16xi32>
          tpu.vector_store_idx %arg7[%parallel_loop3A_214], %parallel_loop3A_207 : memref<16384xf32, #tpu.memory_space<vmem>>[vector<16xi32>], vector<16xf32>,
          %parallel_loop3A_215 = arith.constant 3 : i32
          %parallel_loop3A_216 = vector.broadcast %parallel_loop3A_215 : i32 to vector<16xi32>
          %parallel_loop3A_217 = arith.addi %parallel_loop3A_163, %parallel_loop3A_216 : vector<16xi32>
          %parallel_loop3A_218 = arith.constant 1023 : i32
          %parallel_loop3A_219 = vector.broadcast %parallel_loop3A_218 : i32 to vector<16xi32>
          %parallel_loop3A_220 = arith.andi %parallel_loop3A_217, %parallel_loop3A_219 : vector<16xi32>
          %parallel_loop3A_221 = arith.constant 0 : i32
          %parallel_loop3A_222 = vector.broadcast %parallel_loop3A_221 : i32 to vector<16xi32>
          %parallel_loop3A_223 = arith.addi %parallel_loop3A_222, %parallel_loop3A_220 : vector<16xi32>
          %parallel_loop3A_224 = tpu.vector_load_idx %arg5[%iota3A, %parallel_loop3A_223] : memref<16x1024xf32, #tpu.memory_space<vmem>>[vector<16xi32>, vector<16xi32>], vector<16xf32>,
          %parallel_loop3A_225 = arith.constant 0 : i32
          %parallel_loop3A_226 = vector.broadcast %parallel_loop3A_225 : i32 to vector<16xi32>
          %parallel_loop3A_227 = arith.subi %parallel_loop3A_223, %parallel_loop3A_226 : vector<16xi32>
          %parallel_loop3A_228 = arith.constant 16 : i32
          %parallel_loop3A_229 = vector.broadcast %parallel_loop3A_228 : i32 to vector<16xi32>
          %parallel_loop3A_230 = arith.muli %parallel_loop3A_227, %parallel_loop3A_229 : vector<16xi32>
          %parallel_loop3A_231 = arith.addi %parallel_loop3A_230, %iota3A : vector<16xi32>
          tpu.vector_store_idx %arg7[%parallel_loop3A_231], %parallel_loop3A_224 : memref<16384xf32, #tpu.memory_space<vmem>>[vector<16xi32>], vector<16xf32>,
          %parallel_loop3A_232 = arith.constant 4 : i32
          %parallel_loop3A_233 = vector.broadcast %parallel_loop3A_232 : i32 to vector<16xi32>
          %parallel_loop3A_234 = arith.addi %parallel_loop3A_163, %parallel_loop3A_233 : vector<16xi32>
          %parallel_loop3A_235 = arith.constant 1023 : i32
          %parallel_loop3A_236 = vector.broadcast %parallel_loop3A_235 : i32 to vector<16xi32>
          %parallel_loop3A_237 = arith.andi %parallel_loop3A_234, %parallel_loop3A_236 : vector<16xi32>
          %parallel_loop3A_238 = arith.constant 0 : i32
          %parallel_loop3A_239 = vector.broadcast %parallel_loop3A_238 : i32 to vector<16xi32>
          %parallel_loop3A_240 = arith.addi %parallel_loop3A_239, %parallel_loop3A_237 : vector<16xi32>
          %parallel_loop3A_241 = tpu.vector_load_idx %arg5[%iota3A, %parallel_loop3A_240] : memref<16x1024xf32, #tpu.memory_space<vmem>>[vector<16xi32>, vector<16xi32>], vector<16xf32>,
          %parallel_loop3A_242 = arith.constant 0 : i32
          %parallel_loop3A_243 = vector.broadcast %parallel_loop3A_242 : i32 to vector<16xi32>
          %parallel_loop3A_244 = arith.subi %parallel_loop3A_240, %parallel_loop3A_243 : vector<16xi32>
          %parallel_loop3A_245 = arith.constant 16 : i32
          %parallel_loop3A_246 = vector.broadcast %parallel_loop3A_245 : i32 to vector<16xi32>
          %parallel_loop3A_247 = arith.muli %parallel_loop3A_244, %parallel_loop3A_246 : vector<16xi32>
          %parallel_loop3A_248 = arith.addi %parallel_loop3A_247, %iota3A : vector<16xi32>
          tpu.vector_store_idx %arg7[%parallel_loop3A_248], %parallel_loop3A_241 : memref<16384xf32, #tpu.memory_space<vmem>>[vector<16xi32>], vector<16xf32>,
          %parallel_loop3A_249 = arith.constant 5 : i32
          %parallel_loop3A_250 = vector.broadcast %parallel_loop3A_249 : i32 to vector<16xi32>
          %parallel_loop3A_251 = arith.addi %parallel_loop3A_163, %parallel_loop3A_250 : vector<16xi32>
          %parallel_loop3A_252 = arith.constant 1023 : i32
          %parallel_loop3A_253 = vector.broadcast %parallel_loop3A_252 : i32 to vector<16xi32>
          %parallel_loop3A_254 = arith.andi %parallel_loop3A_251, %parallel_loop3A_253 : vector<16xi32>
          %parallel_loop3A_255 = arith.constant 0 : i32
          %parallel_loop3A_256 = vector.broadcast %parallel_loop3A_255 : i32 to vector<16xi32>
          %parallel_loop3A_257 = arith.addi %parallel_loop3A_256, %parallel_loop3A_254 : vector<16xi32>
          %parallel_loop3A_258 = tpu.vector_load_idx %arg5[%iota3A, %parallel_loop3A_257] : memref<16x1024xf32, #tpu.memory_space<vmem>>[vector<16xi32>, vector<16xi32>], vector<16xf32>,
          %parallel_loop3A_259 = arith.constant 0 : i32
          %parallel_loop3A_260 = vector.broadcast %parallel_loop3A_259 : i32 to vector<16xi32>
          %parallel_loop3A_261 = arith.subi %parallel_loop3A_257, %parallel_loop3A_260 : vector<16xi32>
          %parallel_loop3A_262 = arith.constant 16 : i32
          %parallel_loop3A_263 = vector.broadcast %parallel_loop3A_262 : i32 to vector<16xi32>
          %parallel_loop3A_264 = arith.muli %parallel_loop3A_261, %parallel_loop3A_263 : vector<16xi32>
          %parallel_loop3A_265 = arith.addi %parallel_loop3A_264, %iota3A : vector<16xi32>
          tpu.vector_store_idx %arg7[%parallel_loop3A_265], %parallel_loop3A_258 : memref<16384xf32, #tpu.memory_space<vmem>>[vector<16xi32>], vector<16xf32>,
          %parallel_loop3A_266 = arith.constant 6 : i32
          %parallel_loop3A_267 = vector.broadcast %parallel_loop3A_266 : i32 to vector<16xi32>
          %parallel_loop3A_268 = arith.addi %parallel_loop3A_163, %parallel_loop3A_267 : vector<16xi32>
          %parallel_loop3A_269 = arith.constant 1023 : i32
          %parallel_loop3A_270 = vector.broadcast %parallel_loop3A_269 : i32 to vector<16xi32>
          %parallel_loop3A_271 = arith.andi %parallel_loop3A_268, %parallel_loop3A_270 : vector<16xi32>
          %parallel_loop3A_272 = arith.constant 0 : i32
          %parallel_loop3A_273 = vector.broadcast %parallel_loop3A_272 : i32 to vector<16xi32>
          %parallel_loop3A_274 = arith.addi %parallel_loop3A_273, %parallel_loop3A_271 : vector<16xi32>
          %parallel_loop3A_275 = tpu.vector_load_idx %arg5[%iota3A, %parallel_loop3A_274] : memref<16x1024xf32, #tpu.memory_space<vmem>>[vector<16xi32>, vector<16xi32>], vector<16xf32>,
          %parallel_loop3A_276 = arith.constant 0 : i32
          %parallel_loop3A_277 = vector.broadcast %parallel_loop3A_276 : i32 to vector<16xi32>
          %parallel_loop3A_278 = arith.subi %parallel_loop3A_274, %parallel_loop3A_277 : vector<16xi32>
          %parallel_loop3A_279 = arith.constant 16 : i32
          %parallel_loop3A_280 = vector.broadcast %parallel_loop3A_279 : i32 to vector<16xi32>
          %parallel_loop3A_281 = arith.muli %parallel_loop3A_278, %parallel_loop3A_280 : vector<16xi32>
          %parallel_loop3A_282 = arith.addi %parallel_loop3A_281, %iota3A : vector<16xi32>
          tpu.vector_store_idx %arg7[%parallel_loop3A_282], %parallel_loop3A_275 : memref<16384xf32, #tpu.memory_space<vmem>>[vector<16xi32>], vector<16xf32>,
          %parallel_loop3A_283 = arith.constant 7 : i32
          %parallel_loop3A_284 = vector.broadcast %parallel_loop3A_283 : i32 to vector<16xi32>
          %parallel_loop3A_285 = arith.addi %parallel_loop3A_163, %parallel_loop3A_284 : vector<16xi32>
          %parallel_loop3A_286 = arith.constant 1023 : i32
          %parallel_loop3A_287 = vector.broadcast %parallel_loop3A_286 : i32 to vector<16xi32>
          %parallel_loop3A_288 = arith.andi %parallel_loop3A_285, %parallel_loop3A_287 : vector<16xi32>
          %parallel_loop3A_289 = arith.constant 0 : i32
          %parallel_loop3A_290 = vector.broadcast %parallel_loop3A_289 : i32 to vector<16xi32>
          %parallel_loop3A_291 = arith.addi %parallel_loop3A_290, %parallel_loop3A_288 : vector<16xi32>
          %parallel_loop3A_292 = tpu.vector_load_idx %arg5[%iota3A, %parallel_loop3A_291] : memref<16x1024xf32, #tpu.memory_space<vmem>>[vector<16xi32>, vector<16xi32>], vector<16xf32>,
          %parallel_loop3A_293 = arith.constant 0 : i32
          %parallel_loop3A_294 = vector.broadcast %parallel_loop3A_293 : i32 to vector<16xi32>
          %parallel_loop3A_295 = arith.subi %parallel_loop3A_291, %parallel_loop3A_294 : vector<16xi32>
          %parallel_loop3A_296 = arith.constant 16 : i32
          %parallel_loop3A_297 = vector.broadcast %parallel_loop3A_296 : i32 to vector<16xi32>
          %parallel_loop3A_298 = arith.muli %parallel_loop3A_295, %parallel_loop3A_297 : vector<16xi32>
          %parallel_loop3A_299 = arith.addi %parallel_loop3A_298, %iota3A : vector<16xi32>
          tpu.vector_store_idx %arg7[%parallel_loop3A_299], %parallel_loop3A_292 : memref<16384xf32, #tpu.memory_space<vmem>>[vector<16xi32>], vector<16xf32>,
          %parallel_loop3A_300 = arith.constant 8 : i32
          %parallel_loop3A_301 = vector.broadcast %parallel_loop3A_300 : i32 to vector<16xi32>
          %parallel_loop3A_302 = arith.addi %parallel_loop3A_163, %parallel_loop3A_301 : vector<16xi32>
          %parallel_loop3A_303 = arith.constant 1023 : i32
          %parallel_loop3A_304 = vector.broadcast %parallel_loop3A_303 : i32 to vector<16xi32>
          %parallel_loop3A_305 = arith.andi %parallel_loop3A_302, %parallel_loop3A_304 : vector<16xi32>
          %parallel_loop3A_306 = arith.constant 0 : i32
          %parallel_loop3A_307 = vector.broadcast %parallel_loop3A_306 : i32 to vector<16xi32>
          %parallel_loop3A_308 = arith.addi %parallel_loop3A_307, %parallel_loop3A_305 : vector<16xi32>
          %parallel_loop3A_309 = tpu.vector_load_idx %arg5[%iota3A, %parallel_loop3A_308] : memref<16x1024xf32, #tpu.memory_space<vmem>>[vector<16xi32>, vector<16xi32>], vector<16xf32>,
          %parallel_loop3A_310 = arith.constant 0 : i32
          %parallel_loop3A_311 = vector.broadcast %parallel_loop3A_310 : i32 to vector<16xi32>
          %parallel_loop3A_312 = arith.subi %parallel_loop3A_308, %parallel_loop3A_311 : vector<16xi32>
          %parallel_loop3A_313 = arith.constant 16 : i32
          %parallel_loop3A_314 = vector.broadcast %parallel_loop3A_313 : i32 to vector<16xi32>
          %parallel_loop3A_315 = arith.muli %parallel_loop3A_312, %parallel_loop3A_314 : vector<16xi32>
          %parallel_loop3A_316 = arith.addi %parallel_loop3A_315, %iota3A : vector<16xi32>
          tpu.vector_store_idx %arg7[%parallel_loop3A_316], %parallel_loop3A_309 : memref<16384xf32, #tpu.memory_space<vmem>>[vector<16xi32>], vector<16xf32>,
          %parallel_loop3A_317 = arith.constant 9 : i32
          %parallel_loop3A_318 = vector.broadcast %parallel_loop3A_317 : i32 to vector<16xi32>
          %parallel_loop3A_319 = arith.addi %parallel_loop3A_163, %parallel_loop3A_318 : vector<16xi32>
          %parallel_loop3A_320 = arith.constant 1023 : i32
          %parallel_loop3A_321 = vector.broadcast %parallel_loop3A_320 : i32 to vector<16xi32>
          %parallel_loop3A_322 = arith.andi %parallel_loop3A_319, %parallel_loop3A_321 : vector<16xi32>
          %parallel_loop3A_323 = arith.constant 0 : i32
          %parallel_loop3A_324 = vector.broadcast %parallel_loop3A_323 : i32 to vector<16xi32>
          %parallel_loop3A_325 = arith.addi %parallel_loop3A_324, %parallel_loop3A_322 : vector<16xi32>
          %parallel_loop3A_326 = tpu.vector_load_idx %arg5[%iota3A, %parallel_loop3A_325] : memref<16x1024xf32, #tpu.memory_space<vmem>>[vector<16xi32>, vector<16xi32>], vector<16xf32>,
          %parallel_loop3A_327 = arith.constant 0 : i32
          %parallel_loop3A_328 = vector.broadcast %parallel_loop3A_327 : i32 to vector<16xi32>
          %parallel_loop3A_329 = arith.subi %parallel_loop3A_325, %parallel_loop3A_328 : vector<16xi32>
          %parallel_loop3A_330 = arith.constant 16 : i32
          %parallel_loop3A_331 = vector.broadcast %parallel_loop3A_330 : i32 to vector<16xi32>
          %parallel_loop3A_332 = arith.muli %parallel_loop3A_329, %parallel_loop3A_331 : vector<16xi32>
          %parallel_loop3A_333 = arith.addi %parallel_loop3A_332, %iota3A : vector<16xi32>
          tpu.vector_store_idx %arg7[%parallel_loop3A_333], %parallel_loop3A_326 : memref<16384xf32, #tpu.memory_space<vmem>>[vector<16xi32>], vector<16xf32>,
          %parallel_loop3A_334 = arith.constant 10 : i32
          %parallel_loop3A_335 = vector.broadcast %parallel_loop3A_334 : i32 to vector<16xi32>
          %parallel_loop3A_336 = arith.addi %parallel_loop3A_163, %parallel_loop3A_335 : vector<16xi32>
          %parallel_loop3A_337 = arith.constant 1023 : i32
          %parallel_loop3A_338 = vector.broadcast %parallel_loop3A_337 : i32 to vector<16xi32>
          %parallel_loop3A_339 = arith.andi %parallel_loop3A_336, %parallel_loop3A_338 : vector<16xi32>
          %parallel_loop3A_340 = arith.constant 0 : i32
          %parallel_loop3A_341 = vector.broadcast %parallel_loop3A_340 : i32 to vector<16xi32>
          %parallel_loop3A_342 = arith.addi %parallel_loop3A_341, %parallel_loop3A_339 : vector<16xi32>
          %parallel_loop3A_343 = tpu.vector_load_idx %arg5[%iota3A, %parallel_loop3A_342] : memref<16x1024xf32, #tpu.memory_space<vmem>>[vector<16xi32>, vector<16xi32>], vector<16xf32>,
          %parallel_loop3A_344 = arith.constant 0 : i32
          %parallel_loop3A_345 = vector.broadcast %parallel_loop3A_344 : i32 to vector<16xi32>
          %parallel_loop3A_346 = arith.subi %parallel_loop3A_342, %parallel_loop3A_345 : vector<16xi32>
          %parallel_loop3A_347 = arith.constant 16 : i32
          %parallel_loop3A_348 = vector.broadcast %parallel_loop3A_347 : i32 to vector<16xi32>
          %parallel_loop3A_349 = arith.muli %parallel_loop3A_346, %parallel_loop3A_348 : vector<16xi32>
          %parallel_loop3A_350 = arith.addi %parallel_loop3A_349, %iota3A : vector<16xi32>
          tpu.vector_store_idx %arg7[%parallel_loop3A_350], %parallel_loop3A_343 : memref<16384xf32, #tpu.memory_space<vmem>>[vector<16xi32>], vector<16xf32>,
          %parallel_loop3A_351 = arith.constant 11 : i32
          %parallel_loop3A_352 = vector.broadcast %parallel_loop3A_351 : i32 to vector<16xi32>
          %parallel_loop3A_353 = arith.addi %parallel_loop3A_163, %parallel_loop3A_352 : vector<16xi32>
          %parallel_loop3A_354 = arith.constant 1023 : i32
          %parallel_loop3A_355 = vector.broadcast %parallel_loop3A_354 : i32 to vector<16xi32>
          %parallel_loop3A_356 = arith.andi %parallel_loop3A_353, %parallel_loop3A_355 : vector<16xi32>
          %parallel_loop3A_357 = arith.constant 0 : i32
          %parallel_loop3A_358 = vector.broadcast %parallel_loop3A_357 : i32 to vector<16xi32>
          %parallel_loop3A_359 = arith.addi %parallel_loop3A_358, %parallel_loop3A_356 : vector<16xi32>
          %parallel_loop3A_360 = tpu.vector_load_idx %arg5[%iota3A, %parallel_loop3A_359] : memref<16x1024xf32, #tpu.memory_space<vmem>>[vector<16xi32>, vector<16xi32>], vector<16xf32>,
          %parallel_loop3A_361 = arith.constant 0 : i32
          %parallel_loop3A_362 = vector.broadcast %parallel_loop3A_361 : i32 to vector<16xi32>
          %parallel_loop3A_363 = arith.subi %parallel_loop3A_359, %parallel_loop3A_362 : vector<16xi32>
          %parallel_loop3A_364 = arith.constant 16 : i32
          %parallel_loop3A_365 = vector.broadcast %parallel_loop3A_364 : i32 to vector<16xi32>
          %parallel_loop3A_366 = arith.muli %parallel_loop3A_363, %parallel_loop3A_365 : vector<16xi32>
          %parallel_loop3A_367 = arith.addi %parallel_loop3A_366, %iota3A : vector<16xi32>
          tpu.vector_store_idx %arg7[%parallel_loop3A_367], %parallel_loop3A_360 : memref<16384xf32, #tpu.memory_space<vmem>>[vector<16xi32>], vector<16xf32>,
          %parallel_loop3A_368 = arith.constant 12 : i32
          %parallel_loop3A_369 = vector.broadcast %parallel_loop3A_368 : i32 to vector<16xi32>
          %parallel_loop3A_370 = arith.addi %parallel_loop3A_163, %parallel_loop3A_369 : vector<16xi32>
          %parallel_loop3A_371 = arith.constant 1023 : i32
          %parallel_loop3A_372 = vector.broadcast %parallel_loop3A_371 : i32 to vector<16xi32>
          %parallel_loop3A_373 = arith.andi %parallel_loop3A_370, %parallel_loop3A_372 : vector<16xi32>
          %parallel_loop3A_374 = arith.constant 0 : i32
          %parallel_loop3A_375 = vector.broadcast %parallel_loop3A_374 : i32 to vector<16xi32>
          %parallel_loop3A_376 = arith.addi %parallel_loop3A_375, %parallel_loop3A_373 : vector<16xi32>
          %parallel_loop3A_377 = tpu.vector_load_idx %arg5[%iota3A, %parallel_loop3A_376] : memref<16x1024xf32, #tpu.memory_space<vmem>>[vector<16xi32>, vector<16xi32>], vector<16xf32>,
          %parallel_loop3A_378 = arith.constant 0 : i32
          %parallel_loop3A_379 = vector.broadcast %parallel_loop3A_378 : i32 to vector<16xi32>
          %parallel_loop3A_380 = arith.subi %parallel_loop3A_376, %parallel_loop3A_379 : vector<16xi32>
          %parallel_loop3A_381 = arith.constant 16 : i32
          %parallel_loop3A_382 = vector.broadcast %parallel_loop3A_381 : i32 to vector<16xi32>
          %parallel_loop3A_383 = arith.muli %parallel_loop3A_380, %parallel_loop3A_382 : vector<16xi32>
          %parallel_loop3A_384 = arith.addi %parallel_loop3A_383, %iota3A : vector<16xi32>
          tpu.vector_store_idx %arg7[%parallel_loop3A_384], %parallel_loop3A_377 : memref<16384xf32, #tpu.memory_space<vmem>>[vector<16xi32>], vector<16xf32>,
          %parallel_loop3A_385 = arith.constant 13 : i32
          %parallel_loop3A_386 = vector.broadcast %parallel_loop3A_385 : i32 to vector<16xi32>
          %parallel_loop3A_387 = arith.addi %parallel_loop3A_163, %parallel_loop3A_386 : vector<16xi32>
          %parallel_loop3A_388 = arith.constant 1023 : i32
          %parallel_loop3A_389 = vector.broadcast %parallel_loop3A_388 : i32 to vector<16xi32>
          %parallel_loop3A_390 = arith.andi %parallel_loop3A_387, %parallel_loop3A_389 : vector<16xi32>
          %parallel_loop3A_391 = arith.constant 0 : i32
          %parallel_loop3A_392 = vector.broadcast %parallel_loop3A_391 : i32 to vector<16xi32>
          %parallel_loop3A_393 = arith.addi %parallel_loop3A_392, %parallel_loop3A_390 : vector<16xi32>
          %parallel_loop3A_394 = tpu.vector_load_idx %arg5[%iota3A, %parallel_loop3A_393] : memref<16x1024xf32, #tpu.memory_space<vmem>>[vector<16xi32>, vector<16xi32>], vector<16xf32>,
          %parallel_loop3A_395 = arith.constant 0 : i32
          %parallel_loop3A_396 = vector.broadcast %parallel_loop3A_395 : i32 to vector<16xi32>
          %parallel_loop3A_397 = arith.subi %parallel_loop3A_393, %parallel_loop3A_396 : vector<16xi32>
          %parallel_loop3A_398 = arith.constant 16 : i32
          %parallel_loop3A_399 = vector.broadcast %parallel_loop3A_398 : i32 to vector<16xi32>
          %parallel_loop3A_400 = arith.muli %parallel_loop3A_397, %parallel_loop3A_399 : vector<16xi32>
          %parallel_loop3A_401 = arith.addi %parallel_loop3A_400, %iota3A : vector<16xi32>
          tpu.vector_store_idx %arg7[%parallel_loop3A_401], %parallel_loop3A_394 : memref<16384xf32, #tpu.memory_space<vmem>>[vector<16xi32>], vector<16xf32>,
          %parallel_loop3A_402 = arith.constant 14 : i32
          %parallel_loop3A_403 = vector.broadcast %parallel_loop3A_402 : i32 to vector<16xi32>
          %parallel_loop3A_404 = arith.addi %parallel_loop3A_163, %parallel_loop3A_403 : vector<16xi32>
          %parallel_loop3A_405 = arith.constant 1023 : i32
          %parallel_loop3A_406 = vector.broadcast %parallel_loop3A_405 : i32 to vector<16xi32>
          %parallel_loop3A_407 = arith.andi %parallel_loop3A_404, %parallel_loop3A_406 : vector<16xi32>
          %parallel_loop3A_408 = arith.constant 0 : i32
          %parallel_loop3A_409 = vector.broadcast %parallel_loop3A_408 : i32 to vector<16xi32>
          %parallel_loop3A_410 = arith.addi %parallel_loop3A_409, %parallel_loop3A_407 : vector<16xi32>
          %parallel_loop3A_411 = tpu.vector_load_idx %arg5[%iota3A, %parallel_loop3A_410] : memref<16x1024xf32, #tpu.memory_space<vmem>>[vector<16xi32>, vector<16xi32>], vector<16xf32>,
          %parallel_loop3A_412 = arith.constant 0 : i32
          %parallel_loop3A_413 = vector.broadcast %parallel_loop3A_412 : i32 to vector<16xi32>
          %parallel_loop3A_414 = arith.subi %parallel_loop3A_410, %parallel_loop3A_413 : vector<16xi32>
          %parallel_loop3A_415 = arith.constant 16 : i32
          %parallel_loop3A_416 = vector.broadcast %parallel_loop3A_415 : i32 to vector<16xi32>
          %parallel_loop3A_417 = arith.muli %parallel_loop3A_414, %parallel_loop3A_416 : vector<16xi32>
          %parallel_loop3A_418 = arith.addi %parallel_loop3A_417, %iota3A : vector<16xi32>
          tpu.vector_store_idx %arg7[%parallel_loop3A_418], %parallel_loop3A_411 : memref<16384xf32, #tpu.memory_space<vmem>>[vector<16xi32>], vector<16xf32>,
          %parallel_loop3A_419 = arith.constant 15 : i32
          %parallel_loop3A_420 = vector.broadcast %parallel_loop3A_419 : i32 to vector<16xi32>
          %parallel_loop3A_421 = arith.addi %parallel_loop3A_163, %parallel_loop3A_420 : vector<16xi32>
          %parallel_loop3A_422 = arith.constant 1023 : i32
          %parallel_loop3A_423 = vector.broadcast %parallel_loop3A_422 : i32 to vector<16xi32>
          %parallel_loop3A_424 = arith.andi %parallel_loop3A_421, %parallel_loop3A_423 : vector<16xi32>
          %parallel_loop3A_425 = arith.constant 0 : i32
          %parallel_loop3A_426 = vector.broadcast %parallel_loop3A_425 : i32 to vector<16xi32>
          %parallel_loop3A_427 = arith.addi %parallel_loop3A_426, %parallel_loop3A_424 : vector<16xi32>
          %parallel_loop3A_428 = tpu.vector_load_idx %arg5[%iota3A, %parallel_loop3A_427] : memref<16x1024xf32, #tpu.memory_space<vmem>>[vector<16xi32>, vector<16xi32>], vector<16xf32>,
          %parallel_loop3A_429 = arith.constant 0 : i32
          %parallel_loop3A_430 = vector.broadcast %parallel_loop3A_429 : i32 to vector<16xi32>
          %parallel_loop3A_431 = arith.subi %parallel_loop3A_427, %parallel_loop3A_430 : vector<16xi32>
          %parallel_loop3A_432 = arith.constant 16 : i32
          %parallel_loop3A_433 = vector.broadcast %parallel_loop3A_432 : i32 to vector<16xi32>
          %parallel_loop3A_434 = arith.muli %parallel_loop3A_431, %parallel_loop3A_433 : vector<16xi32>
          %parallel_loop3A_435 = arith.addi %parallel_loop3A_434, %iota3A : vector<16xi32>
          tpu.vector_store_idx %arg7[%parallel_loop3A_435], %parallel_loop3A_428 : memref<16384xf32, #tpu.memory_space<vmem>>[vector<16xi32>], vector<16xf32>,
        } {sc.loop_unroll_factor = 2 : i64, sc.parallel_access}
        %mul3A_124 = arith.constant 16384 : i32
        %mul3A_125 = arith.muli %add3A_81, %mul3A_124 : i32
        %dma_start3A_126 = tpu.memref_slice %arg4[%mul3A_125] : memref<41600000xf32, #tpu.memory_space<hbm>> -> memref<16384xf32, #tpu.memory_space<hbm>>
        %dma_start3A_127 = tpu.memref_slice %arg4[%mul3A_125] : memref<41600000xf32, #tpu.memory_space<hbm>> -> memref<16384xf32, #tpu.memory_space<hbm>>
        tpu.enqueue_dma source(%arg7 : memref<16384xf32, #tpu.memory_space<vmem>>) target(%dma_start3A_127 : memref<16384xf32, #tpu.memory_space<hbm>>) target_semaphore(%arg11 : memref<!tpu.dma_semaphore, #tpu.memory_space<semaphore_mem>>)
        %mul3A_128 = arith.constant 2 : i32
        %mul3A_129 = arith.muli %mul3A_128, %while3A_76 : i32
        %add3A_130 = arith.constant 2 : i32
        %add3A_131 = arith.addi %mul3A_129, %add3A_130 : i32
        %lt3A_132 = arith.cmpi slt, %add3A_131, %add3A_4 : i32
        %convert_element_type3A_133 = arith.extui %lt3A_132 : i1 to i32
        %cond3A_134 = arith.constant 0 : i32
        %cond3A_135 = arith.cmpi ne, %convert_element_type3A_133, %cond3A_134 : i32
        scf.if %cond3A_135 {
          %add3A_159 = arith.constant 64 : i32
          %add3A_160 = arith.addi %add3A_81, %add3A_159 : i32
          %mul3A_161 = arith.constant 1024 : i32
          %mul3A_162 = arith.muli %add3A_160, %mul3A_161 : i32
          %dma_start3A_163 = arith.constant 0 : i32
          %dma_start3A_164 = arith.constant 0 : i32
          %dma_start3A_165 = tpu.memref_slice %arg5[%dma_start3A_163, %dma_start3A_164] : memref<16x1024xf32, #tpu.memory_space<vmem>> -> memref<8x1024xf32, #tpu.memory_space<vmem>>
          %dma_start3A_166 = arith.constant 0 : i32
          %dma_start3A_167 = tpu.memref_slice %arg2[%dma_start3A_166, %mul3A_162] : memref<16x2600000xf32, #tpu.memory_space<hbm>> -> memref<8x1024xf32, #tpu.memory_space<hbm>>
          %dma_start3A_168 = arith.constant 0 : i32
          %dma_start3A_169 = arith.constant 0 : i32
          %dma_start3A_170 = tpu.memref_slice %arg5[%dma_start3A_168, %dma_start3A_169] : memref<16x1024xf32, #tpu.memory_space<vmem>> -> memref<8x1024xf32, #tpu.memory_space<vmem>>
          %dma_start3A_171 = arith.constant 0 : i32
          %dma_start3A_172 = tpu.memref_slice %arg2[%dma_start3A_171, %mul3A_162] : memref<16x2600000xf32, #tpu.memory_space<hbm>> -> memref<8x1024xf32, #tpu.memory_space<hbm>>
          tpu.enqueue_dma source(%dma_start3A_172 : memref<8x1024xf32, #tpu.memory_space<hbm>>) target(%dma_start3A_170 : memref<8x1024xf32, #tpu.memory_space<vmem>>) target_semaphore(%arg9 : memref<!tpu.dma_semaphore, #tpu.memory_space<semaphore_mem>>)
          %mul3A_173 = arith.constant 1024 : i32
          %mul3A_174 = arith.muli %add3A_160, %mul3A_173 : i32
          %dma_start3A_175 = arith.constant 8 : i32
          %dma_start3A_176 = arith.constant 0 : i32
          %dma_start3A_177 = tpu.memref_slice %arg5[%dma_start3A_175, %dma_start3A_176] : memref<16x1024xf32, #tpu.memory_space<vmem>> -> memref<8x1024xf32, #tpu.memory_space<vmem>>
          %dma_start3A_178 = arith.constant 8 : i32
          %dma_start3A_179 = tpu.memref_slice %arg2[%dma_start3A_178, %mul3A_174] : memref<16x2600000xf32, #tpu.memory_space<hbm>> -> memref<8x1024xf32, #tpu.memory_space<hbm>>
          %dma_start3A_180 = arith.constant 8 : i32
          %dma_start3A_181 = arith.constant 0 : i32
          %dma_start3A_182 = tpu.memref_slice %arg5[%dma_start3A_180, %dma_start3A_181] : memref<16x1024xf32, #tpu.memory_space<vmem>> -> memref<8x1024xf32, #tpu.memory_space<vmem>>
          %dma_start3A_183 = arith.constant 8 : i32
          %dma_start3A_184 = tpu.memref_slice %arg2[%dma_start3A_183, %mul3A_174] : memref<16x2600000xf32, #tpu.memory_space<hbm>> -> memref<8x1024xf32, #tpu.memory_space<hbm>>
          tpu.enqueue_dma source(%dma_start3A_184 : memref<8x1024xf32, #tpu.memory_space<hbm>>) target(%dma_start3A_182 : memref<8x1024xf32, #tpu.memory_space<vmem>>) target_semaphore(%arg9 : memref<!tpu.dma_semaphore, #tpu.memory_space<semaphore_mem>>)
        } else {
        }
        %ge3A_136 = arith.constant 1 : i32
        %ge3A_137 = arith.cmpi sge, %while3A_76, %ge3A_136 : i32
        %convert_element_type3A_138 = arith.extui %ge3A_137 : i1 to i32
        %cond3A_139 = arith.constant 0 : i32
        %cond3A_140 = arith.cmpi ne, %convert_element_type3A_138, %cond3A_139 : i32
        scf.if %cond3A_140 {
          %dma_wait3A_159 = arith.constant 0 : i32
          %dma_wait3A_160 = tpu.memref_slice %arg4[%dma_wait3A_159] : memref<41600000xf32, #tpu.memory_space<hbm>> -> memref<16384xf32, #tpu.memory_space<hbm>>
          %dma_wait3A_161 = arith.constant 0 : i32
          %dma_wait3A_162 = tpu.memref_slice %arg4[%dma_wait3A_161] : memref<41600000xf32, #tpu.memory_space<hbm>> -> memref<16384xf32, #tpu.memory_space<hbm>>
          tpu.wait_dma2 semaphore(%arg12 : memref<!tpu.dma_semaphore, #tpu.memory_space<semaphore_mem>>) src(%dma_wait3A_162 : memref<16384xf32, #tpu.memory_space<hbm>>) dst(%arg8 : memref<16384xf32, #tpu.memory_space<vmem>>)
        } else {
        }
        %dma_wait3A_141 = arith.constant 0 : i32
        %dma_wait3A_142 = arith.constant 0 : i32
        %dma_wait3A_143 = tpu.memref_slice %arg2[%dma_wait3A_141, %dma_wait3A_142] : memref<16x2600000xf32, #tpu.memory_space<hbm>> -> memref<16x1024xf32, #tpu.memory_space<hbm>>
        %dma_wait3A_144 = arith.constant 0 : i32
        %dma_wait3A_145 = arith.constant 0 : i32
        %dma_wait3A_146 = tpu.memref_slice %arg2[%dma_wait3A_144, %dma_wait3A_145] : memref<16x2600000xf32, #tpu.memory_space<hbm>> -> memref<16x1024xf32, #tpu.memory_space<hbm>>
        tpu.wait_dma2 semaphore(%arg10 : memref<!tpu.dma_semaphore, #tpu.memory_space<semaphore_mem>>) src(%dma_wait3A_146 : memref<16x1024xf32, #tpu.memory_space<hbm>>) dst(%arg6 : memref<16x1024xf32, #tpu.memory_space<vmem>>)
        %mul3A_147 = arith.constant 17 : i32
        %mul3A_148 = vector.broadcast %mul3A_147 : i32 to vector<16xi32>
        %mul3A_149 = arith.muli %iota3A, %mul3A_148 : vector<16xi32>
        %parallel_loop3A_150 = arith.constant 0 : i32
        %parallel_loop3A_151 = arith.constant 64 : i32
        %parallel_loop3A_152 = arith.constant 1 : i32
        scf.for %parallel_loop3A_159 = %parallel_loop3A_150 to %parallel_loop3A_151 step %parallel_loop3A_152  : i32 {
          %parallel_loop3A_160 = arith.constant 16 : i32
          %parallel_loop3A_161 = arith.muli %parallel_loop3A_159, %parallel_loop3A_160 : i32
          %parallel_loop3A_162 = vector.broadcast %parallel_loop3A_161 : i32 to vector<16xi32>
          %parallel_loop3A_163 = arith.addi %mul3A_149, %parallel_loop3A_162 : vector<16xi32>
          %parallel_loop3A_164 = arith.constant 0 : i32
          %parallel_loop3A_165 = vector.broadcast %parallel_loop3A_164 : i32 to vector<16xi32>
          %parallel_loop3A_166 = arith.addi %parallel_loop3A_163, %parallel_loop3A_165 : vector<16xi32>
          %parallel_loop3A_167 = arith.constant 1023 : i32
          %parallel_loop3A_168 = vector.broadcast %parallel_loop3A_167 : i32 to vector<16xi32>
          %parallel_loop3A_169 = arith.andi %parallel_loop3A_166, %parallel_loop3A_168 : vector<16xi32>
          %parallel_loop3A_170 = arith.constant 0 : i32
          %parallel_loop3A_171 = vector.broadcast %parallel_loop3A_170 : i32 to vector<16xi32>
          %parallel_loop3A_172 = arith.addi %parallel_loop3A_171, %parallel_loop3A_169 : vector<16xi32>
          %parallel_loop3A_173 = tpu.vector_load_idx %arg6[%iota3A, %parallel_loop3A_172] : memref<16x1024xf32, #tpu.memory_space<vmem>>[vector<16xi32>, vector<16xi32>], vector<16xf32>,
          %parallel_loop3A_174 = arith.constant 0 : i32
          %parallel_loop3A_175 = vector.broadcast %parallel_loop3A_174 : i32 to vector<16xi32>
          %parallel_loop3A_176 = arith.subi %parallel_loop3A_172, %parallel_loop3A_175 : vector<16xi32>
          %parallel_loop3A_177 = arith.constant 16 : i32
          %parallel_loop3A_178 = vector.broadcast %parallel_loop3A_177 : i32 to vector<16xi32>
          %parallel_loop3A_179 = arith.muli %parallel_loop3A_176, %parallel_loop3A_178 : vector<16xi32>
          %parallel_loop3A_180 = arith.addi %parallel_loop3A_179, %iota3A : vector<16xi32>
          tpu.vector_store_idx %arg8[%parallel_loop3A_180], %parallel_loop3A_173 : memref<16384xf32, #tpu.memory_space<vmem>>[vector<16xi32>], vector<16xf32>,
          %parallel_loop3A_181 = arith.constant 1 : i32
          %parallel_loop3A_182 = vector.broadcast %parallel_loop3A_181 : i32 to vector<16xi32>
          %parallel_loop3A_183 = arith.addi %parallel_loop3A_163, %parallel_loop3A_182 : vector<16xi32>
          %parallel_loop3A_184 = arith.constant 1023 : i32
          %parallel_loop3A_185 = vector.broadcast %parallel_loop3A_184 : i32 to vector<16xi32>
          %parallel_loop3A_186 = arith.andi %parallel_loop3A_183, %parallel_loop3A_185 : vector<16xi32>
          %parallel_loop3A_187 = arith.constant 0 : i32
          %parallel_loop3A_188 = vector.broadcast %parallel_loop3A_187 : i32 to vector<16xi32>
          %parallel_loop3A_189 = arith.addi %parallel_loop3A_188, %parallel_loop3A_186 : vector<16xi32>
          %parallel_loop3A_190 = tpu.vector_load_idx %arg6[%iota3A, %parallel_loop3A_189] : memref<16x1024xf32, #tpu.memory_space<vmem>>[vector<16xi32>, vector<16xi32>], vector<16xf32>,
          %parallel_loop3A_191 = arith.constant 0 : i32
          %parallel_loop3A_192 = vector.broadcast %parallel_loop3A_191 : i32 to vector<16xi32>
          %parallel_loop3A_193 = arith.subi %parallel_loop3A_189, %parallel_loop3A_192 : vector<16xi32>
          %parallel_loop3A_194 = arith.constant 16 : i32
          %parallel_loop3A_195 = vector.broadcast %parallel_loop3A_194 : i32 to vector<16xi32>
          %parallel_loop3A_196 = arith.muli %parallel_loop3A_193, %parallel_loop3A_195 : vector<16xi32>
          %parallel_loop3A_197 = arith.addi %parallel_loop3A_196, %iota3A : vector<16xi32>
          tpu.vector_store_idx %arg8[%parallel_loop3A_197], %parallel_loop3A_190 : memref<16384xf32, #tpu.memory_space<vmem>>[vector<16xi32>], vector<16xf32>,
          %parallel_loop3A_198 = arith.constant 2 : i32
          %parallel_loop3A_199 = vector.broadcast %parallel_loop3A_198 : i32 to vector<16xi32>
          %parallel_loop3A_200 = arith.addi %parallel_loop3A_163, %parallel_loop3A_199 : vector<16xi32>
          %parallel_loop3A_201 = arith.constant 1023 : i32
          %parallel_loop3A_202 = vector.broadcast %parallel_loop3A_201 : i32 to vector<16xi32>
          %parallel_loop3A_203 = arith.andi %parallel_loop3A_200, %parallel_loop3A_202 : vector<16xi32>
          %parallel_loop3A_204 = arith.constant 0 : i32
          %parallel_loop3A_205 = vector.broadcast %parallel_loop3A_204 : i32 to vector<16xi32>
          %parallel_loop3A_206 = arith.addi %parallel_loop3A_205, %parallel_loop3A_203 : vector<16xi32>
          %parallel_loop3A_207 = tpu.vector_load_idx %arg6[%iota3A, %parallel_loop3A_206] : memref<16x1024xf32, #tpu.memory_space<vmem>>[vector<16xi32>, vector<16xi32>], vector<16xf32>,
          %parallel_loop3A_208 = arith.constant 0 : i32
          %parallel_loop3A_209 = vector.broadcast %parallel_loop3A_208 : i32 to vector<16xi32>
          %parallel_loop3A_210 = arith.subi %parallel_loop3A_206, %parallel_loop3A_209 : vector<16xi32>
          %parallel_loop3A_211 = arith.constant 16 : i32
          %parallel_loop3A_212 = vector.broadcast %parallel_loop3A_211 : i32 to vector<16xi32>
          %parallel_loop3A_213 = arith.muli %parallel_loop3A_210, %parallel_loop3A_212 : vector<16xi32>
          %parallel_loop3A_214 = arith.addi %parallel_loop3A_213, %iota3A : vector<16xi32>
          tpu.vector_store_idx %arg8[%parallel_loop3A_214], %parallel_loop3A_207 : memref<16384xf32, #tpu.memory_space<vmem>>[vector<16xi32>], vector<16xf32>,
          %parallel_loop3A_215 = arith.constant 3 : i32
          %parallel_loop3A_216 = vector.broadcast %parallel_loop3A_215 : i32 to vector<16xi32>
          %parallel_loop3A_217 = arith.addi %parallel_loop3A_163, %parallel_loop3A_216 : vector<16xi32>
          %parallel_loop3A_218 = arith.constant 1023 : i32
          %parallel_loop3A_219 = vector.broadcast %parallel_loop3A_218 : i32 to vector<16xi32>
          %parallel_loop3A_220 = arith.andi %parallel_loop3A_217, %parallel_loop3A_219 : vector<16xi32>
          %parallel_loop3A_221 = arith.constant 0 : i32
          %parallel_loop3A_222 = vector.broadcast %parallel_loop3A_221 : i32 to vector<16xi32>
          %parallel_loop3A_223 = arith.addi %parallel_loop3A_222, %parallel_loop3A_220 : vector<16xi32>
          %parallel_loop3A_224 = tpu.vector_load_idx %arg6[%iota3A, %parallel_loop3A_223] : memref<16x1024xf32, #tpu.memory_space<vmem>>[vector<16xi32>, vector<16xi32>], vector<16xf32>,
          %parallel_loop3A_225 = arith.constant 0 : i32
          %parallel_loop3A_226 = vector.broadcast %parallel_loop3A_225 : i32 to vector<16xi32>
          %parallel_loop3A_227 = arith.subi %parallel_loop3A_223, %parallel_loop3A_226 : vector<16xi32>
          %parallel_loop3A_228 = arith.constant 16 : i32
          %parallel_loop3A_229 = vector.broadcast %parallel_loop3A_228 : i32 to vector<16xi32>
          %parallel_loop3A_230 = arith.muli %parallel_loop3A_227, %parallel_loop3A_229 : vector<16xi32>
          %parallel_loop3A_231 = arith.addi %parallel_loop3A_230, %iota3A : vector<16xi32>
          tpu.vector_store_idx %arg8[%parallel_loop3A_231], %parallel_loop3A_224 : memref<16384xf32, #tpu.memory_space<vmem>>[vector<16xi32>], vector<16xf32>,
          %parallel_loop3A_232 = arith.constant 4 : i32
          %parallel_loop3A_233 = vector.broadcast %parallel_loop3A_232 : i32 to vector<16xi32>
          %parallel_loop3A_234 = arith.addi %parallel_loop3A_163, %parallel_loop3A_233 : vector<16xi32>
          %parallel_loop3A_235 = arith.constant 1023 : i32
          %parallel_loop3A_236 = vector.broadcast %parallel_loop3A_235 : i32 to vector<16xi32>
          %parallel_loop3A_237 = arith.andi %parallel_loop3A_234, %parallel_loop3A_236 : vector<16xi32>
          %parallel_loop3A_238 = arith.constant 0 : i32
          %parallel_loop3A_239 = vector.broadcast %parallel_loop3A_238 : i32 to vector<16xi32>
          %parallel_loop3A_240 = arith.addi %parallel_loop3A_239, %parallel_loop3A_237 : vector<16xi32>
          %parallel_loop3A_241 = tpu.vector_load_idx %arg6[%iota3A, %parallel_loop3A_240] : memref<16x1024xf32, #tpu.memory_space<vmem>>[vector<16xi32>, vector<16xi32>], vector<16xf32>,
          %parallel_loop3A_242 = arith.constant 0 : i32
          %parallel_loop3A_243 = vector.broadcast %parallel_loop3A_242 : i32 to vector<16xi32>
          %parallel_loop3A_244 = arith.subi %parallel_loop3A_240, %parallel_loop3A_243 : vector<16xi32>
          %parallel_loop3A_245 = arith.constant 16 : i32
          %parallel_loop3A_246 = vector.broadcast %parallel_loop3A_245 : i32 to vector<16xi32>
          %parallel_loop3A_247 = arith.muli %parallel_loop3A_244, %parallel_loop3A_246 : vector<16xi32>
          %parallel_loop3A_248 = arith.addi %parallel_loop3A_247, %iota3A : vector<16xi32>
          tpu.vector_store_idx %arg8[%parallel_loop3A_248], %parallel_loop3A_241 : memref<16384xf32, #tpu.memory_space<vmem>>[vector<16xi32>], vector<16xf32>,
          %parallel_loop3A_249 = arith.constant 5 : i32
          %parallel_loop3A_250 = vector.broadcast %parallel_loop3A_249 : i32 to vector<16xi32>
          %parallel_loop3A_251 = arith.addi %parallel_loop3A_163, %parallel_loop3A_250 : vector<16xi32>
          %parallel_loop3A_252 = arith.constant 1023 : i32
          %parallel_loop3A_253 = vector.broadcast %parallel_loop3A_252 : i32 to vector<16xi32>
          %parallel_loop3A_254 = arith.andi %parallel_loop3A_251, %parallel_loop3A_253 : vector<16xi32>
          %parallel_loop3A_255 = arith.constant 0 : i32
          %parallel_loop3A_256 = vector.broadcast %parallel_loop3A_255 : i32 to vector<16xi32>
          %parallel_loop3A_257 = arith.addi %parallel_loop3A_256, %parallel_loop3A_254 : vector<16xi32>
          %parallel_loop3A_258 = tpu.vector_load_idx %arg6[%iota3A, %parallel_loop3A_257] : memref<16x1024xf32, #tpu.memory_space<vmem>>[vector<16xi32>, vector<16xi32>], vector<16xf32>,
          %parallel_loop3A_259 = arith.constant 0 : i32
          %parallel_loop3A_260 = vector.broadcast %parallel_loop3A_259 : i32 to vector<16xi32>
          %parallel_loop3A_261 = arith.subi %parallel_loop3A_257, %parallel_loop3A_260 : vector<16xi32>
          %parallel_loop3A_262 = arith.constant 16 : i32
          %parallel_loop3A_263 = vector.broadcast %parallel_loop3A_262 : i32 to vector<16xi32>
          %parallel_loop3A_264 = arith.muli %parallel_loop3A_261, %parallel_loop3A_263 : vector<16xi32>
          %parallel_loop3A_265 = arith.addi %parallel_loop3A_264, %iota3A : vector<16xi32>
          tpu.vector_store_idx %arg8[%parallel_loop3A_265], %parallel_loop3A_258 : memref<16384xf32, #tpu.memory_space<vmem>>[vector<16xi32>], vector<16xf32>,
          %parallel_loop3A_266 = arith.constant 6 : i32
          %parallel_loop3A_267 = vector.broadcast %parallel_loop3A_266 : i32 to vector<16xi32>
          %parallel_loop3A_268 = arith.addi %parallel_loop3A_163, %parallel_loop3A_267 : vector<16xi32>
          %parallel_loop3A_269 = arith.constant 1023 : i32
          %parallel_loop3A_270 = vector.broadcast %parallel_loop3A_269 : i32 to vector<16xi32>
          %parallel_loop3A_271 = arith.andi %parallel_loop3A_268, %parallel_loop3A_270 : vector<16xi32>
          %parallel_loop3A_272 = arith.constant 0 : i32
          %parallel_loop3A_273 = vector.broadcast %parallel_loop3A_272 : i32 to vector<16xi32>
          %parallel_loop3A_274 = arith.addi %parallel_loop3A_273, %parallel_loop3A_271 : vector<16xi32>
          %parallel_loop3A_275 = tpu.vector_load_idx %arg6[%iota3A, %parallel_loop3A_274] : memref<16x1024xf32, #tpu.memory_space<vmem>>[vector<16xi32>, vector<16xi32>], vector<16xf32>,
          %parallel_loop3A_276 = arith.constant 0 : i32
          %parallel_loop3A_277 = vector.broadcast %parallel_loop3A_276 : i32 to vector<16xi32>
          %parallel_loop3A_278 = arith.subi %parallel_loop3A_274, %parallel_loop3A_277 : vector<16xi32>
          %parallel_loop3A_279 = arith.constant 16 : i32
          %parallel_loop3A_280 = vector.broadcast %parallel_loop3A_279 : i32 to vector<16xi32>
          %parallel_loop3A_281 = arith.muli %parallel_loop3A_278, %parallel_loop3A_280 : vector<16xi32>
          %parallel_loop3A_282 = arith.addi %parallel_loop3A_281, %iota3A : vector<16xi32>
          tpu.vector_store_idx %arg8[%parallel_loop3A_282], %parallel_loop3A_275 : memref<16384xf32, #tpu.memory_space<vmem>>[vector<16xi32>], vector<16xf32>,
          %parallel_loop3A_283 = arith.constant 7 : i32
          %parallel_loop3A_284 = vector.broadcast %parallel_loop3A_283 : i32 to vector<16xi32>
          %parallel_loop3A_285 = arith.addi %parallel_loop3A_163, %parallel_loop3A_284 : vector<16xi32>
          %parallel_loop3A_286 = arith.constant 1023 : i32
          %parallel_loop3A_287 = vector.broadcast %parallel_loop3A_286 : i32 to vector<16xi32>
          %parallel_loop3A_288 = arith.andi %parallel_loop3A_285, %parallel_loop3A_287 : vector<16xi32>
          %parallel_loop3A_289 = arith.constant 0 : i32
          %parallel_loop3A_290 = vector.broadcast %parallel_loop3A_289 : i32 to vector<16xi32>
          %parallel_loop3A_291 = arith.addi %parallel_loop3A_290, %parallel_loop3A_288 : vector<16xi32>
          %parallel_loop3A_292 = tpu.vector_load_idx %arg6[%iota3A, %parallel_loop3A_291] : memref<16x1024xf32, #tpu.memory_space<vmem>>[vector<16xi32>, vector<16xi32>], vector<16xf32>,
          %parallel_loop3A_293 = arith.constant 0 : i32
          %parallel_loop3A_294 = vector.broadcast %parallel_loop3A_293 : i32 to vector<16xi32>
          %parallel_loop3A_295 = arith.subi %parallel_loop3A_291, %parallel_loop3A_294 : vector<16xi32>
          %parallel_loop3A_296 = arith.constant 16 : i32
          %parallel_loop3A_297 = vector.broadcast %parallel_loop3A_296 : i32 to vector<16xi32>
          %parallel_loop3A_298 = arith.muli %parallel_loop3A_295, %parallel_loop3A_297 : vector<16xi32>
          %parallel_loop3A_299 = arith.addi %parallel_loop3A_298, %iota3A : vector<16xi32>
          tpu.vector_store_idx %arg8[%parallel_loop3A_299], %parallel_loop3A_292 : memref<16384xf32, #tpu.memory_space<vmem>>[vector<16xi32>], vector<16xf32>,
          %parallel_loop3A_300 = arith.constant 8 : i32
          %parallel_loop3A_301 = vector.broadcast %parallel_loop3A_300 : i32 to vector<16xi32>
          %parallel_loop3A_302 = arith.addi %parallel_loop3A_163, %parallel_loop3A_301 : vector<16xi32>
          %parallel_loop3A_303 = arith.constant 1023 : i32
          %parallel_loop3A_304 = vector.broadcast %parallel_loop3A_303 : i32 to vector<16xi32>
          %parallel_loop3A_305 = arith.andi %parallel_loop3A_302, %parallel_loop3A_304 : vector<16xi32>
          %parallel_loop3A_306 = arith.constant 0 : i32
          %parallel_loop3A_307 = vector.broadcast %parallel_loop3A_306 : i32 to vector<16xi32>
          %parallel_loop3A_308 = arith.addi %parallel_loop3A_307, %parallel_loop3A_305 : vector<16xi32>
          %parallel_loop3A_309 = tpu.vector_load_idx %arg6[%iota3A, %parallel_loop3A_308] : memref<16x1024xf32, #tpu.memory_space<vmem>>[vector<16xi32>, vector<16xi32>], vector<16xf32>,
          %parallel_loop3A_310 = arith.constant 0 : i32
          %parallel_loop3A_311 = vector.broadcast %parallel_loop3A_310 : i32 to vector<16xi32>
          %parallel_loop3A_312 = arith.subi %parallel_loop3A_308, %parallel_loop3A_311 : vector<16xi32>
          %parallel_loop3A_313 = arith.constant 16 : i32
          %parallel_loop3A_314 = vector.broadcast %parallel_loop3A_313 : i32 to vector<16xi32>
          %parallel_loop3A_315 = arith.muli %parallel_loop3A_312, %parallel_loop3A_314 : vector<16xi32>
          %parallel_loop3A_316 = arith.addi %parallel_loop3A_315, %iota3A : vector<16xi32>
          tpu.vector_store_idx %arg8[%parallel_loop3A_316], %parallel_loop3A_309 : memref<16384xf32, #tpu.memory_space<vmem>>[vector<16xi32>], vector<16xf32>,
          %parallel_loop3A_317 = arith.constant 9 : i32
          %parallel_loop3A_318 = vector.broadcast %parallel_loop3A_317 : i32 to vector<16xi32>
          %parallel_loop3A_319 = arith.addi %parallel_loop3A_163, %parallel_loop3A_318 : vector<16xi32>
          %parallel_loop3A_320 = arith.constant 1023 : i32
          %parallel_loop3A_321 = vector.broadcast %parallel_loop3A_320 : i32 to vector<16xi32>
          %parallel_loop3A_322 = arith.andi %parallel_loop3A_319, %parallel_loop3A_321 : vector<16xi32>
          %parallel_loop3A_323 = arith.constant 0 : i32
          %parallel_loop3A_324 = vector.broadcast %parallel_loop3A_323 : i32 to vector<16xi32>
          %parallel_loop3A_325 = arith.addi %parallel_loop3A_324, %parallel_loop3A_322 : vector<16xi32>
          %parallel_loop3A_326 = tpu.vector_load_idx %arg6[%iota3A, %parallel_loop3A_325] : memref<16x1024xf32, #tpu.memory_space<vmem>>[vector<16xi32>, vector<16xi32>], vector<16xf32>,
          %parallel_loop3A_327 = arith.constant 0 : i32
          %parallel_loop3A_328 = vector.broadcast %parallel_loop3A_327 : i32 to vector<16xi32>
          %parallel_loop3A_329 = arith.subi %parallel_loop3A_325, %parallel_loop3A_328 : vector<16xi32>
          %parallel_loop3A_330 = arith.constant 16 : i32
          %parallel_loop3A_331 = vector.broadcast %parallel_loop3A_330 : i32 to vector<16xi32>
          %parallel_loop3A_332 = arith.muli %parallel_loop3A_329, %parallel_loop3A_331 : vector<16xi32>
          %parallel_loop3A_333 = arith.addi %parallel_loop3A_332, %iota3A : vector<16xi32>
          tpu.vector_store_idx %arg8[%parallel_loop3A_333], %parallel_loop3A_326 : memref<16384xf32, #tpu.memory_space<vmem>>[vector<16xi32>], vector<16xf32>,
          %parallel_loop3A_334 = arith.constant 10 : i32
          %parallel_loop3A_335 = vector.broadcast %parallel_loop3A_334 : i32 to vector<16xi32>
          %parallel_loop3A_336 = arith.addi %parallel_loop3A_163, %parallel_loop3A_335 : vector<16xi32>
          %parallel_loop3A_337 = arith.constant 1023 : i32
          %parallel_loop3A_338 = vector.broadcast %parallel_loop3A_337 : i32 to vector<16xi32>
          %parallel_loop3A_339 = arith.andi %parallel_loop3A_336, %parallel_loop3A_338 : vector<16xi32>
          %parallel_loop3A_340 = arith.constant 0 : i32
          %parallel_loop3A_341 = vector.broadcast %parallel_loop3A_340 : i32 to vector<16xi32>
          %parallel_loop3A_342 = arith.addi %parallel_loop3A_341, %parallel_loop3A_339 : vector<16xi32>
          %parallel_loop3A_343 = tpu.vector_load_idx %arg6[%iota3A, %parallel_loop3A_342] : memref<16x1024xf32, #tpu.memory_space<vmem>>[vector<16xi32>, vector<16xi32>], vector<16xf32>,
          %parallel_loop3A_344 = arith.constant 0 : i32
          %parallel_loop3A_345 = vector.broadcast %parallel_loop3A_344 : i32 to vector<16xi32>
          %parallel_loop3A_346 = arith.subi %parallel_loop3A_342, %parallel_loop3A_345 : vector<16xi32>
          %parallel_loop3A_347 = arith.constant 16 : i32
          %parallel_loop3A_348 = vector.broadcast %parallel_loop3A_347 : i32 to vector<16xi32>
          %parallel_loop3A_349 = arith.muli %parallel_loop3A_346, %parallel_loop3A_348 : vector<16xi32>
          %parallel_loop3A_350 = arith.addi %parallel_loop3A_349, %iota3A : vector<16xi32>
          tpu.vector_store_idx %arg8[%parallel_loop3A_350], %parallel_loop3A_343 : memref<16384xf32, #tpu.memory_space<vmem>>[vector<16xi32>], vector<16xf32>,
          %parallel_loop3A_351 = arith.constant 11 : i32
          %parallel_loop3A_352 = vector.broadcast %parallel_loop3A_351 : i32 to vector<16xi32>
          %parallel_loop3A_353 = arith.addi %parallel_loop3A_163, %parallel_loop3A_352 : vector<16xi32>
          %parallel_loop3A_354 = arith.constant 1023 : i32
          %parallel_loop3A_355 = vector.broadcast %parallel_loop3A_354 : i32 to vector<16xi32>
          %parallel_loop3A_356 = arith.andi %parallel_loop3A_353, %parallel_loop3A_355 : vector<16xi32>
          %parallel_loop3A_357 = arith.constant 0 : i32
          %parallel_loop3A_358 = vector.broadcast %parallel_loop3A_357 : i32 to vector<16xi32>
          %parallel_loop3A_359 = arith.addi %parallel_loop3A_358, %parallel_loop3A_356 : vector<16xi32>
          %parallel_loop3A_360 = tpu.vector_load_idx %arg6[%iota3A, %parallel_loop3A_359] : memref<16x1024xf32, #tpu.memory_space<vmem>>[vector<16xi32>, vector<16xi32>], vector<16xf32>,
          %parallel_loop3A_361 = arith.constant 0 : i32
          %parallel_loop3A_362 = vector.broadcast %parallel_loop3A_361 : i32 to vector<16xi32>
          %parallel_loop3A_363 = arith.subi %parallel_loop3A_359, %parallel_loop3A_362 : vector<16xi32>
          %parallel_loop3A_364 = arith.constant 16 : i32
          %parallel_loop3A_365 = vector.broadcast %parallel_loop3A_364 : i32 to vector<16xi32>
          %parallel_loop3A_366 = arith.muli %parallel_loop3A_363, %parallel_loop3A_365 : vector<16xi32>
          %parallel_loop3A_367 = arith.addi %parallel_loop3A_366, %iota3A : vector<16xi32>
          tpu.vector_store_idx %arg8[%parallel_loop3A_367], %parallel_loop3A_360 : memref<16384xf32, #tpu.memory_space<vmem>>[vector<16xi32>], vector<16xf32>,
          %parallel_loop3A_368 = arith.constant 12 : i32
          %parallel_loop3A_369 = vector.broadcast %parallel_loop3A_368 : i32 to vector<16xi32>
          %parallel_loop3A_370 = arith.addi %parallel_loop3A_163, %parallel_loop3A_369 : vector<16xi32>
          %parallel_loop3A_371 = arith.constant 1023 : i32
          %parallel_loop3A_372 = vector.broadcast %parallel_loop3A_371 : i32 to vector<16xi32>
          %parallel_loop3A_373 = arith.andi %parallel_loop3A_370, %parallel_loop3A_372 : vector<16xi32>
          %parallel_loop3A_374 = arith.constant 0 : i32
          %parallel_loop3A_375 = vector.broadcast %parallel_loop3A_374 : i32 to vector<16xi32>
          %parallel_loop3A_376 = arith.addi %parallel_loop3A_375, %parallel_loop3A_373 : vector<16xi32>
          %parallel_loop3A_377 = tpu.vector_load_idx %arg6[%iota3A, %parallel_loop3A_376] : memref<16x1024xf32, #tpu.memory_space<vmem>>[vector<16xi32>, vector<16xi32>], vector<16xf32>,
          %parallel_loop3A_378 = arith.constant 0 : i32
          %parallel_loop3A_379 = vector.broadcast %parallel_loop3A_378 : i32 to vector<16xi32>
          %parallel_loop3A_380 = arith.subi %parallel_loop3A_376, %parallel_loop3A_379 : vector<16xi32>
          %parallel_loop3A_381 = arith.constant 16 : i32
          %parallel_loop3A_382 = vector.broadcast %parallel_loop3A_381 : i32 to vector<16xi32>
          %parallel_loop3A_383 = arith.muli %parallel_loop3A_380, %parallel_loop3A_382 : vector<16xi32>
          %parallel_loop3A_384 = arith.addi %parallel_loop3A_383, %iota3A : vector<16xi32>
          tpu.vector_store_idx %arg8[%parallel_loop3A_384], %parallel_loop3A_377 : memref<16384xf32, #tpu.memory_space<vmem>>[vector<16xi32>], vector<16xf32>,
          %parallel_loop3A_385 = arith.constant 13 : i32
          %parallel_loop3A_386 = vector.broadcast %parallel_loop3A_385 : i32 to vector<16xi32>
          %parallel_loop3A_387 = arith.addi %parallel_loop3A_163, %parallel_loop3A_386 : vector<16xi32>
          %parallel_loop3A_388 = arith.constant 1023 : i32
          %parallel_loop3A_389 = vector.broadcast %parallel_loop3A_388 : i32 to vector<16xi32>
          %parallel_loop3A_390 = arith.andi %parallel_loop3A_387, %parallel_loop3A_389 : vector<16xi32>
          %parallel_loop3A_391 = arith.constant 0 : i32
          %parallel_loop3A_392 = vector.broadcast %parallel_loop3A_391 : i32 to vector<16xi32>
          %parallel_loop3A_393 = arith.addi %parallel_loop3A_392, %parallel_loop3A_390 : vector<16xi32>
          %parallel_loop3A_394 = tpu.vector_load_idx %arg6[%iota3A, %parallel_loop3A_393] : memref<16x1024xf32, #tpu.memory_space<vmem>>[vector<16xi32>, vector<16xi32>], vector<16xf32>,
          %parallel_loop3A_395 = arith.constant 0 : i32
          %parallel_loop3A_396 = vector.broadcast %parallel_loop3A_395 : i32 to vector<16xi32>
          %parallel_loop3A_397 = arith.subi %parallel_loop3A_393, %parallel_loop3A_396 : vector<16xi32>
          %parallel_loop3A_398 = arith.constant 16 : i32
          %parallel_loop3A_399 = vector.broadcast %parallel_loop3A_398 : i32 to vector<16xi32>
          %parallel_loop3A_400 = arith.muli %parallel_loop3A_397, %parallel_loop3A_399 : vector<16xi32>
          %parallel_loop3A_401 = arith.addi %parallel_loop3A_400, %iota3A : vector<16xi32>
          tpu.vector_store_idx %arg8[%parallel_loop3A_401], %parallel_loop3A_394 : memref<16384xf32, #tpu.memory_space<vmem>>[vector<16xi32>], vector<16xf32>,
          %parallel_loop3A_402 = arith.constant 14 : i32
          %parallel_loop3A_403 = vector.broadcast %parallel_loop3A_402 : i32 to vector<16xi32>
          %parallel_loop3A_404 = arith.addi %parallel_loop3A_163, %parallel_loop3A_403 : vector<16xi32>
          %parallel_loop3A_405 = arith.constant 1023 : i32
          %parallel_loop3A_406 = vector.broadcast %parallel_loop3A_405 : i32 to vector<16xi32>
          %parallel_loop3A_407 = arith.andi %parallel_loop3A_404, %parallel_loop3A_406 : vector<16xi32>
          %parallel_loop3A_408 = arith.constant 0 : i32
          %parallel_loop3A_409 = vector.broadcast %parallel_loop3A_408 : i32 to vector<16xi32>
          %parallel_loop3A_410 = arith.addi %parallel_loop3A_409, %parallel_loop3A_407 : vector<16xi32>
          %parallel_loop3A_411 = tpu.vector_load_idx %arg6[%iota3A, %parallel_loop3A_410] : memref<16x1024xf32, #tpu.memory_space<vmem>>[vector<16xi32>, vector<16xi32>], vector<16xf32>,
          %parallel_loop3A_412 = arith.constant 0 : i32
          %parallel_loop3A_413 = vector.broadcast %parallel_loop3A_412 : i32 to vector<16xi32>
          %parallel_loop3A_414 = arith.subi %parallel_loop3A_410, %parallel_loop3A_413 : vector<16xi32>
          %parallel_loop3A_415 = arith.constant 16 : i32
          %parallel_loop3A_416 = vector.broadcast %parallel_loop3A_415 : i32 to vector<16xi32>
          %parallel_loop3A_417 = arith.muli %parallel_loop3A_414, %parallel_loop3A_416 : vector<16xi32>
          %parallel_loop3A_418 = arith.addi %parallel_loop3A_417, %iota3A : vector<16xi32>
          tpu.vector_store_idx %arg8[%parallel_loop3A_418], %parallel_loop3A_411 : memref<16384xf32, #tpu.memory_space<vmem>>[vector<16xi32>], vector<16xf32>,
          %parallel_loop3A_419 = arith.constant 15 : i32
          %parallel_loop3A_420 = vector.broadcast %parallel_loop3A_419 : i32 to vector<16xi32>
          %parallel_loop3A_421 = arith.addi %parallel_loop3A_163, %parallel_loop3A_420 : vector<16xi32>
          %parallel_loop3A_422 = arith.constant 1023 : i32
          %parallel_loop3A_423 = vector.broadcast %parallel_loop3A_422 : i32 to vector<16xi32>
          %parallel_loop3A_424 = arith.andi %parallel_loop3A_421, %parallel_loop3A_423 : vector<16xi32>
          %parallel_loop3A_425 = arith.constant 0 : i32
          %parallel_loop3A_426 = vector.broadcast %parallel_loop3A_425 : i32 to vector<16xi32>
          %parallel_loop3A_427 = arith.addi %parallel_loop3A_426, %parallel_loop3A_424 : vector<16xi32>
          %parallel_loop3A_428 = tpu.vector_load_idx %arg6[%iota3A, %parallel_loop3A_427] : memref<16x1024xf32, #tpu.memory_space<vmem>>[vector<16xi32>, vector<16xi32>], vector<16xf32>,
          %parallel_loop3A_429 = arith.constant 0 : i32
          %parallel_loop3A_430 = vector.broadcast %parallel_loop3A_429 : i32 to vector<16xi32>
          %parallel_loop3A_431 = arith.subi %parallel_loop3A_427, %parallel_loop3A_430 : vector<16xi32>
          %parallel_loop3A_432 = arith.constant 16 : i32
          %parallel_loop3A_433 = vector.broadcast %parallel_loop3A_432 : i32 to vector<16xi32>
          %parallel_loop3A_434 = arith.muli %parallel_loop3A_431, %parallel_loop3A_433 : vector<16xi32>
          %parallel_loop3A_435 = arith.addi %parallel_loop3A_434, %iota3A : vector<16xi32>
          tpu.vector_store_idx %arg8[%parallel_loop3A_435], %parallel_loop3A_428 : memref<16384xf32, #tpu.memory_space<vmem>>[vector<16xi32>], vector<16xf32>,
        } {sc.loop_unroll_factor = 2 : i64, sc.parallel_access}
        %add3A_153 = arith.constant 32 : i32
        %add3A_154 = arith.addi %add3A_81, %add3A_153 : i32
        %mul3A_155 = arith.constant 16384 : i32
        %mul3A_156 = arith.muli %add3A_154, %mul3A_155 : i32
        %dma_start3A_157 = tpu.memref_slice %arg4[%mul3A_156] : memref<41600000xf32, #tpu.memory_space<hbm>> -> memref<16384xf32, #tpu.memory_space<hbm>>
        %dma_start3A_158 = tpu.memref_slice %arg4[%mul3A_156] : memref<41600000xf32, #tpu.memory_space<hbm>> -> memref<16384xf32, #tpu.memory_space<hbm>>
        tpu.enqueue_dma source(%arg8 : memref<16384xf32, #tpu.memory_space<vmem>>) target(%dma_start3A_158 : memref<16384xf32, #tpu.memory_space<hbm>>) target_semaphore(%arg12 : memref<!tpu.dma_semaphore, #tpu.memory_space<semaphore_mem>>)
      }
      %while3A_68 = arith.constant 1 : i32
      scf.for %while3A_76 = %while3A_66 to %while3A_62 step %while3A_68  : i32 {
        %mul3A_77 = arith.constant 2 : i32
        %mul3A_78 = arith.muli %mul3A_77, %while3A_76 : i32
        %mul3A_79 = arith.constant 32 : i32
        %mul3A_80 = arith.muli %mul3A_78, %mul3A_79 : i32
        %add3A_81 = arith.addi %add3A, %mul3A_80 : i32
        %add3A_82 = arith.constant 32 : i32
        %add3A_83 = arith.addi %add3A_81, %add3A_82 : i32
        %mul3A_84 = arith.constant 1024 : i32
        %mul3A_85 = arith.muli %add3A_83, %mul3A_84 : i32
        %dma_start3A_86 = arith.constant 0 : i32
        %dma_start3A_87 = arith.constant 0 : i32
        %dma_start3A_88 = tpu.memref_slice %arg6[%dma_start3A_86, %dma_start3A_87] : memref<16x1024xf32, #tpu.memory_space<vmem>> -> memref<8x1024xf32, #tpu.memory_space<vmem>>
        %dma_start3A_89 = arith.constant 0 : i32
        %dma_start3A_90 = tpu.memref_slice %arg2[%dma_start3A_89, %mul3A_85] : memref<16x2600000xf32, #tpu.memory_space<hbm>> -> memref<8x1024xf32, #tpu.memory_space<hbm>>
        %dma_start3A_91 = arith.constant 0 : i32
        %dma_start3A_92 = arith.constant 0 : i32
        %dma_start3A_93 = tpu.memref_slice %arg6[%dma_start3A_91, %dma_start3A_92] : memref<16x1024xf32, #tpu.memory_space<vmem>> -> memref<8x1024xf32, #tpu.memory_space<vmem>>
        %dma_start3A_94 = arith.constant 0 : i32
        %dma_start3A_95 = tpu.memref_slice %arg2[%dma_start3A_94, %mul3A_85] : memref<16x2600000xf32, #tpu.memory_space<hbm>> -> memref<8x1024xf32, #tpu.memory_space<hbm>>
        tpu.enqueue_dma source(%dma_start3A_95 : memref<8x1024xf32, #tpu.memory_space<hbm>>) target(%dma_start3A_93 : memref<8x1024xf32, #tpu.memory_space<vmem>>) target_semaphore(%arg10 : memref<!tpu.dma_semaphore, #tpu.memory_space<semaphore_mem>>)
        %mul3A_96 = arith.constant 1024 : i32
        %mul3A_97 = arith.muli %add3A_83, %mul3A_96 : i32
        %dma_start3A_98 = arith.constant 8 : i32
        %dma_start3A_99 = arith.constant 0 : i32
        %dma_start3A_100 = tpu.memref_slice %arg6[%dma_start3A_98, %dma_start3A_99] : memref<16x1024xf32, #tpu.memory_space<vmem>> -> memref<8x1024xf32, #tpu.memory_space<vmem>>
        %dma_start3A_101 = arith.constant 8 : i32
        %dma_start3A_102 = tpu.memref_slice %arg2[%dma_start3A_101, %mul3A_97] : memref<16x2600000xf32, #tpu.memory_space<hbm>> -> memref<8x1024xf32, #tpu.memory_space<hbm>>
        %dma_start3A_103 = arith.constant 8 : i32
        %dma_start3A_104 = arith.constant 0 : i32
        %dma_start3A_105 = tpu.memref_slice %arg6[%dma_start3A_103, %dma_start3A_104] : memref<16x1024xf32, #tpu.memory_space<vmem>> -> memref<8x1024xf32, #tpu.memory_space<vmem>>
        %dma_start3A_106 = arith.constant 8 : i32
        %dma_start3A_107 = tpu.memref_slice %arg2[%dma_start3A_106, %mul3A_97] : memref<16x2600000xf32, #tpu.memory_space<hbm>> -> memref<8x1024xf32, #tpu.memory_space<hbm>>
        tpu.enqueue_dma source(%dma_start3A_107 : memref<8x1024xf32, #tpu.memory_space<hbm>>) target(%dma_start3A_105 : memref<8x1024xf32, #tpu.memory_space<vmem>>) target_semaphore(%arg10 : memref<!tpu.dma_semaphore, #tpu.memory_space<semaphore_mem>>)
        %ge3A_108 = arith.constant 1 : i32
        %ge3A_109 = arith.cmpi sge, %while3A_76, %ge3A_108 : i32
        %convert_element_type3A_110 = arith.extui %ge3A_109 : i1 to i32
        %cond3A_111 = arith.constant 0 : i32
        %cond3A_112 = arith.cmpi ne, %convert_element_type3A_110, %cond3A_111 : i32
        scf.if %cond3A_112 {
          %dma_wait3A_159 = arith.constant 0 : i32
          %dma_wait3A_160 = tpu.memref_slice %arg4[%dma_wait3A_159] : memref<41600000xf32, #tpu.memory_space<hbm>> -> memref<16384xf32, #tpu.memory_space<hbm>>
          %dma_wait3A_161 = arith.constant 0 : i32
          %dma_wait3A_162 = tpu.memref_slice %arg4[%dma_wait3A_161] : memref<41600000xf32, #tpu.memory_space<hbm>> -> memref<16384xf32, #tpu.memory_space<hbm>>
          tpu.wait_dma2 semaphore(%arg11 : memref<!tpu.dma_semaphore, #tpu.memory_space<semaphore_mem>>) src(%dma_wait3A_162 : memref<16384xf32, #tpu.memory_space<hbm>>) dst(%arg7 : memref<16384xf32, #tpu.memory_space<vmem>>)
        } else {
        }
        %dma_wait3A_113 = arith.constant 0 : i32
        %dma_wait3A_114 = arith.constant 0 : i32
        %dma_wait3A_115 = tpu.memref_slice %arg2[%dma_wait3A_113, %dma_wait3A_114] : memref<16x2600000xf32, #tpu.memory_space<hbm>> -> memref<16x1024xf32, #tpu.memory_space<hbm>>
        %dma_wait3A_116 = arith.constant 0 : i32
        %dma_wait3A_117 = arith.constant 0 : i32
        %dma_wait3A_118 = tpu.memref_slice %arg2[%dma_wait3A_116, %dma_wait3A_117] : memref<16x2600000xf32, #tpu.memory_space<hbm>> -> memref<16x1024xf32, #tpu.memory_space<hbm>>
        tpu.wait_dma2 semaphore(%arg9 : memref<!tpu.dma_semaphore, #tpu.memory_space<semaphore_mem>>) src(%dma_wait3A_118 : memref<16x1024xf32, #tpu.memory_space<hbm>>) dst(%arg5 : memref<16x1024xf32, #tpu.memory_space<vmem>>)
        %mul3A_119 = arith.constant 17 : i32
        %mul3A_120 = vector.broadcast %mul3A_119 : i32 to vector<16xi32>
        %mul3A_121 = arith.muli %iota3A, %mul3A_120 : vector<16xi32>
        %parallel_loop3A = arith.constant 0 : i32
        %parallel_loop3A_122 = arith.constant 64 : i32
        %parallel_loop3A_123 = arith.constant 1 : i32
        scf.for %parallel_loop3A_159 = %parallel_loop3A to %parallel_loop3A_122 step %parallel_loop3A_123  : i32 {
          %parallel_loop3A_160 = arith.constant 16 : i32
          %parallel_loop3A_161 = arith.muli %parallel_loop3A_159, %parallel_loop3A_160 : i32
          %parallel_loop3A_162 = vector.broadcast %parallel_loop3A_161 : i32 to vector<16xi32>
          %parallel_loop3A_163 = arith.addi %mul3A_121, %parallel_loop3A_162 : vector<16xi32>
          %parallel_loop3A_164 = arith.constant 0 : i32
          %parallel_loop3A_165 = vector.broadcast %parallel_loop3A_164 : i32 to vector<16xi32>
          %parallel_loop3A_166 = arith.addi %parallel_loop3A_163, %parallel_loop3A_165 : vector<16xi32>
          %parallel_loop3A_167 = arith.constant 1023 : i32
          %parallel_loop3A_168 = vector.broadcast %parallel_loop3A_167 : i32 to vector<16xi32>
          %parallel_loop3A_169 = arith.andi %parallel_loop3A_166, %parallel_loop3A_168 : vector<16xi32>
          %parallel_loop3A_170 = arith.constant 0 : i32
          %parallel_loop3A_171 = vector.broadcast %parallel_loop3A_170 : i32 to vector<16xi32>
          %parallel_loop3A_172 = arith.addi %parallel_loop3A_171, %parallel_loop3A_169 : vector<16xi32>
          %parallel_loop3A_173 = tpu.vector_load_idx %arg5[%iota3A, %parallel_loop3A_172] : memref<16x1024xf32, #tpu.memory_space<vmem>>[vector<16xi32>, vector<16xi32>], vector<16xf32>,
          %parallel_loop3A_174 = arith.constant 0 : i32
          %parallel_loop3A_175 = vector.broadcast %parallel_loop3A_174 : i32 to vector<16xi32>
          %parallel_loop3A_176 = arith.subi %parallel_loop3A_172, %parallel_loop3A_175 : vector<16xi32>
          %parallel_loop3A_177 = arith.constant 16 : i32
          %parallel_loop3A_178 = vector.broadcast %parallel_loop3A_177 : i32 to vector<16xi32>
          %parallel_loop3A_179 = arith.muli %parallel_loop3A_176, %parallel_loop3A_178 : vector<16xi32>
          %parallel_loop3A_180 = arith.addi %parallel_loop3A_179, %iota3A : vector<16xi32>
          tpu.vector_store_idx %arg7[%parallel_loop3A_180], %parallel_loop3A_173 : memref<16384xf32, #tpu.memory_space<vmem>>[vector<16xi32>], vector<16xf32>,
          %parallel_loop3A_181 = arith.constant 1 : i32
          %parallel_loop3A_182 = vector.broadcast %parallel_loop3A_181 : i32 to vector<16xi32>
          %parallel_loop3A_183 = arith.addi %parallel_loop3A_163, %parallel_loop3A_182 : vector<16xi32>
          %parallel_loop3A_184 = arith.constant 1023 : i32
          %parallel_loop3A_185 = vector.broadcast %parallel_loop3A_184 : i32 to vector<16xi32>
          %parallel_loop3A_186 = arith.andi %parallel_loop3A_183, %parallel_loop3A_185 : vector<16xi32>
          %parallel_loop3A_187 = arith.constant 0 : i32
          %parallel_loop3A_188 = vector.broadcast %parallel_loop3A_187 : i32 to vector<16xi32>
          %parallel_loop3A_189 = arith.addi %parallel_loop3A_188, %parallel_loop3A_186 : vector<16xi32>
          %parallel_loop3A_190 = tpu.vector_load_idx %arg5[%iota3A, %parallel_loop3A_189] : memref<16x1024xf32, #tpu.memory_space<vmem>>[vector<16xi32>, vector<16xi32>], vector<16xf32>,
          %parallel_loop3A_191 = arith.constant 0 : i32
          %parallel_loop3A_192 = vector.broadcast %parallel_loop3A_191 : i32 to vector<16xi32>
          %parallel_loop3A_193 = arith.subi %parallel_loop3A_189, %parallel_loop3A_192 : vector<16xi32>
          %parallel_loop3A_194 = arith.constant 16 : i32
          %parallel_loop3A_195 = vector.broadcast %parallel_loop3A_194 : i32 to vector<16xi32>
          %parallel_loop3A_196 = arith.muli %parallel_loop3A_193, %parallel_loop3A_195 : vector<16xi32>
          %parallel_loop3A_197 = arith.addi %parallel_loop3A_196, %iota3A : vector<16xi32>
          tpu.vector_store_idx %arg7[%parallel_loop3A_197], %parallel_loop3A_190 : memref<16384xf32, #tpu.memory_space<vmem>>[vector<16xi32>], vector<16xf32>,
          %parallel_loop3A_198 = arith.constant 2 : i32
          %parallel_loop3A_199 = vector.broadcast %parallel_loop3A_198 : i32 to vector<16xi32>
          %parallel_loop3A_200 = arith.addi %parallel_loop3A_163, %parallel_loop3A_199 : vector<16xi32>
          %parallel_loop3A_201 = arith.constant 1023 : i32
          %parallel_loop3A_202 = vector.broadcast %parallel_loop3A_201 : i32 to vector<16xi32>
          %parallel_loop3A_203 = arith.andi %parallel_loop3A_200, %parallel_loop3A_202 : vector<16xi32>
          %parallel_loop3A_204 = arith.constant 0 : i32
          %parallel_loop3A_205 = vector.broadcast %parallel_loop3A_204 : i32 to vector<16xi32>
          %parallel_loop3A_206 = arith.addi %parallel_loop3A_205, %parallel_loop3A_203 : vector<16xi32>
          %parallel_loop3A_207 = tpu.vector_load_idx %arg5[%iota3A, %parallel_loop3A_206] : memref<16x1024xf32, #tpu.memory_space<vmem>>[vector<16xi32>, vector<16xi32>], vector<16xf32>,
          %parallel_loop3A_208 = arith.constant 0 : i32
          %parallel_loop3A_209 = vector.broadcast %parallel_loop3A_208 : i32 to vector<16xi32>
          %parallel_loop3A_210 = arith.subi %parallel_loop3A_206, %parallel_loop3A_209 : vector<16xi32>
          %parallel_loop3A_211 = arith.constant 16 : i32
          %parallel_loop3A_212 = vector.broadcast %parallel_loop3A_211 : i32 to vector<16xi32>
          %parallel_loop3A_213 = arith.muli %parallel_loop3A_210, %parallel_loop3A_212 : vector<16xi32>
          %parallel_loop3A_214 = arith.addi %parallel_loop3A_213, %iota3A : vector<16xi32>
          tpu.vector_store_idx %arg7[%parallel_loop3A_214], %parallel_loop3A_207 : memref<16384xf32, #tpu.memory_space<vmem>>[vector<16xi32>], vector<16xf32>,
          %parallel_loop3A_215 = arith.constant 3 : i32
          %parallel_loop3A_216 = vector.broadcast %parallel_loop3A_215 : i32 to vector<16xi32>
          %parallel_loop3A_217 = arith.addi %parallel_loop3A_163, %parallel_loop3A_216 : vector<16xi32>
          %parallel_loop3A_218 = arith.constant 1023 : i32
          %parallel_loop3A_219 = vector.broadcast %parallel_loop3A_218 : i32 to vector<16xi32>
          %parallel_loop3A_220 = arith.andi %parallel_loop3A_217, %parallel_loop3A_219 : vector<16xi32>
          %parallel_loop3A_221 = arith.constant 0 : i32
          %parallel_loop3A_222 = vector.broadcast %parallel_loop3A_221 : i32 to vector<16xi32>
          %parallel_loop3A_223 = arith.addi %parallel_loop3A_222, %parallel_loop3A_220 : vector<16xi32>
          %parallel_loop3A_224 = tpu.vector_load_idx %arg5[%iota3A, %parallel_loop3A_223] : memref<16x1024xf32, #tpu.memory_space<vmem>>[vector<16xi32>, vector<16xi32>], vector<16xf32>,
          %parallel_loop3A_225 = arith.constant 0 : i32
          %parallel_loop3A_226 = vector.broadcast %parallel_loop3A_225 : i32 to vector<16xi32>
          %parallel_loop3A_227 = arith.subi %parallel_loop3A_223, %parallel_loop3A_226 : vector<16xi32>
          %parallel_loop3A_228 = arith.constant 16 : i32
          %parallel_loop3A_229 = vector.broadcast %parallel_loop3A_228 : i32 to vector<16xi32>
          %parallel_loop3A_230 = arith.muli %parallel_loop3A_227, %parallel_loop3A_229 : vector<16xi32>
          %parallel_loop3A_231 = arith.addi %parallel_loop3A_230, %iota3A : vector<16xi32>
          tpu.vector_store_idx %arg7[%parallel_loop3A_231], %parallel_loop3A_224 : memref<16384xf32, #tpu.memory_space<vmem>>[vector<16xi32>], vector<16xf32>,
          %parallel_loop3A_232 = arith.constant 4 : i32
          %parallel_loop3A_233 = vector.broadcast %parallel_loop3A_232 : i32 to vector<16xi32>
          %parallel_loop3A_234 = arith.addi %parallel_loop3A_163, %parallel_loop3A_233 : vector<16xi32>
          %parallel_loop3A_235 = arith.constant 1023 : i32
          %parallel_loop3A_236 = vector.broadcast %parallel_loop3A_235 : i32 to vector<16xi32>
          %parallel_loop3A_237 = arith.andi %parallel_loop3A_234, %parallel_loop3A_236 : vector<16xi32>
          %parallel_loop3A_238 = arith.constant 0 : i32
          %parallel_loop3A_239 = vector.broadcast %parallel_loop3A_238 : i32 to vector<16xi32>
          %parallel_loop3A_240 = arith.addi %parallel_loop3A_239, %parallel_loop3A_237 : vector<16xi32>
          %parallel_loop3A_241 = tpu.vector_load_idx %arg5[%iota3A, %parallel_loop3A_240] : memref<16x1024xf32, #tpu.memory_space<vmem>>[vector<16xi32>, vector<16xi32>], vector<16xf32>,
          %parallel_loop3A_242 = arith.constant 0 : i32
          %parallel_loop3A_243 = vector.broadcast %parallel_loop3A_242 : i32 to vector<16xi32>
          %parallel_loop3A_244 = arith.subi %parallel_loop3A_240, %parallel_loop3A_243 : vector<16xi32>
          %parallel_loop3A_245 = arith.constant 16 : i32
          %parallel_loop3A_246 = vector.broadcast %parallel_loop3A_245 : i32 to vector<16xi32>
          %parallel_loop3A_247 = arith.muli %parallel_loop3A_244, %parallel_loop3A_246 : vector<16xi32>
          %parallel_loop3A_248 = arith.addi %parallel_loop3A_247, %iota3A : vector<16xi32>
          tpu.vector_store_idx %arg7[%parallel_loop3A_248], %parallel_loop3A_241 : memref<16384xf32, #tpu.memory_space<vmem>>[vector<16xi32>], vector<16xf32>,
          %parallel_loop3A_249 = arith.constant 5 : i32
          %parallel_loop3A_250 = vector.broadcast %parallel_loop3A_249 : i32 to vector<16xi32>
          %parallel_loop3A_251 = arith.addi %parallel_loop3A_163, %parallel_loop3A_250 : vector<16xi32>
          %parallel_loop3A_252 = arith.constant 1023 : i32
          %parallel_loop3A_253 = vector.broadcast %parallel_loop3A_252 : i32 to vector<16xi32>
          %parallel_loop3A_254 = arith.andi %parallel_loop3A_251, %parallel_loop3A_253 : vector<16xi32>
          %parallel_loop3A_255 = arith.constant 0 : i32
          %parallel_loop3A_256 = vector.broadcast %parallel_loop3A_255 : i32 to vector<16xi32>
          %parallel_loop3A_257 = arith.addi %parallel_loop3A_256, %parallel_loop3A_254 : vector<16xi32>
          %parallel_loop3A_258 = tpu.vector_load_idx %arg5[%iota3A, %parallel_loop3A_257] : memref<16x1024xf32, #tpu.memory_space<vmem>>[vector<16xi32>, vector<16xi32>], vector<16xf32>,
          %parallel_loop3A_259 = arith.constant 0 : i32
          %parallel_loop3A_260 = vector.broadcast %parallel_loop3A_259 : i32 to vector<16xi32>
          %parallel_loop3A_261 = arith.subi %parallel_loop3A_257, %parallel_loop3A_260 : vector<16xi32>
          %parallel_loop3A_262 = arith.constant 16 : i32
          %parallel_loop3A_263 = vector.broadcast %parallel_loop3A_262 : i32 to vector<16xi32>
          %parallel_loop3A_264 = arith.muli %parallel_loop3A_261, %parallel_loop3A_263 : vector<16xi32>
          %parallel_loop3A_265 = arith.addi %parallel_loop3A_264, %iota3A : vector<16xi32>
          tpu.vector_store_idx %arg7[%parallel_loop3A_265], %parallel_loop3A_258 : memref<16384xf32, #tpu.memory_space<vmem>>[vector<16xi32>], vector<16xf32>,
          %parallel_loop3A_266 = arith.constant 6 : i32
          %parallel_loop3A_267 = vector.broadcast %parallel_loop3A_266 : i32 to vector<16xi32>
          %parallel_loop3A_268 = arith.addi %parallel_loop3A_163, %parallel_loop3A_267 : vector<16xi32>
          %parallel_loop3A_269 = arith.constant 1023 : i32
          %parallel_loop3A_270 = vector.broadcast %parallel_loop3A_269 : i32 to vector<16xi32>
          %parallel_loop3A_271 = arith.andi %parallel_loop3A_268, %parallel_loop3A_270 : vector<16xi32>
          %parallel_loop3A_272 = arith.constant 0 : i32
          %parallel_loop3A_273 = vector.broadcast %parallel_loop3A_272 : i32 to vector<16xi32>
          %parallel_loop3A_274 = arith.addi %parallel_loop3A_273, %parallel_loop3A_271 : vector<16xi32>
          %parallel_loop3A_275 = tpu.vector_load_idx %arg5[%iota3A, %parallel_loop3A_274] : memref<16x1024xf32, #tpu.memory_space<vmem>>[vector<16xi32>, vector<16xi32>], vector<16xf32>,
          %parallel_loop3A_276 = arith.constant 0 : i32
          %parallel_loop3A_277 = vector.broadcast %parallel_loop3A_276 : i32 to vector<16xi32>
          %parallel_loop3A_278 = arith.subi %parallel_loop3A_274, %parallel_loop3A_277 : vector<16xi32>
          %parallel_loop3A_279 = arith.constant 16 : i32
          %parallel_loop3A_280 = vector.broadcast %parallel_loop3A_279 : i32 to vector<16xi32>
          %parallel_loop3A_281 = arith.muli %parallel_loop3A_278, %parallel_loop3A_280 : vector<16xi32>
          %parallel_loop3A_282 = arith.addi %parallel_loop3A_281, %iota3A : vector<16xi32>
          tpu.vector_store_idx %arg7[%parallel_loop3A_282], %parallel_loop3A_275 : memref<16384xf32, #tpu.memory_space<vmem>>[vector<16xi32>], vector<16xf32>,
          %parallel_loop3A_283 = arith.constant 7 : i32
          %parallel_loop3A_284 = vector.broadcast %parallel_loop3A_283 : i32 to vector<16xi32>
          %parallel_loop3A_285 = arith.addi %parallel_loop3A_163, %parallel_loop3A_284 : vector<16xi32>
          %parallel_loop3A_286 = arith.constant 1023 : i32
          %parallel_loop3A_287 = vector.broadcast %parallel_loop3A_286 : i32 to vector<16xi32>
          %parallel_loop3A_288 = arith.andi %parallel_loop3A_285, %parallel_loop3A_287 : vector<16xi32>
          %parallel_loop3A_289 = arith.constant 0 : i32
          %parallel_loop3A_290 = vector.broadcast %parallel_loop3A_289 : i32 to vector<16xi32>
          %parallel_loop3A_291 = arith.addi %parallel_loop3A_290, %parallel_loop3A_288 : vector<16xi32>
          %parallel_loop3A_292 = tpu.vector_load_idx %arg5[%iota3A, %parallel_loop3A_291] : memref<16x1024xf32, #tpu.memory_space<vmem>>[vector<16xi32>, vector<16xi32>], vector<16xf32>,
          %parallel_loop3A_293 = arith.constant 0 : i32
          %parallel_loop3A_294 = vector.broadcast %parallel_loop3A_293 : i32 to vector<16xi32>
          %parallel_loop3A_295 = arith.subi %parallel_loop3A_291, %parallel_loop3A_294 : vector<16xi32>
          %parallel_loop3A_296 = arith.constant 16 : i32
          %parallel_loop3A_297 = vector.broadcast %parallel_loop3A_296 : i32 to vector<16xi32>
          %parallel_loop3A_298 = arith.muli %parallel_loop3A_295, %parallel_loop3A_297 : vector<16xi32>
          %parallel_loop3A_299 = arith.addi %parallel_loop3A_298, %iota3A : vector<16xi32>
          tpu.vector_store_idx %arg7[%parallel_loop3A_299], %parallel_loop3A_292 : memref<16384xf32, #tpu.memory_space<vmem>>[vector<16xi32>], vector<16xf32>,
          %parallel_loop3A_300 = arith.constant 8 : i32
          %parallel_loop3A_301 = vector.broadcast %parallel_loop3A_300 : i32 to vector<16xi32>
          %parallel_loop3A_302 = arith.addi %parallel_loop3A_163, %parallel_loop3A_301 : vector<16xi32>
          %parallel_loop3A_303 = arith.constant 1023 : i32
          %parallel_loop3A_304 = vector.broadcast %parallel_loop3A_303 : i32 to vector<16xi32>
          %parallel_loop3A_305 = arith.andi %parallel_loop3A_302, %parallel_loop3A_304 : vector<16xi32>
          %parallel_loop3A_306 = arith.constant 0 : i32
          %parallel_loop3A_307 = vector.broadcast %parallel_loop3A_306 : i32 to vector<16xi32>
          %parallel_loop3A_308 = arith.addi %parallel_loop3A_307, %parallel_loop3A_305 : vector<16xi32>
          %parallel_loop3A_309 = tpu.vector_load_idx %arg5[%iota3A, %parallel_loop3A_308] : memref<16x1024xf32, #tpu.memory_space<vmem>>[vector<16xi32>, vector<16xi32>], vector<16xf32>,
          %parallel_loop3A_310 = arith.constant 0 : i32
          %parallel_loop3A_311 = vector.broadcast %parallel_loop3A_310 : i32 to vector<16xi32>
          %parallel_loop3A_312 = arith.subi %parallel_loop3A_308, %parallel_loop3A_311 : vector<16xi32>
          %parallel_loop3A_313 = arith.constant 16 : i32
          %parallel_loop3A_314 = vector.broadcast %parallel_loop3A_313 : i32 to vector<16xi32>
          %parallel_loop3A_315 = arith.muli %parallel_loop3A_312, %parallel_loop3A_314 : vector<16xi32>
          %parallel_loop3A_316 = arith.addi %parallel_loop3A_315, %iota3A : vector<16xi32>
          tpu.vector_store_idx %arg7[%parallel_loop3A_316], %parallel_loop3A_309 : memref<16384xf32, #tpu.memory_space<vmem>>[vector<16xi32>], vector<16xf32>,
          %parallel_loop3A_317 = arith.constant 9 : i32
          %parallel_loop3A_318 = vector.broadcast %parallel_loop3A_317 : i32 to vector<16xi32>
          %parallel_loop3A_319 = arith.addi %parallel_loop3A_163, %parallel_loop3A_318 : vector<16xi32>
          %parallel_loop3A_320 = arith.constant 1023 : i32
          %parallel_loop3A_321 = vector.broadcast %parallel_loop3A_320 : i32 to vector<16xi32>
          %parallel_loop3A_322 = arith.andi %parallel_loop3A_319, %parallel_loop3A_321 : vector<16xi32>
          %parallel_loop3A_323 = arith.constant 0 : i32
          %parallel_loop3A_324 = vector.broadcast %parallel_loop3A_323 : i32 to vector<16xi32>
          %parallel_loop3A_325 = arith.addi %parallel_loop3A_324, %parallel_loop3A_322 : vector<16xi32>
          %parallel_loop3A_326 = tpu.vector_load_idx %arg5[%iota3A, %parallel_loop3A_325] : memref<16x1024xf32, #tpu.memory_space<vmem>>[vector<16xi32>, vector<16xi32>], vector<16xf32>,
          %parallel_loop3A_327 = arith.constant 0 : i32
          %parallel_loop3A_328 = vector.broadcast %parallel_loop3A_327 : i32 to vector<16xi32>
          %parallel_loop3A_329 = arith.subi %parallel_loop3A_325, %parallel_loop3A_328 : vector<16xi32>
          %parallel_loop3A_330 = arith.constant 16 : i32
          %parallel_loop3A_331 = vector.broadcast %parallel_loop3A_330 : i32 to vector<16xi32>
          %parallel_loop3A_332 = arith.muli %parallel_loop3A_329, %parallel_loop3A_331 : vector<16xi32>
          %parallel_loop3A_333 = arith.addi %parallel_loop3A_332, %iota3A : vector<16xi32>
          tpu.vector_store_idx %arg7[%parallel_loop3A_333], %parallel_loop3A_326 : memref<16384xf32, #tpu.memory_space<vmem>>[vector<16xi32>], vector<16xf32>,
          %parallel_loop3A_334 = arith.constant 10 : i32
          %parallel_loop3A_335 = vector.broadcast %parallel_loop3A_334 : i32 to vector<16xi32>
          %parallel_loop3A_336 = arith.addi %parallel_loop3A_163, %parallel_loop3A_335 : vector<16xi32>
          %parallel_loop3A_337 = arith.constant 1023 : i32
          %parallel_loop3A_338 = vector.broadcast %parallel_loop3A_337 : i32 to vector<16xi32>
          %parallel_loop3A_339 = arith.andi %parallel_loop3A_336, %parallel_loop3A_338 : vector<16xi32>
          %parallel_loop3A_340 = arith.constant 0 : i32
          %parallel_loop3A_341 = vector.broadcast %parallel_loop3A_340 : i32 to vector<16xi32>
          %parallel_loop3A_342 = arith.addi %parallel_loop3A_341, %parallel_loop3A_339 : vector<16xi32>
          %parallel_loop3A_343 = tpu.vector_load_idx %arg5[%iota3A, %parallel_loop3A_342] : memref<16x1024xf32, #tpu.memory_space<vmem>>[vector<16xi32>, vector<16xi32>], vector<16xf32>,
          %parallel_loop3A_344 = arith.constant 0 : i32
          %parallel_loop3A_345 = vector.broadcast %parallel_loop3A_344 : i32 to vector<16xi32>
          %parallel_loop3A_346 = arith.subi %parallel_loop3A_342, %parallel_loop3A_345 : vector<16xi32>
          %parallel_loop3A_347 = arith.constant 16 : i32
          %parallel_loop3A_348 = vector.broadcast %parallel_loop3A_347 : i32 to vector<16xi32>
          %parallel_loop3A_349 = arith.muli %parallel_loop3A_346, %parallel_loop3A_348 : vector<16xi32>
          %parallel_loop3A_350 = arith.addi %parallel_loop3A_349, %iota3A : vector<16xi32>
          tpu.vector_store_idx %arg7[%parallel_loop3A_350], %parallel_loop3A_343 : memref<16384xf32, #tpu.memory_space<vmem>>[vector<16xi32>], vector<16xf32>,
          %parallel_loop3A_351 = arith.constant 11 : i32
          %parallel_loop3A_352 = vector.broadcast %parallel_loop3A_351 : i32 to vector<16xi32>
          %parallel_loop3A_353 = arith.addi %parallel_loop3A_163, %parallel_loop3A_352 : vector<16xi32>
          %parallel_loop3A_354 = arith.constant 1023 : i32
          %parallel_loop3A_355 = vector.broadcast %parallel_loop3A_354 : i32 to vector<16xi32>
          %parallel_loop3A_356 = arith.andi %parallel_loop3A_353, %parallel_loop3A_355 : vector<16xi32>
          %parallel_loop3A_357 = arith.constant 0 : i32
          %parallel_loop3A_358 = vector.broadcast %parallel_loop3A_357 : i32 to vector<16xi32>
          %parallel_loop3A_359 = arith.addi %parallel_loop3A_358, %parallel_loop3A_356 : vector<16xi32>
          %parallel_loop3A_360 = tpu.vector_load_idx %arg5[%iota3A, %parallel_loop3A_359] : memref<16x1024xf32, #tpu.memory_space<vmem>>[vector<16xi32>, vector<16xi32>], vector<16xf32>,
          %parallel_loop3A_361 = arith.constant 0 : i32
          %parallel_loop3A_362 = vector.broadcast %parallel_loop3A_361 : i32 to vector<16xi32>
          %parallel_loop3A_363 = arith.subi %parallel_loop3A_359, %parallel_loop3A_362 : vector<16xi32>
          %parallel_loop3A_364 = arith.constant 16 : i32
          %parallel_loop3A_365 = vector.broadcast %parallel_loop3A_364 : i32 to vector<16xi32>
          %parallel_loop3A_366 = arith.muli %parallel_loop3A_363, %parallel_loop3A_365 : vector<16xi32>
          %parallel_loop3A_367 = arith.addi %parallel_loop3A_366, %iota3A : vector<16xi32>
          tpu.vector_store_idx %arg7[%parallel_loop3A_367], %parallel_loop3A_360 : memref<16384xf32, #tpu.memory_space<vmem>>[vector<16xi32>], vector<16xf32>,
          %parallel_loop3A_368 = arith.constant 12 : i32
          %parallel_loop3A_369 = vector.broadcast %parallel_loop3A_368 : i32 to vector<16xi32>
          %parallel_loop3A_370 = arith.addi %parallel_loop3A_163, %parallel_loop3A_369 : vector<16xi32>
          %parallel_loop3A_371 = arith.constant 1023 : i32
          %parallel_loop3A_372 = vector.broadcast %parallel_loop3A_371 : i32 to vector<16xi32>
          %parallel_loop3A_373 = arith.andi %parallel_loop3A_370, %parallel_loop3A_372 : vector<16xi32>
          %parallel_loop3A_374 = arith.constant 0 : i32
          %parallel_loop3A_375 = vector.broadcast %parallel_loop3A_374 : i32 to vector<16xi32>
          %parallel_loop3A_376 = arith.addi %parallel_loop3A_375, %parallel_loop3A_373 : vector<16xi32>
          %parallel_loop3A_377 = tpu.vector_load_idx %arg5[%iota3A, %parallel_loop3A_376] : memref<16x1024xf32, #tpu.memory_space<vmem>>[vector<16xi32>, vector<16xi32>], vector<16xf32>,
          %parallel_loop3A_378 = arith.constant 0 : i32
          %parallel_loop3A_379 = vector.broadcast %parallel_loop3A_378 : i32 to vector<16xi32>
          %parallel_loop3A_380 = arith.subi %parallel_loop3A_376, %parallel_loop3A_379 : vector<16xi32>
          %parallel_loop3A_381 = arith.constant 16 : i32
          %parallel_loop3A_382 = vector.broadcast %parallel_loop3A_381 : i32 to vector<16xi32>
          %parallel_loop3A_383 = arith.muli %parallel_loop3A_380, %parallel_loop3A_382 : vector<16xi32>
          %parallel_loop3A_384 = arith.addi %parallel_loop3A_383, %iota3A : vector<16xi32>
          tpu.vector_store_idx %arg7[%parallel_loop3A_384], %parallel_loop3A_377 : memref<16384xf32, #tpu.memory_space<vmem>>[vector<16xi32>], vector<16xf32>,
          %parallel_loop3A_385 = arith.constant 13 : i32
          %parallel_loop3A_386 = vector.broadcast %parallel_loop3A_385 : i32 to vector<16xi32>
          %parallel_loop3A_387 = arith.addi %parallel_loop3A_163, %parallel_loop3A_386 : vector<16xi32>
          %parallel_loop3A_388 = arith.constant 1023 : i32
          %parallel_loop3A_389 = vector.broadcast %parallel_loop3A_388 : i32 to vector<16xi32>
          %parallel_loop3A_390 = arith.andi %parallel_loop3A_387, %parallel_loop3A_389 : vector<16xi32>
          %parallel_loop3A_391 = arith.constant 0 : i32
          %parallel_loop3A_392 = vector.broadcast %parallel_loop3A_391 : i32 to vector<16xi32>
          %parallel_loop3A_393 = arith.addi %parallel_loop3A_392, %parallel_loop3A_390 : vector<16xi32>
          %parallel_loop3A_394 = tpu.vector_load_idx %arg5[%iota3A, %parallel_loop3A_393] : memref<16x1024xf32, #tpu.memory_space<vmem>>[vector<16xi32>, vector<16xi32>], vector<16xf32>,
          %parallel_loop3A_395 = arith.constant 0 : i32
          %parallel_loop3A_396 = vector.broadcast %parallel_loop3A_395 : i32 to vector<16xi32>
          %parallel_loop3A_397 = arith.subi %parallel_loop3A_393, %parallel_loop3A_396 : vector<16xi32>
          %parallel_loop3A_398 = arith.constant 16 : i32
          %parallel_loop3A_399 = vector.broadcast %parallel_loop3A_398 : i32 to vector<16xi32>
          %parallel_loop3A_400 = arith.muli %parallel_loop3A_397, %parallel_loop3A_399 : vector<16xi32>
          %parallel_loop3A_401 = arith.addi %parallel_loop3A_400, %iota3A : vector<16xi32>
          tpu.vector_store_idx %arg7[%parallel_loop3A_401], %parallel_loop3A_394 : memref<16384xf32, #tpu.memory_space<vmem>>[vector<16xi32>], vector<16xf32>,
          %parallel_loop3A_402 = arith.constant 14 : i32
          %parallel_loop3A_403 = vector.broadcast %parallel_loop3A_402 : i32 to vector<16xi32>
          %parallel_loop3A_404 = arith.addi %parallel_loop3A_163, %parallel_loop3A_403 : vector<16xi32>
          %parallel_loop3A_405 = arith.constant 1023 : i32
          %parallel_loop3A_406 = vector.broadcast %parallel_loop3A_405 : i32 to vector<16xi32>
          %parallel_loop3A_407 = arith.andi %parallel_loop3A_404, %parallel_loop3A_406 : vector<16xi32>
          %parallel_loop3A_408 = arith.constant 0 : i32
          %parallel_loop3A_409 = vector.broadcast %parallel_loop3A_408 : i32 to vector<16xi32>
          %parallel_loop3A_410 = arith.addi %parallel_loop3A_409, %parallel_loop3A_407 : vector<16xi32>
          %parallel_loop3A_411 = tpu.vector_load_idx %arg5[%iota3A, %parallel_loop3A_410] : memref<16x1024xf32, #tpu.memory_space<vmem>>[vector<16xi32>, vector<16xi32>], vector<16xf32>,
          %parallel_loop3A_412 = arith.constant 0 : i32
          %parallel_loop3A_413 = vector.broadcast %parallel_loop3A_412 : i32 to vector<16xi32>
          %parallel_loop3A_414 = arith.subi %parallel_loop3A_410, %parallel_loop3A_413 : vector<16xi32>
          %parallel_loop3A_415 = arith.constant 16 : i32
          %parallel_loop3A_416 = vector.broadcast %parallel_loop3A_415 : i32 to vector<16xi32>
          %parallel_loop3A_417 = arith.muli %parallel_loop3A_414, %parallel_loop3A_416 : vector<16xi32>
          %parallel_loop3A_418 = arith.addi %parallel_loop3A_417, %iota3A : vector<16xi32>
          tpu.vector_store_idx %arg7[%parallel_loop3A_418], %parallel_loop3A_411 : memref<16384xf32, #tpu.memory_space<vmem>>[vector<16xi32>], vector<16xf32>,
          %parallel_loop3A_419 = arith.constant 15 : i32
          %parallel_loop3A_420 = vector.broadcast %parallel_loop3A_419 : i32 to vector<16xi32>
          %parallel_loop3A_421 = arith.addi %parallel_loop3A_163, %parallel_loop3A_420 : vector<16xi32>
          %parallel_loop3A_422 = arith.constant 1023 : i32
          %parallel_loop3A_423 = vector.broadcast %parallel_loop3A_422 : i32 to vector<16xi32>
          %parallel_loop3A_424 = arith.andi %parallel_loop3A_421, %parallel_loop3A_423 : vector<16xi32>
          %parallel_loop3A_425 = arith.constant 0 : i32
          %parallel_loop3A_426 = vector.broadcast %parallel_loop3A_425 : i32 to vector<16xi32>
          %parallel_loop3A_427 = arith.addi %parallel_loop3A_426, %parallel_loop3A_424 : vector<16xi32>
          %parallel_loop3A_428 = tpu.vector_load_idx %arg5[%iota3A, %parallel_loop3A_427] : memref<16x1024xf32, #tpu.memory_space<vmem>>[vector<16xi32>, vector<16xi32>], vector<16xf32>,
          %parallel_loop3A_429 = arith.constant 0 : i32
          %parallel_loop3A_430 = vector.broadcast %parallel_loop3A_429 : i32 to vector<16xi32>
          %parallel_loop3A_431 = arith.subi %parallel_loop3A_427, %parallel_loop3A_430 : vector<16xi32>
          %parallel_loop3A_432 = arith.constant 16 : i32
          %parallel_loop3A_433 = vector.broadcast %parallel_loop3A_432 : i32 to vector<16xi32>
          %parallel_loop3A_434 = arith.muli %parallel_loop3A_431, %parallel_loop3A_433 : vector<16xi32>
          %parallel_loop3A_435 = arith.addi %parallel_loop3A_434, %iota3A : vector<16xi32>
          tpu.vector_store_idx %arg7[%parallel_loop3A_435], %parallel_loop3A_428 : memref<16384xf32, #tpu.memory_space<vmem>>[vector<16xi32>], vector<16xf32>,
        } {sc.loop_unroll_factor = 2 : i64, sc.parallel_access}
        %mul3A_124 = arith.constant 16384 : i32
        %mul3A_125 = arith.muli %add3A_81, %mul3A_124 : i32
        %dma_start3A_126 = tpu.memref_slice %arg4[%mul3A_125] : memref<41600000xf32, #tpu.memory_space<hbm>> -> memref<16384xf32, #tpu.memory_space<hbm>>
        %dma_start3A_127 = tpu.memref_slice %arg4[%mul3A_125] : memref<41600000xf32, #tpu.memory_space<hbm>> -> memref<16384xf32, #tpu.memory_space<hbm>>
        tpu.enqueue_dma source(%arg7 : memref<16384xf32, #tpu.memory_space<vmem>>) target(%dma_start3A_127 : memref<16384xf32, #tpu.memory_space<hbm>>) target_semaphore(%arg11 : memref<!tpu.dma_semaphore, #tpu.memory_space<semaphore_mem>>)
        %mul3A_128 = arith.constant 2 : i32
        %mul3A_129 = arith.muli %mul3A_128, %while3A_76 : i32
        %add3A_130 = arith.constant 2 : i32
        %add3A_131 = arith.addi %mul3A_129, %add3A_130 : i32
        %lt3A_132 = arith.cmpi slt, %add3A_131, %add3A_4 : i32
        %convert_element_type3A_133 = arith.extui %lt3A_132 : i1 to i32
        %cond3A_134 = arith.constant 0 : i32
        %cond3A_135 = arith.cmpi ne, %convert_element_type3A_133, %cond3A_134 : i32
        scf.if %cond3A_135 {
          %add3A_159 = arith.constant 64 : i32
          %add3A_160 = arith.addi %add3A_81, %add3A_159 : i32
          %mul3A_161 = arith.constant 1024 : i32
          %mul3A_162 = arith.muli %add3A_160, %mul3A_161 : i32
          %dma_start3A_163 = arith.constant 0 : i32
          %dma_start3A_164 = arith.constant 0 : i32
          %dma_start3A_165 = tpu.memref_slice %arg5[%dma_start3A_163, %dma_start3A_164] : memref<16x1024xf32, #tpu.memory_space<vmem>> -> memref<8x1024xf32, #tpu.memory_space<vmem>>
          %dma_start3A_166 = arith.constant 0 : i32
          %dma_start3A_167 = tpu.memref_slice %arg2[%dma_start3A_166, %mul3A_162] : memref<16x2600000xf32, #tpu.memory_space<hbm>> -> memref<8x1024xf32, #tpu.memory_space<hbm>>
          %dma_start3A_168 = arith.constant 0 : i32
          %dma_start3A_169 = arith.constant 0 : i32
          %dma_start3A_170 = tpu.memref_slice %arg5[%dma_start3A_168, %dma_start3A_169] : memref<16x1024xf32, #tpu.memory_space<vmem>> -> memref<8x1024xf32, #tpu.memory_space<vmem>>
          %dma_start3A_171 = arith.constant 0 : i32
          %dma_start3A_172 = tpu.memref_slice %arg2[%dma_start3A_171, %mul3A_162] : memref<16x2600000xf32, #tpu.memory_space<hbm>> -> memref<8x1024xf32, #tpu.memory_space<hbm>>
          tpu.enqueue_dma source(%dma_start3A_172 : memref<8x1024xf32, #tpu.memory_space<hbm>>) target(%dma_start3A_170 : memref<8x1024xf32, #tpu.memory_space<vmem>>) target_semaphore(%arg9 : memref<!tpu.dma_semaphore, #tpu.memory_space<semaphore_mem>>)
          %mul3A_173 = arith.constant 1024 : i32
          %mul3A_174 = arith.muli %add3A_160, %mul3A_173 : i32
          %dma_start3A_175 = arith.constant 8 : i32
          %dma_start3A_176 = arith.constant 0 : i32
          %dma_start3A_177 = tpu.memref_slice %arg5[%dma_start3A_175, %dma_start3A_176] : memref<16x1024xf32, #tpu.memory_space<vmem>> -> memref<8x1024xf32, #tpu.memory_space<vmem>>
          %dma_start3A_178 = arith.constant 8 : i32
          %dma_start3A_179 = tpu.memref_slice %arg2[%dma_start3A_178, %mul3A_174] : memref<16x2600000xf32, #tpu.memory_space<hbm>> -> memref<8x1024xf32, #tpu.memory_space<hbm>>
          %dma_start3A_180 = arith.constant 8 : i32
          %dma_start3A_181 = arith.constant 0 : i32
          %dma_start3A_182 = tpu.memref_slice %arg5[%dma_start3A_180, %dma_start3A_181] : memref<16x1024xf32, #tpu.memory_space<vmem>> -> memref<8x1024xf32, #tpu.memory_space<vmem>>
          %dma_start3A_183 = arith.constant 8 : i32
          %dma_start3A_184 = tpu.memref_slice %arg2[%dma_start3A_183, %mul3A_174] : memref<16x2600000xf32, #tpu.memory_space<hbm>> -> memref<8x1024xf32, #tpu.memory_space<hbm>>
          tpu.enqueue_dma source(%dma_start3A_184 : memref<8x1024xf32, #tpu.memory_space<hbm>>) target(%dma_start3A_182 : memref<8x1024xf32, #tpu.memory_space<vmem>>) target_semaphore(%arg9 : memref<!tpu.dma_semaphore, #tpu.memory_space<semaphore_mem>>)
        } else {
        }
        %ge3A_136 = arith.constant 1 : i32
        %ge3A_137 = arith.cmpi sge, %while3A_76, %ge3A_136 : i32
        %convert_element_type3A_138 = arith.extui %ge3A_137 : i1 to i32
        %cond3A_139 = arith.constant 0 : i32
        %cond3A_140 = arith.cmpi ne, %convert_element_type3A_138, %cond3A_139 : i32
        scf.if %cond3A_140 {
          %dma_wait3A_159 = arith.constant 0 : i32
          %dma_wait3A_160 = tpu.memref_slice %arg4[%dma_wait3A_159] : memref<41600000xf32, #tpu.memory_space<hbm>> -> memref<16384xf32, #tpu.memory_space<hbm>>
          %dma_wait3A_161 = arith.constant 0 : i32
          %dma_wait3A_162 = tpu.memref_slice %arg4[%dma_wait3A_161] : memref<41600000xf32, #tpu.memory_space<hbm>> -> memref<16384xf32, #tpu.memory_space<hbm>>
          tpu.wait_dma2 semaphore(%arg12 : memref<!tpu.dma_semaphore, #tpu.memory_space<semaphore_mem>>) src(%dma_wait3A_162 : memref<16384xf32, #tpu.memory_space<hbm>>) dst(%arg8 : memref<16384xf32, #tpu.memory_space<vmem>>)
        } else {
        }
        %dma_wait3A_141 = arith.constant 0 : i32
        %dma_wait3A_142 = arith.constant 0 : i32
        %dma_wait3A_143 = tpu.memref_slice %arg2[%dma_wait3A_141, %dma_wait3A_142] : memref<16x2600000xf32, #tpu.memory_space<hbm>> -> memref<16x1024xf32, #tpu.memory_space<hbm>>
        %dma_wait3A_144 = arith.constant 0 : i32
        %dma_wait3A_145 = arith.constant 0 : i32
        %dma_wait3A_146 = tpu.memref_slice %arg2[%dma_wait3A_144, %dma_wait3A_145] : memref<16x2600000xf32, #tpu.memory_space<hbm>> -> memref<16x1024xf32, #tpu.memory_space<hbm>>
        tpu.wait_dma2 semaphore(%arg10 : memref<!tpu.dma_semaphore, #tpu.memory_space<semaphore_mem>>) src(%dma_wait3A_146 : memref<16x1024xf32, #tpu.memory_space<hbm>>) dst(%arg6 : memref<16x1024xf32, #tpu.memory_space<vmem>>)
        %mul3A_147 = arith.constant 17 : i32
        %mul3A_148 = vector.broadcast %mul3A_147 : i32 to vector<16xi32>
        %mul3A_149 = arith.muli %iota3A, %mul3A_148 : vector<16xi32>
        %parallel_loop3A_150 = arith.constant 0 : i32
        %parallel_loop3A_151 = arith.constant 64 : i32
        %parallel_loop3A_152 = arith.constant 1 : i32
        scf.for %parallel_loop3A_159 = %parallel_loop3A_150 to %parallel_loop3A_151 step %parallel_loop3A_152  : i32 {
          %parallel_loop3A_160 = arith.constant 16 : i32
          %parallel_loop3A_161 = arith.muli %parallel_loop3A_159, %parallel_loop3A_160 : i32
          %parallel_loop3A_162 = vector.broadcast %parallel_loop3A_161 : i32 to vector<16xi32>
          %parallel_loop3A_163 = arith.addi %mul3A_149, %parallel_loop3A_162 : vector<16xi32>
          %parallel_loop3A_164 = arith.constant 0 : i32
          %parallel_loop3A_165 = vector.broadcast %parallel_loop3A_164 : i32 to vector<16xi32>
          %parallel_loop3A_166 = arith.addi %parallel_loop3A_163, %parallel_loop3A_165 : vector<16xi32>
          %parallel_loop3A_167 = arith.constant 1023 : i32
          %parallel_loop3A_168 = vector.broadcast %parallel_loop3A_167 : i32 to vector<16xi32>
          %parallel_loop3A_169 = arith.andi %parallel_loop3A_166, %parallel_loop3A_168 : vector<16xi32>
          %parallel_loop3A_170 = arith.constant 0 : i32
          %parallel_loop3A_171 = vector.broadcast %parallel_loop3A_170 : i32 to vector<16xi32>
          %parallel_loop3A_172 = arith.addi %parallel_loop3A_171, %parallel_loop3A_169 : vector<16xi32>
          %parallel_loop3A_173 = tpu.vector_load_idx %arg6[%iota3A, %parallel_loop3A_172] : memref<16x1024xf32, #tpu.memory_space<vmem>>[vector<16xi32>, vector<16xi32>], vector<16xf32>,
          %parallel_loop3A_174 = arith.constant 0 : i32
          %parallel_loop3A_175 = vector.broadcast %parallel_loop3A_174 : i32 to vector<16xi32>
          %parallel_loop3A_176 = arith.subi %parallel_loop3A_172, %parallel_loop3A_175 : vector<16xi32>
          %parallel_loop3A_177 = arith.constant 16 : i32
          %parallel_loop3A_178 = vector.broadcast %parallel_loop3A_177 : i32 to vector<16xi32>
          %parallel_loop3A_179 = arith.muli %parallel_loop3A_176, %parallel_loop3A_178 : vector<16xi32>
          %parallel_loop3A_180 = arith.addi %parallel_loop3A_179, %iota3A : vector<16xi32>
          tpu.vector_store_idx %arg8[%parallel_loop3A_180], %parallel_loop3A_173 : memref<16384xf32, #tpu.memory_space<vmem>>[vector<16xi32>], vector<16xf32>,
          %parallel_loop3A_181 = arith.constant 1 : i32
          %parallel_loop3A_182 = vector.broadcast %parallel_loop3A_181 : i32 to vector<16xi32>
          %parallel_loop3A_183 = arith.addi %parallel_loop3A_163, %parallel_loop3A_182 : vector<16xi32>
          %parallel_loop3A_184 = arith.constant 1023 : i32
          %parallel_loop3A_185 = vector.broadcast %parallel_loop3A_184 : i32 to vector<16xi32>
          %parallel_loop3A_186 = arith.andi %parallel_loop3A_183, %parallel_loop3A_185 : vector<16xi32>
          %parallel_loop3A_187 = arith.constant 0 : i32
          %parallel_loop3A_188 = vector.broadcast %parallel_loop3A_187 : i32 to vector<16xi32>
          %parallel_loop3A_189 = arith.addi %parallel_loop3A_188, %parallel_loop3A_186 : vector<16xi32>
          %parallel_loop3A_190 = tpu.vector_load_idx %arg6[%iota3A, %parallel_loop3A_189] : memref<16x1024xf32, #tpu.memory_space<vmem>>[vector<16xi32>, vector<16xi32>], vector<16xf32>,
          %parallel_loop3A_191 = arith.constant 0 : i32
          %parallel_loop3A_192 = vector.broadcast %parallel_loop3A_191 : i32 to vector<16xi32>
          %parallel_loop3A_193 = arith.subi %parallel_loop3A_189, %parallel_loop3A_192 : vector<16xi32>
          %parallel_loop3A_194 = arith.constant 16 : i32
          %parallel_loop3A_195 = vector.broadcast %parallel_loop3A_194 : i32 to vector<16xi32>
          %parallel_loop3A_196 = arith.muli %parallel_loop3A_193, %parallel_loop3A_195 : vector<16xi32>
          %parallel_loop3A_197 = arith.addi %parallel_loop3A_196, %iota3A : vector<16xi32>
          tpu.vector_store_idx %arg8[%parallel_loop3A_197], %parallel_loop3A_190 : memref<16384xf32, #tpu.memory_space<vmem>>[vector<16xi32>], vector<16xf32>,
          %parallel_loop3A_198 = arith.constant 2 : i32
          %parallel_loop3A_199 = vector.broadcast %parallel_loop3A_198 : i32 to vector<16xi32>
          %parallel_loop3A_200 = arith.addi %parallel_loop3A_163, %parallel_loop3A_199 : vector<16xi32>
          %parallel_loop3A_201 = arith.constant 1023 : i32
          %parallel_loop3A_202 = vector.broadcast %parallel_loop3A_201 : i32 to vector<16xi32>
          %parallel_loop3A_203 = arith.andi %parallel_loop3A_200, %parallel_loop3A_202 : vector<16xi32>
          %parallel_loop3A_204 = arith.constant 0 : i32
          %parallel_loop3A_205 = vector.broadcast %parallel_loop3A_204 : i32 to vector<16xi32>
          %parallel_loop3A_206 = arith.addi %parallel_loop3A_205, %parallel_loop3A_203 : vector<16xi32>
          %parallel_loop3A_207 = tpu.vector_load_idx %arg6[%iota3A, %parallel_loop3A_206] : memref<16x1024xf32, #tpu.memory_space<vmem>>[vector<16xi32>, vector<16xi32>], vector<16xf32>,
          %parallel_loop3A_208 = arith.constant 0 : i32
          %parallel_loop3A_209 = vector.broadcast %parallel_loop3A_208 : i32 to vector<16xi32>
          %parallel_loop3A_210 = arith.subi %parallel_loop3A_206, %parallel_loop3A_209 : vector<16xi32>
          %parallel_loop3A_211 = arith.constant 16 : i32
          %parallel_loop3A_212 = vector.broadcast %parallel_loop3A_211 : i32 to vector<16xi32>
          %parallel_loop3A_213 = arith.muli %parallel_loop3A_210, %parallel_loop3A_212 : vector<16xi32>
          %parallel_loop3A_214 = arith.addi %parallel_loop3A_213, %iota3A : vector<16xi32>
          tpu.vector_store_idx %arg8[%parallel_loop3A_214], %parallel_loop3A_207 : memref<16384xf32, #tpu.memory_space<vmem>>[vector<16xi32>], vector<16xf32>,
          %parallel_loop3A_215 = arith.constant 3 : i32
          %parallel_loop3A_216 = vector.broadcast %parallel_loop3A_215 : i32 to vector<16xi32>
          %parallel_loop3A_217 = arith.addi %parallel_loop3A_163, %parallel_loop3A_216 : vector<16xi32>
          %parallel_loop3A_218 = arith.constant 1023 : i32
          %parallel_loop3A_219 = vector.broadcast %parallel_loop3A_218 : i32 to vector<16xi32>
          %parallel_loop3A_220 = arith.andi %parallel_loop3A_217, %parallel_loop3A_219 : vector<16xi32>
          %parallel_loop3A_221 = arith.constant 0 : i32
          %parallel_loop3A_222 = vector.broadcast %parallel_loop3A_221 : i32 to vector<16xi32>
          %parallel_loop3A_223 = arith.addi %parallel_loop3A_222, %parallel_loop3A_220 : vector<16xi32>
          %parallel_loop3A_224 = tpu.vector_load_idx %arg6[%iota3A, %parallel_loop3A_223] : memref<16x1024xf32, #tpu.memory_space<vmem>>[vector<16xi32>, vector<16xi32>], vector<16xf32>,
          %parallel_loop3A_225 = arith.constant 0 : i32
          %parallel_loop3A_226 = vector.broadcast %parallel_loop3A_225 : i32 to vector<16xi32>
          %parallel_loop3A_227 = arith.subi %parallel_loop3A_223, %parallel_loop3A_226 : vector<16xi32>
          %parallel_loop3A_228 = arith.constant 16 : i32
          %parallel_loop3A_229 = vector.broadcast %parallel_loop3A_228 : i32 to vector<16xi32>
          %parallel_loop3A_230 = arith.muli %parallel_loop3A_227, %parallel_loop3A_229 : vector<16xi32>
          %parallel_loop3A_231 = arith.addi %parallel_loop3A_230, %iota3A : vector<16xi32>
          tpu.vector_store_idx %arg8[%parallel_loop3A_231], %parallel_loop3A_224 : memref<16384xf32, #tpu.memory_space<vmem>>[vector<16xi32>], vector<16xf32>,
          %parallel_loop3A_232 = arith.constant 4 : i32
          %parallel_loop3A_233 = vector.broadcast %parallel_loop3A_232 : i32 to vector<16xi32>
          %parallel_loop3A_234 = arith.addi %parallel_loop3A_163, %parallel_loop3A_233 : vector<16xi32>
          %parallel_loop3A_235 = arith.constant 1023 : i32
          %parallel_loop3A_236 = vector.broadcast %parallel_loop3A_235 : i32 to vector<16xi32>
          %parallel_loop3A_237 = arith.andi %parallel_loop3A_234, %parallel_loop3A_236 : vector<16xi32>
          %parallel_loop3A_238 = arith.constant 0 : i32
          %parallel_loop3A_239 = vector.broadcast %parallel_loop3A_238 : i32 to vector<16xi32>
          %parallel_loop3A_240 = arith.addi %parallel_loop3A_239, %parallel_loop3A_237 : vector<16xi32>
          %parallel_loop3A_241 = tpu.vector_load_idx %arg6[%iota3A, %parallel_loop3A_240] : memref<16x1024xf32, #tpu.memory_space<vmem>>[vector<16xi32>, vector<16xi32>], vector<16xf32>,
          %parallel_loop3A_242 = arith.constant 0 : i32
          %parallel_loop3A_243 = vector.broadcast %parallel_loop3A_242 : i32 to vector<16xi32>
          %parallel_loop3A_244 = arith.subi %parallel_loop3A_240, %parallel_loop3A_243 : vector<16xi32>
          %parallel_loop3A_245 = arith.constant 16 : i32
          %parallel_loop3A_246 = vector.broadcast %parallel_loop3A_245 : i32 to vector<16xi32>
          %parallel_loop3A_247 = arith.muli %parallel_loop3A_244, %parallel_loop3A_246 : vector<16xi32>
          %parallel_loop3A_248 = arith.addi %parallel_loop3A_247, %iota3A : vector<16xi32>
          tpu.vector_store_idx %arg8[%parallel_loop3A_248], %parallel_loop3A_241 : memref<16384xf32, #tpu.memory_space<vmem>>[vector<16xi32>], vector<16xf32>,
          %parallel_loop3A_249 = arith.constant 5 : i32
          %parallel_loop3A_250 = vector.broadcast %parallel_loop3A_249 : i32 to vector<16xi32>
          %parallel_loop3A_251 = arith.addi %parallel_loop3A_163, %parallel_loop3A_250 : vector<16xi32>
          %parallel_loop3A_252 = arith.constant 1023 : i32
          %parallel_loop3A_253 = vector.broadcast %parallel_loop3A_252 : i32 to vector<16xi32>
          %parallel_loop3A_254 = arith.andi %parallel_loop3A_251, %parallel_loop3A_253 : vector<16xi32>
          %parallel_loop3A_255 = arith.constant 0 : i32
          %parallel_loop3A_256 = vector.broadcast %parallel_loop3A_255 : i32 to vector<16xi32>
          %parallel_loop3A_257 = arith.addi %parallel_loop3A_256, %parallel_loop3A_254 : vector<16xi32>
          %parallel_loop3A_258 = tpu.vector_load_idx %arg6[%iota3A, %parallel_loop3A_257] : memref<16x1024xf32, #tpu.memory_space<vmem>>[vector<16xi32>, vector<16xi32>], vector<16xf32>,
          %parallel_loop3A_259 = arith.constant 0 : i32
          %parallel_loop3A_260 = vector.broadcast %parallel_loop3A_259 : i32 to vector<16xi32>
          %parallel_loop3A_261 = arith.subi %parallel_loop3A_257, %parallel_loop3A_260 : vector<16xi32>
          %parallel_loop3A_262 = arith.constant 16 : i32
          %parallel_loop3A_263 = vector.broadcast %parallel_loop3A_262 : i32 to vector<16xi32>
          %parallel_loop3A_264 = arith.muli %parallel_loop3A_261, %parallel_loop3A_263 : vector<16xi32>
          %parallel_loop3A_265 = arith.addi %parallel_loop3A_264, %iota3A : vector<16xi32>
          tpu.vector_store_idx %arg8[%parallel_loop3A_265], %parallel_loop3A_258 : memref<16384xf32, #tpu.memory_space<vmem>>[vector<16xi32>], vector<16xf32>,
          %parallel_loop3A_266 = arith.constant 6 : i32
          %parallel_loop3A_267 = vector.broadcast %parallel_loop3A_266 : i32 to vector<16xi32>
          %parallel_loop3A_268 = arith.addi %parallel_loop3A_163, %parallel_loop3A_267 : vector<16xi32>
          %parallel_loop3A_269 = arith.constant 1023 : i32
          %parallel_loop3A_270 = vector.broadcast %parallel_loop3A_269 : i32 to vector<16xi32>
          %parallel_loop3A_271 = arith.andi %parallel_loop3A_268, %parallel_loop3A_270 : vector<16xi32>
          %parallel_loop3A_272 = arith.constant 0 : i32
          %parallel_loop3A_273 = vector.broadcast %parallel_loop3A_272 : i32 to vector<16xi32>
          %parallel_loop3A_274 = arith.addi %parallel_loop3A_273, %parallel_loop3A_271 : vector<16xi32>
          %parallel_loop3A_275 = tpu.vector_load_idx %arg6[%iota3A, %parallel_loop3A_274] : memref<16x1024xf32, #tpu.memory_space<vmem>>[vector<16xi32>, vector<16xi32>], vector<16xf32>,
          %parallel_loop3A_276 = arith.constant 0 : i32
          %parallel_loop3A_277 = vector.broadcast %parallel_loop3A_276 : i32 to vector<16xi32>
          %parallel_loop3A_278 = arith.subi %parallel_loop3A_274, %parallel_loop3A_277 : vector<16xi32>
          %parallel_loop3A_279 = arith.constant 16 : i32
          %parallel_loop3A_280 = vector.broadcast %parallel_loop3A_279 : i32 to vector<16xi32>
          %parallel_loop3A_281 = arith.muli %parallel_loop3A_278, %parallel_loop3A_280 : vector<16xi32>
          %parallel_loop3A_282 = arith.addi %parallel_loop3A_281, %iota3A : vector<16xi32>
          tpu.vector_store_idx %arg8[%parallel_loop3A_282], %parallel_loop3A_275 : memref<16384xf32, #tpu.memory_space<vmem>>[vector<16xi32>], vector<16xf32>,
          %parallel_loop3A_283 = arith.constant 7 : i32
          %parallel_loop3A_284 = vector.broadcast %parallel_loop3A_283 : i32 to vector<16xi32>
          %parallel_loop3A_285 = arith.addi %parallel_loop3A_163, %parallel_loop3A_284 : vector<16xi32>
          %parallel_loop3A_286 = arith.constant 1023 : i32
          %parallel_loop3A_287 = vector.broadcast %parallel_loop3A_286 : i32 to vector<16xi32>
          %parallel_loop3A_288 = arith.andi %parallel_loop3A_285, %parallel_loop3A_287 : vector<16xi32>
          %parallel_loop3A_289 = arith.constant 0 : i32
          %parallel_loop3A_290 = vector.broadcast %parallel_loop3A_289 : i32 to vector<16xi32>
          %parallel_loop3A_291 = arith.addi %parallel_loop3A_290, %parallel_loop3A_288 : vector<16xi32>
          %parallel_loop3A_292 = tpu.vector_load_idx %arg6[%iota3A, %parallel_loop3A_291] : memref<16x1024xf32, #tpu.memory_space<vmem>>[vector<16xi32>, vector<16xi32>], vector<16xf32>,
          %parallel_loop3A_293 = arith.constant 0 : i32
          %parallel_loop3A_294 = vector.broadcast %parallel_loop3A_293 : i32 to vector<16xi32>
          %parallel_loop3A_295 = arith.subi %parallel_loop3A_291, %parallel_loop3A_294 : vector<16xi32>
          %parallel_loop3A_296 = arith.constant 16 : i32
          %parallel_loop3A_297 = vector.broadcast %parallel_loop3A_296 : i32 to vector<16xi32>
          %parallel_loop3A_298 = arith.muli %parallel_loop3A_295, %parallel_loop3A_297 : vector<16xi32>
          %parallel_loop3A_299 = arith.addi %parallel_loop3A_298, %iota3A : vector<16xi32>
          tpu.vector_store_idx %arg8[%parallel_loop3A_299], %parallel_loop3A_292 : memref<16384xf32, #tpu.memory_space<vmem>>[vector<16xi32>], vector<16xf32>,
          %parallel_loop3A_300 = arith.constant 8 : i32
          %parallel_loop3A_301 = vector.broadcast %parallel_loop3A_300 : i32 to vector<16xi32>
          %parallel_loop3A_302 = arith.addi %parallel_loop3A_163, %parallel_loop3A_301 : vector<16xi32>
          %parallel_loop3A_303 = arith.constant 1023 : i32
          %parallel_loop3A_304 = vector.broadcast %parallel_loop3A_303 : i32 to vector<16xi32>
          %parallel_loop3A_305 = arith.andi %parallel_loop3A_302, %parallel_loop3A_304 : vector<16xi32>
          %parallel_loop3A_306 = arith.constant 0 : i32
          %parallel_loop3A_307 = vector.broadcast %parallel_loop3A_306 : i32 to vector<16xi32>
          %parallel_loop3A_308 = arith.addi %parallel_loop3A_307, %parallel_loop3A_305 : vector<16xi32>
          %parallel_loop3A_309 = tpu.vector_load_idx %arg6[%iota3A, %parallel_loop3A_308] : memref<16x1024xf32, #tpu.memory_space<vmem>>[vector<16xi32>, vector<16xi32>], vector<16xf32>,
          %parallel_loop3A_310 = arith.constant 0 : i32
          %parallel_loop3A_311 = vector.broadcast %parallel_loop3A_310 : i32 to vector<16xi32>
          %parallel_loop3A_312 = arith.subi %parallel_loop3A_308, %parallel_loop3A_311 : vector<16xi32>
          %parallel_loop3A_313 = arith.constant 16 : i32
          %parallel_loop3A_314 = vector.broadcast %parallel_loop3A_313 : i32 to vector<16xi32>
          %parallel_loop3A_315 = arith.muli %parallel_loop3A_312, %parallel_loop3A_314 : vector<16xi32>
          %parallel_loop3A_316 = arith.addi %parallel_loop3A_315, %iota3A : vector<16xi32>
          tpu.vector_store_idx %arg8[%parallel_loop3A_316], %parallel_loop3A_309 : memref<16384xf32, #tpu.memory_space<vmem>>[vector<16xi32>], vector<16xf32>,
          %parallel_loop3A_317 = arith.constant 9 : i32
          %parallel_loop3A_318 = vector.broadcast %parallel_loop3A_317 : i32 to vector<16xi32>
          %parallel_loop3A_319 = arith.addi %parallel_loop3A_163, %parallel_loop3A_318 : vector<16xi32>
          %parallel_loop3A_320 = arith.constant 1023 : i32
          %parallel_loop3A_321 = vector.broadcast %parallel_loop3A_320 : i32 to vector<16xi32>
          %parallel_loop3A_322 = arith.andi %parallel_loop3A_319, %parallel_loop3A_321 : vector<16xi32>
          %parallel_loop3A_323 = arith.constant 0 : i32
          %parallel_loop3A_324 = vector.broadcast %parallel_loop3A_323 : i32 to vector<16xi32>
          %parallel_loop3A_325 = arith.addi %parallel_loop3A_324, %parallel_loop3A_322 : vector<16xi32>
          %parallel_loop3A_326 = tpu.vector_load_idx %arg6[%iota3A, %parallel_loop3A_325] : memref<16x1024xf32, #tpu.memory_space<vmem>>[vector<16xi32>, vector<16xi32>], vector<16xf32>,
          %parallel_loop3A_327 = arith.constant 0 : i32
          %parallel_loop3A_328 = vector.broadcast %parallel_loop3A_327 : i32 to vector<16xi32>
          %parallel_loop3A_329 = arith.subi %parallel_loop3A_325, %parallel_loop3A_328 : vector<16xi32>
          %parallel_loop3A_330 = arith.constant 16 : i32
          %parallel_loop3A_331 = vector.broadcast %parallel_loop3A_330 : i32 to vector<16xi32>
          %parallel_loop3A_332 = arith.muli %parallel_loop3A_329, %parallel_loop3A_331 : vector<16xi32>
          %parallel_loop3A_333 = arith.addi %parallel_loop3A_332, %iota3A : vector<16xi32>
          tpu.vector_store_idx %arg8[%parallel_loop3A_333], %parallel_loop3A_326 : memref<16384xf32, #tpu.memory_space<vmem>>[vector<16xi32>], vector<16xf32>,
          %parallel_loop3A_334 = arith.constant 10 : i32
          %parallel_loop3A_335 = vector.broadcast %parallel_loop3A_334 : i32 to vector<16xi32>
          %parallel_loop3A_336 = arith.addi %parallel_loop3A_163, %parallel_loop3A_335 : vector<16xi32>
          %parallel_loop3A_337 = arith.constant 1023 : i32
          %parallel_loop3A_338 = vector.broadcast %parallel_loop3A_337 : i32 to vector<16xi32>
          %parallel_loop3A_339 = arith.andi %parallel_loop3A_336, %parallel_loop3A_338 : vector<16xi32>
          %parallel_loop3A_340 = arith.constant 0 : i32
          %parallel_loop3A_341 = vector.broadcast %parallel_loop3A_340 : i32 to vector<16xi32>
          %parallel_loop3A_342 = arith.addi %parallel_loop3A_341, %parallel_loop3A_339 : vector<16xi32>
          %parallel_loop3A_343 = tpu.vector_load_idx %arg6[%iota3A, %parallel_loop3A_342] : memref<16x1024xf32, #tpu.memory_space<vmem>>[vector<16xi32>, vector<16xi32>], vector<16xf32>,
          %parallel_loop3A_344 = arith.constant 0 : i32
          %parallel_loop3A_345 = vector.broadcast %parallel_loop3A_344 : i32 to vector<16xi32>
          %parallel_loop3A_346 = arith.subi %parallel_loop3A_342, %parallel_loop3A_345 : vector<16xi32>
          %parallel_loop3A_347 = arith.constant 16 : i32
          %parallel_loop3A_348 = vector.broadcast %parallel_loop3A_347 : i32 to vector<16xi32>
          %parallel_loop3A_349 = arith.muli %parallel_loop3A_346, %parallel_loop3A_348 : vector<16xi32>
          %parallel_loop3A_350 = arith.addi %parallel_loop3A_349, %iota3A : vector<16xi32>
          tpu.vector_store_idx %arg8[%parallel_loop3A_350], %parallel_loop3A_343 : memref<16384xf32, #tpu.memory_space<vmem>>[vector<16xi32>], vector<16xf32>,
          %parallel_loop3A_351 = arith.constant 11 : i32
          %parallel_loop3A_352 = vector.broadcast %parallel_loop3A_351 : i32 to vector<16xi32>
          %parallel_loop3A_353 = arith.addi %parallel_loop3A_163, %parallel_loop3A_352 : vector<16xi32>
          %parallel_loop3A_354 = arith.constant 1023 : i32
          %parallel_loop3A_355 = vector.broadcast %parallel_loop3A_354 : i32 to vector<16xi32>
          %parallel_loop3A_356 = arith.andi %parallel_loop3A_353, %parallel_loop3A_355 : vector<16xi32>
          %parallel_loop3A_357 = arith.constant 0 : i32
          %parallel_loop3A_358 = vector.broadcast %parallel_loop3A_357 : i32 to vector<16xi32>
          %parallel_loop3A_359 = arith.addi %parallel_loop3A_358, %parallel_loop3A_356 : vector<16xi32>
          %parallel_loop3A_360 = tpu.vector_load_idx %arg6[%iota3A, %parallel_loop3A_359] : memref<16x1024xf32, #tpu.memory_space<vmem>>[vector<16xi32>, vector<16xi32>], vector<16xf32>,
          %parallel_loop3A_361 = arith.constant 0 : i32
          %parallel_loop3A_362 = vector.broadcast %parallel_loop3A_361 : i32 to vector<16xi32>
          %parallel_loop3A_363 = arith.subi %parallel_loop3A_359, %parallel_loop3A_362 : vector<16xi32>
          %parallel_loop3A_364 = arith.constant 16 : i32
          %parallel_loop3A_365 = vector.broadcast %parallel_loop3A_364 : i32 to vector<16xi32>
          %parallel_loop3A_366 = arith.muli %parallel_loop3A_363, %parallel_loop3A_365 : vector<16xi32>
          %parallel_loop3A_367 = arith.addi %parallel_loop3A_366, %iota3A : vector<16xi32>
          tpu.vector_store_idx %arg8[%parallel_loop3A_367], %parallel_loop3A_360 : memref<16384xf32, #tpu.memory_space<vmem>>[vector<16xi32>], vector<16xf32>,
          %parallel_loop3A_368 = arith.constant 12 : i32
          %parallel_loop3A_369 = vector.broadcast %parallel_loop3A_368 : i32 to vector<16xi32>
          %parallel_loop3A_370 = arith.addi %parallel_loop3A_163, %parallel_loop3A_369 : vector<16xi32>
          %parallel_loop3A_371 = arith.constant 1023 : i32
          %parallel_loop3A_372 = vector.broadcast %parallel_loop3A_371 : i32 to vector<16xi32>
          %parallel_loop3A_373 = arith.andi %parallel_loop3A_370, %parallel_loop3A_372 : vector<16xi32>
          %parallel_loop3A_374 = arith.constant 0 : i32
          %parallel_loop3A_375 = vector.broadcast %parallel_loop3A_374 : i32 to vector<16xi32>
          %parallel_loop3A_376 = arith.addi %parallel_loop3A_375, %parallel_loop3A_373 : vector<16xi32>
          %parallel_loop3A_377 = tpu.vector_load_idx %arg6[%iota3A, %parallel_loop3A_376] : memref<16x1024xf32, #tpu.memory_space<vmem>>[vector<16xi32>, vector<16xi32>], vector<16xf32>,
          %parallel_loop3A_378 = arith.constant 0 : i32
          %parallel_loop3A_379 = vector.broadcast %parallel_loop3A_378 : i32 to vector<16xi32>
          %parallel_loop3A_380 = arith.subi %parallel_loop3A_376, %parallel_loop3A_379 : vector<16xi32>
          %parallel_loop3A_381 = arith.constant 16 : i32
          %parallel_loop3A_382 = vector.broadcast %parallel_loop3A_381 : i32 to vector<16xi32>
          %parallel_loop3A_383 = arith.muli %parallel_loop3A_380, %parallel_loop3A_382 : vector<16xi32>
          %parallel_loop3A_384 = arith.addi %parallel_loop3A_383, %iota3A : vector<16xi32>
          tpu.vector_store_idx %arg8[%parallel_loop3A_384], %parallel_loop3A_377 : memref<16384xf32, #tpu.memory_space<vmem>>[vector<16xi32>], vector<16xf32>,
          %parallel_loop3A_385 = arith.constant 13 : i32
          %parallel_loop3A_386 = vector.broadcast %parallel_loop3A_385 : i32 to vector<16xi32>
          %parallel_loop3A_387 = arith.addi %parallel_loop3A_163, %parallel_loop3A_386 : vector<16xi32>
          %parallel_loop3A_388 = arith.constant 1023 : i32
          %parallel_loop3A_389 = vector.broadcast %parallel_loop3A_388 : i32 to vector<16xi32>
          %parallel_loop3A_390 = arith.andi %parallel_loop3A_387, %parallel_loop3A_389 : vector<16xi32>
          %parallel_loop3A_391 = arith.constant 0 : i32
          %parallel_loop3A_392 = vector.broadcast %parallel_loop3A_391 : i32 to vector<16xi32>
          %parallel_loop3A_393 = arith.addi %parallel_loop3A_392, %parallel_loop3A_390 : vector<16xi32>
          %parallel_loop3A_394 = tpu.vector_load_idx %arg6[%iota3A, %parallel_loop3A_393] : memref<16x1024xf32, #tpu.memory_space<vmem>>[vector<16xi32>, vector<16xi32>], vector<16xf32>,
          %parallel_loop3A_395 = arith.constant 0 : i32
          %parallel_loop3A_396 = vector.broadcast %parallel_loop3A_395 : i32 to vector<16xi32>
          %parallel_loop3A_397 = arith.subi %parallel_loop3A_393, %parallel_loop3A_396 : vector<16xi32>
          %parallel_loop3A_398 = arith.constant 16 : i32
          %parallel_loop3A_399 = vector.broadcast %parallel_loop3A_398 : i32 to vector<16xi32>
          %parallel_loop3A_400 = arith.muli %parallel_loop3A_397, %parallel_loop3A_399 : vector<16xi32>
          %parallel_loop3A_401 = arith.addi %parallel_loop3A_400, %iota3A : vector<16xi32>
          tpu.vector_store_idx %arg8[%parallel_loop3A_401], %parallel_loop3A_394 : memref<16384xf32, #tpu.memory_space<vmem>>[vector<16xi32>], vector<16xf32>,
          %parallel_loop3A_402 = arith.constant 14 : i32
          %parallel_loop3A_403 = vector.broadcast %parallel_loop3A_402 : i32 to vector<16xi32>
          %parallel_loop3A_404 = arith.addi %parallel_loop3A_163, %parallel_loop3A_403 : vector<16xi32>
          %parallel_loop3A_405 = arith.constant 1023 : i32
          %parallel_loop3A_406 = vector.broadcast %parallel_loop3A_405 : i32 to vector<16xi32>
          %parallel_loop3A_407 = arith.andi %parallel_loop3A_404, %parallel_loop3A_406 : vector<16xi32>
          %parallel_loop3A_408 = arith.constant 0 : i32
          %parallel_loop3A_409 = vector.broadcast %parallel_loop3A_408 : i32 to vector<16xi32>
          %parallel_loop3A_410 = arith.addi %parallel_loop3A_409, %parallel_loop3A_407 : vector<16xi32>
          %parallel_loop3A_411 = tpu.vector_load_idx %arg6[%iota3A, %parallel_loop3A_410] : memref<16x1024xf32, #tpu.memory_space<vmem>>[vector<16xi32>, vector<16xi32>], vector<16xf32>,
          %parallel_loop3A_412 = arith.constant 0 : i32
          %parallel_loop3A_413 = vector.broadcast %parallel_loop3A_412 : i32 to vector<16xi32>
          %parallel_loop3A_414 = arith.subi %parallel_loop3A_410, %parallel_loop3A_413 : vector<16xi32>
          %parallel_loop3A_415 = arith.constant 16 : i32
          %parallel_loop3A_416 = vector.broadcast %parallel_loop3A_415 : i32 to vector<16xi32>
          %parallel_loop3A_417 = arith.muli %parallel_loop3A_414, %parallel_loop3A_416 : vector<16xi32>
          %parallel_loop3A_418 = arith.addi %parallel_loop3A_417, %iota3A : vector<16xi32>
          tpu.vector_store_idx %arg8[%parallel_loop3A_418], %parallel_loop3A_411 : memref<16384xf32, #tpu.memory_space<vmem>>[vector<16xi32>], vector<16xf32>,
          %parallel_loop3A_419 = arith.constant 15 : i32
          %parallel_loop3A_420 = vector.broadcast %parallel_loop3A_419 : i32 to vector<16xi32>
          %parallel_loop3A_421 = arith.addi %parallel_loop3A_163, %parallel_loop3A_420 : vector<16xi32>
          %parallel_loop3A_422 = arith.constant 1023 : i32
          %parallel_loop3A_423 = vector.broadcast %parallel_loop3A_422 : i32 to vector<16xi32>
          %parallel_loop3A_424 = arith.andi %parallel_loop3A_421, %parallel_loop3A_423 : vector<16xi32>
          %parallel_loop3A_425 = arith.constant 0 : i32
          %parallel_loop3A_426 = vector.broadcast %parallel_loop3A_425 : i32 to vector<16xi32>
          %parallel_loop3A_427 = arith.addi %parallel_loop3A_426, %parallel_loop3A_424 : vector<16xi32>
          %parallel_loop3A_428 = tpu.vector_load_idx %arg6[%iota3A, %parallel_loop3A_427] : memref<16x1024xf32, #tpu.memory_space<vmem>>[vector<16xi32>, vector<16xi32>], vector<16xf32>,
          %parallel_loop3A_429 = arith.constant 0 : i32
          %parallel_loop3A_430 = vector.broadcast %parallel_loop3A_429 : i32 to vector<16xi32>
          %parallel_loop3A_431 = arith.subi %parallel_loop3A_427, %parallel_loop3A_430 : vector<16xi32>
          %parallel_loop3A_432 = arith.constant 16 : i32
          %parallel_loop3A_433 = vector.broadcast %parallel_loop3A_432 : i32 to vector<16xi32>
          %parallel_loop3A_434 = arith.muli %parallel_loop3A_431, %parallel_loop3A_433 : vector<16xi32>
          %parallel_loop3A_435 = arith.addi %parallel_loop3A_434, %iota3A : vector<16xi32>
          tpu.vector_store_idx %arg8[%parallel_loop3A_435], %parallel_loop3A_428 : memref<16384xf32, #tpu.memory_space<vmem>>[vector<16xi32>], vector<16xf32>,
        } {sc.loop_unroll_factor = 2 : i64, sc.parallel_access}
        %add3A_153 = arith.constant 32 : i32
        %add3A_154 = arith.addi %add3A_81, %add3A_153 : i32
        %mul3A_155 = arith.constant 16384 : i32
        %mul3A_156 = arith.muli %add3A_154, %mul3A_155 : i32
        %dma_start3A_157 = tpu.memref_slice %arg4[%mul3A_156] : memref<41600000xf32, #tpu.memory_space<hbm>> -> memref<16384xf32, #tpu.memory_space<hbm>>
        %dma_start3A_158 = tpu.memref_slice %arg4[%mul3A_156] : memref<41600000xf32, #tpu.memory_space<hbm>> -> memref<16384xf32, #tpu.memory_space<hbm>>
        tpu.enqueue_dma source(%arg8 : memref<16384xf32, #tpu.memory_space<vmem>>) target(%dma_start3A_158 : memref<16384xf32, #tpu.memory_space<hbm>>) target_semaphore(%arg12 : memref<!tpu.dma_semaphore, #tpu.memory_space<semaphore_mem>>)
      }
      %dma_wait3A = arith.constant 0 : i32
      %dma_wait3A_69 = tpu.memref_slice %arg4[%dma_wait3A] : memref<41600000xf32, #tpu.memory_space<hbm>> -> memref<16384xf32, #tpu.memory_space<hbm>>
      %dma_wait3A_70 = arith.constant 0 : i32
      %dma_wait3A_71 = tpu.memref_slice %arg4[%dma_wait3A_70] : memref<41600000xf32, #tpu.memory_space<hbm>> -> memref<16384xf32, #tpu.memory_space<hbm>>
      tpu.wait_dma2 semaphore(%arg11 : memref<!tpu.dma_semaphore, #tpu.memory_space<semaphore_mem>>) src(%dma_wait3A_71 : memref<16384xf32, #tpu.memory_space<hbm>>) dst(%arg7 : memref<16384xf32, #tpu.memory_space<vmem>>)
      %dma_wait3A_72 = arith.constant 0 : i32
      %dma_wait3A_73 = tpu.memref_slice %arg4[%dma_wait3A_72] : memref<41600000xf32, #tpu.memory_space<hbm>> -> memref<16384xf32, #tpu.memory_space<hbm>>
      %dma_wait3A_74 = arith.constant 0 : i32
      %dma_wait3A_75 = tpu.memref_slice %arg4[%dma_wait3A_74] : memref<41600000xf32, #tpu.memory_space<hbm>> -> memref<16384xf32, #tpu.memory_space<hbm>>
      tpu.wait_dma2 semaphore(%arg12 : memref<!tpu.dma_semaphore, #tpu.memory_space<semaphore_mem>>) src(%dma_wait3A_75 : memref<16384xf32, #tpu.memory_space<hbm>>) dst(%arg8 : memref<16384xf32, #tpu.memory_space<vmem>>)
    } else {
    }
    %eq3A = arith.constant 1 : i32
    %eq3A_51 = arith.cmpi eq, %sub3A_25, %eq3A : i32
    %convert_element_type3A_52 = arith.extui %eq3A_51 : i1 to i32
    %cond3A_53 = arith.constant 0 : i32
    %cond3A_54 = arith.cmpi ne, %convert_element_type3A_52, %cond3A_53 : i32
    scf.if %cond3A_54 {
      %sub3A_60 = arith.constant 1 : i32
      %sub3A_61 = arith.subi %add3A_4, %sub3A_60 : i32
      %mul3A_62 = arith.constant 32 : i32
      %mul3A_63 = arith.muli %sub3A_61, %mul3A_62 : i32
      %add3A_64 = arith.addi %add3A, %mul3A_63 : i32
      %dma_wait3A = arith.constant 0 : i32
      %dma_wait3A_65 = arith.constant 0 : i32
      %dma_wait3A_66 = tpu.memref_slice %arg2[%dma_wait3A, %dma_wait3A_65] : memref<16x2600000xf32, #tpu.memory_space<hbm>> -> memref<16x1024xf32, #tpu.memory_space<hbm>>
      %dma_wait3A_67 = arith.constant 0 : i32
      %dma_wait3A_68 = arith.constant 0 : i32
      %dma_wait3A_69 = tpu.memref_slice %arg2[%dma_wait3A_67, %dma_wait3A_68] : memref<16x2600000xf32, #tpu.memory_space<hbm>> -> memref<16x1024xf32, #tpu.memory_space<hbm>>
      tpu.wait_dma2 semaphore(%arg9 : memref<!tpu.dma_semaphore, #tpu.memory_space<semaphore_mem>>) src(%dma_wait3A_69 : memref<16x1024xf32, #tpu.memory_space<hbm>>) dst(%arg5 : memref<16x1024xf32, #tpu.memory_space<vmem>>)
      %mul3A_70 = arith.constant 17 : i32
      %mul3A_71 = vector.broadcast %mul3A_70 : i32 to vector<16xi32>
      %mul3A_72 = arith.muli %iota3A, %mul3A_71 : vector<16xi32>
      %parallel_loop3A = arith.constant 0 : i32
      %parallel_loop3A_73 = arith.constant 64 : i32
      %parallel_loop3A_74 = arith.constant 1 : i32
      scf.for %parallel_loop3A_81 = %parallel_loop3A to %parallel_loop3A_73 step %parallel_loop3A_74  : i32 {
        %parallel_loop3A_82 = arith.constant 16 : i32
        %parallel_loop3A_83 = arith.muli %parallel_loop3A_81, %parallel_loop3A_82 : i32
        %parallel_loop3A_84 = vector.broadcast %parallel_loop3A_83 : i32 to vector<16xi32>
        %parallel_loop3A_85 = arith.addi %mul3A_72, %parallel_loop3A_84 : vector<16xi32>
        %parallel_loop3A_86 = arith.constant 0 : i32
        %parallel_loop3A_87 = vector.broadcast %parallel_loop3A_86 : i32 to vector<16xi32>
        %parallel_loop3A_88 = arith.addi %parallel_loop3A_85, %parallel_loop3A_87 : vector<16xi32>
        %parallel_loop3A_89 = arith.constant 1023 : i32
        %parallel_loop3A_90 = vector.broadcast %parallel_loop3A_89 : i32 to vector<16xi32>
        %parallel_loop3A_91 = arith.andi %parallel_loop3A_88, %parallel_loop3A_90 : vector<16xi32>
        %parallel_loop3A_92 = arith.constant 0 : i32
        %parallel_loop3A_93 = vector.broadcast %parallel_loop3A_92 : i32 to vector<16xi32>
        %parallel_loop3A_94 = arith.addi %parallel_loop3A_93, %parallel_loop3A_91 : vector<16xi32>
        %parallel_loop3A_95 = tpu.vector_load_idx %arg5[%iota3A, %parallel_loop3A_94] : memref<16x1024xf32, #tpu.memory_space<vmem>>[vector<16xi32>, vector<16xi32>], vector<16xf32>,
        %parallel_loop3A_96 = arith.constant 0 : i32
        %parallel_loop3A_97 = vector.broadcast %parallel_loop3A_96 : i32 to vector<16xi32>
        %parallel_loop3A_98 = arith.subi %parallel_loop3A_94, %parallel_loop3A_97 : vector<16xi32>
        %parallel_loop3A_99 = arith.constant 16 : i32
        %parallel_loop3A_100 = vector.broadcast %parallel_loop3A_99 : i32 to vector<16xi32>
        %parallel_loop3A_101 = arith.muli %parallel_loop3A_98, %parallel_loop3A_100 : vector<16xi32>
        %parallel_loop3A_102 = arith.addi %parallel_loop3A_101, %iota3A : vector<16xi32>
        tpu.vector_store_idx %arg7[%parallel_loop3A_102], %parallel_loop3A_95 : memref<16384xf32, #tpu.memory_space<vmem>>[vector<16xi32>], vector<16xf32>,
        %parallel_loop3A_103 = arith.constant 1 : i32
        %parallel_loop3A_104 = vector.broadcast %parallel_loop3A_103 : i32 to vector<16xi32>
        %parallel_loop3A_105 = arith.addi %parallel_loop3A_85, %parallel_loop3A_104 : vector<16xi32>
        %parallel_loop3A_106 = arith.constant 1023 : i32
        %parallel_loop3A_107 = vector.broadcast %parallel_loop3A_106 : i32 to vector<16xi32>
        %parallel_loop3A_108 = arith.andi %parallel_loop3A_105, %parallel_loop3A_107 : vector<16xi32>
        %parallel_loop3A_109 = arith.constant 0 : i32
        %parallel_loop3A_110 = vector.broadcast %parallel_loop3A_109 : i32 to vector<16xi32>
        %parallel_loop3A_111 = arith.addi %parallel_loop3A_110, %parallel_loop3A_108 : vector<16xi32>
        %parallel_loop3A_112 = tpu.vector_load_idx %arg5[%iota3A, %parallel_loop3A_111] : memref<16x1024xf32, #tpu.memory_space<vmem>>[vector<16xi32>, vector<16xi32>], vector<16xf32>,
        %parallel_loop3A_113 = arith.constant 0 : i32
        %parallel_loop3A_114 = vector.broadcast %parallel_loop3A_113 : i32 to vector<16xi32>
        %parallel_loop3A_115 = arith.subi %parallel_loop3A_111, %parallel_loop3A_114 : vector<16xi32>
        %parallel_loop3A_116 = arith.constant 16 : i32
        %parallel_loop3A_117 = vector.broadcast %parallel_loop3A_116 : i32 to vector<16xi32>
        %parallel_loop3A_118 = arith.muli %parallel_loop3A_115, %parallel_loop3A_117 : vector<16xi32>
        %parallel_loop3A_119 = arith.addi %parallel_loop3A_118, %iota3A : vector<16xi32>
        tpu.vector_store_idx %arg7[%parallel_loop3A_119], %parallel_loop3A_112 : memref<16384xf32, #tpu.memory_space<vmem>>[vector<16xi32>], vector<16xf32>,
        %parallel_loop3A_120 = arith.constant 2 : i32
        %parallel_loop3A_121 = vector.broadcast %parallel_loop3A_120 : i32 to vector<16xi32>
        %parallel_loop3A_122 = arith.addi %parallel_loop3A_85, %parallel_loop3A_121 : vector<16xi32>
        %parallel_loop3A_123 = arith.constant 1023 : i32
        %parallel_loop3A_124 = vector.broadcast %parallel_loop3A_123 : i32 to vector<16xi32>
        %parallel_loop3A_125 = arith.andi %parallel_loop3A_122, %parallel_loop3A_124 : vector<16xi32>
        %parallel_loop3A_126 = arith.constant 0 : i32
        %parallel_loop3A_127 = vector.broadcast %parallel_loop3A_126 : i32 to vector<16xi32>
        %parallel_loop3A_128 = arith.addi %parallel_loop3A_127, %parallel_loop3A_125 : vector<16xi32>
        %parallel_loop3A_129 = tpu.vector_load_idx %arg5[%iota3A, %parallel_loop3A_128] : memref<16x1024xf32, #tpu.memory_space<vmem>>[vector<16xi32>, vector<16xi32>], vector<16xf32>,
        %parallel_loop3A_130 = arith.constant 0 : i32
        %parallel_loop3A_131 = vector.broadcast %parallel_loop3A_130 : i32 to vector<16xi32>
        %parallel_loop3A_132 = arith.subi %parallel_loop3A_128, %parallel_loop3A_131 : vector<16xi32>
        %parallel_loop3A_133 = arith.constant 16 : i32
        %parallel_loop3A_134 = vector.broadcast %parallel_loop3A_133 : i32 to vector<16xi32>
        %parallel_loop3A_135 = arith.muli %parallel_loop3A_132, %parallel_loop3A_134 : vector<16xi32>
        %parallel_loop3A_136 = arith.addi %parallel_loop3A_135, %iota3A : vector<16xi32>
        tpu.vector_store_idx %arg7[%parallel_loop3A_136], %parallel_loop3A_129 : memref<16384xf32, #tpu.memory_space<vmem>>[vector<16xi32>], vector<16xf32>,
        %parallel_loop3A_137 = arith.constant 3 : i32
        %parallel_loop3A_138 = vector.broadcast %parallel_loop3A_137 : i32 to vector<16xi32>
        %parallel_loop3A_139 = arith.addi %parallel_loop3A_85, %parallel_loop3A_138 : vector<16xi32>
        %parallel_loop3A_140 = arith.constant 1023 : i32
        %parallel_loop3A_141 = vector.broadcast %parallel_loop3A_140 : i32 to vector<16xi32>
        %parallel_loop3A_142 = arith.andi %parallel_loop3A_139, %parallel_loop3A_141 : vector<16xi32>
        %parallel_loop3A_143 = arith.constant 0 : i32
        %parallel_loop3A_144 = vector.broadcast %parallel_loop3A_143 : i32 to vector<16xi32>
        %parallel_loop3A_145 = arith.addi %parallel_loop3A_144, %parallel_loop3A_142 : vector<16xi32>
        %parallel_loop3A_146 = tpu.vector_load_idx %arg5[%iota3A, %parallel_loop3A_145] : memref<16x1024xf32, #tpu.memory_space<vmem>>[vector<16xi32>, vector<16xi32>], vector<16xf32>,
        %parallel_loop3A_147 = arith.constant 0 : i32
        %parallel_loop3A_148 = vector.broadcast %parallel_loop3A_147 : i32 to vector<16xi32>
        %parallel_loop3A_149 = arith.subi %parallel_loop3A_145, %parallel_loop3A_148 : vector<16xi32>
        %parallel_loop3A_150 = arith.constant 16 : i32
        %parallel_loop3A_151 = vector.broadcast %parallel_loop3A_150 : i32 to vector<16xi32>
        %parallel_loop3A_152 = arith.muli %parallel_loop3A_149, %parallel_loop3A_151 : vector<16xi32>
        %parallel_loop3A_153 = arith.addi %parallel_loop3A_152, %iota3A : vector<16xi32>
        tpu.vector_store_idx %arg7[%parallel_loop3A_153], %parallel_loop3A_146 : memref<16384xf32, #tpu.memory_space<vmem>>[vector<16xi32>], vector<16xf32>,
        %parallel_loop3A_154 = arith.constant 4 : i32
        %parallel_loop3A_155 = vector.broadcast %parallel_loop3A_154 : i32 to vector<16xi32>
        %parallel_loop3A_156 = arith.addi %parallel_loop3A_85, %parallel_loop3A_155 : vector<16xi32>
        %parallel_loop3A_157 = arith.constant 1023 : i32
        %parallel_loop3A_158 = vector.broadcast %parallel_loop3A_157 : i32 to vector<16xi32>
        %parallel_loop3A_159 = arith.andi %parallel_loop3A_156, %parallel_loop3A_158 : vector<16xi32>
        %parallel_loop3A_160 = arith.constant 0 : i32
        %parallel_loop3A_161 = vector.broadcast %parallel_loop3A_160 : i32 to vector<16xi32>
        %parallel_loop3A_162 = arith.addi %parallel_loop3A_161, %parallel_loop3A_159 : vector<16xi32>
        %parallel_loop3A_163 = tpu.vector_load_idx %arg5[%iota3A, %parallel_loop3A_162] : memref<16x1024xf32, #tpu.memory_space<vmem>>[vector<16xi32>, vector<16xi32>], vector<16xf32>,
        %parallel_loop3A_164 = arith.constant 0 : i32
        %parallel_loop3A_165 = vector.broadcast %parallel_loop3A_164 : i32 to vector<16xi32>
        %parallel_loop3A_166 = arith.subi %parallel_loop3A_162, %parallel_loop3A_165 : vector<16xi32>
        %parallel_loop3A_167 = arith.constant 16 : i32
        %parallel_loop3A_168 = vector.broadcast %parallel_loop3A_167 : i32 to vector<16xi32>
        %parallel_loop3A_169 = arith.muli %parallel_loop3A_166, %parallel_loop3A_168 : vector<16xi32>
        %parallel_loop3A_170 = arith.addi %parallel_loop3A_169, %iota3A : vector<16xi32>
        tpu.vector_store_idx %arg7[%parallel_loop3A_170], %parallel_loop3A_163 : memref<16384xf32, #tpu.memory_space<vmem>>[vector<16xi32>], vector<16xf32>,
        %parallel_loop3A_171 = arith.constant 5 : i32
        %parallel_loop3A_172 = vector.broadcast %parallel_loop3A_171 : i32 to vector<16xi32>
        %parallel_loop3A_173 = arith.addi %parallel_loop3A_85, %parallel_loop3A_172 : vector<16xi32>
        %parallel_loop3A_174 = arith.constant 1023 : i32
        %parallel_loop3A_175 = vector.broadcast %parallel_loop3A_174 : i32 to vector<16xi32>
        %parallel_loop3A_176 = arith.andi %parallel_loop3A_173, %parallel_loop3A_175 : vector<16xi32>
        %parallel_loop3A_177 = arith.constant 0 : i32
        %parallel_loop3A_178 = vector.broadcast %parallel_loop3A_177 : i32 to vector<16xi32>
        %parallel_loop3A_179 = arith.addi %parallel_loop3A_178, %parallel_loop3A_176 : vector<16xi32>
        %parallel_loop3A_180 = tpu.vector_load_idx %arg5[%iota3A, %parallel_loop3A_179] : memref<16x1024xf32, #tpu.memory_space<vmem>>[vector<16xi32>, vector<16xi32>], vector<16xf32>,
        %parallel_loop3A_181 = arith.constant 0 : i32
        %parallel_loop3A_182 = vector.broadcast %parallel_loop3A_181 : i32 to vector<16xi32>
        %parallel_loop3A_183 = arith.subi %parallel_loop3A_179, %parallel_loop3A_182 : vector<16xi32>
        %parallel_loop3A_184 = arith.constant 16 : i32
        %parallel_loop3A_185 = vector.broadcast %parallel_loop3A_184 : i32 to vector<16xi32>
        %parallel_loop3A_186 = arith.muli %parallel_loop3A_183, %parallel_loop3A_185 : vector<16xi32>
        %parallel_loop3A_187 = arith.addi %parallel_loop3A_186, %iota3A : vector<16xi32>
        tpu.vector_store_idx %arg7[%parallel_loop3A_187], %parallel_loop3A_180 : memref<16384xf32, #tpu.memory_space<vmem>>[vector<16xi32>], vector<16xf32>,
        %parallel_loop3A_188 = arith.constant 6 : i32
        %parallel_loop3A_189 = vector.broadcast %parallel_loop3A_188 : i32 to vector<16xi32>
        %parallel_loop3A_190 = arith.addi %parallel_loop3A_85, %parallel_loop3A_189 : vector<16xi32>
        %parallel_loop3A_191 = arith.constant 1023 : i32
        %parallel_loop3A_192 = vector.broadcast %parallel_loop3A_191 : i32 to vector<16xi32>
        %parallel_loop3A_193 = arith.andi %parallel_loop3A_190, %parallel_loop3A_192 : vector<16xi32>
        %parallel_loop3A_194 = arith.constant 0 : i32
        %parallel_loop3A_195 = vector.broadcast %parallel_loop3A_194 : i32 to vector<16xi32>
        %parallel_loop3A_196 = arith.addi %parallel_loop3A_195, %parallel_loop3A_193 : vector<16xi32>
        %parallel_loop3A_197 = tpu.vector_load_idx %arg5[%iota3A, %parallel_loop3A_196] : memref<16x1024xf32, #tpu.memory_space<vmem>>[vector<16xi32>, vector<16xi32>], vector<16xf32>,
        %parallel_loop3A_198 = arith.constant 0 : i32
        %parallel_loop3A_199 = vector.broadcast %parallel_loop3A_198 : i32 to vector<16xi32>
        %parallel_loop3A_200 = arith.subi %parallel_loop3A_196, %parallel_loop3A_199 : vector<16xi32>
        %parallel_loop3A_201 = arith.constant 16 : i32
        %parallel_loop3A_202 = vector.broadcast %parallel_loop3A_201 : i32 to vector<16xi32>
        %parallel_loop3A_203 = arith.muli %parallel_loop3A_200, %parallel_loop3A_202 : vector<16xi32>
        %parallel_loop3A_204 = arith.addi %parallel_loop3A_203, %iota3A : vector<16xi32>
        tpu.vector_store_idx %arg7[%parallel_loop3A_204], %parallel_loop3A_197 : memref<16384xf32, #tpu.memory_space<vmem>>[vector<16xi32>], vector<16xf32>,
        %parallel_loop3A_205 = arith.constant 7 : i32
        %parallel_loop3A_206 = vector.broadcast %parallel_loop3A_205 : i32 to vector<16xi32>
        %parallel_loop3A_207 = arith.addi %parallel_loop3A_85, %parallel_loop3A_206 : vector<16xi32>
        %parallel_loop3A_208 = arith.constant 1023 : i32
        %parallel_loop3A_209 = vector.broadcast %parallel_loop3A_208 : i32 to vector<16xi32>
        %parallel_loop3A_210 = arith.andi %parallel_loop3A_207, %parallel_loop3A_209 : vector<16xi32>
        %parallel_loop3A_211 = arith.constant 0 : i32
        %parallel_loop3A_212 = vector.broadcast %parallel_loop3A_211 : i32 to vector<16xi32>
        %parallel_loop3A_213 = arith.addi %parallel_loop3A_212, %parallel_loop3A_210 : vector<16xi32>
        %parallel_loop3A_214 = tpu.vector_load_idx %arg5[%iota3A, %parallel_loop3A_213] : memref<16x1024xf32, #tpu.memory_space<vmem>>[vector<16xi32>, vector<16xi32>], vector<16xf32>,
        %parallel_loop3A_215 = arith.constant 0 : i32
        %parallel_loop3A_216 = vector.broadcast %parallel_loop3A_215 : i32 to vector<16xi32>
        %parallel_loop3A_217 = arith.subi %parallel_loop3A_213, %parallel_loop3A_216 : vector<16xi32>
        %parallel_loop3A_218 = arith.constant 16 : i32
        %parallel_loop3A_219 = vector.broadcast %parallel_loop3A_218 : i32 to vector<16xi32>
        %parallel_loop3A_220 = arith.muli %parallel_loop3A_217, %parallel_loop3A_219 : vector<16xi32>
        %parallel_loop3A_221 = arith.addi %parallel_loop3A_220, %iota3A : vector<16xi32>
        tpu.vector_store_idx %arg7[%parallel_loop3A_221], %parallel_loop3A_214 : memref<16384xf32, #tpu.memory_space<vmem>>[vector<16xi32>], vector<16xf32>,
        %parallel_loop3A_222 = arith.constant 8 : i32
        %parallel_loop3A_223 = vector.broadcast %parallel_loop3A_222 : i32 to vector<16xi32>
        %parallel_loop3A_224 = arith.addi %parallel_loop3A_85, %parallel_loop3A_223 : vector<16xi32>
        %parallel_loop3A_225 = arith.constant 1023 : i32
        %parallel_loop3A_226 = vector.broadcast %parallel_loop3A_225 : i32 to vector<16xi32>
        %parallel_loop3A_227 = arith.andi %parallel_loop3A_224, %parallel_loop3A_226 : vector<16xi32>
        %parallel_loop3A_228 = arith.constant 0 : i32
        %parallel_loop3A_229 = vector.broadcast %parallel_loop3A_228 : i32 to vector<16xi32>
        %parallel_loop3A_230 = arith.addi %parallel_loop3A_229, %parallel_loop3A_227 : vector<16xi32>
        %parallel_loop3A_231 = tpu.vector_load_idx %arg5[%iota3A, %parallel_loop3A_230] : memref<16x1024xf32, #tpu.memory_space<vmem>>[vector<16xi32>, vector<16xi32>], vector<16xf32>,
        %parallel_loop3A_232 = arith.constant 0 : i32
        %parallel_loop3A_233 = vector.broadcast %parallel_loop3A_232 : i32 to vector<16xi32>
        %parallel_loop3A_234 = arith.subi %parallel_loop3A_230, %parallel_loop3A_233 : vector<16xi32>
        %parallel_loop3A_235 = arith.constant 16 : i32
        %parallel_loop3A_236 = vector.broadcast %parallel_loop3A_235 : i32 to vector<16xi32>
        %parallel_loop3A_237 = arith.muli %parallel_loop3A_234, %parallel_loop3A_236 : vector<16xi32>
        %parallel_loop3A_238 = arith.addi %parallel_loop3A_237, %iota3A : vector<16xi32>
        tpu.vector_store_idx %arg7[%parallel_loop3A_238], %parallel_loop3A_231 : memref<16384xf32, #tpu.memory_space<vmem>>[vector<16xi32>], vector<16xf32>,
        %parallel_loop3A_239 = arith.constant 9 : i32
        %parallel_loop3A_240 = vector.broadcast %parallel_loop3A_239 : i32 to vector<16xi32>
        %parallel_loop3A_241 = arith.addi %parallel_loop3A_85, %parallel_loop3A_240 : vector<16xi32>
        %parallel_loop3A_242 = arith.constant 1023 : i32
        %parallel_loop3A_243 = vector.broadcast %parallel_loop3A_242 : i32 to vector<16xi32>
        %parallel_loop3A_244 = arith.andi %parallel_loop3A_241, %parallel_loop3A_243 : vector<16xi32>
        %parallel_loop3A_245 = arith.constant 0 : i32
        %parallel_loop3A_246 = vector.broadcast %parallel_loop3A_245 : i32 to vector<16xi32>
        %parallel_loop3A_247 = arith.addi %parallel_loop3A_246, %parallel_loop3A_244 : vector<16xi32>
        %parallel_loop3A_248 = tpu.vector_load_idx %arg5[%iota3A, %parallel_loop3A_247] : memref<16x1024xf32, #tpu.memory_space<vmem>>[vector<16xi32>, vector<16xi32>], vector<16xf32>,
        %parallel_loop3A_249 = arith.constant 0 : i32
        %parallel_loop3A_250 = vector.broadcast %parallel_loop3A_249 : i32 to vector<16xi32>
        %parallel_loop3A_251 = arith.subi %parallel_loop3A_247, %parallel_loop3A_250 : vector<16xi32>
        %parallel_loop3A_252 = arith.constant 16 : i32
        %parallel_loop3A_253 = vector.broadcast %parallel_loop3A_252 : i32 to vector<16xi32>
        %parallel_loop3A_254 = arith.muli %parallel_loop3A_251, %parallel_loop3A_253 : vector<16xi32>
        %parallel_loop3A_255 = arith.addi %parallel_loop3A_254, %iota3A : vector<16xi32>
        tpu.vector_store_idx %arg7[%parallel_loop3A_255], %parallel_loop3A_248 : memref<16384xf32, #tpu.memory_space<vmem>>[vector<16xi32>], vector<16xf32>,
        %parallel_loop3A_256 = arith.constant 10 : i32
        %parallel_loop3A_257 = vector.broadcast %parallel_loop3A_256 : i32 to vector<16xi32>
        %parallel_loop3A_258 = arith.addi %parallel_loop3A_85, %parallel_loop3A_257 : vector<16xi32>
        %parallel_loop3A_259 = arith.constant 1023 : i32
        %parallel_loop3A_260 = vector.broadcast %parallel_loop3A_259 : i32 to vector<16xi32>
        %parallel_loop3A_261 = arith.andi %parallel_loop3A_258, %parallel_loop3A_260 : vector<16xi32>
        %parallel_loop3A_262 = arith.constant 0 : i32
        %parallel_loop3A_263 = vector.broadcast %parallel_loop3A_262 : i32 to vector<16xi32>
        %parallel_loop3A_264 = arith.addi %parallel_loop3A_263, %parallel_loop3A_261 : vector<16xi32>
        %parallel_loop3A_265 = tpu.vector_load_idx %arg5[%iota3A, %parallel_loop3A_264] : memref<16x1024xf32, #tpu.memory_space<vmem>>[vector<16xi32>, vector<16xi32>], vector<16xf32>,
        %parallel_loop3A_266 = arith.constant 0 : i32
        %parallel_loop3A_267 = vector.broadcast %parallel_loop3A_266 : i32 to vector<16xi32>
        %parallel_loop3A_268 = arith.subi %parallel_loop3A_264, %parallel_loop3A_267 : vector<16xi32>
        %parallel_loop3A_269 = arith.constant 16 : i32
        %parallel_loop3A_270 = vector.broadcast %parallel_loop3A_269 : i32 to vector<16xi32>
        %parallel_loop3A_271 = arith.muli %parallel_loop3A_268, %parallel_loop3A_270 : vector<16xi32>
        %parallel_loop3A_272 = arith.addi %parallel_loop3A_271, %iota3A : vector<16xi32>
        tpu.vector_store_idx %arg7[%parallel_loop3A_272], %parallel_loop3A_265 : memref<16384xf32, #tpu.memory_space<vmem>>[vector<16xi32>], vector<16xf32>,
        %parallel_loop3A_273 = arith.constant 11 : i32
        %parallel_loop3A_274 = vector.broadcast %parallel_loop3A_273 : i32 to vector<16xi32>
        %parallel_loop3A_275 = arith.addi %parallel_loop3A_85, %parallel_loop3A_274 : vector<16xi32>
        %parallel_loop3A_276 = arith.constant 1023 : i32
        %parallel_loop3A_277 = vector.broadcast %parallel_loop3A_276 : i32 to vector<16xi32>
        %parallel_loop3A_278 = arith.andi %parallel_loop3A_275, %parallel_loop3A_277 : vector<16xi32>
        %parallel_loop3A_279 = arith.constant 0 : i32
        %parallel_loop3A_280 = vector.broadcast %parallel_loop3A_279 : i32 to vector<16xi32>
        %parallel_loop3A_281 = arith.addi %parallel_loop3A_280, %parallel_loop3A_278 : vector<16xi32>
        %parallel_loop3A_282 = tpu.vector_load_idx %arg5[%iota3A, %parallel_loop3A_281] : memref<16x1024xf32, #tpu.memory_space<vmem>>[vector<16xi32>, vector<16xi32>], vector<16xf32>,
        %parallel_loop3A_283 = arith.constant 0 : i32
        %parallel_loop3A_284 = vector.broadcast %parallel_loop3A_283 : i32 to vector<16xi32>
        %parallel_loop3A_285 = arith.subi %parallel_loop3A_281, %parallel_loop3A_284 : vector<16xi32>
        %parallel_loop3A_286 = arith.constant 16 : i32
        %parallel_loop3A_287 = vector.broadcast %parallel_loop3A_286 : i32 to vector<16xi32>
        %parallel_loop3A_288 = arith.muli %parallel_loop3A_285, %parallel_loop3A_287 : vector<16xi32>
        %parallel_loop3A_289 = arith.addi %parallel_loop3A_288, %iota3A : vector<16xi32>
        tpu.vector_store_idx %arg7[%parallel_loop3A_289], %parallel_loop3A_282 : memref<16384xf32, #tpu.memory_space<vmem>>[vector<16xi32>], vector<16xf32>,
        %parallel_loop3A_290 = arith.constant 12 : i32
        %parallel_loop3A_291 = vector.broadcast %parallel_loop3A_290 : i32 to vector<16xi32>
        %parallel_loop3A_292 = arith.addi %parallel_loop3A_85, %parallel_loop3A_291 : vector<16xi32>
        %parallel_loop3A_293 = arith.constant 1023 : i32
        %parallel_loop3A_294 = vector.broadcast %parallel_loop3A_293 : i32 to vector<16xi32>
        %parallel_loop3A_295 = arith.andi %parallel_loop3A_292, %parallel_loop3A_294 : vector<16xi32>
        %parallel_loop3A_296 = arith.constant 0 : i32
        %parallel_loop3A_297 = vector.broadcast %parallel_loop3A_296 : i32 to vector<16xi32>
        %parallel_loop3A_298 = arith.addi %parallel_loop3A_297, %parallel_loop3A_295 : vector<16xi32>
        %parallel_loop3A_299 = tpu.vector_load_idx %arg5[%iota3A, %parallel_loop3A_298] : memref<16x1024xf32, #tpu.memory_space<vmem>>[vector<16xi32>, vector<16xi32>], vector<16xf32>,
        %parallel_loop3A_300 = arith.constant 0 : i32
        %parallel_loop3A_301 = vector.broadcast %parallel_loop3A_300 : i32 to vector<16xi32>
        %parallel_loop3A_302 = arith.subi %parallel_loop3A_298, %parallel_loop3A_301 : vector<16xi32>
        %parallel_loop3A_303 = arith.constant 16 : i32
        %parallel_loop3A_304 = vector.broadcast %parallel_loop3A_303 : i32 to vector<16xi32>
        %parallel_loop3A_305 = arith.muli %parallel_loop3A_302, %parallel_loop3A_304 : vector<16xi32>
        %parallel_loop3A_306 = arith.addi %parallel_loop3A_305, %iota3A : vector<16xi32>
        tpu.vector_store_idx %arg7[%parallel_loop3A_306], %parallel_loop3A_299 : memref<16384xf32, #tpu.memory_space<vmem>>[vector<16xi32>], vector<16xf32>,
        %parallel_loop3A_307 = arith.constant 13 : i32
        %parallel_loop3A_308 = vector.broadcast %parallel_loop3A_307 : i32 to vector<16xi32>
        %parallel_loop3A_309 = arith.addi %parallel_loop3A_85, %parallel_loop3A_308 : vector<16xi32>
        %parallel_loop3A_310 = arith.constant 1023 : i32
        %parallel_loop3A_311 = vector.broadcast %parallel_loop3A_310 : i32 to vector<16xi32>
        %parallel_loop3A_312 = arith.andi %parallel_loop3A_309, %parallel_loop3A_311 : vector<16xi32>
        %parallel_loop3A_313 = arith.constant 0 : i32
        %parallel_loop3A_314 = vector.broadcast %parallel_loop3A_313 : i32 to vector<16xi32>
        %parallel_loop3A_315 = arith.addi %parallel_loop3A_314, %parallel_loop3A_312 : vector<16xi32>
        %parallel_loop3A_316 = tpu.vector_load_idx %arg5[%iota3A, %parallel_loop3A_315] : memref<16x1024xf32, #tpu.memory_space<vmem>>[vector<16xi32>, vector<16xi32>], vector<16xf32>,
        %parallel_loop3A_317 = arith.constant 0 : i32
        %parallel_loop3A_318 = vector.broadcast %parallel_loop3A_317 : i32 to vector<16xi32>
        %parallel_loop3A_319 = arith.subi %parallel_loop3A_315, %parallel_loop3A_318 : vector<16xi32>
        %parallel_loop3A_320 = arith.constant 16 : i32
        %parallel_loop3A_321 = vector.broadcast %parallel_loop3A_320 : i32 to vector<16xi32>
        %parallel_loop3A_322 = arith.muli %parallel_loop3A_319, %parallel_loop3A_321 : vector<16xi32>
        %parallel_loop3A_323 = arith.addi %parallel_loop3A_322, %iota3A : vector<16xi32>
        tpu.vector_store_idx %arg7[%parallel_loop3A_323], %parallel_loop3A_316 : memref<16384xf32, #tpu.memory_space<vmem>>[vector<16xi32>], vector<16xf32>,
        %parallel_loop3A_324 = arith.constant 14 : i32
        %parallel_loop3A_325 = vector.broadcast %parallel_loop3A_324 : i32 to vector<16xi32>
        %parallel_loop3A_326 = arith.addi %parallel_loop3A_85, %parallel_loop3A_325 : vector<16xi32>
        %parallel_loop3A_327 = arith.constant 1023 : i32
        %parallel_loop3A_328 = vector.broadcast %parallel_loop3A_327 : i32 to vector<16xi32>
        %parallel_loop3A_329 = arith.andi %parallel_loop3A_326, %parallel_loop3A_328 : vector<16xi32>
        %parallel_loop3A_330 = arith.constant 0 : i32
        %parallel_loop3A_331 = vector.broadcast %parallel_loop3A_330 : i32 to vector<16xi32>
        %parallel_loop3A_332 = arith.addi %parallel_loop3A_331, %parallel_loop3A_329 : vector<16xi32>
        %parallel_loop3A_333 = tpu.vector_load_idx %arg5[%iota3A, %parallel_loop3A_332] : memref<16x1024xf32, #tpu.memory_space<vmem>>[vector<16xi32>, vector<16xi32>], vector<16xf32>,
        %parallel_loop3A_334 = arith.constant 0 : i32
        %parallel_loop3A_335 = vector.broadcast %parallel_loop3A_334 : i32 to vector<16xi32>
        %parallel_loop3A_336 = arith.subi %parallel_loop3A_332, %parallel_loop3A_335 : vector<16xi32>
        %parallel_loop3A_337 = arith.constant 16 : i32
        %parallel_loop3A_338 = vector.broadcast %parallel_loop3A_337 : i32 to vector<16xi32>
        %parallel_loop3A_339 = arith.muli %parallel_loop3A_336, %parallel_loop3A_338 : vector<16xi32>
        %parallel_loop3A_340 = arith.addi %parallel_loop3A_339, %iota3A : vector<16xi32>
        tpu.vector_store_idx %arg7[%parallel_loop3A_340], %parallel_loop3A_333 : memref<16384xf32, #tpu.memory_space<vmem>>[vector<16xi32>], vector<16xf32>,
        %parallel_loop3A_341 = arith.constant 15 : i32
        %parallel_loop3A_342 = vector.broadcast %parallel_loop3A_341 : i32 to vector<16xi32>
        %parallel_loop3A_343 = arith.addi %parallel_loop3A_85, %parallel_loop3A_342 : vector<16xi32>
        %parallel_loop3A_344 = arith.constant 1023 : i32
        %parallel_loop3A_345 = vector.broadcast %parallel_loop3A_344 : i32 to vector<16xi32>
        %parallel_loop3A_346 = arith.andi %parallel_loop3A_343, %parallel_loop3A_345 : vector<16xi32>
        %parallel_loop3A_347 = arith.constant 0 : i32
        %parallel_loop3A_348 = vector.broadcast %parallel_loop3A_347 : i32 to vector<16xi32>
        %parallel_loop3A_349 = arith.addi %parallel_loop3A_348, %parallel_loop3A_346 : vector<16xi32>
        %parallel_loop3A_350 = tpu.vector_load_idx %arg5[%iota3A, %parallel_loop3A_349] : memref<16x1024xf32, #tpu.memory_space<vmem>>[vector<16xi32>, vector<16xi32>], vector<16xf32>,
        %parallel_loop3A_351 = arith.constant 0 : i32
        %parallel_loop3A_352 = vector.broadcast %parallel_loop3A_351 : i32 to vector<16xi32>
        %parallel_loop3A_353 = arith.subi %parallel_loop3A_349, %parallel_loop3A_352 : vector<16xi32>
        %parallel_loop3A_354 = arith.constant 16 : i32
        %parallel_loop3A_355 = vector.broadcast %parallel_loop3A_354 : i32 to vector<16xi32>
        %parallel_loop3A_356 = arith.muli %parallel_loop3A_353, %parallel_loop3A_355 : vector<16xi32>
        %parallel_loop3A_357 = arith.addi %parallel_loop3A_356, %iota3A : vector<16xi32>
        tpu.vector_store_idx %arg7[%parallel_loop3A_357], %parallel_loop3A_350 : memref<16384xf32, #tpu.memory_space<vmem>>[vector<16xi32>], vector<16xf32>,
      } {sc.loop_unroll_factor = 2 : i64, sc.parallel_access}
      %mul3A_75 = arith.constant 16384 : i32
      %mul3A_76 = arith.muli %add3A_64, %mul3A_75 : i32
      %dma_start3A_77 = tpu.memref_slice %arg4[%mul3A_76] : memref<41600000xf32, #tpu.memory_space<hbm>> -> memref<16384xf32, #tpu.memory_space<hbm>>
      %dma_start3A_78 = tpu.memref_slice %arg4[%mul3A_76] : memref<41600000xf32, #tpu.memory_space<hbm>> -> memref<16384xf32, #tpu.memory_space<hbm>>
      tpu.enqueue_dma source(%arg7 : memref<16384xf32, #tpu.memory_space<vmem>>) target(%dma_start3A_78 : memref<16384xf32, #tpu.memory_space<hbm>>) target_semaphore(%arg11 : memref<!tpu.dma_semaphore, #tpu.memory_space<semaphore_mem>>)
      %dma_wait3A_79 = tpu.memref_slice %arg4[%mul3A_76] : memref<41600000xf32, #tpu.memory_space<hbm>> -> memref<16384xf32, #tpu.memory_space<hbm>>
      %dma_wait3A_80 = tpu.memref_slice %arg4[%mul3A_76] : memref<41600000xf32, #tpu.memory_space<hbm>> -> memref<16384xf32, #tpu.memory_space<hbm>>
      tpu.wait_dma2 semaphore(%arg11 : memref<!tpu.dma_semaphore, #tpu.memory_space<semaphore_mem>>) src(%arg7 : memref<16384xf32, #tpu.memory_space<vmem>>) dst(%dma_wait3A_80 : memref<16384xf32, #tpu.memory_space<hbm>>)
    } else {
    }
    %eq3A_55 = arith.constant 31 : i32
    %eq3A_56 = arith.cmpi eq, %add3A, %eq3A_55 : i32
    %convert_element_type3A_57 = arith.extui %eq3A_56 : i1 to i32
    %cond3A_58 = arith.constant 0 : i32
    %cond3A_59 = arith.cmpi ne, %convert_element_type3A_57, %cond3A_58 : i32
    scf.if %cond3A_59 {
      %dma_start3A_60 = arith.constant 0 : i32
      %dma_start3A_61 = arith.constant 0 : i32
      %dma_start3A_62 = tpu.memref_slice %arg5[%dma_start3A_60, %dma_start3A_61] : memref<16x1024xf32, #tpu.memory_space<vmem>> -> memref<16x128xf32, #tpu.memory_space<vmem>>
      %dma_start3A_63 = arith.constant 0 : i32
      %dma_start3A_64 = arith.constant 0 : i32
      %dma_start3A_65 = tpu.memref_slice %arg5[%dma_start3A_63, %dma_start3A_64] : memref<16x1024xf32, #tpu.memory_space<vmem>> -> memref<16x128xf32, #tpu.memory_space<vmem>>
      tpu.enqueue_dma source(%arg3 : memref<16x128xf32, #tpu.memory_space<hbm>>) target(%dma_start3A_65 : memref<16x128xf32, #tpu.memory_space<vmem>>) target_semaphore(%arg9 : memref<!tpu.dma_semaphore, #tpu.memory_space<semaphore_mem>>)
      %dma_wait3A = arith.constant 0 : i32
      %dma_wait3A_66 = arith.constant 0 : i32
      %dma_wait3A_67 = tpu.memref_slice %arg5[%dma_wait3A, %dma_wait3A_66] : memref<16x1024xf32, #tpu.memory_space<vmem>> -> memref<16x128xf32, #tpu.memory_space<vmem>>
      %dma_wait3A_68 = arith.constant 0 : i32
      %dma_wait3A_69 = arith.constant 0 : i32
      %dma_wait3A_70 = tpu.memref_slice %arg5[%dma_wait3A_68, %dma_wait3A_69] : memref<16x1024xf32, #tpu.memory_space<vmem>> -> memref<16x128xf32, #tpu.memory_space<vmem>>
      tpu.wait_dma2 semaphore(%arg9 : memref<!tpu.dma_semaphore, #tpu.memory_space<semaphore_mem>>) src(%arg3 : memref<16x128xf32, #tpu.memory_space<hbm>>) dst(%dma_wait3A_70 : memref<16x128xf32, #tpu.memory_space<vmem>>)
      %mul3A_71 = arith.constant 17 : i32
      %mul3A_72 = vector.broadcast %mul3A_71 : i32 to vector<16xi32>
      %mul3A_73 = arith.muli %iota3A, %mul3A_72 : vector<16xi32>
      %parallel_loop3A = arith.constant 0 : i32
      %parallel_loop3A_74 = arith.constant 4 : i32
      %parallel_loop3A_75 = arith.constant 1 : i32
      scf.for %parallel_loop3A_92 = %parallel_loop3A to %parallel_loop3A_74 step %parallel_loop3A_75  : i32 {
        %parallel_loop3A_93 = arith.constant 16 : i32
        %parallel_loop3A_94 = arith.muli %parallel_loop3A_92, %parallel_loop3A_93 : i32
        %parallel_loop3A_95 = vector.broadcast %parallel_loop3A_94 : i32 to vector<16xi32>
        %parallel_loop3A_96 = arith.addi %mul3A_73, %parallel_loop3A_95 : vector<16xi32>
        %parallel_loop3A_97 = arith.constant 0 : i32
        %parallel_loop3A_98 = vector.broadcast %parallel_loop3A_97 : i32 to vector<16xi32>
        %parallel_loop3A_99 = arith.addi %parallel_loop3A_96, %parallel_loop3A_98 : vector<16xi32>
        %parallel_loop3A_100 = arith.constant 63 : i32
        %parallel_loop3A_101 = vector.broadcast %parallel_loop3A_100 : i32 to vector<16xi32>
        %parallel_loop3A_102 = arith.andi %parallel_loop3A_99, %parallel_loop3A_101 : vector<16xi32>
        %parallel_loop3A_103 = arith.constant 64 : i32
        %parallel_loop3A_104 = vector.broadcast %parallel_loop3A_103 : i32 to vector<16xi32>
        %parallel_loop3A_105 = arith.addi %parallel_loop3A_104, %parallel_loop3A_102 : vector<16xi32>
        %parallel_loop3A_106 = tpu.vector_load_idx %arg5[%iota3A, %parallel_loop3A_105] : memref<16x1024xf32, #tpu.memory_space<vmem>>[vector<16xi32>, vector<16xi32>], vector<16xf32>,
        %parallel_loop3A_107 = arith.constant 64 : i32
        %parallel_loop3A_108 = vector.broadcast %parallel_loop3A_107 : i32 to vector<16xi32>
        %parallel_loop3A_109 = arith.subi %parallel_loop3A_105, %parallel_loop3A_108 : vector<16xi32>
        %parallel_loop3A_110 = arith.constant 16 : i32
        %parallel_loop3A_111 = vector.broadcast %parallel_loop3A_110 : i32 to vector<16xi32>
        %parallel_loop3A_112 = arith.muli %parallel_loop3A_109, %parallel_loop3A_111 : vector<16xi32>
        %parallel_loop3A_113 = arith.addi %parallel_loop3A_112, %iota3A : vector<16xi32>
        tpu.vector_store_idx %arg7[%parallel_loop3A_113], %parallel_loop3A_106 : memref<16384xf32, #tpu.memory_space<vmem>>[vector<16xi32>], vector<16xf32>,
        %parallel_loop3A_114 = arith.constant 1 : i32
        %parallel_loop3A_115 = vector.broadcast %parallel_loop3A_114 : i32 to vector<16xi32>
        %parallel_loop3A_116 = arith.addi %parallel_loop3A_96, %parallel_loop3A_115 : vector<16xi32>
        %parallel_loop3A_117 = arith.constant 63 : i32
        %parallel_loop3A_118 = vector.broadcast %parallel_loop3A_117 : i32 to vector<16xi32>
        %parallel_loop3A_119 = arith.andi %parallel_loop3A_116, %parallel_loop3A_118 : vector<16xi32>
        %parallel_loop3A_120 = arith.constant 64 : i32
        %parallel_loop3A_121 = vector.broadcast %parallel_loop3A_120 : i32 to vector<16xi32>
        %parallel_loop3A_122 = arith.addi %parallel_loop3A_121, %parallel_loop3A_119 : vector<16xi32>
        %parallel_loop3A_123 = tpu.vector_load_idx %arg5[%iota3A, %parallel_loop3A_122] : memref<16x1024xf32, #tpu.memory_space<vmem>>[vector<16xi32>, vector<16xi32>], vector<16xf32>,
        %parallel_loop3A_124 = arith.constant 64 : i32
        %parallel_loop3A_125 = vector.broadcast %parallel_loop3A_124 : i32 to vector<16xi32>
        %parallel_loop3A_126 = arith.subi %parallel_loop3A_122, %parallel_loop3A_125 : vector<16xi32>
        %parallel_loop3A_127 = arith.constant 16 : i32
        %parallel_loop3A_128 = vector.broadcast %parallel_loop3A_127 : i32 to vector<16xi32>
        %parallel_loop3A_129 = arith.muli %parallel_loop3A_126, %parallel_loop3A_128 : vector<16xi32>
        %parallel_loop3A_130 = arith.addi %parallel_loop3A_129, %iota3A : vector<16xi32>
        tpu.vector_store_idx %arg7[%parallel_loop3A_130], %parallel_loop3A_123 : memref<16384xf32, #tpu.memory_space<vmem>>[vector<16xi32>], vector<16xf32>,
        %parallel_loop3A_131 = arith.constant 2 : i32
        %parallel_loop3A_132 = vector.broadcast %parallel_loop3A_131 : i32 to vector<16xi32>
        %parallel_loop3A_133 = arith.addi %parallel_loop3A_96, %parallel_loop3A_132 : vector<16xi32>
        %parallel_loop3A_134 = arith.constant 63 : i32
        %parallel_loop3A_135 = vector.broadcast %parallel_loop3A_134 : i32 to vector<16xi32>
        %parallel_loop3A_136 = arith.andi %parallel_loop3A_133, %parallel_loop3A_135 : vector<16xi32>
        %parallel_loop3A_137 = arith.constant 64 : i32
        %parallel_loop3A_138 = vector.broadcast %parallel_loop3A_137 : i32 to vector<16xi32>
        %parallel_loop3A_139 = arith.addi %parallel_loop3A_138, %parallel_loop3A_136 : vector<16xi32>
        %parallel_loop3A_140 = tpu.vector_load_idx %arg5[%iota3A, %parallel_loop3A_139] : memref<16x1024xf32, #tpu.memory_space<vmem>>[vector<16xi32>, vector<16xi32>], vector<16xf32>,
        %parallel_loop3A_141 = arith.constant 64 : i32
        %parallel_loop3A_142 = vector.broadcast %parallel_loop3A_141 : i32 to vector<16xi32>
        %parallel_loop3A_143 = arith.subi %parallel_loop3A_139, %parallel_loop3A_142 : vector<16xi32>
        %parallel_loop3A_144 = arith.constant 16 : i32
        %parallel_loop3A_145 = vector.broadcast %parallel_loop3A_144 : i32 to vector<16xi32>
        %parallel_loop3A_146 = arith.muli %parallel_loop3A_143, %parallel_loop3A_145 : vector<16xi32>
        %parallel_loop3A_147 = arith.addi %parallel_loop3A_146, %iota3A : vector<16xi32>
        tpu.vector_store_idx %arg7[%parallel_loop3A_147], %parallel_loop3A_140 : memref<16384xf32, #tpu.memory_space<vmem>>[vector<16xi32>], vector<16xf32>,
        %parallel_loop3A_148 = arith.constant 3 : i32
        %parallel_loop3A_149 = vector.broadcast %parallel_loop3A_148 : i32 to vector<16xi32>
        %parallel_loop3A_150 = arith.addi %parallel_loop3A_96, %parallel_loop3A_149 : vector<16xi32>
        %parallel_loop3A_151 = arith.constant 63 : i32
        %parallel_loop3A_152 = vector.broadcast %parallel_loop3A_151 : i32 to vector<16xi32>
        %parallel_loop3A_153 = arith.andi %parallel_loop3A_150, %parallel_loop3A_152 : vector<16xi32>
        %parallel_loop3A_154 = arith.constant 64 : i32
        %parallel_loop3A_155 = vector.broadcast %parallel_loop3A_154 : i32 to vector<16xi32>
        %parallel_loop3A_156 = arith.addi %parallel_loop3A_155, %parallel_loop3A_153 : vector<16xi32>
        %parallel_loop3A_157 = tpu.vector_load_idx %arg5[%iota3A, %parallel_loop3A_156] : memref<16x1024xf32, #tpu.memory_space<vmem>>[vector<16xi32>, vector<16xi32>], vector<16xf32>,
        %parallel_loop3A_158 = arith.constant 64 : i32
        %parallel_loop3A_159 = vector.broadcast %parallel_loop3A_158 : i32 to vector<16xi32>
        %parallel_loop3A_160 = arith.subi %parallel_loop3A_156, %parallel_loop3A_159 : vector<16xi32>
        %parallel_loop3A_161 = arith.constant 16 : i32
        %parallel_loop3A_162 = vector.broadcast %parallel_loop3A_161 : i32 to vector<16xi32>
        %parallel_loop3A_163 = arith.muli %parallel_loop3A_160, %parallel_loop3A_162 : vector<16xi32>
        %parallel_loop3A_164 = arith.addi %parallel_loop3A_163, %iota3A : vector<16xi32>
        tpu.vector_store_idx %arg7[%parallel_loop3A_164], %parallel_loop3A_157 : memref<16384xf32, #tpu.memory_space<vmem>>[vector<16xi32>], vector<16xf32>,
        %parallel_loop3A_165 = arith.constant 4 : i32
        %parallel_loop3A_166 = vector.broadcast %parallel_loop3A_165 : i32 to vector<16xi32>
        %parallel_loop3A_167 = arith.addi %parallel_loop3A_96, %parallel_loop3A_166 : vector<16xi32>
        %parallel_loop3A_168 = arith.constant 63 : i32
        %parallel_loop3A_169 = vector.broadcast %parallel_loop3A_168 : i32 to vector<16xi32>
        %parallel_loop3A_170 = arith.andi %parallel_loop3A_167, %parallel_loop3A_169 : vector<16xi32>
        %parallel_loop3A_171 = arith.constant 64 : i32
        %parallel_loop3A_172 = vector.broadcast %parallel_loop3A_171 : i32 to vector<16xi32>
        %parallel_loop3A_173 = arith.addi %parallel_loop3A_172, %parallel_loop3A_170 : vector<16xi32>
        %parallel_loop3A_174 = tpu.vector_load_idx %arg5[%iota3A, %parallel_loop3A_173] : memref<16x1024xf32, #tpu.memory_space<vmem>>[vector<16xi32>, vector<16xi32>], vector<16xf32>,
        %parallel_loop3A_175 = arith.constant 64 : i32
        %parallel_loop3A_176 = vector.broadcast %parallel_loop3A_175 : i32 to vector<16xi32>
        %parallel_loop3A_177 = arith.subi %parallel_loop3A_173, %parallel_loop3A_176 : vector<16xi32>
        %parallel_loop3A_178 = arith.constant 16 : i32
        %parallel_loop3A_179 = vector.broadcast %parallel_loop3A_178 : i32 to vector<16xi32>
        %parallel_loop3A_180 = arith.muli %parallel_loop3A_177, %parallel_loop3A_179 : vector<16xi32>
        %parallel_loop3A_181 = arith.addi %parallel_loop3A_180, %iota3A : vector<16xi32>
        tpu.vector_store_idx %arg7[%parallel_loop3A_181], %parallel_loop3A_174 : memref<16384xf32, #tpu.memory_space<vmem>>[vector<16xi32>], vector<16xf32>,
        %parallel_loop3A_182 = arith.constant 5 : i32
        %parallel_loop3A_183 = vector.broadcast %parallel_loop3A_182 : i32 to vector<16xi32>
        %parallel_loop3A_184 = arith.addi %parallel_loop3A_96, %parallel_loop3A_183 : vector<16xi32>
        %parallel_loop3A_185 = arith.constant 63 : i32
        %parallel_loop3A_186 = vector.broadcast %parallel_loop3A_185 : i32 to vector<16xi32>
        %parallel_loop3A_187 = arith.andi %parallel_loop3A_184, %parallel_loop3A_186 : vector<16xi32>
        %parallel_loop3A_188 = arith.constant 64 : i32
        %parallel_loop3A_189 = vector.broadcast %parallel_loop3A_188 : i32 to vector<16xi32>
        %parallel_loop3A_190 = arith.addi %parallel_loop3A_189, %parallel_loop3A_187 : vector<16xi32>
        %parallel_loop3A_191 = tpu.vector_load_idx %arg5[%iota3A, %parallel_loop3A_190] : memref<16x1024xf32, #tpu.memory_space<vmem>>[vector<16xi32>, vector<16xi32>], vector<16xf32>,
        %parallel_loop3A_192 = arith.constant 64 : i32
        %parallel_loop3A_193 = vector.broadcast %parallel_loop3A_192 : i32 to vector<16xi32>
        %parallel_loop3A_194 = arith.subi %parallel_loop3A_190, %parallel_loop3A_193 : vector<16xi32>
        %parallel_loop3A_195 = arith.constant 16 : i32
        %parallel_loop3A_196 = vector.broadcast %parallel_loop3A_195 : i32 to vector<16xi32>
        %parallel_loop3A_197 = arith.muli %parallel_loop3A_194, %parallel_loop3A_196 : vector<16xi32>
        %parallel_loop3A_198 = arith.addi %parallel_loop3A_197, %iota3A : vector<16xi32>
        tpu.vector_store_idx %arg7[%parallel_loop3A_198], %parallel_loop3A_191 : memref<16384xf32, #tpu.memory_space<vmem>>[vector<16xi32>], vector<16xf32>,
        %parallel_loop3A_199 = arith.constant 6 : i32
        %parallel_loop3A_200 = vector.broadcast %parallel_loop3A_199 : i32 to vector<16xi32>
        %parallel_loop3A_201 = arith.addi %parallel_loop3A_96, %parallel_loop3A_200 : vector<16xi32>
        %parallel_loop3A_202 = arith.constant 63 : i32
        %parallel_loop3A_203 = vector.broadcast %parallel_loop3A_202 : i32 to vector<16xi32>
        %parallel_loop3A_204 = arith.andi %parallel_loop3A_201, %parallel_loop3A_203 : vector<16xi32>
        %parallel_loop3A_205 = arith.constant 64 : i32
        %parallel_loop3A_206 = vector.broadcast %parallel_loop3A_205 : i32 to vector<16xi32>
        %parallel_loop3A_207 = arith.addi %parallel_loop3A_206, %parallel_loop3A_204 : vector<16xi32>
        %parallel_loop3A_208 = tpu.vector_load_idx %arg5[%iota3A, %parallel_loop3A_207] : memref<16x1024xf32, #tpu.memory_space<vmem>>[vector<16xi32>, vector<16xi32>], vector<16xf32>,
        %parallel_loop3A_209 = arith.constant 64 : i32
        %parallel_loop3A_210 = vector.broadcast %parallel_loop3A_209 : i32 to vector<16xi32>
        %parallel_loop3A_211 = arith.subi %parallel_loop3A_207, %parallel_loop3A_210 : vector<16xi32>
        %parallel_loop3A_212 = arith.constant 16 : i32
        %parallel_loop3A_213 = vector.broadcast %parallel_loop3A_212 : i32 to vector<16xi32>
        %parallel_loop3A_214 = arith.muli %parallel_loop3A_211, %parallel_loop3A_213 : vector<16xi32>
        %parallel_loop3A_215 = arith.addi %parallel_loop3A_214, %iota3A : vector<16xi32>
        tpu.vector_store_idx %arg7[%parallel_loop3A_215], %parallel_loop3A_208 : memref<16384xf32, #tpu.memory_space<vmem>>[vector<16xi32>], vector<16xf32>,
        %parallel_loop3A_216 = arith.constant 7 : i32
        %parallel_loop3A_217 = vector.broadcast %parallel_loop3A_216 : i32 to vector<16xi32>
        %parallel_loop3A_218 = arith.addi %parallel_loop3A_96, %parallel_loop3A_217 : vector<16xi32>
        %parallel_loop3A_219 = arith.constant 63 : i32
        %parallel_loop3A_220 = vector.broadcast %parallel_loop3A_219 : i32 to vector<16xi32>
        %parallel_loop3A_221 = arith.andi %parallel_loop3A_218, %parallel_loop3A_220 : vector<16xi32>
        %parallel_loop3A_222 = arith.constant 64 : i32
        %parallel_loop3A_223 = vector.broadcast %parallel_loop3A_222 : i32 to vector<16xi32>
        %parallel_loop3A_224 = arith.addi %parallel_loop3A_223, %parallel_loop3A_221 : vector<16xi32>
        %parallel_loop3A_225 = tpu.vector_load_idx %arg5[%iota3A, %parallel_loop3A_224] : memref<16x1024xf32, #tpu.memory_space<vmem>>[vector<16xi32>, vector<16xi32>], vector<16xf32>,
        %parallel_loop3A_226 = arith.constant 64 : i32
        %parallel_loop3A_227 = vector.broadcast %parallel_loop3A_226 : i32 to vector<16xi32>
        %parallel_loop3A_228 = arith.subi %parallel_loop3A_224, %parallel_loop3A_227 : vector<16xi32>
        %parallel_loop3A_229 = arith.constant 16 : i32
        %parallel_loop3A_230 = vector.broadcast %parallel_loop3A_229 : i32 to vector<16xi32>
        %parallel_loop3A_231 = arith.muli %parallel_loop3A_228, %parallel_loop3A_230 : vector<16xi32>
        %parallel_loop3A_232 = arith.addi %parallel_loop3A_231, %iota3A : vector<16xi32>
        tpu.vector_store_idx %arg7[%parallel_loop3A_232], %parallel_loop3A_225 : memref<16384xf32, #tpu.memory_space<vmem>>[vector<16xi32>], vector<16xf32>,
        %parallel_loop3A_233 = arith.constant 8 : i32
        %parallel_loop3A_234 = vector.broadcast %parallel_loop3A_233 : i32 to vector<16xi32>
        %parallel_loop3A_235 = arith.addi %parallel_loop3A_96, %parallel_loop3A_234 : vector<16xi32>
        %parallel_loop3A_236 = arith.constant 63 : i32
        %parallel_loop3A_237 = vector.broadcast %parallel_loop3A_236 : i32 to vector<16xi32>
        %parallel_loop3A_238 = arith.andi %parallel_loop3A_235, %parallel_loop3A_237 : vector<16xi32>
        %parallel_loop3A_239 = arith.constant 64 : i32
        %parallel_loop3A_240 = vector.broadcast %parallel_loop3A_239 : i32 to vector<16xi32>
        %parallel_loop3A_241 = arith.addi %parallel_loop3A_240, %parallel_loop3A_238 : vector<16xi32>
        %parallel_loop3A_242 = tpu.vector_load_idx %arg5[%iota3A, %parallel_loop3A_241] : memref<16x1024xf32, #tpu.memory_space<vmem>>[vector<16xi32>, vector<16xi32>], vector<16xf32>,
        %parallel_loop3A_243 = arith.constant 64 : i32
        %parallel_loop3A_244 = vector.broadcast %parallel_loop3A_243 : i32 to vector<16xi32>
        %parallel_loop3A_245 = arith.subi %parallel_loop3A_241, %parallel_loop3A_244 : vector<16xi32>
        %parallel_loop3A_246 = arith.constant 16 : i32
        %parallel_loop3A_247 = vector.broadcast %parallel_loop3A_246 : i32 to vector<16xi32>
        %parallel_loop3A_248 = arith.muli %parallel_loop3A_245, %parallel_loop3A_247 : vector<16xi32>
        %parallel_loop3A_249 = arith.addi %parallel_loop3A_248, %iota3A : vector<16xi32>
        tpu.vector_store_idx %arg7[%parallel_loop3A_249], %parallel_loop3A_242 : memref<16384xf32, #tpu.memory_space<vmem>>[vector<16xi32>], vector<16xf32>,
        %parallel_loop3A_250 = arith.constant 9 : i32
        %parallel_loop3A_251 = vector.broadcast %parallel_loop3A_250 : i32 to vector<16xi32>
        %parallel_loop3A_252 = arith.addi %parallel_loop3A_96, %parallel_loop3A_251 : vector<16xi32>
        %parallel_loop3A_253 = arith.constant 63 : i32
        %parallel_loop3A_254 = vector.broadcast %parallel_loop3A_253 : i32 to vector<16xi32>
        %parallel_loop3A_255 = arith.andi %parallel_loop3A_252, %parallel_loop3A_254 : vector<16xi32>
        %parallel_loop3A_256 = arith.constant 64 : i32
        %parallel_loop3A_257 = vector.broadcast %parallel_loop3A_256 : i32 to vector<16xi32>
        %parallel_loop3A_258 = arith.addi %parallel_loop3A_257, %parallel_loop3A_255 : vector<16xi32>
        %parallel_loop3A_259 = tpu.vector_load_idx %arg5[%iota3A, %parallel_loop3A_258] : memref<16x1024xf32, #tpu.memory_space<vmem>>[vector<16xi32>, vector<16xi32>], vector<16xf32>,
        %parallel_loop3A_260 = arith.constant 64 : i32
        %parallel_loop3A_261 = vector.broadcast %parallel_loop3A_260 : i32 to vector<16xi32>
        %parallel_loop3A_262 = arith.subi %parallel_loop3A_258, %parallel_loop3A_261 : vector<16xi32>
        %parallel_loop3A_263 = arith.constant 16 : i32
        %parallel_loop3A_264 = vector.broadcast %parallel_loop3A_263 : i32 to vector<16xi32>
        %parallel_loop3A_265 = arith.muli %parallel_loop3A_262, %parallel_loop3A_264 : vector<16xi32>
        %parallel_loop3A_266 = arith.addi %parallel_loop3A_265, %iota3A : vector<16xi32>
        tpu.vector_store_idx %arg7[%parallel_loop3A_266], %parallel_loop3A_259 : memref<16384xf32, #tpu.memory_space<vmem>>[vector<16xi32>], vector<16xf32>,
        %parallel_loop3A_267 = arith.constant 10 : i32
        %parallel_loop3A_268 = vector.broadcast %parallel_loop3A_267 : i32 to vector<16xi32>
        %parallel_loop3A_269 = arith.addi %parallel_loop3A_96, %parallel_loop3A_268 : vector<16xi32>
        %parallel_loop3A_270 = arith.constant 63 : i32
        %parallel_loop3A_271 = vector.broadcast %parallel_loop3A_270 : i32 to vector<16xi32>
        %parallel_loop3A_272 = arith.andi %parallel_loop3A_269, %parallel_loop3A_271 : vector<16xi32>
        %parallel_loop3A_273 = arith.constant 64 : i32
        %parallel_loop3A_274 = vector.broadcast %parallel_loop3A_273 : i32 to vector<16xi32>
        %parallel_loop3A_275 = arith.addi %parallel_loop3A_274, %parallel_loop3A_272 : vector<16xi32>
        %parallel_loop3A_276 = tpu.vector_load_idx %arg5[%iota3A, %parallel_loop3A_275] : memref<16x1024xf32, #tpu.memory_space<vmem>>[vector<16xi32>, vector<16xi32>], vector<16xf32>,
        %parallel_loop3A_277 = arith.constant 64 : i32
        %parallel_loop3A_278 = vector.broadcast %parallel_loop3A_277 : i32 to vector<16xi32>
        %parallel_loop3A_279 = arith.subi %parallel_loop3A_275, %parallel_loop3A_278 : vector<16xi32>
        %parallel_loop3A_280 = arith.constant 16 : i32
        %parallel_loop3A_281 = vector.broadcast %parallel_loop3A_280 : i32 to vector<16xi32>
        %parallel_loop3A_282 = arith.muli %parallel_loop3A_279, %parallel_loop3A_281 : vector<16xi32>
        %parallel_loop3A_283 = arith.addi %parallel_loop3A_282, %iota3A : vector<16xi32>
        tpu.vector_store_idx %arg7[%parallel_loop3A_283], %parallel_loop3A_276 : memref<16384xf32, #tpu.memory_space<vmem>>[vector<16xi32>], vector<16xf32>,
        %parallel_loop3A_284 = arith.constant 11 : i32
        %parallel_loop3A_285 = vector.broadcast %parallel_loop3A_284 : i32 to vector<16xi32>
        %parallel_loop3A_286 = arith.addi %parallel_loop3A_96, %parallel_loop3A_285 : vector<16xi32>
        %parallel_loop3A_287 = arith.constant 63 : i32
        %parallel_loop3A_288 = vector.broadcast %parallel_loop3A_287 : i32 to vector<16xi32>
        %parallel_loop3A_289 = arith.andi %parallel_loop3A_286, %parallel_loop3A_288 : vector<16xi32>
        %parallel_loop3A_290 = arith.constant 64 : i32
        %parallel_loop3A_291 = vector.broadcast %parallel_loop3A_290 : i32 to vector<16xi32>
        %parallel_loop3A_292 = arith.addi %parallel_loop3A_291, %parallel_loop3A_289 : vector<16xi32>
        %parallel_loop3A_293 = tpu.vector_load_idx %arg5[%iota3A, %parallel_loop3A_292] : memref<16x1024xf32, #tpu.memory_space<vmem>>[vector<16xi32>, vector<16xi32>], vector<16xf32>,
        %parallel_loop3A_294 = arith.constant 64 : i32
        %parallel_loop3A_295 = vector.broadcast %parallel_loop3A_294 : i32 to vector<16xi32>
        %parallel_loop3A_296 = arith.subi %parallel_loop3A_292, %parallel_loop3A_295 : vector<16xi32>
        %parallel_loop3A_297 = arith.constant 16 : i32
        %parallel_loop3A_298 = vector.broadcast %parallel_loop3A_297 : i32 to vector<16xi32>
        %parallel_loop3A_299 = arith.muli %parallel_loop3A_296, %parallel_loop3A_298 : vector<16xi32>
        %parallel_loop3A_300 = arith.addi %parallel_loop3A_299, %iota3A : vector<16xi32>
        tpu.vector_store_idx %arg7[%parallel_loop3A_300], %parallel_loop3A_293 : memref<16384xf32, #tpu.memory_space<vmem>>[vector<16xi32>], vector<16xf32>,
        %parallel_loop3A_301 = arith.constant 12 : i32
        %parallel_loop3A_302 = vector.broadcast %parallel_loop3A_301 : i32 to vector<16xi32>
        %parallel_loop3A_303 = arith.addi %parallel_loop3A_96, %parallel_loop3A_302 : vector<16xi32>
        %parallel_loop3A_304 = arith.constant 63 : i32
        %parallel_loop3A_305 = vector.broadcast %parallel_loop3A_304 : i32 to vector<16xi32>
        %parallel_loop3A_306 = arith.andi %parallel_loop3A_303, %parallel_loop3A_305 : vector<16xi32>
        %parallel_loop3A_307 = arith.constant 64 : i32
        %parallel_loop3A_308 = vector.broadcast %parallel_loop3A_307 : i32 to vector<16xi32>
        %parallel_loop3A_309 = arith.addi %parallel_loop3A_308, %parallel_loop3A_306 : vector<16xi32>
        %parallel_loop3A_310 = tpu.vector_load_idx %arg5[%iota3A, %parallel_loop3A_309] : memref<16x1024xf32, #tpu.memory_space<vmem>>[vector<16xi32>, vector<16xi32>], vector<16xf32>,
        %parallel_loop3A_311 = arith.constant 64 : i32
        %parallel_loop3A_312 = vector.broadcast %parallel_loop3A_311 : i32 to vector<16xi32>
        %parallel_loop3A_313 = arith.subi %parallel_loop3A_309, %parallel_loop3A_312 : vector<16xi32>
        %parallel_loop3A_314 = arith.constant 16 : i32
        %parallel_loop3A_315 = vector.broadcast %parallel_loop3A_314 : i32 to vector<16xi32>
        %parallel_loop3A_316 = arith.muli %parallel_loop3A_313, %parallel_loop3A_315 : vector<16xi32>
        %parallel_loop3A_317 = arith.addi %parallel_loop3A_316, %iota3A : vector<16xi32>
        tpu.vector_store_idx %arg7[%parallel_loop3A_317], %parallel_loop3A_310 : memref<16384xf32, #tpu.memory_space<vmem>>[vector<16xi32>], vector<16xf32>,
        %parallel_loop3A_318 = arith.constant 13 : i32
        %parallel_loop3A_319 = vector.broadcast %parallel_loop3A_318 : i32 to vector<16xi32>
        %parallel_loop3A_320 = arith.addi %parallel_loop3A_96, %parallel_loop3A_319 : vector<16xi32>
        %parallel_loop3A_321 = arith.constant 63 : i32
        %parallel_loop3A_322 = vector.broadcast %parallel_loop3A_321 : i32 to vector<16xi32>
        %parallel_loop3A_323 = arith.andi %parallel_loop3A_320, %parallel_loop3A_322 : vector<16xi32>
        %parallel_loop3A_324 = arith.constant 64 : i32
        %parallel_loop3A_325 = vector.broadcast %parallel_loop3A_324 : i32 to vector<16xi32>
        %parallel_loop3A_326 = arith.addi %parallel_loop3A_325, %parallel_loop3A_323 : vector<16xi32>
        %parallel_loop3A_327 = tpu.vector_load_idx %arg5[%iota3A, %parallel_loop3A_326] : memref<16x1024xf32, #tpu.memory_space<vmem>>[vector<16xi32>, vector<16xi32>], vector<16xf32>,
        %parallel_loop3A_328 = arith.constant 64 : i32
        %parallel_loop3A_329 = vector.broadcast %parallel_loop3A_328 : i32 to vector<16xi32>
        %parallel_loop3A_330 = arith.subi %parallel_loop3A_326, %parallel_loop3A_329 : vector<16xi32>
        %parallel_loop3A_331 = arith.constant 16 : i32
        %parallel_loop3A_332 = vector.broadcast %parallel_loop3A_331 : i32 to vector<16xi32>
        %parallel_loop3A_333 = arith.muli %parallel_loop3A_330, %parallel_loop3A_332 : vector<16xi32>
        %parallel_loop3A_334 = arith.addi %parallel_loop3A_333, %iota3A : vector<16xi32>
        tpu.vector_store_idx %arg7[%parallel_loop3A_334], %parallel_loop3A_327 : memref<16384xf32, #tpu.memory_space<vmem>>[vector<16xi32>], vector<16xf32>,
        %parallel_loop3A_335 = arith.constant 14 : i32
        %parallel_loop3A_336 = vector.broadcast %parallel_loop3A_335 : i32 to vector<16xi32>
        %parallel_loop3A_337 = arith.addi %parallel_loop3A_96, %parallel_loop3A_336 : vector<16xi32>
        %parallel_loop3A_338 = arith.constant 63 : i32
        %parallel_loop3A_339 = vector.broadcast %parallel_loop3A_338 : i32 to vector<16xi32>
        %parallel_loop3A_340 = arith.andi %parallel_loop3A_337, %parallel_loop3A_339 : vector<16xi32>
        %parallel_loop3A_341 = arith.constant 64 : i32
        %parallel_loop3A_342 = vector.broadcast %parallel_loop3A_341 : i32 to vector<16xi32>
        %parallel_loop3A_343 = arith.addi %parallel_loop3A_342, %parallel_loop3A_340 : vector<16xi32>
        %parallel_loop3A_344 = tpu.vector_load_idx %arg5[%iota3A, %parallel_loop3A_343] : memref<16x1024xf32, #tpu.memory_space<vmem>>[vector<16xi32>, vector<16xi32>], vector<16xf32>,
        %parallel_loop3A_345 = arith.constant 64 : i32
        %parallel_loop3A_346 = vector.broadcast %parallel_loop3A_345 : i32 to vector<16xi32>
        %parallel_loop3A_347 = arith.subi %parallel_loop3A_343, %parallel_loop3A_346 : vector<16xi32>
        %parallel_loop3A_348 = arith.constant 16 : i32
        %parallel_loop3A_349 = vector.broadcast %parallel_loop3A_348 : i32 to vector<16xi32>
        %parallel_loop3A_350 = arith.muli %parallel_loop3A_347, %parallel_loop3A_349 : vector<16xi32>
        %parallel_loop3A_351 = arith.addi %parallel_loop3A_350, %iota3A : vector<16xi32>
        tpu.vector_store_idx %arg7[%parallel_loop3A_351], %parallel_loop3A_344 : memref<16384xf32, #tpu.memory_space<vmem>>[vector<16xi32>], vector<16xf32>,
        %parallel_loop3A_352 = arith.constant 15 : i32
        %parallel_loop3A_353 = vector.broadcast %parallel_loop3A_352 : i32 to vector<16xi32>
        %parallel_loop3A_354 = arith.addi %parallel_loop3A_96, %parallel_loop3A_353 : vector<16xi32>
        %parallel_loop3A_355 = arith.constant 63 : i32
        %parallel_loop3A_356 = vector.broadcast %parallel_loop3A_355 : i32 to vector<16xi32>
        %parallel_loop3A_357 = arith.andi %parallel_loop3A_354, %parallel_loop3A_356 : vector<16xi32>
        %parallel_loop3A_358 = arith.constant 64 : i32
        %parallel_loop3A_359 = vector.broadcast %parallel_loop3A_358 : i32 to vector<16xi32>
        %parallel_loop3A_360 = arith.addi %parallel_loop3A_359, %parallel_loop3A_357 : vector<16xi32>
        %parallel_loop3A_361 = tpu.vector_load_idx %arg5[%iota3A, %parallel_loop3A_360] : memref<16x1024xf32, #tpu.memory_space<vmem>>[vector<16xi32>, vector<16xi32>], vector<16xf32>,
        %parallel_loop3A_362 = arith.constant 64 : i32
        %parallel_loop3A_363 = vector.broadcast %parallel_loop3A_362 : i32 to vector<16xi32>
        %parallel_loop3A_364 = arith.subi %parallel_loop3A_360, %parallel_loop3A_363 : vector<16xi32>
        %parallel_loop3A_365 = arith.constant 16 : i32
        %parallel_loop3A_366 = vector.broadcast %parallel_loop3A_365 : i32 to vector<16xi32>
        %parallel_loop3A_367 = arith.muli %parallel_loop3A_364, %parallel_loop3A_366 : vector<16xi32>
        %parallel_loop3A_368 = arith.addi %parallel_loop3A_367, %iota3A : vector<16xi32>
        tpu.vector_store_idx %arg7[%parallel_loop3A_368], %parallel_loop3A_361 : memref<16384xf32, #tpu.memory_space<vmem>>[vector<16xi32>], vector<16xf32>,
      } {sc.loop_unroll_factor = 2 : i64, sc.parallel_access}
      %dma_start3A_76 = arith.constant 0 : i32
      %dma_start3A_77 = tpu.memref_slice %arg7[%dma_start3A_76] : memref<16384xf32, #tpu.memory_space<vmem>> -> memref<1024xf32, #tpu.memory_space<vmem>>
      %dma_start3A_78 = arith.constant 41598976 : i32
      %dma_start3A_79 = tpu.memref_slice %arg4[%dma_start3A_78] : memref<41600000xf32, #tpu.memory_space<hbm>> -> memref<1024xf32, #tpu.memory_space<hbm>>
      %dma_start3A_80 = arith.constant 41598976 : i32
      %dma_start3A_81 = tpu.memref_slice %arg4[%dma_start3A_80] : memref<41600000xf32, #tpu.memory_space<hbm>> -> memref<1024xf32, #tpu.memory_space<hbm>>
      %dma_start3A_82 = arith.constant 0 : i32
      %dma_start3A_83 = tpu.memref_slice %arg7[%dma_start3A_82] : memref<16384xf32, #tpu.memory_space<vmem>> -> memref<1024xf32, #tpu.memory_space<vmem>>
      tpu.enqueue_dma source(%dma_start3A_83 : memref<1024xf32, #tpu.memory_space<vmem>>) target(%dma_start3A_81 : memref<1024xf32, #tpu.memory_space<hbm>>) target_semaphore(%arg11 : memref<!tpu.dma_semaphore, #tpu.memory_space<semaphore_mem>>)
      %dma_wait3A_84 = arith.constant 0 : i32
      %dma_wait3A_85 = tpu.memref_slice %arg7[%dma_wait3A_84] : memref<16384xf32, #tpu.memory_space<vmem>> -> memref<1024xf32, #tpu.memory_space<vmem>>
      %dma_wait3A_86 = arith.constant 41598976 : i32
      %dma_wait3A_87 = tpu.memref_slice %arg4[%dma_wait3A_86] : memref<41600000xf32, #tpu.memory_space<hbm>> -> memref<1024xf32, #tpu.memory_space<hbm>>
      %dma_wait3A_88 = arith.constant 41598976 : i32
      %dma_wait3A_89 = tpu.memref_slice %arg4[%dma_wait3A_88] : memref<41600000xf32, #tpu.memory_space<hbm>> -> memref<1024xf32, #tpu.memory_space<hbm>>
      %dma_wait3A_90 = arith.constant 0 : i32
      %dma_wait3A_91 = tpu.memref_slice %arg7[%dma_wait3A_90] : memref<16384xf32, #tpu.memory_space<vmem>> -> memref<1024xf32, #tpu.memory_space<vmem>>
      tpu.wait_dma2 semaphore(%arg11 : memref<!tpu.dma_semaphore, #tpu.memory_space<semaphore_mem>>) src(%dma_wait3A_91 : memref<1024xf32, #tpu.memory_space<vmem>>) dst(%dma_wait3A_89 : memref<1024xf32, #tpu.memory_space<hbm>>)
    } else {
    }
    return
  }
}

</mosaic_0001>

<sc_bundles>
// kernel: _tr_call.3.cloned.1.call-start
scs
__scs_entry_jumppad:
0x0: {  	(pc) =	sbr.rel $0x88, $3  }
0x1: {  	(tag) =	ssettag $0x0;
	lr =	simm.s32 $0x1  }
0x2: {  	[smem:$0x3F9F] =	sst lr;
	_ =	strace $0xD0000000  }
0x3: {  	_ = 	snop  }
0x4: {  	_ = 	snop  }
0x5: {  	_ = 	snop  }
0x6: {  	_ = 	snop  }
0x7: {  	_ = 	snop  }
__scs_overlays_trampoline_lowered:
0x8: {  	[smem:$0x3FAE] =	sst s0  }
0x9: {  	[smem:$0x3FAF] =	sst s1  }
0xa: {  	[smem:$0x3FB0] =	sst s2  }
0xb: {  	[smem:$0x3FB1] =	sst s3  }
0xc: {  	[smem:$0x3FB2] =	sst s4  }
0xd: {  	[smem:$0x3FB3] =	sst s5  }
0xe: {  	[smem:$0x3FB4] =	sst s6  }
0xf: {  	[smem:$0x3FB5] =	sst s7  }
0x10: {  	[smem:$0x3FB6] =	sst s8  }
0x11: {  	[smem:$0x3FB7] =	sst s9;
	s0 =	simm.s32 @!p0 $0x0  }
0x12: {  	s1 =	sld [smem:$0x3F9D];
	s0 =	simm.s32 @p0 $0x1  }
0x13: {  	[smem:$0x3FB8] =	sst s0;
	s0 =	simm.s32 @!p1 $0x0  }
0x14: {  	s2 =	sld [smem:$0x3F9C];
	s0 =	simm.s32 @p1 $0x1  }
0x15: {  	[smem:$0x3FB9] =	sst s0;
	s0 =	simm.s32 @!p2 $0x0  }
0x16: {  	s3 =	sld [smem:$0x3FDB];
	s0 =	simm.s32 @p2 $0x1  }
0x17: {  	s4 =	simm.s32 $0x1BF5;
	[smem:$0x3FBB] =	sst s0  }
0x18: {  	s0 =	sld [smem:$0x3F9E];
	_ =	swait.ge [sflag:s4], $0x0  }
0x19: {  	s7 =	sld [smem:$0x3F9F]  }
0x1a: {  	s8 =	sadd.s32 $0xFFFFE003, lr  }
0x1b: {  	s9 =	sadd.s32 $0xFFFFFEF7, lr;
	s5 =	simm.s32 $0xFFFFFFFF;
	p2 =	slt.u32 s8, $0xFFFFF086  }
0x1c: {  	p1 =	slt.u32 s9, $0xF7A;
	s5 =	simm.s32 @!p2 $0x0  }
0x1d: {  	s5 =	simm.s32 @p1 $0x1;
	p0 =	seq.s32 s7, s2  }
0x1e: {  	s7 =	smul.u32 @!p0 $0xF7A, s2;
	p2 =	seq.s32 @!p0 s5, $0x0  }
0x1f: {  	s9 =	smul.u32 $0xF7A, s1;
	s8 =	simm.s32 @!p0 $0x1BF5;
	p2 =	por !p2, p0  }
0x20: {  	[sflag:s8] =	ssyncset.s32 @!p0 $0xFFFFF086;
	s6 =	sadd.s32 @!p0 s3, s7;
	s7 =	simm.s32 @!p0 $0x108  }
0x21: {  	s3 =	sadd.s32 s3, s9;
	s6 =	sadd.s32 @!p0 $0x88, s6;
	s7 =	simm.s32 @p2 $0x1082  }
0x22: {  	[simem:s7], [sflag:s8] =	dma.local @!p0 [hbm:s6], $0xF7A  }
0x23: {  	s9 =	sor.u32 $0xD0000000, s2;
	s6 =	simm.s32 $0x108;
	_ =	swait.ge @!p0 [sflag:s8], $0x0  }
0x24: {  	s3 =	sadd.s32 $0x88, s3;
	s6 =	simm.s32 @!p1 $0x1082;
	[sflag:s4] =	ssyncset.s32 $0xFFFFF086  }
0x25: {  	[simem:s6], [sflag:s4] =	dma.local [hbm:s3], $0xF7A  }
0x26: {  	[smem:$0x3F9F] =	sst s1;
	(tag) =	ssettag s2;
	_ =	strace s9  }
0x27: {  	s1 =	sld [smem:$0x3FAF]  }
0x28: {  	s2 =	sld [smem:$0x3FB0]  }
0x29: {  	s4 =	sld [smem:$0x3FB2]  }
0x2a: {  	p0 =	seq.s32 s5, $0x0;
	s5 =	sld [smem:$0x3FB3]  }
0x2b: {  	s6 =	sld [smem:$0x3FB4]  }
0x2c: {  	s7 =	sld [smem:$0x3FB5]  }
0x2d: {  	s3 =	simm.s32 $0x108;
	s8 =	sld [smem:$0x3FB6]  }
0x2e: {  	s3 =	simm.s32 @!p0 $0x1082;
	s9 =	sld [smem:$0x3FB7]  }
0x2f: {  	lr =	sadd.s32 s0, s3;
	s0 =	sld [smem:$0x3FAE]  }
0x30: {  	s3 =	sld [smem:$0x3FB1]  }
0x31: {  	[smem:$0x3FBA] =	sst s10  }
0x32: {  	s10 =	sld [smem:$0x3FB8];
	_ =	sdelay $0x3  }
0x33: {  	p0 =	seq.s32 s10, $0x1;
	s10 =	sld [smem:$0x3FBA];
	_ =	sdelay $0x3  }
0x34: {  	[smem:$0x3FBA] =	sst s10  }
0x35: {  	s10 =	sld [smem:$0x3FB9];
	_ =	sdelay $0x3  }
0x36: {  	p1 =	seq.s32 s10, $0x1;
	s10 =	sld [smem:$0x3FBA];
	_ =	sdelay $0x3  }
0x37: {  	[smem:$0x3FBA] =	sst s10  }
0x38: {  	s10 =	sld [smem:$0x3FBB]  }
0x39: {  	_ = 	snop;
	(pc) =	sbr.ind lr, $3  }
0x3a: {  	_ = 	snop  }
0x3b: {  	_ = 	snop  }
0x3c: {  	p2 =	seq.s32 s10, $0x1;
	s10 =	sld [smem:$0x3FBA]  }
0x3d: {  	_ =	shalt  }
0x3e: {  	_ =	shalt  }
0x3f: {  	_ =	shalt  }
0x40: {  	_ =	shalt  }
0x41: {  	_ =	shalt  }
0x42: {  	_ =	shalt  }
0x43: {  	_ =	shalt  }
0x44: {  	_ =	shalt  }
0x45: {  	_ =	shalt  }
0x46: {  	_ =	shalt  }
0x47: {  	_ =	shalt  }
0x48: {  	_ =	shalt  }
0x49: {  	_ =	shalt  }
0x4a: {  	_ =	shalt  }
0x4b: {  	_ =	shalt  }
0x4c: {  	_ =	shalt  }
0x4d: {  	_ =	shalt  }
0x4e: {  	_ =	shalt  }
0x4f: {  	_ =	shalt  }
0x50: {  	_ =	shalt  }
0x51: {  	_ =	shalt  }
0x52: {  	_ =	shalt  }
0x53: {  	_ =	shalt  }
0x54: {  	_ =	shalt  }
0x55: {  	_ =	shalt  }
0x56: {  	_ =	shalt  }
0x57: {  	_ =	shalt  }
0x58: {  	_ =	shalt  }
0x59: {  	_ =	shalt  }
0x5a: {  	_ =	shalt  }
0x5b: {  	_ =	shalt  }
0x5c: {  	_ =	shalt  }
0x5d: {  	_ =	shalt  }
0x5e: {  	_ =	shalt  }
0x5f: {  	_ =	shalt  }
0x60: {  	_ =	shalt  }
0x61: {  	_ =	shalt  }
0x62: {  	_ =	shalt  }
0x63: {  	_ =	shalt  }
0x64: {  	_ =	shalt  }
0x65: {  	_ =	shalt  }
0x66: {  	_ =	shalt  }
0x67: {  	_ =	shalt  }
0x68: {  	_ =	shalt  }
0x69: {  	_ =	shalt  }
0x6a: {  	_ =	shalt  }
0x6b: {  	_ =	shalt  }
0x6c: {  	_ =	shalt  }
0x6d: {  	_ =	shalt  }
0x6e: {  	_ =	shalt  }
0x6f: {  	_ =	shalt  }
0x70: {  	_ =	shalt  }
0x71: {  	_ =	shalt  }
0x72: {  	_ =	shalt  }
0x73: {  	_ =	shalt  }
0x74: {  	_ =	shalt  }
0x75: {  	_ =	shalt  }
0x76: {  	_ =	shalt  }
0x77: {  	_ =	shalt  }
0x78: {  	_ =	shalt  }
0x79: {  	_ =	shalt  }
0x7a: {  	_ =	shalt  }
0x7b: {  	_ =	shalt  }
0x7c: {  	_ =	shalt  }
0x7d: {  	_ =	shalt  }
0x7e: {  	_ =	shalt  }
0x7f: {  	_ =	shalt  }
0x80: {  	_ =	shalt  }
0x81: {  	_ =	shalt  }
0x82: {  	_ =	shalt  }
0x83: {  	_ =	shalt  }
0x84: {  	_ =	shalt  }
0x85: {  	_ =	shalt  }
0x86: {  	_ =	shalt  }
0x87: {  	_ =	shalt  }
.Lfunc_end0:
.L_simem_size_0:
called_computation_lowered:
.L_overlay_start_0:
0x88: {  	s2 =	sld [smem:$0x3FD9]  }
0x89: {  	s3 =	sld [smem:$0x3FFE];
	_ =	sdelay $0x1  }
0x8a: {  	s1 =	srdreg.scid  }
0x8b: {  	s0 =	sand.u32 $0x1, s1  }
0x8c: {  	s18 =	sshll.u32 s0, $0xA;
	s2 =	sadd.s32 s3, s2  }
0x8d: {  	s2 =	sadd.s32 s2, s18  }
0x8e: {  	[smem:$0x3FC6] =	sst s2  }
0x8f: {  	_ = 	snop  }
0x90: {  	s2 =	sld [smem:$0x3FC9]  }
0x91: {  	s19 =	sld [smem:$0x3FC8]  }
0x92: {  	s4 =	sld [smem:$0x3FD0];
	(tm) =	ssettm $0x1  }
0x93: {  	s5 =	sld [smem:$0x3FFB];
	_ =	sdelay $0x3  }
0x94: {  	_ =	strace s5  }
0x95: {  	s5 =	sld [smem:$0x3FFC];
	_ =	sdelay $0x3  }
0x96: {  	_ =	strace s5  }
0x97: {  	s5 =	sld [smem:$0x3FFD];
	_ =	sdelay $0x3  }
0x98: {  	_ =	strace s5  }
0x99: {  	_ =	strace $0x8FFFFFFF  }
0x9a: {  	s20 =	sld [smem:$0x3FDB];
	_ =	sdelay $0x1  }
0x9b: {  	s6 =	simm.s32 $_scs_section_size  }
0x9c: {  	s7 =	simm.s32 $_size__tile_overlayer_lowered;
	s8 =	simm.s32 $_tile_overlayer_lowered  }
0x9d: {  	s23 =	simm.s32 $0x1BFF;
	s22 =	sshll.u32 s8, $0x1;
	s5 =	sadd.s32 s6, s20  }
0x9e: {  	s9 =	simm.s32 $0x0;
	s21 =	sshll.u32 s7, $0x1;
	s7 =	sadd.s32 s22, s5  }
0x9f: {  	[timem:s9], [sflag:s23] =	dma.local [hbm:s7], s21  }
0xa0: {  	_ =	swait.ge [sflag:s23], s21  }
0xa1: {  	s6 =	ssub.s32 $0x0, s21;
	[sflag:s23] =	ssyncset.done $0x0  }
0xa2: {  	[sflag:s23] =	ssyncadd.s32 s6;
	_ =	sdelay $0x1  }
0xa3: {  	s24 =	simm.s32 $0x1B8B  }
0xa4: {  	_ =	swait.ge [sflag:s24], $0x1  }
0xa5: {  	[sflag:s24] =	ssyncset.done $0x0  }
0xa6: {  	s25 =	simm.s32 $0x1B8E;
	[sflag:s24] =	ssyncadd.s32 $0xFFFFFFFF  }
0xa7: {  	s26 =	simm.s32 $execute0_lowered;
	[smem:$0x3FD2] =	sst s25  }
0xa8: {  	s6 =	sshll.u32 s26, $0x1;
	_ =	strace $0x80000046;
	[dreg:$0x1] =	wrdreg $0xFFFFFFFF  }
0xa9: {  	s28 =	simm.s32 $_size_execute0_lowered;
	s5 =	sadd.s32 s5, s6;
	[dreg:$0x0] =	wrdreg $0x0  }
0xaa: {  	s6 =	sshll.u32 s28, $0x1;
	[dreg:$0x2] =	wrdreg s5  }
0xab: {  	[dreg:$0x3] =	wrdreg s6  }
0xac: {  	[dreg:$0x4] =	wrdreg $0xC0  }
0xad: {  	_ =	task [dreg:s9], $0x5FFFF  }
0xae: {  	[dreg:$0x1] =	wrdreg $0xFFFFFFFF  }
0xaf: {  	[dreg:$0x0] =	wrdreg $0x60  }
0xb0: {  	[dreg:$0x2] =	wrdreg s2  }
0xb1: {  	[dreg:$0x3] =	wrdreg s19  }
0xb2: {  	[dreg:$0x4] =	wrdreg s4  }
0xb3: {  	[dreg:$0x5] =	wrdreg $0x9  }
0xb4: {  	_ =	task.clear_ibuf [dreg:s9], $0x6FFFF;
	_ =	strace $0x90000046  }
0xb5: {  	s29 =	simm.s32 $0x9;
	_ =	strace $0x80000048  }
0xb6: {  	_ =	swait.ge [sflag:s29], $0x1  }
0xb7: {  	[sflag:s29] =	ssyncadd.s32 $0xFFFFFFFF  }
0xb8: {  	_ =	strace $0x90000048  }
0xb9: {  	_ =	sfence  }
0xba: {  	s30 =	sld [smem:$0x0];
	_ =	sdelay $0x2  }
0xbb: {  	s31 =	sshll.u32 s1, $0xD;
	s1 =	sshrl.u32 s1, $0x2  }
0xbc: {  	s3 =	sand.u32 $0x4000, s31;
	s1 =	sadd.s32 s1, s30  }
0xbd: {  	s0 =	sor.u32 s3, s0;
	s1 =	sshll.u32 s1, $0x11  }
0xbe: {  	s0 =	sor.u32 s1, s0  }
0xbf: {  	s0 =	sadd.s32 $0x8F2B, s0  }
0xc0: {  	[sflag:s0] =	ssyncadd.remote.s32 $0x1  }
0xc1: {  	_ =	sfence.sel $0xFFFF  }
0xc2: {  	[dreg:$0x0] =	wrdreg $0xFFFFFFFF;
	(pc) =	sbr.abs _section_cstart, $3  }
0xc3: {  	[dreg:$0x1] =	wrdreg $0xFFFFFFFF  }
0xc4: {  	_ =	task.clear_ibuf [dreg:s9], $0x2FFFF;
	_ =	strace $0x9FFFFFFF  }
0xc5: {  	(tm) =	ssettm $0x7FFFFFFF  }
tec
execute0_lowered:
.L_overlay_start_1:
0x0: {  	(tag) =	ssettag $0x1  }
0x1: {  	v0 =	vimm.s32 $0x2380  }
0x2: {  	vm0 =	vcmask $0x300;
	vm1 =	vcmask $0x704;
	vm2 =	vcmask $0xB08  }
0x3: {  	vm3 =	vcmask $0xF0C;
	vm4 =	vcmask $0x1310;
	vm6 =	vcmask $0x1714  }
0x4: {  	vm8 =	vcmask $0x1B18;
	vm7 =	vcmask $0x1F1C;
	v3 =	vimm.s32 $0x23C0  }
0x5: {  	vm5 =	vcmask $0x2320;
	vm10 =	vcmask $0x2724;
	vm11 =	vcmask $0x2B28  }
0x6: {  	vm12 =	vcmask $0x2F2C;
	v0 =	vsel vm0, $0x0, v0;
	v3 =	vsel vm0, $0x40, v3  }
0x7: {  	s0 =	rddreg [dreg:$0x0];
	vm13 =	vcmask $0x3330;
	v0 =	vsel vm1, $0x80, v0;
	v3 =	vsel vm1, $0xC0, v3  }
0x8: {  	s1 =	rddreg [dreg:$0x1];
	vm14 =	vcmask $0x3734;
	v0 =	vsel vm2, $0x100, v0;
	v3 =	vsel vm2, $0x140, v3  }
0x9: {  	s3 =	rddreg [dreg:$0x2];
	s6 =	srdreg.scid;
	s5 =	simm.s32 $0x0;
	v1 =	vsel vm3, $0x180, v0;
	v0 =	vlaneseq.u32;
	v3 =	vsel vm3, $0x1C0, v3  }
0xa: {  	s4 =	stileid.u32;
	s13 =	simm.s32 $0x50;
	s15 =	simm.s32 $0x2000;
	v2 =	vsel vm4, $0x200, v1;
	v1 =	vmul.u32 $0x11, v0;
	v3 =	vsel vm4, $0x240, v3  }
0xb: {  	vm15 =	vcmask $0x3B38;
	s16 =	simm.s32 $0x4000;
	s17 =	simm.s32 $0x6000;
	s18 =	simm.s32 $0x1;
	v2 =	vsel vm6, $0x280, v2;
	v3 =	vsel vm6, $0x2C0, v3  }
0xc: {  	s19 =	simm.s32 $0x8000;
	s20 =	simm.s32 $0x2;
	s21 =	simm.s32 $0xC000;
	v2 =	vsel vm8, $0x300, v2;
	v4 =	vsel vm8, $0x340, v3;
	v3 =	vadd.s32 $0x1, v1  }
0xd: {  	s23 =	simm.s32 $0x4;
	s24 =	simm.s32 $0x0;
	s6 =	sand.u32 $0x1, s6;
	v5 =	vadd.s32 $0x3, v1;
	v7 =	vadd.s32 $0x5, v1;
	v9 =	vadd.s32 $0x7, v1  }
0xe: {  	[smem:$0x7FF] =	sst s5;
	s8 =	sshll.u32 s4, $0x1;
	s11 =	sadd.s32 $0x4F5800, s3;
	v11 =	vadd.s32 $0x9, v1;
	v13 =	vadd.s32 $0xB, v1;
	v15 =	vadd.s32 $0xD, v1  }
0xf: {  	s14 =	sadd.s32 $0x80, s1;
	s7 =	ssub.s32 $0x2, s6;
	_ =	strace $0x80000047;
	v17 =	vadd.s32 $0xF, v1;
	v2 =	vsel vm7, $0x380, v2;
	v6 =	vsel vm7, $0x3C0, v4  }
0x10: {  	s6 =	sor.u32 s6, s8;
	s8 =	simm.s32 $0x9E0;
	s9 =	sshrl.u32 s7, $0x1;
	v4 =	vadd.s32 $0x2, v1;
	v2 =	vsel vm5, $0x2000, v2;
	v8 =	vsel vm5, $0x2040, v6  }
0x11: {  	p0 =	slt.u32 s6, $0xB;
	s31 =	sshll.u32 s6, $0xA;
	p1 =	sne.s32 s6, $0x1F;
	v6 =	vadd.s32 $0x4, v1;
	v2 =	vsel vm10, $0x2080, v2;
	v10 =	vsel vm10, $0x20C0, v8  }
.Ltmp0:
0x12: {  	s13 =	simm.s32 @!p0 $0x4F;
	s8 =	simm.s32 @!p0 $0x9C0;
	v8 =	vadd.s32 $0x6, v1;
	v2 =	vsel vm11, $0x2100, v2;
	v12 =	vsel vm11, $0x2140, v10;
	(pc) =	sbr.rel .LBB2_1-.Ltmp0, $4  }
0x13: {  	s12 =	ssub.s32 s7, s9;
	s7 =	sshrl.u32 s13, $0x1;
	s10 =	sor.u32 s6, s8;
	v10 =	vadd.s32 $0x8, v1;
	v2 =	vsel vm12, $0x2180, v2;
	v14 =	vsel vm12, $0x21C0, v12  }
0x14: {  	s22 =	sand.u32 $0x1, s13;
	s8 =	sadd.s32 s0, s31;
	s13 =	sadd.s32 $0xFFFFFFFE, s13;
	v12 =	vadd.s32 $0xA, v1;
	v2 =	vsel vm13, $0x2200, v2;
	v16 =	vsel vm13, $0x2240, v14  }
0x15: {  	s12 =	smax.u32 s12, $0x1;
	s10 =	sshll.u32 s10, $0xB;
	s9 =	sadd.s32 $0x27AC80, s8;
	v14 =	vadd.s32 $0xC, v1;
	v2 =	vsel vm14, $0x2280, v2;
	v18 =	vsel vm14, $0x22C0, v16  }
0x16: {  	p0 =	seq.s32 s22, $0x0;
	s22 =	simm.s32 $0x3;
	s10 =	sadd.s32 s3, s10;
	v16 =	vadd.s32 $0xE, v1;
	v2 =	vsel vm15, $0x2300, v2;
	v18 =	vsel vm15, $0x2340, v18  }
.LBB2_15:
0x17: {  	s24 =	sadd.s32 $0x1, s24  }
0x18: {  	p2 =	sne.s32 s24, s12  }
.Ltmp1:
0x19: {  	_ = 	snop;
	(pc) =	sbr.rel @!p2 .LBB2_16-.Ltmp1, $1  }
0x1a: {  	_ =	sdelay $0x3  }
.LBB2_1:
0x1b: {  	[tilespmem:s5], [sflag:$0x1] =	stream.linear.gather [hbm4b:s8+s5], $0x2000, $0x38;
	[tilespmem:$0x10000] =	vst v63  }
0x1c: {  	s25 =	simm.s32 $0x0  }
0x1d: {  	[tilespmem:s15], [sflag:$0x1] =	stream.linear.gather [hbm4b:s9+s5], $0x2000, $0x38;
	[tilespmem:$0x10000] =	vst v63  }
.LBB2_2:
0x1e: {  	s26 =	sshll.u32 s25, $0x6  }
0x1f: {  	s28 =	sor.u32 s6, s26  }
0x20: {  	s29 =	simm.s32 $0x0;
	s26 =	sor.u32 $0x20, s28  }
0x21: {  	v19 =	vadd.s32 s29, v1;
	v26 =	vadd.s32 s29, v3;
	s30 =	sshll.u32 s26, $0xA  }
0x22: {  	v32 =	vadd.s32 s29, v5;
	v34 =	vadd.s32 s29, v6;
	v42 =	vadd.s32 s29, v8;
	s31 =	sand.u32 $0x1FFFFC00, s30  }
0x23: {  	v44 =	vadd.s32 s29, v9;
	v54 =	vadd.s32 s29, v11;
	v21 =	vshll.u32 v19, $0x3;
	s31 =	sadd.s32 s0, s31  }
0x24: {  	v23 =	vand.u32 $0x7F, v19;
	v19 =	vand.u32 $0x3FF, v19;
	v27 =	vshll.u32 v26, $0x3;
	[tilespmem:s16], [sflag:$0x2] =	stream.linear.gather [hbm4b:s31+s5], $0x2000, $0x38;
	[tilespmem:$0x10000] =	vst v63  }
0x25: {  	p2 =	seq.s32 s25, $0x0;
	v28 =	vand.u32 $0x7F, v26;
	v26 =	vand.u32 $0x3FF, v26;
	v35 =	vand.u32 $0x7F, v34;
	s31 =	sadd.s32 $0x27AC80, s31  }
0x26: {  	v61 =	vand.u32 $0x3FF, v34;
	v46 =	vand.u32 $0x7F, v44;
	v21 =	vand.u32 $0x1C00, v21;
	[tilespmem:s17], [sflag:$0x2] =	stream.linear.gather [hbm4b:s31+s5], $0x2000, $0x38;
	[tilespmem:$0x10000] =	vst v63  }
0x27: {  	v19 =	vshll.u32 v19, $0x4;
	v27 =	vand.u32 $0x1C00, v27;
	v26 =	vshll.u32 v26, $0x4;
	s31 =	simm.s32 @!p2 $0x3  }
0x28: {  	s30 =	simm.s32 $0x10;
	v21 =	vor.u32 v21, v23;
	v19 =	vor.u32 v0, v19;
	v26 =	vor.u32 v0, v26;
	_ =	swait.ge @!p2 [sflag:s31], $0x4000  }
0x29: {  	v20 =	vadd.s32 s30, v1;
	v22 =	vadd.s32 s30, v3;
	v21 =	vor.u32 v2, v21;
	[sflag:s31] =	ssyncset.done @!p2 $0x0  }
0x2a: {  	v24 =	vadd.s32 s30, v4;
	v56 =	vadd.s32 s30, v6;
	v40 =	vadd.s32 s30, v8;
	[sflag:s31] =	ssyncadd.s32 @!p2 $0xFFFFC000  }
0x2b: {  	v51 =	vadd.s32 s30, v12;
	v25 =	vshll.u32 v20, $0x3;
	v23 =	vand.u32 $0x7F, v20;
	_ =	swait.ge [sflag:s18], $0x4000  }
0x2c: {  	v20 =	vand.u32 $0x3FF, v20;
	v29 =	vshll.u32 v22, $0x3;
	v25 =	vand.u32 $0x1C00, v25;
	[sflag:s18] =	ssyncset.done $0x0  }
0x2d: {  	v57 =	vshll.u32 v56, $0x3;
	v58 =	vand.u32 $0x3FF, v56;
	v23 =	vor.u32 v25, v23;
	[sflag:s18] =	ssyncadd.s32 $0xFFFFC000  }
0x2e: {  	v41 =	vshll.u32 v40, $0x3;
	v25 =	vor.u32 v27, v28;
	v23 =	vor.u32 v2, v23;
	v21 =	vld.idx.msk [tilespmem:v21+s5+$0x0], $0xffff  }
0x2f: {  	v52 =	vshll.u32 v51, $0x3;
	v20 =	vshll.u32 v20, $0x4;
	v25 =	vor.u32 v2, v25  }
0x30: {  	v29 =	vand.u32 $0x1C00, v29;
	v53 =	vand.u32 $0x1C00, v52;
	v27 =	vand.u32 $0x7F, v22  }
0x31: {  	v28 =	vadd.s32 s29, v4;
	v20 =	vor.u32 v0, v20;
	v22 =	vand.u32 $0x3FF, v22  }
0x32: {  	v30 =	vshll.u32 v28, $0x3;
	v31 =	vand.u32 $0x7F, v28;
	v27 =	vor.u32 v29, v27  }
0x33: {  	v29 =	vshll.u32 v24, $0x3;
	v22 =	vshll.u32 v22, $0x4;
	v30 =	vand.u32 $0x1C00, v30;
	v23 =	vld.idx.msk [tilespmem:v23+s5+$0x0], $0xffff;
	[tilespmem:v19+s19+$0x0] =	vst.idx.msk $0xffff, v21  }
0x34: {  	v28 =	vand.u32 $0x3FF, v28;
	v27 =	vor.u32 v2, v27;
	v30 =	vor.u32 v30, v31;
	v25 =	vld.idx.msk [tilespmem:v25+s5+$0x0], $0xffff  }
0x35: {  	v29 =	vand.u32 $0x1C00, v29;
	v31 =	vand.u32 $0x7F, v24;
	v30 =	vor.u32 v2, v30  }
0x36: {  	v22 =	vor.u32 v0, v22;
	v24 =	vand.u32 $0x3FF, v24;
	v29 =	vor.u32 v29, v31  }
0x37: {  	v31 =	vshll.u32 v32, $0x3;
	v29 =	vor.u32 v2, v29;
	v19 =	vshll.u32 v28, $0x4  }
0x38: {  	v21 =	vand.u32 $0x7F, v32;
	v28 =	vand.u32 $0x1C00, v31;
	[tilespmem:v20+s19+$0x0] =	vst.idx.msk $0xffff, v23;
	v19 =	vor.u32 v0, v19  }
0x39: {  	v24 =	vshll.u32 v24, $0x4;
	v21 =	vor.u32 v28, v21;
	v28 =	vadd.s32 s30, v5;
	v27 =	vld.idx.msk [tilespmem:v27+s5+$0x0], $0xffff;
	[tilespmem:v26+s19+$0x0] =	vst.idx.msk $0xffff, v25  }
0x3a: {  	v31 =	vshll.u32 v28, $0x3;
	v33 =	vand.u32 $0x7F, v28;
	v28 =	vand.u32 $0x3FF, v28;
	v30 =	vld.idx.msk [tilespmem:v30+s5+$0x0], $0xffff  }
0x3b: {  	v21 =	vor.u32 v2, v21;
	v31 =	vand.u32 $0x1C00, v31;
	v28 =	vshll.u32 v28, $0x4  }
0x3c: {  	v24 =	vor.u32 v0, v24;
	v31 =	vor.u32 v31, v33;
	v28 =	vor.u32 v0, v28  }
0x3d: {  	v33 =	vshll.u32 v61, $0x4;
	v31 =	vor.u32 v2, v31;
	v26 =	vshll.u32 v34, $0x3  }
0x3e: {  	v25 =	vand.u32 $0x3FF, v32;
	[tilespmem:v22+s19+$0x0] =	vst.idx.msk $0xffff, v27;
	v22 =	vor.u32 v0, v33;
	v26 =	vand.u32 $0x1C00, v26  }
0x3f: {  	v23 =	vand.u32 $0x7F, v56;
	v25 =	vshll.u32 v25, $0x4;
	v29 =	vld.idx.msk [tilespmem:v29+s5+$0x0], $0xffff;
	v26 =	vor.u32 v26, v35;
	[tilespmem:v19+s19+$0x0] =	vst.idx.msk $0xffff, v30  }
0x40: {  	v25 =	vor.u32 v0, v25;
	v20 =	vor.u32 v2, v26;
	v26 =	vand.u32 $0x1C00, v57;
	v21 =	vld.idx.msk [tilespmem:v21+s5+$0x0], $0xffff  }
0x41: {  	v33 =	vand.u32 $0x3FF, v44;
	v23 =	vor.u32 v26, v23;
	v26 =	vadd.s32 s30, v7  }
0x42: {  	v33 =	vshll.u32 v33, $0x4;
	v23 =	vor.u32 v2, v23;
	v59 =	vshll.u32 v26, $0x3  }
0x43: {  	v63 =	vand.u32 $0x7F, v26;
	v26 =	vand.u32 $0x3FF, v26;
	v19 =	vadd.s32 s29, v7  }
0x44: {  	v30 =	vshll.u32 v58, $0x4;
	v60 =	vand.u32 $0x1C00, v59;
	[tilespmem:v24+s19+$0x0] =	vst.idx.msk $0xffff, v29;
	v62 =	vshll.u32 v19, $0x3  }
0x45: {  	v24 =	vand.u32 $0x7F, v42;
	v36 =	vand.u32 $0x7F, v19;
	v29 =	vld.idx.msk [tilespmem:v31+s5+$0x0], $0xffff;
	v34 =	vand.u32 $0x1C00, v62;
	[tilespmem:v25+s19+$0x0] =	vst.idx.msk $0xffff, v21  }
0x46: {  	v30 =	vor.u32 v0, v30;
	v32 =	vor.u32 v60, v63;
	v27 =	vor.u32 v34, v36;
	v20 =	vld.idx.msk [tilespmem:v20+s5+$0x0], $0xffff  }
0x47: {  	v19 =	vand.u32 $0x3FF, v19;
	v31 =	vand.u32 $0x3FF, v40;
	v27 =	vor.u32 v2, v27  }
0x48: {  	v60 =	vadd.s32 s30, v17;
	v32 =	vor.u32 v2, v32;
	v19 =	vshll.u32 v19, $0x4  }
0x49: {  	v21 =	vshll.u32 v26, $0x4;
	v25 =	vand.u32 $0x7F, v40;
	v26 =	vand.u32 $0x1C00, v41  }
0x4a: {  	v19 =	vor.u32 v0, v19;
	[tilespmem:v28+s19+$0x0] =	vst.idx.msk $0xffff, v29;
	v25 =	vor.u32 v26, v25;
	v26 =	vshll.u32 v42, $0x3  }
0x4b: {  	v28 =	vand.u32 $0x3FF, v42;
	v29 =	vshll.u32 v44, $0x3;
	v23 =	vld.idx.msk [tilespmem:v23+s5+$0x0], $0xffff;
	v26 =	vand.u32 $0x1C00, v26;
	[tilespmem:v22+s19+$0x0] =	vst.idx.msk $0xffff, v20  }
0x4c: {  	v21 =	vor.u32 v0, v21;
	v28 =	vshll.u32 v28, $0x4;
	v24 =	vor.u32 v26, v24;
	v27 =	vld.idx.msk [tilespmem:v27+s5+$0x0], $0xffff  }
0x4d: {  	v29 =	vand.u32 $0x1C00, v29;
	v25 =	vor.u32 v2, v25;
	v24 =	vor.u32 v2, v24  }
0x4e: {  	v28 =	vor.u32 v0, v28;
	v29 =	vor.u32 v29, v46;
	v26 =	vadd.s32 s30, v9  }
0x4f: {  	v43 =	vshll.u32 v26, $0x3;
	v20 =	vshll.u32 v31, $0x4;
	v22 =	vand.u32 $0x7F, v26  }
0x50: {  	v31 =	vand.u32 $0x1C00, v43;
	v26 =	vand.u32 $0x3FF, v26;
	[tilespmem:v30+s19+$0x0] =	vst.idx.msk $0xffff, v23;
	v23 =	vadd.s32 s29, v10  }
0x51: {  	v20 =	vor.u32 v0, v20;
	v22 =	vor.u32 v31, v22;
	v32 =	vld.idx.msk [tilespmem:v32+s5+$0x0], $0xffff;
	[tilespmem:v19+s19+$0x0] =	vst.idx.msk $0xffff, v27  }
0x52: {  	v31 =	vadd.s32 s30, v10;
	v26 =	vshll.u32 v26, $0x4;
	v48 =	vshll.u32 v23, $0x3;
	v24 =	vld.idx.msk [tilespmem:v24+s5+$0x0], $0xffff  }
0x53: {  	v50 =	vand.u32 $0x7F, v23;
	v23 =	vand.u32 $0x3FF, v23;
	v19 =	vor.u32 v2, v29  }
0x54: {  	v22 =	vor.u32 v2, v22;
	v45 =	vshll.u32 v31, $0x3;
	v26 =	vor.u32 v0, v26  }
0x55: {  	v34 =	vand.u32 $0x1C00, v48;
	v27 =	vand.u32 $0x7F, v31;
	v29 =	vand.u32 $0x1C00, v45  }
0x56: {  	v31 =	vand.u32 $0x3FF, v31;
	[tilespmem:v21+s19+$0x0] =	vst.idx.msk $0xffff, v32;
	v27 =	vor.u32 v29, v27;
	v29 =	vadd.s32 s30, v11  }
0x57: {  	v30 =	vshll.u32 v31, $0x4;
	v25 =	vld.idx.msk [tilespmem:v25+s5+$0x0], $0xffff;
	v27 =	vor.u32 v2, v27;
	v47 =	vshll.u32 v29, $0x3;
	[tilespmem:v28+s19+$0x0] =	vst.idx.msk $0xffff, v24  }
0x58: {  	v49 =	vand.u32 $0x7F, v29;
	v24 =	vor.u32 v0, v33;
	v28 =	vor.u32 v34, v50;
	v19 =	vld.idx.msk [tilespmem:v19+s5+$0x0], $0xffff  }
0x59: {  	v30 =	vor.u32 v0, v30;
	v29 =	vand.u32 $0x3FF, v29;
	v28 =	vor.u32 v2, v28  }
0x5a: {  	v31 =	vand.u32 $0x1C00, v47;
	v21 =	vshll.u32 v29, $0x4;
	v29 =	vand.u32 $0x7F, v51  }
0x5b: {  	v31 =	vor.u32 v31, v49;
	v55 =	vor.u32 v0, v21;
	v21 =	vor.u32 v53, v29  }
0x5c: {  	v29 =	vshll.u32 v54, $0x3;
	v31 =	vor.u32 v2, v31;
	v32 =	vor.u32 v2, v21;
	[tilespmem:v20+s19+$0x0] =	vst.idx.msk $0xffff, v25  }
0x5d: {  	v21 =	vshll.u32 v23, $0x4;
	v23 =	vand.u32 $0x7F, v54;
	v29 =	vand.u32 $0x1C00, v29;
	v22 =	vld.idx.msk [tilespmem:v22+s5+$0x0], $0xffff;
	[tilespmem:v24+s19+$0x0] =	vst.idx.msk $0xffff, v19  }
0x5e: {  	v19 =	vor.u32 v0, v21;
	v21 =	vor.u32 v29, v23;
	v23 =	vadd.s32 s30, v13;
	v24 =	vld.idx.msk [tilespmem:v28+s5+$0x0], $0xffff  }
0x5f: {  	v21 =	vor.u32 v2, v21;
	v28 =	vand.u32 $0x3FF, v51;
	v29 =	vshll.u32 v23, $0x3  }
0x60: {  	v25 =	vand.u32 $0x7F, v23;
	v20 =	vshll.u32 v28, $0x4;
	v28 =	vand.u32 $0x1C00, v29  }
0x61: {  	v23 =	vand.u32 $0x3FF, v23;
	v56 =	vor.u32 v0, v20;
	v20 =	vor.u32 v28, v25  }
0x62: {  	[tilespmem:v26+s19+$0x0] =	vst.idx.msk $0xffff, v22;
	v28 =	vadd.s32 s29, v12;
	v57 =	vor.u32 v2, v20;
	v20 =	vand.u32 $0x3FF, v54  }
0x63: {  	v27 =	vld.idx.msk [tilespmem:v27+s5+$0x0], $0xffff;
	v25 =	vadd.s32 s30, v14;
	v29 =	vshll.u32 v28, $0x3;
	[tilespmem:v19+s19+$0x0] =	vst.idx.msk $0xffff, v24;
	v19 =	vshll.u32 v20, $0x4  }
0x64: {  	v20 =	vand.u32 $0x7F, v28;
	v24 =	vand.u32 $0x1C00, v29;
	v21 =	vld.idx.msk [tilespmem:v21+s5+$0x0], $0xffff;
	v19 =	vor.u32 v0, v19  }
0x65: {  	v23 =	vshll.u32 v23, $0x4;
	v58 =	vshll.u32 v25, $0x3;
	v20 =	vor.u32 v24, v20  }
0x66: {  	v22 =	vand.u32 $0x7F, v25;
	v26 =	vand.u32 $0x1C00, v58;
	v20 =	vor.u32 v2, v20  }
0x67: {  	v22 =	vor.u32 v26, v22;
	v26 =	vand.u32 $0x3FF, v25;
	v29 =	vadd.s32 s29, v13  }
0x68: {  	[tilespmem:v30+s19+$0x0] =	vst.idx.msk $0xffff, v27;
	v30 =	vadd.s32 s30, v16;
	v24 =	vor.u32 v0, v23;
	v23 =	vadd.s32 s30, v15  }
0x69: {  	v25 =	vor.u32 v2, v22;
	v26 =	vshll.u32 v26, $0x4;
	[tilespmem:v19+s19+$0x0] =	vst.idx.msk $0xffff, v21;
	v19 =	vand.u32 $0x3FF, v28  }
0x6a: {  	v22 =	vshll.u32 v23, $0x3;
	v21 =	vshll.u32 v29, $0x3;
	v19 =	vshll.u32 v19, $0x4  }
0x6b: {  	v59 =	vld.idx.msk [tilespmem:v20+s5+$0x0], $0xffff;
	v20 =	vand.u32 $0x7F, v29;
	v21 =	vand.u32 $0x1C00, v21;
	v19 =	vor.u32 v0, v19  }
0x6c: {  	v26 =	vor.u32 v0, v26;
	v22 =	vand.u32 $0x1C00, v22;
	v20 =	vor.u32 v21, v20  }
0x6d: {  	v28 =	vand.u32 $0x7F, v23;
	v21 =	vand.u32 $0x3FF, v23;
	v37 =	vor.u32 v2, v20  }
0x6e: {  	v23 =	vand.u32 $0x7F, v30;
	v20 =	vor.u32 v22, v28;
	v22 =	vld.idx.msk [tilespmem:v31+s5+$0x0], $0xffff;
	v21 =	vshll.u32 v21, $0x4  }
0x6f: {  	v31 =	vadd.s32 s29, v14;
	v27 =	vor.u32 v2, v20;
	v20 =	vshll.u32 v30, $0x3  }
0x70: {  	v28 =	vand.u32 $0x1C00, v20;
	v20 =	vor.u32 v0, v21;
	[tilespmem:v19+s19+$0x0] =	vst.idx.msk $0xffff, v59;
	v19 =	vand.u32 $0x3FF, v29  }
0x71: {  	v21 =	vor.u32 v28, v23;
	v23 =	vshll.u32 v31, $0x3;
	v19 =	vshll.u32 v19, $0x4  }
0x72: {  	v28 =	vand.u32 $0x7F, v31;
	v23 =	vand.u32 $0x1C00, v23;
	v29 =	vld.idx.msk [tilespmem:v37+s5+$0x0], $0xffff;
	v19 =	vor.u32 v0, v19  }
0x73: {  	v21 =	vor.u32 v2, v21;
	v23 =	vor.u32 v23, v28;
	[tilespmem:v55+s19+$0x0] =	vst.idx.msk $0xffff, v22;
	v22 =	vand.u32 $0x3FF, v30  }
0x74: {  	v28 =	vand.u32 $0x7F, v60;
	v61 =	vor.u32 v2, v23;
	v32 =	vld.idx.msk [tilespmem:v32+s5+$0x0], $0xffff;
	v23 =	vshll.u32 v60, $0x3  }
0x75: {  	v30 =	vand.u32 $0x3FF, v60;
	v22 =	vshll.u32 v22, $0x4;
	v23 =	vand.u32 $0x1C00, v23  }
0x76: {  	v30 =	vshll.u32 v30, $0x4;
	v23 =	vor.u32 v23, v28;
	v28 =	vadd.s32 s29, v15  }
0x77: {  	v22 =	vor.u32 v0, v22;
	v62 =	vshll.u32 v28, $0x3;
	[tilespmem:v19+s19+$0x0] =	vst.idx.msk $0xffff, v29;
	v19 =	vand.u32 $0x3FF, v31  }
0x78: {  	v34 =	vand.u32 $0x1C00, v62;
	v31 =	vand.u32 $0x7F, v28;
	v63 =	vshll.u32 v19, $0x4  }
0x79: {  	[tilespmem:v56+s19+$0x0] =	vst.idx.msk $0xffff, v32;
	v29 =	vld.idx.msk [tilespmem:v61+s5+$0x0], $0xffff;
	v31 =	vor.u32 v34, v31;
	v32 =	vor.u32 v0, v63  }
0x7a: {  	s31 =	simm.s32 $0x30;
	s30 =	simm.s32 $0x0;
	v23 =	vor.u32 v2, v23;
	v19 =	vor.u32 v0, v30;
	v30 =	vor.u32 v2, v31;
	v31 =	vld.idx.msk [tilespmem:v57+s5+$0x0], $0xffff  }
.LBB2_3:
0x7b: {  	s2 =	sadd.s32 $0xFFFFFFF0, s31;
	v33 =	vadd.s32 s31, v1;
	v34 =	vadd.s32 s31, v3;
	v35 =	vadd.s32 s31, v4;
	s30 =	sadd.s32 $0x2, s30  }
0x7c: {  	v38 =	vadd.s32 s29, v16;
	v36 =	vadd.s32 s2, v1;
	v37 =	vshll.u32 v33, $0x3;
	p3 =	slt.u32 s30, $0x3E  }
0x7d: {  	v28 =	vand.u32 $0x3FF, v28;
	v40 =	vand.u32 $0x7F, v38;
	v39 =	vshll.u32 v36, $0x3  }
0x7e: {  	v41 =	vand.u32 $0x7F, v36;
	v39 =	vand.u32 $0x1C00, v39;
	[tilespmem:v32+s19+$0x0] =	vst.idx.msk $0xffff, v29;
	v29 =	vshll.u32 v38, $0x3  }
0x7f: {  	v28 =	vshll.u32 v28, $0x4;
	v32 =	vor.u32 v39, v41;
	v30 =	vld.idx.msk [tilespmem:v30+s5+$0x0], $0xffff;
	v29 =	vand.u32 $0x1C00, v29  }
0x80: {  	v28 =	vor.u32 v0, v28;
	v32 =	vor.u32 v2, v32;
	v29 =	vor.u32 v29, v40  }
0x81: {  	v37 =	vand.u32 $0x1C00, v37;
	v39 =	vand.u32 $0x7F, v33;
	v29 =	vor.u32 v2, v29;
	[tilespmem:v24+s19+$0x0] =	vst.idx.msk $0xffff, v31  }
0x82: {  	v24 =	vadd.s32 s2, v3;
	v31 =	vor.u32 v37, v39;
	v37 =	vadd.s32 s29, v17;
	s29 =	smov.u32 s2;
	v25 =	vld.idx.msk [tilespmem:v25+s5+$0x0], $0xffff  }
0x83: {  	v38 =	vand.u32 $0x3FF, v38;
	v39 =	vand.u32 $0x7F, v37;
	v40 =	vshll.u32 v37, $0x3  }
0x84: {  	v36 =	vand.u32 $0x3FF, v36;
	v41 =	vand.u32 $0x7F, v24;
	v42 =	vshll.u32 v24, $0x3  }
0x85: {  	v36 =	vshll.u32 v36, $0x4;
	v42 =	vand.u32 $0x1C00, v42;
	v32 =	vld.idx.msk [tilespmem:v32+s5+$0x0], $0xffff;
	[tilespmem:v28+s19+$0x0] =	vst.idx.msk $0xffff, v30;
	v28 =	vshll.u32 v38, $0x4  }
0x86: {  	v30 =	vor.u32 v0, v36;
	v36 =	vor.u32 v42, v41;
	v38 =	vand.u32 $0x1C00, v40;
	v29 =	vld.idx.msk [tilespmem:v29+s5+$0x0], $0xffff  }
0x87: {  	v36 =	vor.u32 v2, v36;
	v28 =	vor.u32 v0, v28;
	v38 =	vor.u32 v38, v39  }
0x88: {  	v33 =	vand.u32 $0x3FF, v33;
	v31 =	vor.u32 v2, v31;
	v38 =	vor.u32 v2, v38;
	[tilespmem:v26+s19+$0x0] =	vst.idx.msk $0xffff, v25  }
0x89: {  	v25 =	vshll.u32 v33, $0x4;
	v26 =	vand.u32 $0x7F, v34;
	v33 =	vshll.u32 v34, $0x3;
	v27 =	vld.idx.msk [tilespmem:v27+s5+$0x0], $0xffff  }
0x8a: {  	v39 =	vadd.s32 s29, v4;
	v25 =	vor.u32 v0, v25;
	v33 =	vand.u32 $0x1C00, v33  }
0x8b: {  	v24 =	vand.u32 $0x3FF, v24;
	[tilespmem:v30+s19+$0x0] =	vst.idx.msk $0xffff, v32;
	v30 =	vshll.u32 v39, $0x3;
	v32 =	vand.u32 $0x3FF, v37  }
0x8c: {  	v24 =	vshll.u32 v24, $0x4;
	v37 =	vand.u32 $0x7F, v39;
	v36 =	vld.idx.msk [tilespmem:v36+s5+$0x0], $0xffff;
	v30 =	vand.u32 $0x1C00, v30;
	[tilespmem:v28+s19+$0x0] =	vst.idx.msk $0xffff, v29  }
0x8d: {  	v24 =	vor.u32 v0, v24;
	v28 =	vor.u32 v30, v37;
	v29 =	vld.idx.msk [tilespmem:v38+s5+$0x0], $0xffff;
	v30 =	vshll.u32 v32, $0x4  }
0x8e: {  	v26 =	vor.u32 v33, v26;
	v28 =	vor.u32 v2, v28;
	v31 =	vld.idx.msk [tilespmem:v31+s5+$0x0], $0xffff;
	v30 =	vor.u32 v0, v30  }
0x8f: {  	v33 =	vshll.u32 v35, $0x3;
	v26 =	vor.u32 v2, v26;
	v32 =	vand.u32 $0x3FF, v34;
	[tilespmem:v20+s19+$0x0] =	vst.idx.msk $0xffff, v27  }
0x90: {  	v20 =	vshll.u32 v32, $0x4;
	v27 =	vand.u32 $0x7F, v35;
	v32 =	vand.u32 $0x1C00, v33;
	v21 =	vld.idx.msk [tilespmem:v21+s5+$0x0], $0xffff  }
0x91: {  	v33 =	vadd.s32 s29, v5;
	v20 =	vor.u32 v0, v20;
	v27 =	vor.u32 v32, v27  }
0x92: {  	v32 =	vshll.u32 v33, $0x3;
	v27 =	vor.u32 v2, v27;
	[tilespmem:v24+s19+$0x0] =	vst.idx.msk $0xffff, v36;
	v24 =	vand.u32 $0x3FF, v39  }
0x93: {  	v34 =	vand.u32 $0x7F, v33;
	v32 =	vand.u32 $0x1C00, v32;
	v28 =	vld.idx.msk [tilespmem:v28+s5+$0x0], $0xffff;
	v24 =	vshll.u32 v24, $0x4;
	[tilespmem:v30+s19+$0x0] =	vst.idx.msk $0xffff, v29  }
0x94: {  	v29 =	vor.u32 v32, v34;
	v24 =	vor.u32 v0, v24;
	[tilespmem:v25+s19+$0x0] =	vst.idx.msk $0xffff, v31;
	v25 =	vadd.s32 s31, v5  }
0x95: {  	v30 =	vand.u32 $0x3FF, v35;
	v29 =	vor.u32 v2, v29;
	v26 =	vld.idx.msk [tilespmem:v26+s5+$0x0], $0xffff;
	v31 =	vshll.u32 v25, $0x3  }
0x96: {  	v30 =	vshll.u32 v30, $0x4;
	v32 =	vand.u32 $0x7F, v25;
	v31 =	vand.u32 $0x1C00, v31;
	[tilespmem:v22+s19+$0x0] =	vst.idx.msk $0xffff, v21  }
0x97: {  	v21 =	vor.u32 v0, v30;
	v30 =	vadd.s32 s31, v6;
	v22 =	vor.u32 v31, v32;
	v23 =	vld.idx.msk [tilespmem:v23+s5+$0x0], $0xffff  }
0x98: {  	v25 =	vand.u32 $0x3FF, v25;
	v31 =	vadd.s32 s29, v6;
	v22 =	vor.u32 v2, v22  }
0x99: {  	v32 =	vshll.u32 v30, $0x3;
	[tilespmem:v24+s19+$0x0] =	vst.idx.msk $0xffff, v28;
	v24 =	vand.u32 $0x3FF, v33;
	v28 =	vshll.u32 v31, $0x3  }
0x9a: {  	v33 =	vand.u32 $0x7F, v31;
	v29 =	vld.idx.msk [tilespmem:v29+s5+$0x0], $0xffff;
	v24 =	vshll.u32 v24, $0x4;
	v28 =	vand.u32 $0x1C00, v28  }
0x9b: {  	v24 =	vor.u32 v0, v24;
	v28 =	vor.u32 v28, v33;
	[tilespmem:v20+s19+$0x0] =	vst.idx.msk $0xffff, v26;
	v20 =	vshll.u32 v25, $0x4  }
0x9c: {  	v25 =	vor.u32 v2, v28;
	v26 =	vld.idx.msk [tilespmem:v27+s5+$0x0], $0xffff;
	v27 =	vand.u32 $0x7F, v30;
	v28 =	vand.u32 $0x1C00, v32  }
0x9d: {  	v20 =	vor.u32 v0, v20;
	v27 =	vor.u32 v28, v27;
	v28 =	vadd.s32 s31, v7;
	[tilespmem:v19+s19+$0x0] =	vst.idx.msk $0xffff, v23  }
0x9e: {  	v19 =	vand.u32 $0x3FF, v30;
	v23 =	vor.u32 v2, v27;
	v27 =	vshll.u32 v28, $0x3  }
0x9f: {  	v30 =	vadd.s32 s29, v7;
	v19 =	vshll.u32 v19, $0x4;
	v27 =	vand.u32 $0x1C00, v27  }
0xa0: {  	[tilespmem:v24+s19+$0x0] =	vst.idx.msk $0xffff, v29;
	v24 =	vand.u32 $0x3FF, v31;
	v29 =	vshll.u32 v30, $0x3;
	v31 =	vand.u32 $0x7F, v28  }
0xa1: {  	v32 =	vand.u32 $0x7F, v30;
	v25 =	vld.idx.msk [tilespmem:v25+s5+$0x0], $0xffff;
	v24 =	vshll.u32 v24, $0x4;
	v29 =	vand.u32 $0x1C00, v29  }
0xa2: {  	v24 =	vor.u32 v0, v24;
	v29 =	vor.u32 v29, v32;
	[tilespmem:v21+s19+$0x0] =	vst.idx.msk $0xffff, v26;
	v21 =	vadd.s32 s31, v8  }
0xa3: {  	v19 =	vor.u32 v0, v19;
	v27 =	vor.u32 v27, v31;
	v26 =	vor.u32 v2, v29;
	v22 =	vld.idx.msk [tilespmem:v22+s5+$0x0], $0xffff  }
0xa4: {  	v28 =	vand.u32 $0x3FF, v28;
	v27 =	vor.u32 v2, v27;
	v29 =	vshll.u32 v21, $0x3  }
0xa5: {  	v28 =	vshll.u32 v28, $0x4;
	v31 =	vand.u32 $0x7F, v21;
	v29 =	vand.u32 $0x1C00, v29  }
0xa6: {  	v32 =	vadd.s32 s29, v8;
	v28 =	vor.u32 v0, v28;
	v29 =	vor.u32 v29, v31  }
0xa7: {  	v29 =	vor.u32 v2, v29;
	[tilespmem:v24+s19+$0x0] =	vst.idx.msk $0xffff, v25;
	v24 =	vand.u32 $0x3FF, v30;
	v25 =	vshll.u32 v32, $0x3  }
0xa8: {  	v30 =	vand.u32 $0x7F, v32;
	v26 =	vld.idx.msk [tilespmem:v26+s5+$0x0], $0xffff;
	v24 =	vshll.u32 v24, $0x4;
	v25 =	vand.u32 $0x1C00, v25  }
0xa9: {  	v24 =	vor.u32 v0, v24;
	v25 =	vor.u32 v25, v30;
	[tilespmem:v20+s19+$0x0] =	vst.idx.msk $0xffff, v22;
	v20 =	vadd.s32 s31, v9  }
0xaa: {  	v21 =	vand.u32 $0x3FF, v21;
	v22 =	vor.u32 v2, v25;
	v23 =	vld.idx.msk [tilespmem:v23+s5+$0x0], $0xffff;
	v25 =	vshll.u32 v20, $0x3  }
0xab: {  	v21 =	vshll.u32 v21, $0x4;
	v30 =	vand.u32 $0x7F, v20;
	v25 =	vand.u32 $0x1C00, v25  }
0xac: {  	v21 =	vor.u32 v0, v21;
	v25 =	vor.u32 v25, v30;
	v30 =	vadd.s32 s31, v10  }
0xad: {  	v31 =	vadd.s32 s29, v9;
	v20 =	vand.u32 $0x3FF, v20;
	v25 =	vor.u32 v2, v25  }
0xae: {  	[tilespmem:v24+s19+$0x0] =	vst.idx.msk $0xffff, v26;
	v24 =	vand.u32 $0x3FF, v32;
	v26 =	vshll.u32 v31, $0x3;
	v32 =	vshll.u32 v30, $0x3  }
0xaf: {  	v33 =	vand.u32 $0x7F, v31;
	v22 =	vld.idx.msk [tilespmem:v22+s5+$0x0], $0xffff;
	v24 =	vshll.u32 v24, $0x4;
	v26 =	vand.u32 $0x1C00, v26  }
0xb0: {  	v24 =	vor.u32 v0, v24;
	v26 =	vor.u32 v26, v33;
	[tilespmem:v19+s19+$0x0] =	vst.idx.msk $0xffff, v23;
	v19 =	vshll.u32 v20, $0x4  }
0xb1: {  	v20 =	vor.u32 v2, v26;
	v23 =	vld.idx.msk [tilespmem:v27+s5+$0x0], $0xffff;
	v26 =	vand.u32 $0x7F, v30;
	v27 =	vand.u32 $0x1C00, v32  }
0xb2: {  	v19 =	vor.u32 v0, v19;
	v26 =	vor.u32 v27, v26;
	v27 =	vadd.s32 s31, v11  }
0xb3: {  	v30 =	vand.u32 $0x3FF, v30;
	v26 =	vor.u32 v2, v26;
	v32 =	vshll.u32 v27, $0x3  }
0xb4: {  	v33 =	vadd.s32 s29, v10;
	v30 =	vshll.u32 v30, $0x4;
	v32 =	vand.u32 $0x1C00, v32  }
0xb5: {  	[tilespmem:v24+s19+$0x0] =	vst.idx.msk $0xffff, v22;
	v22 =	vand.u32 $0x3FF, v31;
	v24 =	vshll.u32 v33, $0x3;
	v31 =	vand.u32 $0x7F, v27  }
0xb6: {  	v34 =	vand.u32 $0x7F, v33;
	v20 =	vld.idx.msk [tilespmem:v20+s5+$0x0], $0xffff;
	v22 =	vshll.u32 v22, $0x4;
	v24 =	vand.u32 $0x1C00, v24  }
0xb7: {  	v22 =	vor.u32 v0, v22;
	v24 =	vor.u32 v24, v34;
	[tilespmem:v28+s19+$0x0] =	vst.idx.msk $0xffff, v23;
	v23 =	vadd.s32 s31, v12  }
0xb8: {  	v24 =	vor.u32 v2, v24;
	v28 =	vld.idx.msk [tilespmem:v29+s5+$0x0], $0xffff;
	v29 =	vor.u32 v0, v30;
	v30 =	vor.u32 v32, v31  }
0xb9: {  	v27 =	vand.u32 $0x3FF, v27;
	v31 =	vshll.u32 v23, $0x3;
	v30 =	vor.u32 v2, v30  }
0xba: {  	v27 =	vshll.u32 v27, $0x4;
	v32 =	vand.u32 $0x7F, v23;
	v31 =	vand.u32 $0x1C00, v31  }
0xbb: {  	v34 =	vadd.s32 s29, v11;
	v35 =	vor.u32 v0, v27;
	v27 =	vor.u32 v31, v32  }
0xbc: {  	v31 =	vor.u32 v2, v27;
	[tilespmem:v22+s19+$0x0] =	vst.idx.msk $0xffff, v20;
	v20 =	vand.u32 $0x3FF, v33;
	v22 =	vshll.u32 v34, $0x3  }
0xbd: {  	v27 =	vand.u32 $0x7F, v34;
	v24 =	vld.idx.msk [tilespmem:v24+s5+$0x0], $0xffff;
	v20 =	vshll.u32 v20, $0x4;
	v22 =	vand.u32 $0x1C00, v22  }
0xbe: {  	v20 =	vor.u32 v0, v20;
	v22 =	vor.u32 v22, v27;
	[tilespmem:v21+s19+$0x0] =	vst.idx.msk $0xffff, v28;
	v21 =	vadd.s32 s31, v13  }
0xbf: {  	v23 =	vand.u32 $0x3FF, v23;
	v22 =	vor.u32 v2, v22;
	v25 =	vld.idx.msk [tilespmem:v25+s5+$0x0], $0xffff;
	v27 =	vshll.u32 v21, $0x3  }
0xc0: {  	v23 =	vshll.u32 v23, $0x4;
	v28 =	vand.u32 $0x7F, v21;
	v27 =	vand.u32 $0x1C00, v27  }
0xc1: {  	v33 =	vor.u32 v0, v23;
	v23 =	vor.u32 v27, v28;
	v27 =	vadd.s32 s31, v14  }
0xc2: {  	v21 =	vand.u32 $0x3FF, v21;
	v28 =	vadd.s32 s29, v12;
	v36 =	vor.u32 v2, v23  }
0xc3: {  	v23 =	vshll.u32 v28, $0x3;
	[tilespmem:v20+s19+$0x0] =	vst.idx.msk $0xffff, v24;
	v20 =	vand.u32 $0x3FF, v34;
	v24 =	vshll.u32 v27, $0x3  }
0xc4: {  	v32 =	vand.u32 $0x7F, v28;
	v23 =	vand.u32 $0x1C00, v23;
	v22 =	vld.idx.msk [tilespmem:v22+s5+$0x0], $0xffff;
	v20 =	vshll.u32 v20, $0x4  }
0xc5: {  	v23 =	vor.u32 v23, v32;
	v20 =	vor.u32 v0, v20;
	[tilespmem:v19+s19+$0x0] =	vst.idx.msk $0xffff, v25;
	v19 =	vshll.u32 v21, $0x4  }
0xc6: {  	v21 =	vor.u32 v2, v23;
	v25 =	vand.u32 $0x7F, v27;
	v23 =	vld.idx.msk [tilespmem:v26+s5+$0x0], $0xffff;
	v26 =	vand.u32 $0x1C00, v24  }
0xc7: {  	v32 =	vadd.s32 s31, v15;
	v24 =	vor.u32 v0, v19;
	v19 =	vor.u32 v26, v25  }
0xc8: {  	v26 =	vand.u32 $0x3FF, v27;
	v25 =	vor.u32 v2, v19;
	v19 =	vshll.u32 v32, $0x3  }
0xc9: {  	v34 =	vadd.s32 s29, v13;
	v26 =	vshll.u32 v26, $0x4;
	v19 =	vand.u32 $0x1C00, v19  }
0xca: {  	v27 =	vand.u32 $0x7F, v32;
	[tilespmem:v20+s19+$0x0] =	vst.idx.msk $0xffff, v22;
	v20 =	vand.u32 $0x3FF, v28;
	v22 =	vshll.u32 v34, $0x3  }
0xcb: {  	v28 =	vand.u32 $0x7F, v34;
	v21 =	vld.idx.msk [tilespmem:v21+s5+$0x0], $0xffff;
	v20 =	vshll.u32 v20, $0x4;
	v22 =	vand.u32 $0x1C00, v22  }
0xcc: {  	v37 =	vor.u32 v0, v20;
	v20 =	vor.u32 v22, v28;
	[tilespmem:v29+s19+$0x0] =	vst.idx.msk $0xffff, v23;
	v22 =	vadd.s32 s31, v16  }
0xcd: {  	v26 =	vor.u32 v0, v26;
	v19 =	vor.u32 v19, v27;
	v23 =	vor.u32 v2, v20;
	v28 =	vld.idx.msk [tilespmem:v30+s5+$0x0], $0xffff  }
0xce: {  	v27 =	vor.u32 v2, v19;
	v20 =	vand.u32 $0x3FF, v32;
	v19 =	vshll.u32 v22, $0x3  }
0xcf: {  	v29 =	vand.u32 $0x7F, v22;
	v20 =	vshll.u32 v20, $0x4;
	v19 =	vand.u32 $0x1C00, v19  }
0xd0: {  	v30 =	vadd.s32 s29, v14;
	v20 =	vor.u32 v0, v20;
	v19 =	vor.u32 v19, v29  }
0xd1: {  	v32 =	vshll.u32 v30, $0x3;
	v29 =	vand.u32 $0x3FF, v34;
	[tilespmem:v37+s19+$0x0] =	vst.idx.msk $0xffff, v21;
	v21 =	vor.u32 v2, v19  }
0xd2: {  	v32 =	vand.u32 $0x1C00, v32;
	v19 =	vld.idx.msk [tilespmem:v23+s5+$0x0], $0xffff;
	v23 =	vshll.u32 v29, $0x4;
	v29 =	vand.u32 $0x7F, v30  }
0xd3: {  	v34 =	vor.u32 v0, v23;
	v23 =	vor.u32 v32, v29;
	[tilespmem:v35+s19+$0x0] =	vst.idx.msk $0xffff, v28;
	v28 =	vadd.s32 s31, v17  }
0xd4: {  	v22 =	vand.u32 $0x3FF, v22;
	v29 =	vor.u32 v2, v23;
	v31 =	vld.idx.msk [tilespmem:v31+s5+$0x0], $0xffff;
	v23 =	vshll.u32 v28, $0x3  }
0xd5: {  	v22 =	vshll.u32 v22, $0x4;
	v32 =	vand.u32 $0x7F, v28;
	v23 =	vand.u32 $0x1C00, v23  }
0xd6: {  	v22 =	vor.u32 v0, v22;
	v35 =	vand.u32 $0x3FF, v28;
	v23 =	vor.u32 v23, v32  }
.Ltmp2:
0xd7: {  	v28 =	vadd.s32 s29, v15;
	v32 =	vshll.u32 v35, $0x4;
	v23 =	vor.u32 v2, v23;
	(pc) =	sbr.rel @p3 .LBB2_3-.Ltmp2, $4  }
0xd8: {  	v30 =	vand.u32 $0x3FF, v30;
	[tilespmem:v34+s19+$0x0] =	vst.idx.msk $0xffff, v19;
	v34 =	vshll.u32 v28, $0x3;
	v19 =	vor.u32 v0, v32  }
0xd9: {  	v30 =	vshll.u32 v30, $0x4;
	v35 =	vand.u32 $0x7F, v28;
	v29 =	vld.idx.msk [tilespmem:v29+s5+$0x0], $0xffff;
	v34 =	vand.u32 $0x1C00, v34  }
0xda: {  	v32 =	vor.u32 v0, v30;
	v30 =	vor.u32 v34, v35;
	[tilespmem:v33+s19+$0x0] =	vst.idx.msk $0xffff, v31  }
0xdb: {  	s31 =	sadd.s32 $0x20, s31;
	v30 =	vor.u32 v2, v30;
	v31 =	vld.idx.msk [tilespmem:v36+s5+$0x0], $0xffff  }
0xdc: {  	_ =	sdelay $0x3  }
0xdd: {  	[tilespmem:v24+s19+$0x0] =	vst.idx.msk $0xffff, v31  }
0xde: {  	v24 =	vld.idx.msk [tilespmem:v25+s5+$0x0], $0xffff;
	_ =	sdelay $0x1  }
0xdf: {  	v25 =	vadd.s32 s29, v16  }
0xe0: {  	v28 =	vand.u32 $0x3FF, v28;
	v31 =	vshll.u32 v25, $0x3  }
0xe1: {  	v28 =	vshll.u32 v28, $0x4;
	[tilespmem:v32+s19+$0x0] =	vst.idx.msk $0xffff, v29;
	v33 =	vand.u32 $0x7F, v25;
	v29 =	vand.u32 $0x1C00, v31  }
0xe2: {  	v28 =	vor.u32 v0, v28;
	v30 =	vld.idx.msk [tilespmem:v30+s5+$0x0], $0xffff;
	v29 =	vor.u32 v29, v33;
	[tilespmem:v26+s19+$0x0] =	vst.idx.msk $0xffff, v24  }
0xe3: {  	v24 =	vor.u32 v2, v29;
	v26 =	vld.idx.msk [tilespmem:v27+s5+$0x0], $0xffff;
	_ =	sdelay $0x1  }
0xe4: {  	v27 =	vadd.s32 s29, v17  }
0xe5: {  	v25 =	vand.u32 $0x3FF, v25;
	v29 =	vshll.u32 v27, $0x3  }
0xe6: {  	v25 =	vshll.u32 v25, $0x4;
	[tilespmem:v28+s19+$0x0] =	vst.idx.msk $0xffff, v30;
	v31 =	vand.u32 $0x7F, v27;
	v28 =	vand.u32 $0x1C00, v29  }
0xe7: {  	v25 =	vor.u32 v0, v25;
	v28 =	vor.u32 v28, v31;
	v24 =	vld.idx.msk [tilespmem:v24+s5+$0x0], $0xffff;
	[tilespmem:v20+s19+$0x0] =	vst.idx.msk $0xffff, v26  }
0xe8: {  	v20 =	vor.u32 v2, v28;
	v21 =	vld.idx.msk [tilespmem:v21+s5+$0x0], $0xffff;
	_ =	sdelay $0x2  }
0xe9: {  	v26 =	vand.u32 $0x3FF, v27  }
0xea: {  	[tilespmem:v25+s19+$0x0] =	vst.idx.msk $0xffff, v24;
	v24 =	vshll.u32 v26, $0x4  }
0xeb: {  	v20 =	vld.idx.msk [tilespmem:v20+s5+$0x0], $0xffff;
	v24 =	vor.u32 v0, v24;
	[tilespmem:v22+s19+$0x0] =	vst.idx.msk $0xffff, v21  }
0xec: {  	v21 =	vld.idx.msk [tilespmem:v23+s5+$0x0], $0xffff;
	_ =	sdelay $0x3  }
0xed: {  	s2 =	sshll.u32 s28, $0xB;
	s31 =	sshll.u32 s25, $0x1;
	[tilespmem:v24+s19+$0x0] =	vst.idx.msk $0xffff, v20  }
0xee: {  	s2 =	sadd.s32 s3, s2;
	p3 =	sge.u32 s31, s13;
	[tilespmem:v19+s19+$0x0] =	vst.idx.msk $0xffff, v21  }
0xef: {  	[hbm4b:s2+s5] =	stream.linear.scatter [tilespmem:s19], [sflag:$0x3], $0x4000, $0x38;
	[tilespmem:$0x10000] =	vst v63  }
0xf0: {  	s29 =	simm.s32 $0x10;
	s2 =	sshll.u32 @!p3 s28, $0xA  }
0xf1: {  	v56 =	vadd.s32 s29, v6;
	v40 =	vadd.s32 s29, v8;
	s2 =	sand.u32 @!p3 $0x1FFFFC00, s2  }
0xf2: {  	v51 =	vadd.s32 s29, v12;
	v57 =	vshll.u32 v56, $0x3;
	v58 =	vand.u32 $0x3FF, v56;
	s2 =	sadd.s32 @!p3 s0, s2  }
0xf3: {  	s31 =	simm.s32 @!p3 $0x0;
	v41 =	vshll.u32 v40, $0x3;
	v52 =	vshll.u32 v51, $0x3;
	v22 =	vadd.s32 s29, v3;
	s28 =	simm.s32 $0x0;
	s30 =	sadd.s32 @!p3 $0x10000, s2  }
0xf4: {  	v53 =	vand.u32 $0x1C00, v52;
	v29 =	vshll.u32 v22, $0x3;
	v20 =	vadd.s32 s29, v1;
	[tilespmem:s31], [sflag:$0x1] =	stream.linear.gather @!p3 [hbm4b:s30+s31], $0x2000, $0x38;
	[tilespmem:$0x10000] =	vst v63  }
0xf5: {  	v29 =	vand.u32 $0x1C00, v29;
	v25 =	vshll.u32 v20, $0x3;
	v19 =	vadd.s32 s28, v1;
	s2 =	sadd.s32 @!p3 $0x28AC80, s2;
	s30 =	simm.s32 @!p3 $0x2000  }
0xf6: {  	v24 =	vadd.s32 s29, v4;
	v25 =	vand.u32 $0x1C00, v25;
	v21 =	vshll.u32 v19, $0x3;
	[tilespmem:s30], [sflag:$0x1] =	stream.linear.gather @!p3 [hbm4b:s2+s31], $0x2000, $0x38;
	[tilespmem:$0x10000] =	vst v63  }
0xf7: {  	v26 =	vadd.s32 s28, v3;
	v23 =	vand.u32 $0x7F, v19;
	v21 =	vand.u32 $0x1C00, v21;
	s2 =	simm.s32 @!p2 $0x4  }
0xf8: {  	v54 =	vadd.s32 s28, v5;
	v34 =	vadd.s32 s28, v6;
	v21 =	vor.u32 v21, v23;
	_ =	swait.ge @!p2 [sflag:s2], $0x4000  }
0xf9: {  	v42 =	vadd.s32 s28, v8;
	v44 =	vadd.s32 s28, v9;
	v21 =	vor.u32 v2, v21;
	[sflag:s2] =	ssyncset.done @!p2 $0x0  }
0xfa: {  	v19 =	vand.u32 $0x3FF, v19;
	v27 =	vshll.u32 v26, $0x3;
	v28 =	vand.u32 $0x7F, v26;
	[sflag:s2] =	ssyncadd.s32 @!p2 $0xFFFFC000  }
0xfb: {  	v26 =	vand.u32 $0x3FF, v26;
	v35 =	vand.u32 $0x7F, v34;
	v61 =	vand.u32 $0x3FF, v34;
	_ =	swait.ge [sflag:s20], $0x4000  }
0xfc: {  	v46 =	vand.u32 $0x7F, v44;
	v19 =	vshll.u32 v19, $0x4;
	v23 =	vand.u32 $0x7F, v20;
	[sflag:s20] =	ssyncset.done $0x0  }
0xfd: {  	v27 =	vand.u32 $0x1C00, v27;
	v26 =	vshll.u32 v26, $0x4;
	v23 =	vor.u32 v25, v23;
	[sflag:s20] =	ssyncadd.s32 $0xFFFFC000  }
0xfe: {  	v19 =	vor.u32 v0, v19;
	v25 =	vor.u32 v27, v28;
	v23 =	vor.u32 v2, v23;
	v21 =	vld.idx.msk [tilespmem:v21+s16+$0x0], $0xffff  }
0xff: {  	v20 =	vand.u32 $0x3FF, v20;
	v26 =	vor.u32 v0, v26;
	v25 =	vor.u32 v2, v25  }
0x100: {  	v20 =	vshll.u32 v20, $0x4;
	v27 =	vand.u32 $0x7F, v22;
	v28 =	vadd.s32 s28, v4  }
0x101: {  	v22 =	vand.u32 $0x3FF, v22;
	v20 =	vor.u32 v0, v20;
	v30 =	vshll.u32 v28, $0x3  }
0x102: {  	v31 =	vand.u32 $0x7F, v28;
	v27 =	vor.u32 v29, v27;
	v29 =	vshll.u32 v24, $0x3  }
0x103: {  	v22 =	vshll.u32 v22, $0x4;
	v28 =	vand.u32 $0x3FF, v28;
	v30 =	vand.u32 $0x1C00, v30;
	v23 =	vld.idx.msk [tilespmem:v23+s16+$0x0], $0xffff;
	[tilespmem:v19+s21+$0x0] =	vst.idx.msk $0xffff, v21  }
0x104: {  	v27 =	vor.u32 v2, v27;
	v29 =	vand.u32 $0x1C00, v29;
	v30 =	vor.u32 v30, v31;
	v25 =	vld.idx.msk [tilespmem:v25+s16+$0x0], $0xffff  }
0x105: {  	v31 =	vand.u32 $0x7F, v24;
	v24 =	vand.u32 $0x3FF, v24;
	v30 =	vor.u32 v2, v30  }
0x106: {  	v22 =	vor.u32 v0, v22;
	v29 =	vor.u32 v29, v31;
	v24 =	vshll.u32 v24, $0x4  }
0x107: {  	v31 =	vshll.u32 v54, $0x3;
	v29 =	vor.u32 v2, v29;
	v24 =	vor.u32 v0, v24  }
0x108: {  	v19 =	vshll.u32 v28, $0x4;
	v21 =	vand.u32 $0x7F, v54;
	v28 =	vand.u32 $0x1C00, v31;
	[tilespmem:v20+s21+$0x0] =	vst.idx.msk $0xffff, v23  }
0x109: {  	v33 =	vshll.u32 v61, $0x4;
	v21 =	vor.u32 v28, v21;
	v28 =	vadd.s32 s29, v5;
	v27 =	vld.idx.msk [tilespmem:v27+s16+$0x0], $0xffff;
	[tilespmem:v26+s21+$0x0] =	vst.idx.msk $0xffff, v25  }
0x10a: {  	v19 =	vor.u32 v0, v19;
	v21 =	vor.u32 v2, v21;
	v31 =	vshll.u32 v28, $0x3;
	v30 =	vld.idx.msk [tilespmem:v30+s16+$0x0], $0xffff  }
0x10b: {  	v55 =	vand.u32 $0x7F, v28;
	v28 =	vand.u32 $0x3FF, v28;
	v31 =	vand.u32 $0x1C00, v31  }
0x10c: {  	v23 =	vand.u32 $0x7F, v56;
	v28 =	vshll.u32 v28, $0x4;
	v31 =	vor.u32 v31, v55  }
0x10d: {  	v28 =	vor.u32 v0, v28;
	v31 =	vor.u32 v2, v31;
	v26 =	vshll.u32 v34, $0x3  }
0x10e: {  	v25 =	vand.u32 $0x3FF, v54;
	[tilespmem:v22+s21+$0x0] =	vst.idx.msk $0xffff, v27;
	v22 =	vor.u32 v0, v33;
	v26 =	vand.u32 $0x1C00, v26  }
0x10f: {  	v33 =	vand.u32 $0x3FF, v44;
	v25 =	vshll.u32 v25, $0x4;
	v29 =	vld.idx.msk [tilespmem:v29+s16+$0x0], $0xffff;
	v26 =	vor.u32 v26, v35;
	[tilespmem:v19+s21+$0x0] =	vst.idx.msk $0xffff, v30  }
0x110: {  	v25 =	vor.u32 v0, v25;
	v20 =	vor.u32 v2, v26;
	v26 =	vand.u32 $0x1C00, v57;
	v21 =	vld.idx.msk [tilespmem:v21+s16+$0x0], $0xffff  }
0x111: {  	v54 =	vadd.s32 s28, v11;
	v23 =	vor.u32 v26, v23;
	v26 =	vadd.s32 s29, v7  }
0x112: {  	v33 =	vshll.u32 v33, $0x4;
	v23 =	vor.u32 v2, v23;
	v59 =	vshll.u32 v26, $0x3  }
0x113: {  	v63 =	vand.u32 $0x7F, v26;
	v26 =	vand.u32 $0x3FF, v26;
	v19 =	vadd.s32 s28, v7  }
0x114: {  	v30 =	vshll.u32 v58, $0x4;
	v60 =	vand.u32 $0x1C00, v59;
	[tilespmem:v24+s21+$0x0] =	vst.idx.msk $0xffff, v29;
	v62 =	vshll.u32 v19, $0x3  }
0x115: {  	v24 =	vand.u32 $0x7F, v42;
	v36 =	vand.u32 $0x7F, v19;
	v29 =	vld.idx.msk [tilespmem:v31+s16+$0x0], $0xffff;
	v34 =	vand.u32 $0x1C00, v62;
	[tilespmem:v25+s21+$0x0] =	vst.idx.msk $0xffff, v21  }
0x116: {  	v30 =	vor.u32 v0, v30;
	v32 =	vor.u32 v60, v63;
	v27 =	vor.u32 v34, v36;
	v20 =	vld.idx.msk [tilespmem:v20+s16+$0x0], $0xffff  }
0x117: {  	v19 =	vand.u32 $0x3FF, v19;
	v31 =	vand.u32 $0x3FF, v40;
	v27 =	vor.u32 v2, v27  }
0x118: {  	v60 =	vadd.s32 s29, v17;
	v32 =	vor.u32 v2, v32;
	v19 =	vshll.u32 v19, $0x4  }
0x119: {  	v21 =	vshll.u32 v26, $0x4;
	v25 =	vand.u32 $0x7F, v40;
	v26 =	vand.u32 $0x1C00, v41  }
0x11a: {  	v19 =	vor.u32 v0, v19;
	[tilespmem:v28+s21+$0x0] =	vst.idx.msk $0xffff, v29;
	v25 =	vor.u32 v26, v25;
	v26 =	vshll.u32 v42, $0x3  }
0x11b: {  	v28 =	vand.u32 $0x3FF, v42;
	v29 =	vshll.u32 v44, $0x3;
	v23 =	vld.idx.msk [tilespmem:v23+s16+$0x0], $0xffff;
	v26 =	vand.u32 $0x1C00, v26;
	[tilespmem:v22+s21+$0x0] =	vst.idx.msk $0xffff, v20  }
0x11c: {  	v21 =	vor.u32 v0, v21;
	v28 =	vshll.u32 v28, $0x4;
	v24 =	vor.u32 v26, v24;
	v27 =	vld.idx.msk [tilespmem:v27+s16+$0x0], $0xffff  }
0x11d: {  	v29 =	vand.u32 $0x1C00, v29;
	v25 =	vor.u32 v2, v25;
	v24 =	vor.u32 v2, v24  }
0x11e: {  	v28 =	vor.u32 v0, v28;
	v29 =	vor.u32 v29, v46;
	v26 =	vadd.s32 s29, v9  }
0x11f: {  	v43 =	vshll.u32 v26, $0x3;
	v20 =	vshll.u32 v31, $0x4;
	v22 =	vand.u32 $0x7F, v26  }
0x120: {  	v31 =	vand.u32 $0x1C00, v43;
	v26 =	vand.u32 $0x3FF, v26;
	[tilespmem:v30+s21+$0x0] =	vst.idx.msk $0xffff, v23;
	v23 =	vadd.s32 s28, v10  }
0x121: {  	v20 =	vor.u32 v0, v20;
	v22 =	vor.u32 v31, v22;
	v32 =	vld.idx.msk [tilespmem:v32+s16+$0x0], $0xffff;
	[tilespmem:v19+s21+$0x0] =	vst.idx.msk $0xffff, v27  }
0x122: {  	v31 =	vadd.s32 s29, v10;
	v26 =	vshll.u32 v26, $0x4;
	v48 =	vshll.u32 v23, $0x3;
	v24 =	vld.idx.msk [tilespmem:v24+s16+$0x0], $0xffff  }
0x123: {  	v50 =	vand.u32 $0x7F, v23;
	v23 =	vand.u32 $0x3FF, v23;
	v19 =	vor.u32 v2, v29  }
0x124: {  	v22 =	vor.u32 v2, v22;
	v45 =	vshll.u32 v31, $0x3;
	v26 =	vor.u32 v0, v26  }
0x125: {  	v34 =	vand.u32 $0x1C00, v48;
	v27 =	vand.u32 $0x7F, v31;
	v29 =	vand.u32 $0x1C00, v45  }
0x126: {  	v31 =	vand.u32 $0x3FF, v31;
	[tilespmem:v21+s21+$0x0] =	vst.idx.msk $0xffff, v32;
	v27 =	vor.u32 v29, v27;
	v29 =	vadd.s32 s29, v11  }
0x127: {  	v30 =	vshll.u32 v31, $0x4;
	v25 =	vld.idx.msk [tilespmem:v25+s16+$0x0], $0xffff;
	v27 =	vor.u32 v2, v27;
	v47 =	vshll.u32 v29, $0x3;
	[tilespmem:v28+s21+$0x0] =	vst.idx.msk $0xffff, v24  }
0x128: {  	v49 =	vand.u32 $0x7F, v29;
	v24 =	vor.u32 v0, v33;
	v28 =	vor.u32 v34, v50;
	v19 =	vld.idx.msk [tilespmem:v19+s16+$0x0], $0xffff  }
0x129: {  	v30 =	vor.u32 v0, v30;
	v29 =	vand.u32 $0x3FF, v29;
	v28 =	vor.u32 v2, v28  }
0x12a: {  	v31 =	vand.u32 $0x1C00, v47;
	v21 =	vshll.u32 v29, $0x4;
	v29 =	vand.u32 $0x7F, v51  }
0x12b: {  	v31 =	vor.u32 v31, v49;
	v55 =	vor.u32 v0, v21;
	v21 =	vor.u32 v53, v29  }
0x12c: {  	v29 =	vshll.u32 v54, $0x3;
	v31 =	vor.u32 v2, v31;
	v32 =	vor.u32 v2, v21;
	[tilespmem:v20+s21+$0x0] =	vst.idx.msk $0xffff, v25  }
0x12d: {  	v21 =	vshll.u32 v23, $0x4;
	v23 =	vand.u32 $0x7F, v54;
	v29 =	vand.u32 $0x1C00, v29;
	v22 =	vld.idx.msk [tilespmem:v22+s16+$0x0], $0xffff;
	[tilespmem:v24+s21+$0x0] =	vst.idx.msk $0xffff, v19  }
0x12e: {  	v19 =	vor.u32 v0, v21;
	v21 =	vor.u32 v29, v23;
	v23 =	vadd.s32 s29, v13;
	v24 =	vld.idx.msk [tilespmem:v28+s16+$0x0], $0xffff  }
0x12f: {  	v21 =	vor.u32 v2, v21;
	v28 =	vand.u32 $0x3FF, v51;
	v29 =	vshll.u32 v23, $0x3  }
0x130: {  	v25 =	vand.u32 $0x7F, v23;
	v20 =	vshll.u32 v28, $0x4;
	v28 =	vand.u32 $0x1C00, v29  }
0x131: {  	v23 =	vand.u32 $0x3FF, v23;
	v56 =	vor.u32 v0, v20;
	v20 =	vor.u32 v28, v25  }
0x132: {  	[tilespmem:v26+s21+$0x0] =	vst.idx.msk $0xffff, v22;
	v28 =	vadd.s32 s28, v12;
	v57 =	vor.u32 v2, v20;
	v20 =	vand.u32 $0x3FF, v54  }
0x133: {  	v27 =	vld.idx.msk [tilespmem:v27+s16+$0x0], $0xffff;
	v25 =	vadd.s32 s29, v14;
	v29 =	vshll.u32 v28, $0x3;
	[tilespmem:v19+s21+$0x0] =	vst.idx.msk $0xffff, v24;
	v19 =	vshll.u32 v20, $0x4  }
0x134: {  	v20 =	vand.u32 $0x7F, v28;
	v24 =	vand.u32 $0x1C00, v29;
	v21 =	vld.idx.msk [tilespmem:v21+s16+$0x0], $0xffff;
	v19 =	vor.u32 v0, v19  }
0x135: {  	v23 =	vshll.u32 v23, $0x4;
	v58 =	vshll.u32 v25, $0x3;
	v20 =	vor.u32 v24, v20  }
0x136: {  	v22 =	vand.u32 $0x7F, v25;
	v26 =	vand.u32 $0x1C00, v58;
	v20 =	vor.u32 v2, v20  }
0x137: {  	v22 =	vor.u32 v26, v22;
	v26 =	vand.u32 $0x3FF, v25;
	v29 =	vadd.s32 s28, v13  }
0x138: {  	[tilespmem:v30+s21+$0x0] =	vst.idx.msk $0xffff, v27;
	v30 =	vadd.s32 s29, v16;
	v24 =	vor.u32 v0, v23;
	v23 =	vadd.s32 s29, v15  }
0x139: {  	v25 =	vor.u32 v2, v22;
	v26 =	vshll.u32 v26, $0x4;
	[tilespmem:v19+s21+$0x0] =	vst.idx.msk $0xffff, v21;
	v19 =	vand.u32 $0x3FF, v28  }
0x13a: {  	v22 =	vshll.u32 v23, $0x3;
	v21 =	vshll.u32 v29, $0x3;
	v19 =	vshll.u32 v19, $0x4  }
0x13b: {  	v59 =	vld.idx.msk [tilespmem:v20+s16+$0x0], $0xffff;
	v20 =	vand.u32 $0x7F, v29;
	v21 =	vand.u32 $0x1C00, v21;
	v19 =	vor.u32 v0, v19  }
0x13c: {  	v26 =	vor.u32 v0, v26;
	v22 =	vand.u32 $0x1C00, v22;
	v20 =	vor.u32 v21, v20  }
0x13d: {  	v28 =	vand.u32 $0x7F, v23;
	v21 =	vand.u32 $0x3FF, v23;
	v37 =	vor.u32 v2, v20  }
0x13e: {  	v23 =	vand.u32 $0x7F, v30;
	v20 =	vor.u32 v22, v28;
	v22 =	vld.idx.msk [tilespmem:v31+s16+$0x0], $0xffff;
	v21 =	vshll.u32 v21, $0x4  }
0x13f: {  	v31 =	vadd.s32 s28, v14;
	v27 =	vor.u32 v2, v20;
	v20 =	vshll.u32 v30, $0x3  }
0x140: {  	v28 =	vand.u32 $0x1C00, v20;
	v20 =	vor.u32 v0, v21;
	[tilespmem:v19+s21+$0x0] =	vst.idx.msk $0xffff, v59;
	v19 =	vand.u32 $0x3FF, v29  }
0x141: {  	v21 =	vor.u32 v28, v23;
	v23 =	vshll.u32 v31, $0x3;
	v19 =	vshll.u32 v19, $0x4  }
0x142: {  	v28 =	vand.u32 $0x7F, v31;
	v23 =	vand.u32 $0x1C00, v23;
	v29 =	vld.idx.msk [tilespmem:v37+s16+$0x0], $0xffff;
	v19 =	vor.u32 v0, v19  }
0x143: {  	v21 =	vor.u32 v2, v21;
	v23 =	vor.u32 v23, v28;
	[tilespmem:v55+s21+$0x0] =	vst.idx.msk $0xffff, v22;
	v22 =	vand.u32 $0x3FF, v30  }
0x144: {  	v28 =	vand.u32 $0x7F, v60;
	v61 =	vor.u32 v2, v23;
	v32 =	vld.idx.msk [tilespmem:v32+s16+$0x0], $0xffff;
	v23 =	vshll.u32 v60, $0x3  }
0x145: {  	v30 =	vand.u32 $0x3FF, v60;
	v22 =	vshll.u32 v22, $0x4;
	v23 =	vand.u32 $0x1C00, v23  }
0x146: {  	v30 =	vshll.u32 v30, $0x4;
	v23 =	vor.u32 v23, v28;
	v28 =	vadd.s32 s28, v15  }
0x147: {  	v22 =	vor.u32 v0, v22;
	v62 =	vshll.u32 v28, $0x3;
	[tilespmem:v19+s21+$0x0] =	vst.idx.msk $0xffff, v29;
	v19 =	vand.u32 $0x3FF, v31  }
0x148: {  	v34 =	vand.u32 $0x1C00, v62;
	v31 =	vand.u32 $0x7F, v28;
	v63 =	vshll.u32 v19, $0x4  }
0x149: {  	[tilespmem:v56+s21+$0x0] =	vst.idx.msk $0xffff, v32;
	v29 =	vld.idx.msk [tilespmem:v61+s16+$0x0], $0xffff;
	v31 =	vor.u32 v34, v31;
	v32 =	vor.u32 v0, v63  }
0x14a: {  	s30 =	simm.s32 $0x30;
	s29 =	simm.s32 $0x0;
	v23 =	vor.u32 v2, v23;
	v19 =	vor.u32 v0, v30;
	v30 =	vor.u32 v2, v31;
	v31 =	vld.idx.msk [tilespmem:v57+s16+$0x0], $0xffff  }
.LBB2_5:
0x14b: {  	s2 =	sadd.s32 $0xFFFFFFF0, s30;
	v33 =	vadd.s32 s30, v1;
	v34 =	vadd.s32 s30, v3;
	v35 =	vadd.s32 s30, v4;
	s29 =	sadd.s32 $0x2, s29  }
0x14c: {  	v38 =	vadd.s32 s28, v16;
	v36 =	vadd.s32 s2, v1;
	v37 =	vshll.u32 v33, $0x3;
	p2 =	slt.u32 s29, $0x3E  }
0x14d: {  	v28 =	vand.u32 $0x3FF, v28;
	v40 =	vand.u32 $0x7F, v38;
	v39 =	vshll.u32 v36, $0x3  }
0x14e: {  	v41 =	vand.u32 $0x7F, v36;
	v39 =	vand.u32 $0x1C00, v39;
	[tilespmem:v32+s21+$0x0] =	vst.idx.msk $0xffff, v29;
	v29 =	vshll.u32 v38, $0x3  }
0x14f: {  	v28 =	vshll.u32 v28, $0x4;
	v32 =	vor.u32 v39, v41;
	v30 =	vld.idx.msk [tilespmem:v30+s16+$0x0], $0xffff;
	v29 =	vand.u32 $0x1C00, v29  }
0x150: {  	v28 =	vor.u32 v0, v28;
	v32 =	vor.u32 v2, v32;
	v29 =	vor.u32 v29, v40  }
0x151: {  	v37 =	vand.u32 $0x1C00, v37;
	v39 =	vand.u32 $0x7F, v33;
	v29 =	vor.u32 v2, v29;
	[tilespmem:v24+s21+$0x0] =	vst.idx.msk $0xffff, v31  }
0x152: {  	v24 =	vadd.s32 s2, v3;
	v31 =	vor.u32 v37, v39;
	v37 =	vadd.s32 s28, v17;
	s28 =	smov.u32 s2;
	v25 =	vld.idx.msk [tilespmem:v25+s16+$0x0], $0xffff  }
0x153: {  	v38 =	vand.u32 $0x3FF, v38;
	v39 =	vand.u32 $0x7F, v37;
	v40 =	vshll.u32 v37, $0x3  }
0x154: {  	v36 =	vand.u32 $0x3FF, v36;
	v41 =	vand.u32 $0x7F, v24;
	v42 =	vshll.u32 v24, $0x3  }
0x155: {  	v36 =	vshll.u32 v36, $0x4;
	v42 =	vand.u32 $0x1C00, v42;
	v32 =	vld.idx.msk [tilespmem:v32+s16+$0x0], $0xffff;
	[tilespmem:v28+s21+$0x0] =	vst.idx.msk $0xffff, v30;
	v28 =	vshll.u32 v38, $0x4  }
0x156: {  	v30 =	vor.u32 v0, v36;
	v36 =	vor.u32 v42, v41;
	v38 =	vand.u32 $0x1C00, v40;
	v29 =	vld.idx.msk [tilespmem:v29+s16+$0x0], $0xffff  }
0x157: {  	v36 =	vor.u32 v2, v36;
	v28 =	vor.u32 v0, v28;
	v38 =	vor.u32 v38, v39  }
0x158: {  	v33 =	vand.u32 $0x3FF, v33;
	v31 =	vor.u32 v2, v31;
	v38 =	vor.u32 v2, v38;
	[tilespmem:v26+s21+$0x0] =	vst.idx.msk $0xffff, v25  }
0x159: {  	v25 =	vshll.u32 v33, $0x4;
	v26 =	vand.u32 $0x7F, v34;
	v33 =	vshll.u32 v34, $0x3;
	v27 =	vld.idx.msk [tilespmem:v27+s16+$0x0], $0xffff  }
0x15a: {  	v39 =	vadd.s32 s28, v4;
	v25 =	vor.u32 v0, v25;
	v33 =	vand.u32 $0x1C00, v33  }
0x15b: {  	v24 =	vand.u32 $0x3FF, v24;
	[tilespmem:v30+s21+$0x0] =	vst.idx.msk $0xffff, v32;
	v30 =	vshll.u32 v39, $0x3;
	v32 =	vand.u32 $0x3FF, v37  }
0x15c: {  	v24 =	vshll.u32 v24, $0x4;
	v37 =	vand.u32 $0x7F, v39;
	v36 =	vld.idx.msk [tilespmem:v36+s16+$0x0], $0xffff;
	v30 =	vand.u32 $0x1C00, v30;
	[tilespmem:v28+s21+$0x0] =	vst.idx.msk $0xffff, v29  }
0x15d: {  	v24 =	vor.u32 v0, v24;
	v28 =	vor.u32 v30, v37;
	v29 =	vld.idx.msk [tilespmem:v38+s16+$0x0], $0xffff;
	v30 =	vshll.u32 v32, $0x4  }
0x15e: {  	v26 =	vor.u32 v33, v26;
	v28 =	vor.u32 v2, v28;
	v31 =	vld.idx.msk [tilespmem:v31+s16+$0x0], $0xffff;
	v30 =	vor.u32 v0, v30  }
0x15f: {  	v33 =	vshll.u32 v35, $0x3;
	v26 =	vor.u32 v2, v26;
	v32 =	vand.u32 $0x3FF, v34;
	[tilespmem:v20+s21+$0x0] =	vst.idx.msk $0xffff, v27  }
0x160: {  	v20 =	vshll.u32 v32, $0x4;
	v27 =	vand.u32 $0x7F, v35;
	v32 =	vand.u32 $0x1C00, v33;
	v21 =	vld.idx.msk [tilespmem:v21+s16+$0x0], $0xffff  }
0x161: {  	v33 =	vadd.s32 s28, v5;
	v20 =	vor.u32 v0, v20;
	v27 =	vor.u32 v32, v27  }
0x162: {  	v32 =	vshll.u32 v33, $0x3;
	v27 =	vor.u32 v2, v27;
	[tilespmem:v24+s21+$0x0] =	vst.idx.msk $0xffff, v36;
	v24 =	vand.u32 $0x3FF, v39  }
0x163: {  	v34 =	vand.u32 $0x7F, v33;
	v32 =	vand.u32 $0x1C00, v32;
	v28 =	vld.idx.msk [tilespmem:v28+s16+$0x0], $0xffff;
	v24 =	vshll.u32 v24, $0x4;
	[tilespmem:v30+s21+$0x0] =	vst.idx.msk $0xffff, v29  }
0x164: {  	v29 =	vor.u32 v32, v34;
	v24 =	vor.u32 v0, v24;
	[tilespmem:v25+s21+$0x0] =	vst.idx.msk $0xffff, v31;
	v25 =	vadd.s32 s30, v5  }
0x165: {  	v30 =	vand.u32 $0x3FF, v35;
	v29 =	vor.u32 v2, v29;
	v26 =	vld.idx.msk [tilespmem:v26+s16+$0x0], $0xffff;
	v31 =	vshll.u32 v25, $0x3  }
0x166: {  	v30 =	vshll.u32 v30, $0x4;
	v32 =	vand.u32 $0x7F, v25;
	v31 =	vand.u32 $0x1C00, v31;
	[tilespmem:v22+s21+$0x0] =	vst.idx.msk $0xffff, v21  }
0x167: {  	v21 =	vor.u32 v0, v30;
	v30 =	vadd.s32 s30, v6;
	v22 =	vor.u32 v31, v32;
	v23 =	vld.idx.msk [tilespmem:v23+s16+$0x0], $0xffff  }
0x168: {  	v25 =	vand.u32 $0x3FF, v25;
	v31 =	vadd.s32 s28, v6;
	v22 =	vor.u32 v2, v22  }
0x169: {  	v32 =	vshll.u32 v30, $0x3;
	[tilespmem:v24+s21+$0x0] =	vst.idx.msk $0xffff, v28;
	v24 =	vand.u32 $0x3FF, v33;
	v28 =	vshll.u32 v31, $0x3  }
0x16a: {  	v33 =	vand.u32 $0x7F, v31;
	v29 =	vld.idx.msk [tilespmem:v29+s16+$0x0], $0xffff;
	v24 =	vshll.u32 v24, $0x4;
	v28 =	vand.u32 $0x1C00, v28  }
0x16b: {  	v24 =	vor.u32 v0, v24;
	v28 =	vor.u32 v28, v33;
	[tilespmem:v20+s21+$0x0] =	vst.idx.msk $0xffff, v26;
	v20 =	vshll.u32 v25, $0x4  }
0x16c: {  	v25 =	vor.u32 v2, v28;
	v26 =	vld.idx.msk [tilespmem:v27+s16+$0x0], $0xffff;
	v27 =	vand.u32 $0x7F, v30;
	v28 =	vand.u32 $0x1C00, v32  }
0x16d: {  	v20 =	vor.u32 v0, v20;
	v27 =	vor.u32 v28, v27;
	v28 =	vadd.s32 s30, v7;
	[tilespmem:v19+s21+$0x0] =	vst.idx.msk $0xffff, v23  }
0x16e: {  	v19 =	vand.u32 $0x3FF, v30;
	v23 =	vor.u32 v2, v27;
	v27 =	vshll.u32 v28, $0x3  }
0x16f: {  	v30 =	vadd.s32 s28, v7;
	v19 =	vshll.u32 v19, $0x4;
	v27 =	vand.u32 $0x1C00, v27  }
0x170: {  	[tilespmem:v24+s21+$0x0] =	vst.idx.msk $0xffff, v29;
	v24 =	vand.u32 $0x3FF, v31;
	v29 =	vshll.u32 v30, $0x3;
	v31 =	vand.u32 $0x7F, v28  }
0x171: {  	v32 =	vand.u32 $0x7F, v30;
	v25 =	vld.idx.msk [tilespmem:v25+s16+$0x0], $0xffff;
	v24 =	vshll.u32 v24, $0x4;
	v29 =	vand.u32 $0x1C00, v29  }
0x172: {  	v24 =	vor.u32 v0, v24;
	v29 =	vor.u32 v29, v32;
	[tilespmem:v21+s21+$0x0] =	vst.idx.msk $0xffff, v26;
	v21 =	vadd.s32 s30, v8  }
0x173: {  	v19 =	vor.u32 v0, v19;
	v27 =	vor.u32 v27, v31;
	v26 =	vor.u32 v2, v29;
	v22 =	vld.idx.msk [tilespmem:v22+s16+$0x0], $0xffff  }
0x174: {  	v28 =	vand.u32 $0x3FF, v28;
	v27 =	vor.u32 v2, v27;
	v29 =	vshll.u32 v21, $0x3  }
0x175: {  	v28 =	vshll.u32 v28, $0x4;
	v31 =	vand.u32 $0x7F, v21;
	v29 =	vand.u32 $0x1C00, v29  }
0x176: {  	v32 =	vadd.s32 s28, v8;
	v28 =	vor.u32 v0, v28;
	v29 =	vor.u32 v29, v31  }
0x177: {  	v29 =	vor.u32 v2, v29;
	[tilespmem:v24+s21+$0x0] =	vst.idx.msk $0xffff, v25;
	v24 =	vand.u32 $0x3FF, v30;
	v25 =	vshll.u32 v32, $0x3  }
0x178: {  	v30 =	vand.u32 $0x7F, v32;
	v26 =	vld.idx.msk [tilespmem:v26+s16+$0x0], $0xffff;
	v24 =	vshll.u32 v24, $0x4;
	v25 =	vand.u32 $0x1C00, v25  }
0x179: {  	v24 =	vor.u32 v0, v24;
	v25 =	vor.u32 v25, v30;
	[tilespmem:v20+s21+$0x0] =	vst.idx.msk $0xffff, v22;
	v20 =	vadd.s32 s30, v9  }
0x17a: {  	v21 =	vand.u32 $0x3FF, v21;
	v22 =	vor.u32 v2, v25;
	v23 =	vld.idx.msk [tilespmem:v23+s16+$0x0], $0xffff;
	v25 =	vshll.u32 v20, $0x3  }
0x17b: {  	v21 =	vshll.u32 v21, $0x4;
	v30 =	vand.u32 $0x7F, v20;
	v25 =	vand.u32 $0x1C00, v25  }
0x17c: {  	v21 =	vor.u32 v0, v21;
	v25 =	vor.u32 v25, v30;
	v30 =	vadd.s32 s30, v10  }
0x17d: {  	v31 =	vadd.s32 s28, v9;
	v20 =	vand.u32 $0x3FF, v20;
	v25 =	vor.u32 v2, v25  }
0x17e: {  	[tilespmem:v24+s21+$0x0] =	vst.idx.msk $0xffff, v26;
	v24 =	vand.u32 $0x3FF, v32;
	v26 =	vshll.u32 v31, $0x3;
	v32 =	vshll.u32 v30, $0x3  }
0x17f: {  	v33 =	vand.u32 $0x7F, v31;
	v22 =	vld.idx.msk [tilespmem:v22+s16+$0x0], $0xffff;
	v24 =	vshll.u32 v24, $0x4;
	v26 =	vand.u32 $0x1C00, v26  }
0x180: {  	v24 =	vor.u32 v0, v24;
	v26 =	vor.u32 v26, v33;
	[tilespmem:v19+s21+$0x0] =	vst.idx.msk $0xffff, v23;
	v19 =	vshll.u32 v20, $0x4  }
0x181: {  	v20 =	vor.u32 v2, v26;
	v23 =	vld.idx.msk [tilespmem:v27+s16+$0x0], $0xffff;
	v26 =	vand.u32 $0x7F, v30;
	v27 =	vand.u32 $0x1C00, v32  }
0x182: {  	v19 =	vor.u32 v0, v19;
	v26 =	vor.u32 v27, v26;
	v27 =	vadd.s32 s30, v11  }
0x183: {  	v30 =	vand.u32 $0x3FF, v30;
	v26 =	vor.u32 v2, v26;
	v32 =	vshll.u32 v27, $0x3  }
0x184: {  	v33 =	vadd.s32 s28, v10;
	v30 =	vshll.u32 v30, $0x4;
	v32 =	vand.u32 $0x1C00, v32  }
0x185: {  	[tilespmem:v24+s21+$0x0] =	vst.idx.msk $0xffff, v22;
	v22 =	vand.u32 $0x3FF, v31;
	v24 =	vshll.u32 v33, $0x3;
	v31 =	vand.u32 $0x7F, v27  }
0x186: {  	v34 =	vand.u32 $0x7F, v33;
	v20 =	vld.idx.msk [tilespmem:v20+s16+$0x0], $0xffff;
	v22 =	vshll.u32 v22, $0x4;
	v24 =	vand.u32 $0x1C00, v24  }
0x187: {  	v22 =	vor.u32 v0, v22;
	v24 =	vor.u32 v24, v34;
	[tilespmem:v28+s21+$0x0] =	vst.idx.msk $0xffff, v23;
	v23 =	vadd.s32 s30, v12  }
0x188: {  	v24 =	vor.u32 v2, v24;
	v28 =	vld.idx.msk [tilespmem:v29+s16+$0x0], $0xffff;
	v29 =	vor.u32 v0, v30;
	v30 =	vor.u32 v32, v31  }
0x189: {  	v27 =	vand.u32 $0x3FF, v27;
	v31 =	vshll.u32 v23, $0x3;
	v30 =	vor.u32 v2, v30  }
0x18a: {  	v27 =	vshll.u32 v27, $0x4;
	v32 =	vand.u32 $0x7F, v23;
	v31 =	vand.u32 $0x1C00, v31  }
0x18b: {  	v34 =	vadd.s32 s28, v11;
	v35 =	vor.u32 v0, v27;
	v27 =	vor.u32 v31, v32  }
0x18c: {  	v31 =	vor.u32 v2, v27;
	[tilespmem:v22+s21+$0x0] =	vst.idx.msk $0xffff, v20;
	v20 =	vand.u32 $0x3FF, v33;
	v22 =	vshll.u32 v34, $0x3  }
0x18d: {  	v27 =	vand.u32 $0x7F, v34;
	v24 =	vld.idx.msk [tilespmem:v24+s16+$0x0], $0xffff;
	v20 =	vshll.u32 v20, $0x4;
	v22 =	vand.u32 $0x1C00, v22  }
0x18e: {  	v20 =	vor.u32 v0, v20;
	v22 =	vor.u32 v22, v27;
	[tilespmem:v21+s21+$0x0] =	vst.idx.msk $0xffff, v28;
	v21 =	vadd.s32 s30, v13  }
0x18f: {  	v23 =	vand.u32 $0x3FF, v23;
	v22 =	vor.u32 v2, v22;
	v25 =	vld.idx.msk [tilespmem:v25+s16+$0x0], $0xffff;
	v27 =	vshll.u32 v21, $0x3  }
0x190: {  	v23 =	vshll.u32 v23, $0x4;
	v28 =	vand.u32 $0x7F, v21;
	v27 =	vand.u32 $0x1C00, v27  }
0x191: {  	v33 =	vor.u32 v0, v23;
	v23 =	vor.u32 v27, v28;
	v27 =	vadd.s32 s30, v14  }
0x192: {  	v21 =	vand.u32 $0x3FF, v21;
	v28 =	vadd.s32 s28, v12;
	v36 =	vor.u32 v2, v23  }
0x193: {  	v23 =	vshll.u32 v28, $0x3;
	[tilespmem:v20+s21+$0x0] =	vst.idx.msk $0xffff, v24;
	v20 =	vand.u32 $0x3FF, v34;
	v24 =	vshll.u32 v27, $0x3  }
0x194: {  	v32 =	vand.u32 $0x7F, v28;
	v23 =	vand.u32 $0x1C00, v23;
	v22 =	vld.idx.msk [tilespmem:v22+s16+$0x0], $0xffff;
	v20 =	vshll.u32 v20, $0x4  }
0x195: {  	v23 =	vor.u32 v23, v32;
	v20 =	vor.u32 v0, v20;
	[tilespmem:v19+s21+$0x0] =	vst.idx.msk $0xffff, v25;
	v19 =	vshll.u32 v21, $0x4  }
0x196: {  	v21 =	vor.u32 v2, v23;
	v25 =	vand.u32 $0x7F, v27;
	v23 =	vld.idx.msk [tilespmem:v26+s16+$0x0], $0xffff;
	v26 =	vand.u32 $0x1C00, v24  }
0x197: {  	v32 =	vadd.s32 s30, v15;
	v24 =	vor.u32 v0, v19;
	v19 =	vor.u32 v26, v25  }
0x198: {  	v26 =	vand.u32 $0x3FF, v27;
	v25 =	vor.u32 v2, v19;
	v19 =	vshll.u32 v32, $0x3  }
0x199: {  	v34 =	vadd.s32 s28, v13;
	v26 =	vshll.u32 v26, $0x4;
	v19 =	vand.u32 $0x1C00, v19  }
0x19a: {  	v27 =	vand.u32 $0x7F, v32;
	[tilespmem:v20+s21+$0x0] =	vst.idx.msk $0xffff, v22;
	v20 =	vand.u32 $0x3FF, v28;
	v22 =	vshll.u32 v34, $0x3  }
0x19b: {  	v28 =	vand.u32 $0x7F, v34;
	v21 =	vld.idx.msk [tilespmem:v21+s16+$0x0], $0xffff;
	v20 =	vshll.u32 v20, $0x4;
	v22 =	vand.u32 $0x1C00, v22  }
0x19c: {  	v37 =	vor.u32 v0, v20;
	v20 =	vor.u32 v22, v28;
	[tilespmem:v29+s21+$0x0] =	vst.idx.msk $0xffff, v23;
	v22 =	vadd.s32 s30, v16  }
0x19d: {  	v26 =	vor.u32 v0, v26;
	v19 =	vor.u32 v19, v27;
	v23 =	vor.u32 v2, v20;
	v28 =	vld.idx.msk [tilespmem:v30+s16+$0x0], $0xffff  }
0x19e: {  	v27 =	vor.u32 v2, v19;
	v20 =	vand.u32 $0x3FF, v32;
	v19 =	vshll.u32 v22, $0x3  }
0x19f: {  	v29 =	vand.u32 $0x7F, v22;
	v20 =	vshll.u32 v20, $0x4;
	v19 =	vand.u32 $0x1C00, v19  }
0x1a0: {  	v30 =	vadd.s32 s28, v14;
	v20 =	vor.u32 v0, v20;
	v19 =	vor.u32 v19, v29  }
0x1a1: {  	v32 =	vshll.u32 v30, $0x3;
	v29 =	vand.u32 $0x3FF, v34;
	[tilespmem:v37+s21+$0x0] =	vst.idx.msk $0xffff, v21;
	v21 =	vor.u32 v2, v19  }
0x1a2: {  	v32 =	vand.u32 $0x1C00, v32;
	v19 =	vld.idx.msk [tilespmem:v23+s16+$0x0], $0xffff;
	v23 =	vshll.u32 v29, $0x4;
	v29 =	vand.u32 $0x7F, v30  }
0x1a3: {  	v34 =	vor.u32 v0, v23;
	v23 =	vor.u32 v32, v29;
	[tilespmem:v35+s21+$0x0] =	vst.idx.msk $0xffff, v28;
	v28 =	vadd.s32 s30, v17  }
0x1a4: {  	v22 =	vand.u32 $0x3FF, v22;
	v29 =	vor.u32 v2, v23;
	v31 =	vld.idx.msk [tilespmem:v31+s16+$0x0], $0xffff;
	v23 =	vshll.u32 v28, $0x3  }
0x1a5: {  	v22 =	vshll.u32 v22, $0x4;
	v32 =	vand.u32 $0x7F, v28;
	v23 =	vand.u32 $0x1C00, v23  }
0x1a6: {  	v22 =	vor.u32 v0, v22;
	v35 =	vand.u32 $0x3FF, v28;
	v23 =	vor.u32 v23, v32  }
.Ltmp3:
0x1a7: {  	v28 =	vadd.s32 s28, v15;
	v32 =	vshll.u32 v35, $0x4;
	v23 =	vor.u32 v2, v23;
	(pc) =	sbr.rel @p2 .LBB2_5-.Ltmp3, $4  }
0x1a8: {  	v30 =	vand.u32 $0x3FF, v30;
	[tilespmem:v34+s21+$0x0] =	vst.idx.msk $0xffff, v19;
	v34 =	vshll.u32 v28, $0x3;
	v19 =	vor.u32 v0, v32  }
0x1a9: {  	v30 =	vshll.u32 v30, $0x4;
	v35 =	vand.u32 $0x7F, v28;
	v29 =	vld.idx.msk [tilespmem:v29+s16+$0x0], $0xffff;
	v34 =	vand.u32 $0x1C00, v34  }
0x1aa: {  	v32 =	vor.u32 v0, v30;
	v30 =	vor.u32 v34, v35;
	[tilespmem:v33+s21+$0x0] =	vst.idx.msk $0xffff, v31  }
0x1ab: {  	s30 =	sadd.s32 $0x20, s30;
	v30 =	vor.u32 v2, v30;
	v31 =	vld.idx.msk [tilespmem:v36+s16+$0x0], $0xffff  }
0x1ac: {  	_ =	sdelay $0x3  }
0x1ad: {  	[tilespmem:v24+s21+$0x0] =	vst.idx.msk $0xffff, v31  }
0x1ae: {  	v24 =	vld.idx.msk [tilespmem:v25+s16+$0x0], $0xffff;
	_ =	sdelay $0x1  }
0x1af: {  	v54 =	vadd.s32 s28, v16  }
0x1b0: {  	v28 =	vand.u32 $0x3FF, v28;
	v55 =	vshll.u32 v54, $0x3  }
0x1b1: {  	v33 =	vand.u32 $0x7F, v54;
	v28 =	vshll.u32 v28, $0x4;
	[tilespmem:v32+s21+$0x0] =	vst.idx.msk $0xffff, v29;
	v56 =	vand.u32 $0x1C00, v55  }
0x1b2: {  	v28 =	vor.u32 v0, v28;
	v30 =	vld.idx.msk [tilespmem:v30+s16+$0x0], $0xffff;
	v29 =	vor.u32 v56, v33;
	[tilespmem:v26+s21+$0x0] =	vst.idx.msk $0xffff, v24  }
0x1b3: {  	v57 =	vor.u32 v2, v29;
	v26 =	vld.idx.msk [tilespmem:v27+s16+$0x0], $0xffff;
	_ =	sdelay $0x1  }
0x1b4: {  	v58 =	vadd.s32 s28, v17  }
0x1b5: {  	v59 =	vshll.u32 v58, $0x3;
	v25 =	vand.u32 $0x3FF, v54  }
0x1b6: {  	v60 =	vand.u32 $0x7F, v58;
	v61 =	vand.u32 $0x1C00, v59;
	v25 =	vshll.u32 v25, $0x4;
	[tilespmem:v28+s21+$0x0] =	vst.idx.msk $0xffff, v30  }
0x1b7: {  	v25 =	vor.u32 v0, v25;
	v28 =	vor.u32 v61, v60;
	v24 =	vld.idx.msk [tilespmem:v57+s16+$0x0], $0xffff;
	[tilespmem:v20+s21+$0x0] =	vst.idx.msk $0xffff, v26  }
0x1b8: {  	v20 =	vor.u32 v2, v28;
	v21 =	vld.idx.msk [tilespmem:v21+s16+$0x0], $0xffff;
	_ =	sdelay $0x2  }
0x1b9: {  	v62 =	vand.u32 $0x3FF, v58  }
0x1ba: {  	v63 =	vshll.u32 v62, $0x4;
	[tilespmem:v25+s21+$0x0] =	vst.idx.msk $0xffff, v24  }
0x1bb: {  	v24 =	vor.u32 v0, v63;
	v20 =	vld.idx.msk [tilespmem:v20+s16+$0x0], $0xffff;
	[tilespmem:v22+s21+$0x0] =	vst.idx.msk $0xffff, v21  }
0x1bc: {  	s25 =	sadd.s32 $0x1, s25;
	v21 =	vld.idx.msk [tilespmem:v23+s16+$0x0], $0xffff  }
0x1bd: {  	p2 =	sne.s32 s25, s7  }
.Ltmp4:
0x1be: {  	_ = 	snop;
	(pc) =	sbr.rel @p2 .LBB2_2-.Ltmp4, $4  }
0x1bf: {  	s2 =	sshll.u32 s26, $0xB  }
0x1c0: {  	s2 =	sand.u32 $0x1FFFF800, s2;
	[tilespmem:v24+s21+$0x0] =	vst.idx.msk $0xffff, v20  }
0x1c1: {  	s2 =	sadd.s32 s3, s2;
	[tilespmem:v19+s21+$0x0] =	vst.idx.msk $0xffff, v21  }
0x1c2: {  	[hbm4b:s2+s5] =	stream.linear.scatter [tilespmem:s21], [sflag:$0x4], $0x4000, $0x38;
	[tilespmem:$0x10000] =	vst v63  }
0x1c3: {  	_ =	swait.ge [sflag:s22], $0x4000  }
.Ltmp5:
0x1c4: {  	[sflag:s22] =	ssyncset.done $0x0;
	(pc) =	sbr.rel @p0 .LBB2_11-.Ltmp5, $4  }
0x1c5: {  	[sflag:s22] =	ssyncadd.s32 $0xFFFFC000  }
0x1c6: {  	_ =	swait.ge [sflag:s23], $0x4000  }
0x1c7: {  	[sflag:s23] =	ssyncset.done $0x0  }
0x1c8: {  	[sflag:s23] =	ssyncadd.s32 $0xFFFFC000  }
0x1c9: {  	s25 =	simm.s32 $0x0;
	s26 =	simm.s32 $0x10  }
0x1ca: {  	v19 =	vadd.s32 s25, v1;
	v20 =	vadd.s32 s26, v1  }
0x1cb: {  	v22 =	vadd.s32 s26, v3;
	v24 =	vadd.s32 s26, v4;
	v26 =	vadd.s32 s25, v3  }
0x1cc: {  	v32 =	vadd.s32 s25, v5;
	v56 =	vadd.s32 s26, v6;
	v34 =	vadd.s32 s25, v6  }
0x1cd: {  	v40 =	vadd.s32 s26, v8;
	v42 =	vadd.s32 s25, v8;
	v44 =	vadd.s32 s25, v9  }
0x1ce: {  	v51 =	vadd.s32 s26, v12;
	v54 =	vadd.s32 s25, v11;
	v21 =	vshll.u32 v19, $0x3  }
0x1cf: {  	v23 =	vand.u32 $0x7F, v19;
	v25 =	vshll.u32 v20, $0x3;
	v19 =	vand.u32 $0x3FF, v19  }
0x1d0: {  	v27 =	vshll.u32 v26, $0x3;
	v28 =	vand.u32 $0x7F, v26;
	v21 =	vand.u32 $0x1C00, v21  }
0x1d1: {  	v29 =	vshll.u32 v22, $0x3;
	v26 =	vand.u32 $0x3FF, v26;
	v21 =	vor.u32 v21, v23  }
0x1d2: {  	v57 =	vshll.u32 v56, $0x3;
	v35 =	vand.u32 $0x7F, v34;
	v21 =	vor.u32 v2, v21  }
0x1d3: {  	v58 =	vand.u32 $0x3FF, v56;
	v61 =	vand.u32 $0x3FF, v34;
	v41 =	vshll.u32 v40, $0x3  }
0x1d4: {  	_ =	swait.ge [sflag:s18], $0x4000;
	v46 =	vand.u32 $0x7F, v44;
	v52 =	vshll.u32 v51, $0x3;
	v25 =	vand.u32 $0x1C00, v25  }
0x1d5: {  	[sflag:s18] =	ssyncset.done $0x0;
	v19 =	vshll.u32 v19, $0x4;
	v27 =	vand.u32 $0x1C00, v27;
	v23 =	vand.u32 $0x7F, v20  }
0x1d6: {  	[sflag:s18] =	ssyncadd.s32 $0xFFFFC000;
	v29 =	vand.u32 $0x1C00, v29;
	v26 =	vshll.u32 v26, $0x4;
	v23 =	vor.u32 v25, v23  }
0x1d7: {  	v19 =	vor.u32 v0, v19;
	v25 =	vor.u32 v27, v28;
	v23 =	vor.u32 v2, v23;
	v21 =	vld.idx.msk [tilespmem:v21+s5+$0x0], $0xffff  }
0x1d8: {  	v53 =	vand.u32 $0x1C00, v52;
	v20 =	vand.u32 $0x3FF, v20;
	v25 =	vor.u32 v2, v25  }
0x1d9: {  	v26 =	vor.u32 v0, v26;
	v20 =	vshll.u32 v20, $0x4;
	v27 =	vand.u32 $0x7F, v22  }
0x1da: {  	v28 =	vadd.s32 s25, v4;
	v22 =	vand.u32 $0x3FF, v22;
	v20 =	vor.u32 v0, v20  }
0x1db: {  	v30 =	vshll.u32 v28, $0x3;
	v31 =	vand.u32 $0x7F, v28;
	v27 =	vor.u32 v29, v27  }
0x1dc: {  	v29 =	vshll.u32 v24, $0x3;
	v22 =	vshll.u32 v22, $0x4;
	v30 =	vand.u32 $0x1C00, v30;
	v23 =	vld.idx.msk [tilespmem:v23+s5+$0x0], $0xffff;
	[tilespmem:v19+s19+$0x0] =	vst.idx.msk $0xffff, v21  }
0x1dd: {  	v28 =	vand.u32 $0x3FF, v28;
	v27 =	vor.u32 v2, v27;
	v30 =	vor.u32 v30, v31;
	v25 =	vld.idx.msk [tilespmem:v25+s5+$0x0], $0xffff  }
0x1de: {  	v29 =	vand.u32 $0x1C00, v29;
	v31 =	vand.u32 $0x7F, v24;
	v30 =	vor.u32 v2, v30  }
0x1df: {  	v22 =	vor.u32 v0, v22;
	v24 =	vand.u32 $0x3FF, v24;
	v29 =	vor.u32 v29, v31  }
0x1e0: {  	v31 =	vshll.u32 v32, $0x3;
	v24 =	vshll.u32 v24, $0x4;
	v29 =	vor.u32 v2, v29  }
0x1e1: {  	v19 =	vshll.u32 v28, $0x4;
	v21 =	vand.u32 $0x7F, v32;
	v28 =	vand.u32 $0x1C00, v31;
	[tilespmem:v20+s19+$0x0] =	vst.idx.msk $0xffff, v23  }
0x1e2: {  	v24 =	vor.u32 v0, v24;
	v21 =	vor.u32 v28, v21;
	v27 =	vld.idx.msk [tilespmem:v27+s5+$0x0], $0xffff;
	[tilespmem:v26+s19+$0x0] =	vst.idx.msk $0xffff, v25  }
0x1e3: {  	v19 =	vor.u32 v0, v19;
	v28 =	vadd.s32 s26, v5;
	v21 =	vor.u32 v2, v21;
	v30 =	vld.idx.msk [tilespmem:v30+s5+$0x0], $0xffff  }
0x1e4: {  	v31 =	vshll.u32 v28, $0x3;
	v33 =	vand.u32 $0x7F, v28;
	v28 =	vand.u32 $0x3FF, v28  }
0x1e5: {  	v23 =	vand.u32 $0x7F, v56;
	v31 =	vand.u32 $0x1C00, v31;
	v28 =	vshll.u32 v28, $0x4  }
0x1e6: {  	v31 =	vor.u32 v31, v33;
	v28 =	vor.u32 v0, v28;
	v26 =	vshll.u32 v34, $0x3  }
0x1e7: {  	v31 =	vor.u32 v2, v31;
	v25 =	vand.u32 $0x3FF, v32;
	v26 =	vand.u32 $0x1C00, v26;
	[tilespmem:v22+s19+$0x0] =	vst.idx.msk $0xffff, v27  }
0x1e8: {  	v33 =	vshll.u32 v61, $0x4;
	v25 =	vshll.u32 v25, $0x4;
	v26 =	vor.u32 v26, v35;
	v29 =	vld.idx.msk [tilespmem:v29+s5+$0x0], $0xffff;
	[tilespmem:v19+s19+$0x0] =	vst.idx.msk $0xffff, v30  }
0x1e9: {  	v25 =	vor.u32 v0, v25;
	v20 =	vor.u32 v2, v26;
	v26 =	vand.u32 $0x1C00, v57;
	v21 =	vld.idx.msk [tilespmem:v21+s5+$0x0], $0xffff  }
0x1ea: {  	v22 =	vor.u32 v0, v33;
	v33 =	vand.u32 $0x3FF, v44;
	v23 =	vor.u32 v26, v23  }
0x1eb: {  	v33 =	vshll.u32 v33, $0x4;
	v26 =	vadd.s32 s26, v7;
	v23 =	vor.u32 v2, v23  }
0x1ec: {  	v59 =	vshll.u32 v26, $0x3;
	v63 =	vand.u32 $0x7F, v26;
	v19 =	vadd.s32 s25, v7  }
0x1ed: {  	v26 =	vand.u32 $0x3FF, v26;
	v30 =	vshll.u32 v58, $0x4;
	v62 =	vshll.u32 v19, $0x3;
	[tilespmem:v24+s19+$0x0] =	vst.idx.msk $0xffff, v29  }
0x1ee: {  	v60 =	vand.u32 $0x1C00, v59;
	v36 =	vand.u32 $0x7F, v19;
	v34 =	vand.u32 $0x1C00, v62;
	v29 =	vld.idx.msk [tilespmem:v31+s5+$0x0], $0xffff;
	[tilespmem:v25+s19+$0x0] =	vst.idx.msk $0xffff, v21  }
0x1ef: {  	v30 =	vor.u32 v0, v30;
	v32 =	vor.u32 v60, v63;
	v27 =	vor.u32 v34, v36;
	v20 =	vld.idx.msk [tilespmem:v20+s5+$0x0], $0xffff  }
0x1f0: {  	v19 =	vand.u32 $0x3FF, v19;
	v24 =	vand.u32 $0x7F, v42;
	v27 =	vor.u32 v2, v27  }
0x1f1: {  	v60 =	vadd.s32 s26, v17;
	v32 =	vor.u32 v2, v32;
	v19 =	vshll.u32 v19, $0x4  }
0x1f2: {  	v21 =	vshll.u32 v26, $0x4;
	v25 =	vand.u32 $0x7F, v40;
	v26 =	vand.u32 $0x1C00, v41  }
0x1f3: {  	v19 =	vor.u32 v0, v19;
	v25 =	vor.u32 v26, v25;
	v26 =	vshll.u32 v42, $0x3;
	[tilespmem:v28+s19+$0x0] =	vst.idx.msk $0xffff, v29  }
0x1f4: {  	v31 =	vand.u32 $0x3FF, v40;
	v21 =	vor.u32 v0, v21;
	v26 =	vand.u32 $0x1C00, v26;
	v23 =	vld.idx.msk [tilespmem:v23+s5+$0x0], $0xffff;
	[tilespmem:v22+s19+$0x0] =	vst.idx.msk $0xffff, v20  }
0x1f5: {  	v28 =	vand.u32 $0x3FF, v42;
	v29 =	vshll.u32 v44, $0x3;
	v24 =	vor.u32 v26, v24;
	v27 =	vld.idx.msk [tilespmem:v27+s5+$0x0], $0xffff  }
0x1f6: {  	v25 =	vor.u32 v2, v25;
	v28 =	vshll.u32 v28, $0x4;
	v24 =	vor.u32 v2, v24  }
0x1f7: {  	v29 =	vand.u32 $0x1C00, v29;
	v26 =	vadd.s32 s26, v9;
	v28 =	vor.u32 v0, v28  }
0x1f8: {  	v29 =	vor.u32 v29, v46;
	v43 =	vshll.u32 v26, $0x3;
	v20 =	vshll.u32 v31, $0x4  }
0x1f9: {  	v22 =	vand.u32 $0x7F, v26;
	v31 =	vand.u32 $0x1C00, v43;
	v20 =	vor.u32 v0, v20;
	[tilespmem:v30+s19+$0x0] =	vst.idx.msk $0xffff, v23  }
0x1fa: {  	v26 =	vand.u32 $0x3FF, v26;
	v22 =	vor.u32 v31, v22;
	v31 =	vadd.s32 s26, v10;
	v32 =	vld.idx.msk [tilespmem:v32+s5+$0x0], $0xffff;
	[tilespmem:v19+s19+$0x0] =	vst.idx.msk $0xffff, v27  }
0x1fb: {  	v26 =	vshll.u32 v26, $0x4;
	v23 =	vadd.s32 s25, v10;
	v22 =	vor.u32 v2, v22;
	v24 =	vld.idx.msk [tilespmem:v24+s5+$0x0], $0xffff  }
0x1fc: {  	v45 =	vshll.u32 v31, $0x3;
	v26 =	vor.u32 v0, v26;
	v19 =	vor.u32 v2, v29  }
0x1fd: {  	v48 =	vshll.u32 v23, $0x3;
	v50 =	vand.u32 $0x7F, v23;
	v23 =	vand.u32 $0x3FF, v23  }
0x1fe: {  	v34 =	vand.u32 $0x1C00, v48;
	v27 =	vand.u32 $0x7F, v31;
	v29 =	vand.u32 $0x1C00, v45  }
0x1ff: {  	v31 =	vand.u32 $0x3FF, v31;
	v27 =	vor.u32 v29, v27;
	v29 =	vadd.s32 s26, v11;
	[tilespmem:v21+s19+$0x0] =	vst.idx.msk $0xffff, v32  }
0x200: {  	v30 =	vshll.u32 v31, $0x4;
	v27 =	vor.u32 v2, v27;
	v47 =	vshll.u32 v29, $0x3;
	v25 =	vld.idx.msk [tilespmem:v25+s5+$0x0], $0xffff;
	[tilespmem:v28+s19+$0x0] =	vst.idx.msk $0xffff, v24  }
0x201: {  	v49 =	vand.u32 $0x7F, v29;
	v24 =	vor.u32 v0, v33;
	v28 =	vor.u32 v34, v50;
	v19 =	vld.idx.msk [tilespmem:v19+s5+$0x0], $0xffff  }
0x202: {  	v30 =	vor.u32 v0, v30;
	v29 =	vand.u32 $0x3FF, v29;
	v28 =	vor.u32 v2, v28  }
0x203: {  	v31 =	vand.u32 $0x1C00, v47;
	v21 =	vshll.u32 v29, $0x4;
	v29 =	vand.u32 $0x7F, v51  }
0x204: {  	v31 =	vor.u32 v31, v49;
	v55 =	vor.u32 v0, v21;
	v21 =	vor.u32 v53, v29  }
0x205: {  	v29 =	vshll.u32 v54, $0x3;
	v31 =	vor.u32 v2, v31;
	v32 =	vor.u32 v2, v21;
	[tilespmem:v20+s19+$0x0] =	vst.idx.msk $0xffff, v25  }
0x206: {  	v21 =	vshll.u32 v23, $0x4;
	v23 =	vand.u32 $0x7F, v54;
	v29 =	vand.u32 $0x1C00, v29;
	v22 =	vld.idx.msk [tilespmem:v22+s5+$0x0], $0xffff;
	[tilespmem:v24+s19+$0x0] =	vst.idx.msk $0xffff, v19  }
0x207: {  	v19 =	vor.u32 v0, v21;
	v21 =	vor.u32 v29, v23;
	v23 =	vadd.s32 s26, v13;
	v24 =	vld.idx.msk [tilespmem:v28+s5+$0x0], $0xffff  }
0x208: {  	v21 =	vor.u32 v2, v21;
	v28 =	vand.u32 $0x3FF, v51;
	v29 =	vshll.u32 v23, $0x3  }
0x209: {  	v25 =	vand.u32 $0x7F, v23;
	v20 =	vshll.u32 v28, $0x4;
	v28 =	vand.u32 $0x1C00, v29  }
0x20a: {  	v23 =	vand.u32 $0x3FF, v23;
	v56 =	vor.u32 v0, v20;
	v20 =	vor.u32 v28, v25  }
0x20b: {  	[tilespmem:v26+s19+$0x0] =	vst.idx.msk $0xffff, v22;
	v28 =	vadd.s32 s25, v12;
	v57 =	vor.u32 v2, v20;
	v20 =	vand.u32 $0x3FF, v54  }
0x20c: {  	v27 =	vld.idx.msk [tilespmem:v27+s5+$0x0], $0xffff;
	v25 =	vadd.s32 s26, v14;
	v29 =	vshll.u32 v28, $0x3;
	[tilespmem:v19+s19+$0x0] =	vst.idx.msk $0xffff, v24;
	v19 =	vshll.u32 v20, $0x4  }
0x20d: {  	v20 =	vand.u32 $0x7F, v28;
	v24 =	vand.u32 $0x1C00, v29;
	v21 =	vld.idx.msk [tilespmem:v21+s5+$0x0], $0xffff;
	v19 =	vor.u32 v0, v19  }
0x20e: {  	v23 =	vshll.u32 v23, $0x4;
	v58 =	vshll.u32 v25, $0x3;
	v20 =	vor.u32 v24, v20  }
0x20f: {  	v22 =	vand.u32 $0x7F, v25;
	v26 =	vand.u32 $0x1C00, v58;
	v20 =	vor.u32 v2, v20  }
0x210: {  	v22 =	vor.u32 v26, v22;
	v26 =	vand.u32 $0x3FF, v25;
	v29 =	vadd.s32 s25, v13  }
0x211: {  	v24 =	vor.u32 v0, v23;
	v23 =	vadd.s32 s26, v15;
	v25 =	vor.u32 v2, v22;
	[tilespmem:v30+s19+$0x0] =	vst.idx.msk $0xffff, v27  }
0x212: {  	v26 =	vshll.u32 v26, $0x4;
	v30 =	vadd.s32 s26, v16;
	[tilespmem:v19+s19+$0x0] =	vst.idx.msk $0xffff, v21;
	v19 =	vand.u32 $0x3FF, v28  }
0x213: {  	v22 =	vshll.u32 v23, $0x3;
	v21 =	vshll.u32 v29, $0x3;
	v19 =	vshll.u32 v19, $0x4  }
0x214: {  	v59 =	vld.idx.msk [tilespmem:v20+s5+$0x0], $0xffff;
	v20 =	vand.u32 $0x7F, v29;
	v21 =	vand.u32 $0x1C00, v21;
	v19 =	vor.u32 v0, v19  }
0x215: {  	v26 =	vor.u32 v0, v26;
	v22 =	vand.u32 $0x1C00, v22;
	v20 =	vor.u32 v21, v20  }
0x216: {  	v28 =	vand.u32 $0x7F, v23;
	v21 =	vand.u32 $0x3FF, v23;
	v37 =	vor.u32 v2, v20  }
0x217: {  	v23 =	vand.u32 $0x7F, v30;
	v20 =	vor.u32 v22, v28;
	v22 =	vld.idx.msk [tilespmem:v31+s5+$0x0], $0xffff;
	v21 =	vshll.u32 v21, $0x4  }
0x218: {  	v31 =	vadd.s32 s25, v14;
	v27 =	vor.u32 v2, v20;
	v20 =	vshll.u32 v30, $0x3  }
0x219: {  	v28 =	vand.u32 $0x1C00, v20;
	v20 =	vor.u32 v0, v21;
	[tilespmem:v19+s19+$0x0] =	vst.idx.msk $0xffff, v59;
	v19 =	vand.u32 $0x3FF, v29  }
0x21a: {  	v21 =	vor.u32 v28, v23;
	v23 =	vshll.u32 v31, $0x3;
	v19 =	vshll.u32 v19, $0x4  }
0x21b: {  	v28 =	vand.u32 $0x7F, v31;
	v23 =	vand.u32 $0x1C00, v23;
	v29 =	vld.idx.msk [tilespmem:v37+s5+$0x0], $0xffff;
	v19 =	vor.u32 v0, v19  }
0x21c: {  	v21 =	vor.u32 v2, v21;
	v23 =	vor.u32 v23, v28;
	[tilespmem:v55+s19+$0x0] =	vst.idx.msk $0xffff, v22;
	v22 =	vand.u32 $0x3FF, v30  }
0x21d: {  	v28 =	vand.u32 $0x7F, v60;
	v61 =	vor.u32 v2, v23;
	v32 =	vld.idx.msk [tilespmem:v32+s5+$0x0], $0xffff;
	v23 =	vshll.u32 v60, $0x3  }
0x21e: {  	v30 =	vand.u32 $0x3FF, v60;
	v22 =	vshll.u32 v22, $0x4;
	v23 =	vand.u32 $0x1C00, v23  }
0x21f: {  	v30 =	vshll.u32 v30, $0x4;
	v23 =	vor.u32 v23, v28;
	v28 =	vadd.s32 s25, v15  }
0x220: {  	v22 =	vor.u32 v0, v22;
	v62 =	vshll.u32 v28, $0x3;
	[tilespmem:v19+s19+$0x0] =	vst.idx.msk $0xffff, v29;
	v19 =	vand.u32 $0x3FF, v31  }
0x221: {  	v34 =	vand.u32 $0x1C00, v62;
	v31 =	vand.u32 $0x7F, v28;
	v63 =	vshll.u32 v19, $0x4  }
0x222: {  	[tilespmem:v56+s19+$0x0] =	vst.idx.msk $0xffff, v32;
	v29 =	vld.idx.msk [tilespmem:v61+s5+$0x0], $0xffff;
	v31 =	vor.u32 v34, v31;
	v32 =	vor.u32 v0, v63  }
0x223: {  	s28 =	simm.s32 $0x30;
	s26 =	simm.s32 $0x0;
	v23 =	vor.u32 v2, v23;
	v19 =	vor.u32 v0, v30;
	v30 =	vor.u32 v2, v31;
	v31 =	vld.idx.msk [tilespmem:v57+s5+$0x0], $0xffff  }
.LBB2_9:
0x224: {  	s2 =	sadd.s32 $0xFFFFFFF0, s28;
	v33 =	vadd.s32 s28, v1;
	v34 =	vadd.s32 s28, v3;
	v35 =	vadd.s32 s28, v4;
	s26 =	sadd.s32 $0x2, s26  }
0x225: {  	v38 =	vadd.s32 s25, v16;
	v36 =	vadd.s32 s2, v1;
	v37 =	vshll.u32 v33, $0x3;
	p2 =	slt.u32 s26, $0x3E  }
0x226: {  	v28 =	vand.u32 $0x3FF, v28;
	v40 =	vand.u32 $0x7F, v38;
	v39 =	vshll.u32 v36, $0x3  }
0x227: {  	v41 =	vand.u32 $0x7F, v36;
	v39 =	vand.u32 $0x1C00, v39;
	[tilespmem:v32+s19+$0x0] =	vst.idx.msk $0xffff, v29;
	v29 =	vshll.u32 v38, $0x3  }
0x228: {  	v28 =	vshll.u32 v28, $0x4;
	v32 =	vor.u32 v39, v41;
	v30 =	vld.idx.msk [tilespmem:v30+s5+$0x0], $0xffff;
	v29 =	vand.u32 $0x1C00, v29  }
0x229: {  	v28 =	vor.u32 v0, v28;
	v32 =	vor.u32 v2, v32;
	v29 =	vor.u32 v29, v40  }
0x22a: {  	v37 =	vand.u32 $0x1C00, v37;
	v39 =	vand.u32 $0x7F, v33;
	v29 =	vor.u32 v2, v29;
	[tilespmem:v24+s19+$0x0] =	vst.idx.msk $0xffff, v31  }
0x22b: {  	v24 =	vadd.s32 s2, v3;
	v31 =	vor.u32 v37, v39;
	v37 =	vadd.s32 s25, v17;
	s25 =	smov.u32 s2;
	v25 =	vld.idx.msk [tilespmem:v25+s5+$0x0], $0xffff  }
0x22c: {  	v38 =	vand.u32 $0x3FF, v38;
	v39 =	vand.u32 $0x7F, v37;
	v40 =	vshll.u32 v37, $0x3  }
0x22d: {  	v36 =	vand.u32 $0x3FF, v36;
	v41 =	vand.u32 $0x7F, v24;
	v42 =	vshll.u32 v24, $0x3  }
0x22e: {  	v36 =	vshll.u32 v36, $0x4;
	v42 =	vand.u32 $0x1C00, v42;
	v32 =	vld.idx.msk [tilespmem:v32+s5+$0x0], $0xffff;
	[tilespmem:v28+s19+$0x0] =	vst.idx.msk $0xffff, v30;
	v28 =	vshll.u32 v38, $0x4  }
0x22f: {  	v30 =	vor.u32 v0, v36;
	v36 =	vor.u32 v42, v41;
	v38 =	vand.u32 $0x1C00, v40;
	v29 =	vld.idx.msk [tilespmem:v29+s5+$0x0], $0xffff  }
0x230: {  	v36 =	vor.u32 v2, v36;
	v28 =	vor.u32 v0, v28;
	v38 =	vor.u32 v38, v39  }
0x231: {  	v33 =	vand.u32 $0x3FF, v33;
	v31 =	vor.u32 v2, v31;
	v38 =	vor.u32 v2, v38;
	[tilespmem:v26+s19+$0x0] =	vst.idx.msk $0xffff, v25  }
0x232: {  	v25 =	vshll.u32 v33, $0x4;
	v26 =	vand.u32 $0x7F, v34;
	v33 =	vshll.u32 v34, $0x3;
	v27 =	vld.idx.msk [tilespmem:v27+s5+$0x0], $0xffff  }
0x233: {  	v39 =	vadd.s32 s25, v4;
	v25 =	vor.u32 v0, v25;
	v33 =	vand.u32 $0x1C00, v33  }
0x234: {  	v24 =	vand.u32 $0x3FF, v24;
	[tilespmem:v30+s19+$0x0] =	vst.idx.msk $0xffff, v32;
	v30 =	vshll.u32 v39, $0x3;
	v32 =	vand.u32 $0x3FF, v37  }
0x235: {  	v24 =	vshll.u32 v24, $0x4;
	v37 =	vand.u32 $0x7F, v39;
	v36 =	vld.idx.msk [tilespmem:v36+s5+$0x0], $0xffff;
	v30 =	vand.u32 $0x1C00, v30;
	[tilespmem:v28+s19+$0x0] =	vst.idx.msk $0xffff, v29  }
0x236: {  	v24 =	vor.u32 v0, v24;
	v28 =	vor.u32 v30, v37;
	v29 =	vld.idx.msk [tilespmem:v38+s5+$0x0], $0xffff;
	v30 =	vshll.u32 v32, $0x4  }
0x237: {  	v26 =	vor.u32 v33, v26;
	v28 =	vor.u32 v2, v28;
	v31 =	vld.idx.msk [tilespmem:v31+s5+$0x0], $0xffff;
	v30 =	vor.u32 v0, v30  }
0x238: {  	v33 =	vshll.u32 v35, $0x3;
	v26 =	vor.u32 v2, v26;
	v32 =	vand.u32 $0x3FF, v34;
	[tilespmem:v20+s19+$0x0] =	vst.idx.msk $0xffff, v27  }
0x239: {  	v20 =	vshll.u32 v32, $0x4;
	v27 =	vand.u32 $0x7F, v35;
	v32 =	vand.u32 $0x1C00, v33;
	v21 =	vld.idx.msk [tilespmem:v21+s5+$0x0], $0xffff  }
0x23a: {  	v33 =	vadd.s32 s25, v5;
	v20 =	vor.u32 v0, v20;
	v27 =	vor.u32 v32, v27  }
0x23b: {  	v32 =	vshll.u32 v33, $0x3;
	v27 =	vor.u32 v2, v27;
	[tilespmem:v24+s19+$0x0] =	vst.idx.msk $0xffff, v36;
	v24 =	vand.u32 $0x3FF, v39  }
0x23c: {  	v34 =	vand.u32 $0x7F, v33;
	v32 =	vand.u32 $0x1C00, v32;
	v28 =	vld.idx.msk [tilespmem:v28+s5+$0x0], $0xffff;
	v24 =	vshll.u32 v24, $0x4;
	[tilespmem:v30+s19+$0x0] =	vst.idx.msk $0xffff, v29  }
0x23d: {  	v29 =	vor.u32 v32, v34;
	v24 =	vor.u32 v0, v24;
	[tilespmem:v25+s19+$0x0] =	vst.idx.msk $0xffff, v31;
	v25 =	vadd.s32 s28, v5  }
0x23e: {  	v30 =	vand.u32 $0x3FF, v35;
	v29 =	vor.u32 v2, v29;
	v26 =	vld.idx.msk [tilespmem:v26+s5+$0x0], $0xffff;
	v31 =	vshll.u32 v25, $0x3  }
0x23f: {  	v30 =	vshll.u32 v30, $0x4;
	v32 =	vand.u32 $0x7F, v25;
	v31 =	vand.u32 $0x1C00, v31;
	[tilespmem:v22+s19+$0x0] =	vst.idx.msk $0xffff, v21  }
0x240: {  	v21 =	vor.u32 v0, v30;
	v30 =	vadd.s32 s28, v6;
	v22 =	vor.u32 v31, v32;
	v23 =	vld.idx.msk [tilespmem:v23+s5+$0x0], $0xffff  }
0x241: {  	v25 =	vand.u32 $0x3FF, v25;
	v31 =	vadd.s32 s25, v6;
	v22 =	vor.u32 v2, v22  }
0x242: {  	v32 =	vshll.u32 v30, $0x3;
	[tilespmem:v24+s19+$0x0] =	vst.idx.msk $0xffff, v28;
	v24 =	vand.u32 $0x3FF, v33;
	v28 =	vshll.u32 v31, $0x3  }
0x243: {  	v33 =	vand.u32 $0x7F, v31;
	v29 =	vld.idx.msk [tilespmem:v29+s5+$0x0], $0xffff;
	v24 =	vshll.u32 v24, $0x4;
	v28 =	vand.u32 $0x1C00, v28  }
0x244: {  	v24 =	vor.u32 v0, v24;
	v28 =	vor.u32 v28, v33;
	[tilespmem:v20+s19+$0x0] =	vst.idx.msk $0xffff, v26;
	v20 =	vshll.u32 v25, $0x4  }
0x245: {  	v25 =	vor.u32 v2, v28;
	v26 =	vld.idx.msk [tilespmem:v27+s5+$0x0], $0xffff;
	v27 =	vand.u32 $0x7F, v30;
	v28 =	vand.u32 $0x1C00, v32  }
0x246: {  	v20 =	vor.u32 v0, v20;
	v27 =	vor.u32 v28, v27;
	v28 =	vadd.s32 s28, v7;
	[tilespmem:v19+s19+$0x0] =	vst.idx.msk $0xffff, v23  }
0x247: {  	v19 =	vand.u32 $0x3FF, v30;
	v23 =	vor.u32 v2, v27;
	v27 =	vshll.u32 v28, $0x3  }
0x248: {  	v30 =	vadd.s32 s25, v7;
	v19 =	vshll.u32 v19, $0x4;
	v27 =	vand.u32 $0x1C00, v27  }
0x249: {  	[tilespmem:v24+s19+$0x0] =	vst.idx.msk $0xffff, v29;
	v24 =	vand.u32 $0x3FF, v31;
	v29 =	vshll.u32 v30, $0x3;
	v31 =	vand.u32 $0x7F, v28  }
0x24a: {  	v32 =	vand.u32 $0x7F, v30;
	v25 =	vld.idx.msk [tilespmem:v25+s5+$0x0], $0xffff;
	v24 =	vshll.u32 v24, $0x4;
	v29 =	vand.u32 $0x1C00, v29  }
0x24b: {  	v24 =	vor.u32 v0, v24;
	v29 =	vor.u32 v29, v32;
	[tilespmem:v21+s19+$0x0] =	vst.idx.msk $0xffff, v26;
	v21 =	vadd.s32 s28, v8  }
0x24c: {  	v19 =	vor.u32 v0, v19;
	v27 =	vor.u32 v27, v31;
	v26 =	vor.u32 v2, v29;
	v22 =	vld.idx.msk [tilespmem:v22+s5+$0x0], $0xffff  }
0x24d: {  	v28 =	vand.u32 $0x3FF, v28;
	v27 =	vor.u32 v2, v27;
	v29 =	vshll.u32 v21, $0x3  }
0x24e: {  	v28 =	vshll.u32 v28, $0x4;
	v31 =	vand.u32 $0x7F, v21;
	v29 =	vand.u32 $0x1C00, v29  }
0x24f: {  	v32 =	vadd.s32 s25, v8;
	v28 =	vor.u32 v0, v28;
	v29 =	vor.u32 v29, v31  }
0x250: {  	v29 =	vor.u32 v2, v29;
	[tilespmem:v24+s19+$0x0] =	vst.idx.msk $0xffff, v25;
	v24 =	vand.u32 $0x3FF, v30;
	v25 =	vshll.u32 v32, $0x3  }
0x251: {  	v30 =	vand.u32 $0x7F, v32;
	v26 =	vld.idx.msk [tilespmem:v26+s5+$0x0], $0xffff;
	v24 =	vshll.u32 v24, $0x4;
	v25 =	vand.u32 $0x1C00, v25  }
0x252: {  	v24 =	vor.u32 v0, v24;
	v25 =	vor.u32 v25, v30;
	[tilespmem:v20+s19+$0x0] =	vst.idx.msk $0xffff, v22;
	v20 =	vadd.s32 s28, v9  }
0x253: {  	v21 =	vand.u32 $0x3FF, v21;
	v22 =	vor.u32 v2, v25;
	v23 =	vld.idx.msk [tilespmem:v23+s5+$0x0], $0xffff;
	v25 =	vshll.u32 v20, $0x3  }
0x254: {  	v21 =	vshll.u32 v21, $0x4;
	v30 =	vand.u32 $0x7F, v20;
	v25 =	vand.u32 $0x1C00, v25  }
0x255: {  	v21 =	vor.u32 v0, v21;
	v25 =	vor.u32 v25, v30;
	v30 =	vadd.s32 s28, v10  }
0x256: {  	v31 =	vadd.s32 s25, v9;
	v20 =	vand.u32 $0x3FF, v20;
	v25 =	vor.u32 v2, v25  }
0x257: {  	[tilespmem:v24+s19+$0x0] =	vst.idx.msk $0xffff, v26;
	v24 =	vand.u32 $0x3FF, v32;
	v26 =	vshll.u32 v31, $0x3;
	v32 =	vshll.u32 v30, $0x3  }
0x258: {  	v33 =	vand.u32 $0x7F, v31;
	v22 =	vld.idx.msk [tilespmem:v22+s5+$0x0], $0xffff;
	v24 =	vshll.u32 v24, $0x4;
	v26 =	vand.u32 $0x1C00, v26  }
0x259: {  	v24 =	vor.u32 v0, v24;
	v26 =	vor.u32 v26, v33;
	[tilespmem:v19+s19+$0x0] =	vst.idx.msk $0xffff, v23;
	v19 =	vshll.u32 v20, $0x4  }
0x25a: {  	v20 =	vor.u32 v2, v26;
	v23 =	vld.idx.msk [tilespmem:v27+s5+$0x0], $0xffff;
	v26 =	vand.u32 $0x7F, v30;
	v27 =	vand.u32 $0x1C00, v32  }
0x25b: {  	v19 =	vor.u32 v0, v19;
	v26 =	vor.u32 v27, v26;
	v27 =	vadd.s32 s28, v11  }
0x25c: {  	v30 =	vand.u32 $0x3FF, v30;
	v26 =	vor.u32 v2, v26;
	v32 =	vshll.u32 v27, $0x3  }
0x25d: {  	v33 =	vadd.s32 s25, v10;
	v30 =	vshll.u32 v30, $0x4;
	v32 =	vand.u32 $0x1C00, v32  }
0x25e: {  	[tilespmem:v24+s19+$0x0] =	vst.idx.msk $0xffff, v22;
	v22 =	vand.u32 $0x3FF, v31;
	v24 =	vshll.u32 v33, $0x3;
	v31 =	vand.u32 $0x7F, v27  }
0x25f: {  	v34 =	vand.u32 $0x7F, v33;
	v20 =	vld.idx.msk [tilespmem:v20+s5+$0x0], $0xffff;
	v22 =	vshll.u32 v22, $0x4;
	v24 =	vand.u32 $0x1C00, v24  }
0x260: {  	v22 =	vor.u32 v0, v22;
	v24 =	vor.u32 v24, v34;
	[tilespmem:v28+s19+$0x0] =	vst.idx.msk $0xffff, v23;
	v23 =	vadd.s32 s28, v12  }
0x261: {  	v24 =	vor.u32 v2, v24;
	v28 =	vld.idx.msk [tilespmem:v29+s5+$0x0], $0xffff;
	v29 =	vor.u32 v0, v30;
	v30 =	vor.u32 v32, v31  }
0x262: {  	v27 =	vand.u32 $0x3FF, v27;
	v31 =	vshll.u32 v23, $0x3;
	v30 =	vor.u32 v2, v30  }
0x263: {  	v27 =	vshll.u32 v27, $0x4;
	v32 =	vand.u32 $0x7F, v23;
	v31 =	vand.u32 $0x1C00, v31  }
0x264: {  	v34 =	vadd.s32 s25, v11;
	v35 =	vor.u32 v0, v27;
	v27 =	vor.u32 v31, v32  }
0x265: {  	v31 =	vor.u32 v2, v27;
	[tilespmem:v22+s19+$0x0] =	vst.idx.msk $0xffff, v20;
	v20 =	vand.u32 $0x3FF, v33;
	v22 =	vshll.u32 v34, $0x3  }
0x266: {  	v27 =	vand.u32 $0x7F, v34;
	v24 =	vld.idx.msk [tilespmem:v24+s5+$0x0], $0xffff;
	v20 =	vshll.u32 v20, $0x4;
	v22 =	vand.u32 $0x1C00, v22  }
0x267: {  	v20 =	vor.u32 v0, v20;
	v22 =	vor.u32 v22, v27;
	[tilespmem:v21+s19+$0x0] =	vst.idx.msk $0xffff, v28;
	v21 =	vadd.s32 s28, v13  }
0x268: {  	v23 =	vand.u32 $0x3FF, v23;
	v22 =	vor.u32 v2, v22;
	v25 =	vld.idx.msk [tilespmem:v25+s5+$0x0], $0xffff;
	v27 =	vshll.u32 v21, $0x3  }
0x269: {  	v23 =	vshll.u32 v23, $0x4;
	v28 =	vand.u32 $0x7F, v21;
	v27 =	vand.u32 $0x1C00, v27  }
0x26a: {  	v33 =	vor.u32 v0, v23;
	v23 =	vor.u32 v27, v28;
	v27 =	vadd.s32 s28, v14  }
0x26b: {  	v21 =	vand.u32 $0x3FF, v21;
	v28 =	vadd.s32 s25, v12;
	v36 =	vor.u32 v2, v23  }
0x26c: {  	v23 =	vshll.u32 v28, $0x3;
	[tilespmem:v20+s19+$0x0] =	vst.idx.msk $0xffff, v24;
	v20 =	vand.u32 $0x3FF, v34;
	v24 =	vshll.u32 v27, $0x3  }
0x26d: {  	v32 =	vand.u32 $0x7F, v28;
	v23 =	vand.u32 $0x1C00, v23;
	v22 =	vld.idx.msk [tilespmem:v22+s5+$0x0], $0xffff;
	v20 =	vshll.u32 v20, $0x4  }
0x26e: {  	v23 =	vor.u32 v23, v32;
	v20 =	vor.u32 v0, v20;
	[tilespmem:v19+s19+$0x0] =	vst.idx.msk $0xffff, v25;
	v19 =	vshll.u32 v21, $0x4  }
0x26f: {  	v21 =	vor.u32 v2, v23;
	v25 =	vand.u32 $0x7F, v27;
	v23 =	vld.idx.msk [tilespmem:v26+s5+$0x0], $0xffff;
	v26 =	vand.u32 $0x1C00, v24  }
0x270: {  	v32 =	vadd.s32 s28, v15;
	v24 =	vor.u32 v0, v19;
	v19 =	vor.u32 v26, v25  }
0x271: {  	v26 =	vand.u32 $0x3FF, v27;
	v25 =	vor.u32 v2, v19;
	v19 =	vshll.u32 v32, $0x3  }
0x272: {  	v34 =	vadd.s32 s25, v13;
	v26 =	vshll.u32 v26, $0x4;
	v19 =	vand.u32 $0x1C00, v19  }
0x273: {  	v27 =	vand.u32 $0x7F, v32;
	[tilespmem:v20+s19+$0x0] =	vst.idx.msk $0xffff, v22;
	v20 =	vand.u32 $0x3FF, v28;
	v22 =	vshll.u32 v34, $0x3  }
0x274: {  	v28 =	vand.u32 $0x7F, v34;
	v21 =	vld.idx.msk [tilespmem:v21+s5+$0x0], $0xffff;
	v20 =	vshll.u32 v20, $0x4;
	v22 =	vand.u32 $0x1C00, v22  }
0x275: {  	v37 =	vor.u32 v0, v20;
	v20 =	vor.u32 v22, v28;
	[tilespmem:v29+s19+$0x0] =	vst.idx.msk $0xffff, v23;
	v22 =	vadd.s32 s28, v16  }
0x276: {  	v26 =	vor.u32 v0, v26;
	v19 =	vor.u32 v19, v27;
	v23 =	vor.u32 v2, v20;
	v28 =	vld.idx.msk [tilespmem:v30+s5+$0x0], $0xffff  }
0x277: {  	v27 =	vor.u32 v2, v19;
	v20 =	vand.u32 $0x3FF, v32;
	v19 =	vshll.u32 v22, $0x3  }
0x278: {  	v29 =	vand.u32 $0x7F, v22;
	v20 =	vshll.u32 v20, $0x4;
	v19 =	vand.u32 $0x1C00, v19  }
0x279: {  	v30 =	vadd.s32 s25, v14;
	v20 =	vor.u32 v0, v20;
	v19 =	vor.u32 v19, v29  }
0x27a: {  	v32 =	vshll.u32 v30, $0x3;
	v29 =	vand.u32 $0x3FF, v34;
	[tilespmem:v37+s19+$0x0] =	vst.idx.msk $0xffff, v21;
	v21 =	vor.u32 v2, v19  }
0x27b: {  	v32 =	vand.u32 $0x1C00, v32;
	v19 =	vld.idx.msk [tilespmem:v23+s5+$0x0], $0xffff;
	v23 =	vshll.u32 v29, $0x4;
	v29 =	vand.u32 $0x7F, v30  }
0x27c: {  	v34 =	vor.u32 v0, v23;
	v23 =	vor.u32 v32, v29;
	[tilespmem:v35+s19+$0x0] =	vst.idx.msk $0xffff, v28;
	v28 =	vadd.s32 s28, v17  }
0x27d: {  	v22 =	vand.u32 $0x3FF, v22;
	v29 =	vor.u32 v2, v23;
	v31 =	vld.idx.msk [tilespmem:v31+s5+$0x0], $0xffff;
	v23 =	vshll.u32 v28, $0x3  }
0x27e: {  	v22 =	vshll.u32 v22, $0x4;
	v32 =	vand.u32 $0x7F, v28;
	v23 =	vand.u32 $0x1C00, v23  }
0x27f: {  	v22 =	vor.u32 v0, v22;
	v35 =	vand.u32 $0x3FF, v28;
	v23 =	vor.u32 v23, v32  }
.Ltmp6:
0x280: {  	v28 =	vadd.s32 s25, v15;
	v32 =	vshll.u32 v35, $0x4;
	v23 =	vor.u32 v2, v23;
	(pc) =	sbr.rel @p2 .LBB2_9-.Ltmp6, $4  }
0x281: {  	v30 =	vand.u32 $0x3FF, v30;
	[tilespmem:v34+s19+$0x0] =	vst.idx.msk $0xffff, v19;
	v34 =	vshll.u32 v28, $0x3;
	v19 =	vor.u32 v0, v32  }
0x282: {  	v30 =	vshll.u32 v30, $0x4;
	v35 =	vand.u32 $0x7F, v28;
	v29 =	vld.idx.msk [tilespmem:v29+s5+$0x0], $0xffff;
	v34 =	vand.u32 $0x1C00, v34  }
0x283: {  	v32 =	vor.u32 v0, v30;
	v30 =	vor.u32 v34, v35;
	[tilespmem:v33+s19+$0x0] =	vst.idx.msk $0xffff, v31  }
0x284: {  	s28 =	sadd.s32 $0x20, s28;
	v30 =	vor.u32 v2, v30;
	v31 =	vld.idx.msk [tilespmem:v36+s5+$0x0], $0xffff  }
0x285: {  	_ =	sdelay $0x3  }
0x286: {  	[tilespmem:v24+s19+$0x0] =	vst.idx.msk $0xffff, v31  }
0x287: {  	v24 =	vld.idx.msk [tilespmem:v25+s5+$0x0], $0xffff;
	_ =	sdelay $0x1  }
0x288: {  	v54 =	vadd.s32 s25, v16  }
0x289: {  	v28 =	vand.u32 $0x3FF, v28;
	v55 =	vshll.u32 v54, $0x3  }
0x28a: {  	v33 =	vand.u32 $0x7F, v54;
	v28 =	vshll.u32 v28, $0x4;
	[tilespmem:v32+s19+$0x0] =	vst.idx.msk $0xffff, v29;
	v56 =	vand.u32 $0x1C00, v55  }
0x28b: {  	v28 =	vor.u32 v0, v28;
	v30 =	vld.idx.msk [tilespmem:v30+s5+$0x0], $0xffff;
	v29 =	vor.u32 v56, v33;
	[tilespmem:v26+s19+$0x0] =	vst.idx.msk $0xffff, v24  }
0x28c: {  	v57 =	vor.u32 v2, v29;
	v26 =	vld.idx.msk [tilespmem:v27+s5+$0x0], $0xffff;
	_ =	sdelay $0x1  }
0x28d: {  	v58 =	vadd.s32 s25, v17  }
0x28e: {  	v59 =	vshll.u32 v58, $0x3;
	v25 =	vand.u32 $0x3FF, v54  }
0x28f: {  	v60 =	vand.u32 $0x7F, v58;
	v61 =	vand.u32 $0x1C00, v59;
	v25 =	vshll.u32 v25, $0x4;
	[tilespmem:v28+s19+$0x0] =	vst.idx.msk $0xffff, v30  }
0x290: {  	v25 =	vor.u32 v0, v25;
	v28 =	vor.u32 v61, v60;
	v24 =	vld.idx.msk [tilespmem:v57+s5+$0x0], $0xffff;
	[tilespmem:v20+s19+$0x0] =	vst.idx.msk $0xffff, v26  }
0x291: {  	v20 =	vor.u32 v2, v28;
	v21 =	vld.idx.msk [tilespmem:v21+s5+$0x0], $0xffff;
	_ =	sdelay $0x2  }
0x292: {  	v62 =	vand.u32 $0x3FF, v58  }
0x293: {  	v63 =	vshll.u32 v62, $0x4;
	[tilespmem:v25+s19+$0x0] =	vst.idx.msk $0xffff, v24  }
0x294: {  	v24 =	vor.u32 v0, v63;
	v20 =	vld.idx.msk [tilespmem:v20+s5+$0x0], $0xffff;
	[tilespmem:v22+s19+$0x0] =	vst.idx.msk $0xffff, v21  }
0x295: {  	v21 =	vld.idx.msk [tilespmem:v23+s5+$0x0], $0xffff;
	_ =	sdelay $0x3  }
0x296: {  	[tilespmem:v24+s19+$0x0] =	vst.idx.msk $0xffff, v20  }
0x297: {  	[tilespmem:v19+s19+$0x0] =	vst.idx.msk $0xffff, v21  }
0x298: {  	[hbm4b:s10+s5] =	stream.linear.scatter [tilespmem:s19], [sflag:$0x3], $0x4000, $0x38;
	[tilespmem:$0x10000] =	vst v63  }
0x299: {  	_ =	swait.ge [sflag:s22], $0x4000  }
0x29a: {  	[sflag:s22] =	ssyncset.done $0x0  }
0x29b: {  	[sflag:s22] =	ssyncadd.s32 $0xFFFFC000  }
.LBB2_11:
.Ltmp7:
0x29c: {  	(pc) =	sbr.rel @p1 .LBB2_15-.Ltmp7, $1  }
0x29d: {  	_ =	sdelay $0x3  }
0x29e: {  	s25 =	simm.s32 $0x0  }
0x29f: {  	[tilespmem:s25], [sflag:$0x1] =	stream.linear.gather [hbm4b:s1+s25], $0x400, $0x38;
	[tilespmem:$0x10000] =	vst v63  }
0x2a0: {  	_ = 	snop  }
0x2a1: {  	[tilespmem:s15], [sflag:$0x1] =	stream.linear.gather [hbm4b:s14+s25], $0x400, $0x38;
	[tilespmem:$0x10000] =	vst v63  }
0x2a2: {  	_ =	swait.ge [sflag:s18], $0x800  }
0x2a3: {  	[sflag:s18] =	ssyncset.done $0x0  }
0x2a4: {  	p2 =	por $0x1, $0x1;
	[sflag:s18] =	ssyncadd.s32 $0xFFFFF800  }
.LBB2_13:
0x2a5: {  	v19 =	vadd.s32 s25, v1;
	s26 =	sor.u32 $0x10, s25  }
0x2a6: {  	v19 =	vand.u32 $0x3F, v19;
	v20 =	vadd.s32 s26, v1  }
0x2a7: {  	v21 =	vor.u32 v18, v19;
	v20 =	vand.u32 $0x3F, v20  }
0x2a8: {  	v22 =	vor.u32 v18, v20;
	_ =	sdelay $0x1  }
0x2a9: {  	v23 =	vadd.s32 s25, v3  }
0x2aa: {  	v23 =	vand.u32 $0x3F, v23;
	v19 =	vshll.u32 v19, $0x4  }
0x2ab: {  	v24 =	vadd.s32 s26, v3;
	v19 =	vor.u32 v0, v19;
	v20 =	vshll.u32 v20, $0x4;
	v21 =	vld.idx.msk [tilespmem:v21+s5+$0x0], $0xffff  }
0x2ac: {  	v25 =	vor.u32 v18, v23;
	v24 =	vand.u32 $0x3F, v24;
	v20 =	vor.u32 v0, v20;
	v22 =	vld.idx.msk [tilespmem:v22+s5+$0x0], $0xffff  }
0x2ad: {  	v26 =	vor.u32 v18, v24;
	_ =	sdelay $0x2  }
0x2ae: {  	v39 =	vadd.s32 s25, v4;
	v41 =	vadd.s32 s26, v4;
	v23 =	vshll.u32 v23, $0x4;
	[tilespmem:v19+s19+$0x0] =	vst.idx.msk $0xffff, v21  }
0x2af: {  	v19 =	vor.u32 v0, v23;
	v21 =	vand.u32 $0x3F, v39;
	v40 =	vld.idx.msk [tilespmem:v25+s5+$0x0], $0xffff;
	[tilespmem:v20+s19+$0x0] =	vst.idx.msk $0xffff, v22;
	v20 =	vshll.u32 v24, $0x4  }
0x2b0: {  	v42 =	vor.u32 v18, v21;
	v22 =	vand.u32 $0x3F, v41;
	v43 =	vld.idx.msk [tilespmem:v26+s5+$0x0], $0xffff;
	v20 =	vor.u32 v0, v20  }
0x2b1: {  	v44 =	vor.u32 v18, v22;
	_ =	sdelay $0x2  }
0x2b2: {  	v45 =	vadd.s32 s25, v5;
	v46 =	vadd.s32 s26, v5;
	v21 =	vshll.u32 v21, $0x4;
	[tilespmem:v19+s19+$0x0] =	vst.idx.msk $0xffff, v40  }
0x2b3: {  	v19 =	vor.u32 v0, v21;
	v21 =	vand.u32 $0x3F, v45;
	v23 =	vld.idx.msk [tilespmem:v42+s5+$0x0], $0xffff;
	[tilespmem:v20+s19+$0x0] =	vst.idx.msk $0xffff, v43;
	v20 =	vshll.u32 v22, $0x4  }
0x2b4: {  	v47 =	vor.u32 v18, v21;
	v22 =	vand.u32 $0x3F, v46;
	v25 =	vld.idx.msk [tilespmem:v44+s5+$0x0], $0xffff;
	v20 =	vor.u32 v0, v20  }
0x2b5: {  	v48 =	vor.u32 v18, v22;
	_ =	sdelay $0x2  }
0x2b6: {  	v49 =	vadd.s32 s25, v6;
	v50 =	vadd.s32 s26, v6;
	v21 =	vshll.u32 v21, $0x4;
	[tilespmem:v19+s19+$0x0] =	vst.idx.msk $0xffff, v23  }
0x2b7: {  	v19 =	vor.u32 v0, v21;
	v21 =	vand.u32 $0x3F, v49;
	v23 =	vld.idx.msk [tilespmem:v47+s5+$0x0], $0xffff;
	[tilespmem:v20+s19+$0x0] =	vst.idx.msk $0xffff, v25;
	v20 =	vshll.u32 v22, $0x4  }
0x2b8: {  	v51 =	vor.u32 v18, v21;
	v22 =	vand.u32 $0x3F, v50;
	v25 =	vld.idx.msk [tilespmem:v48+s5+$0x0], $0xffff;
	v20 =	vor.u32 v0, v20  }
0x2b9: {  	v52 =	vor.u32 v18, v22;
	_ =	sdelay $0x2  }
0x2ba: {  	v53 =	vadd.s32 s25, v7;
	v54 =	vadd.s32 s26, v7;
	v21 =	vshll.u32 v21, $0x4;
	[tilespmem:v19+s19+$0x0] =	vst.idx.msk $0xffff, v23  }
0x2bb: {  	v19 =	vor.u32 v0, v21;
	v21 =	vand.u32 $0x3F, v53;
	v23 =	vld.idx.msk [tilespmem:v51+s5+$0x0], $0xffff;
	[tilespmem:v20+s19+$0x0] =	vst.idx.msk $0xffff, v25;
	v20 =	vshll.u32 v22, $0x4  }
0x2bc: {  	v55 =	vor.u32 v18, v21;
	v22 =	vand.u32 $0x3F, v54;
	v25 =	vld.idx.msk [tilespmem:v52+s5+$0x0], $0xffff;
	v20 =	vor.u32 v0, v20  }
0x2bd: {  	v56 =	vor.u32 v18, v22;
	_ =	sdelay $0x2  }
0x2be: {  	v57 =	vadd.s32 s25, v8;
	v58 =	vadd.s32 s26, v8;
	v21 =	vshll.u32 v21, $0x4;
	[tilespmem:v19+s19+$0x0] =	vst.idx.msk $0xffff, v23  }
0x2bf: {  	v19 =	vor.u32 v0, v21;
	v21 =	vand.u32 $0x3F, v57;
	v23 =	vld.idx.msk [tilespmem:v55+s5+$0x0], $0xffff;
	[tilespmem:v20+s19+$0x0] =	vst.idx.msk $0xffff, v25;
	v20 =	vshll.u32 v22, $0x4  }
0x2c0: {  	v59 =	vor.u32 v18, v21;
	v22 =	vand.u32 $0x3F, v58;
	v25 =	vld.idx.msk [tilespmem:v56+s5+$0x0], $0xffff;
	v20 =	vor.u32 v0, v20  }
0x2c1: {  	v60 =	vor.u32 v18, v22;
	_ =	sdelay $0x2  }
0x2c2: {  	v61 =	vadd.s32 s25, v9;
	v62 =	vadd.s32 s26, v9;
	v21 =	vshll.u32 v21, $0x4;
	[tilespmem:v19+s19+$0x0] =	vst.idx.msk $0xffff, v23  }
0x2c3: {  	v19 =	vor.u32 v0, v21;
	v21 =	vand.u32 $0x3F, v61;
	v23 =	vld.idx.msk [tilespmem:v59+s5+$0x0], $0xffff;
	[tilespmem:v20+s19+$0x0] =	vst.idx.msk $0xffff, v25;
	v20 =	vshll.u32 v22, $0x4  }
0x2c4: {  	v63 =	vor.u32 v18, v21;
	v22 =	vand.u32 $0x3F, v62;
	v25 =	vld.idx.msk [tilespmem:v60+s5+$0x0], $0xffff;
	v20 =	vor.u32 v0, v20  }
0x2c5: {  	v28 =	vor.u32 v18, v22;
	_ =	sdelay $0x2  }
0x2c6: {  	v29 =	vadd.s32 s25, v10;
	v30 =	vadd.s32 s26, v10;
	v21 =	vshll.u32 v21, $0x4;
	[tilespmem:v19+s19+$0x0] =	vst.idx.msk $0xffff, v23  }
0x2c7: {  	v19 =	vor.u32 v0, v21;
	v21 =	vand.u32 $0x3F, v29;
	v23 =	vld.idx.msk [tilespmem:v63+s5+$0x0], $0xffff;
	[tilespmem:v20+s19+$0x0] =	vst.idx.msk $0xffff, v25;
	v20 =	vshll.u32 v22, $0x4  }
0x2c8: {  	v31 =	vor.u32 v18, v21;
	v22 =	vand.u32 $0x3F, v30;
	v25 =	vld.idx.msk [tilespmem:v28+s5+$0x0], $0xffff;
	v20 =	vor.u32 v0, v20  }
0x2c9: {  	v32 =	vor.u32 v18, v22;
	_ =	sdelay $0x2  }
0x2ca: {  	v33 =	vadd.s32 s25, v11;
	v34 =	vadd.s32 s26, v11;
	v21 =	vshll.u32 v21, $0x4;
	[tilespmem:v19+s19+$0x0] =	vst.idx.msk $0xffff, v23  }
0x2cb: {  	v19 =	vor.u32 v0, v21;
	v21 =	vand.u32 $0x3F, v33;
	v23 =	vld.idx.msk [tilespmem:v31+s5+$0x0], $0xffff;
	[tilespmem:v20+s19+$0x0] =	vst.idx.msk $0xffff, v25;
	v20 =	vshll.u32 v22, $0x4  }
0x2cc: {  	v35 =	vor.u32 v18, v21;
	v22 =	vand.u32 $0x3F, v34;
	v25 =	vld.idx.msk [tilespmem:v32+s5+$0x0], $0xffff;
	v20 =	vor.u32 v0, v20  }
0x2cd: {  	v36 =	vor.u32 v18, v22;
	_ =	sdelay $0x2  }
0x2ce: {  	v37 =	vadd.s32 s25, v12;
	v38 =	vadd.s32 s26, v12;
	v21 =	vshll.u32 v21, $0x4;
	[tilespmem:v19+s19+$0x0] =	vst.idx.msk $0xffff, v23  }
0x2cf: {  	v19 =	vor.u32 v0, v21;
	v21 =	vand.u32 $0x3F, v37;
	v23 =	vld.idx.msk [tilespmem:v35+s5+$0x0], $0xffff;
	[tilespmem:v20+s19+$0x0] =	vst.idx.msk $0xffff, v25;
	v20 =	vshll.u32 v22, $0x4  }
0x2d0: {  	v39 =	vor.u32 v18, v21;
	v22 =	vand.u32 $0x3F, v38;
	v25 =	vld.idx.msk [tilespmem:v36+s5+$0x0], $0xffff;
	v20 =	vor.u32 v0, v20  }
0x2d1: {  	v40 =	vor.u32 v18, v22;
	_ =	sdelay $0x2  }
0x2d2: {  	v41 =	vadd.s32 s25, v13;
	v42 =	vadd.s32 s26, v13;
	v21 =	vshll.u32 v21, $0x4;
	[tilespmem:v19+s19+$0x0] =	vst.idx.msk $0xffff, v23  }
0x2d3: {  	v19 =	vor.u32 v0, v21;
	v21 =	vand.u32 $0x3F, v41;
	v23 =	vld.idx.msk [tilespmem:v39+s5+$0x0], $0xffff;
	[tilespmem:v20+s19+$0x0] =	vst.idx.msk $0xffff, v25;
	v20 =	vshll.u32 v22, $0x4  }
0x2d4: {  	v43 =	vor.u32 v18, v21;
	v22 =	vand.u32 $0x3F, v42;
	v25 =	vld.idx.msk [tilespmem:v40+s5+$0x0], $0xffff;
	v20 =	vor.u32 v0, v20  }
0x2d5: {  	v44 =	vor.u32 v18, v22;
	_ =	sdelay $0x2  }
0x2d6: {  	v45 =	vadd.s32 s25, v14;
	v46 =	vadd.s32 s26, v14;
	v21 =	vshll.u32 v21, $0x4;
	[tilespmem:v19+s19+$0x0] =	vst.idx.msk $0xffff, v23  }
0x2d7: {  	v19 =	vor.u32 v0, v21;
	v21 =	vand.u32 $0x3F, v45;
	v23 =	vld.idx.msk [tilespmem:v43+s5+$0x0], $0xffff;
	[tilespmem:v20+s19+$0x0] =	vst.idx.msk $0xffff, v25;
	v20 =	vshll.u32 v22, $0x4  }
0x2d8: {  	v47 =	vor.u32 v18, v21;
	v22 =	vand.u32 $0x3F, v46;
	v25 =	vld.idx.msk [tilespmem:v44+s5+$0x0], $0xffff;
	v20 =	vor.u32 v0, v20  }
0x2d9: {  	v48 =	vor.u32 v18, v22;
	_ =	sdelay $0x2  }
0x2da: {  	v49 =	vadd.s32 s25, v15;
	v50 =	vadd.s32 s26, v15;
	v21 =	vshll.u32 v21, $0x4;
	[tilespmem:v19+s19+$0x0] =	vst.idx.msk $0xffff, v23  }
0x2db: {  	v19 =	vor.u32 v0, v21;
	v21 =	vand.u32 $0x3F, v49;
	v23 =	vld.idx.msk [tilespmem:v47+s5+$0x0], $0xffff;
	[tilespmem:v20+s19+$0x0] =	vst.idx.msk $0xffff, v25;
	v20 =	vshll.u32 v22, $0x4  }
0x2dc: {  	v51 =	vor.u32 v18, v21;
	v22 =	vand.u32 $0x3F, v50;
	v25 =	vld.idx.msk [tilespmem:v48+s5+$0x0], $0xffff;
	v20 =	vor.u32 v0, v20  }
0x2dd: {  	v52 =	vor.u32 v18, v22;
	_ =	sdelay $0x2  }
0x2de: {  	v53 =	vadd.s32 s25, v16;
	v54 =	vadd.s32 s26, v16;
	v21 =	vshll.u32 v21, $0x4;
	[tilespmem:v19+s19+$0x0] =	vst.idx.msk $0xffff, v23  }
0x2df: {  	v19 =	vor.u32 v0, v21;
	v21 =	vand.u32 $0x3F, v53;
	v23 =	vld.idx.msk [tilespmem:v51+s5+$0x0], $0xffff;
	[tilespmem:v20+s19+$0x0] =	vst.idx.msk $0xffff, v25;
	v20 =	vshll.u32 v22, $0x4  }
0x2e0: {  	v55 =	vor.u32 v18, v21;
	v22 =	vand.u32 $0x3F, v54;
	v25 =	vld.idx.msk [tilespmem:v52+s5+$0x0], $0xffff;
	v20 =	vor.u32 v0, v20  }
0x2e1: {  	v56 =	vor.u32 v18, v22;
	_ =	sdelay $0x1  }
0x2e2: {  	v27 =	vadd.s32 s25, v17  }
0x2e3: {  	v58 =	vand.u32 $0x3F, v27;
	v21 =	vshll.u32 v21, $0x4;
	[tilespmem:v19+s19+$0x0] =	vst.idx.msk $0xffff, v23  }
0x2e4: {  	v59 =	vadd.s32 s26, v17;
	v19 =	vor.u32 v0, v21;
	v57 =	vld.idx.msk [tilespmem:v55+s5+$0x0], $0xffff;
	[tilespmem:v20+s19+$0x0] =	vst.idx.msk $0xffff, v25;
	v20 =	vshll.u32 v22, $0x4  }
0x2e5: {  	v60 =	vor.u32 v18, v58;
	v22 =	vand.u32 $0x3F, v59;
	v25 =	vld.idx.msk [tilespmem:v56+s5+$0x0], $0xffff;
	v20 =	vor.u32 v0, v20  }
0x2e6: {  	v61 =	vor.u32 v18, v22;
	_ =	sdelay $0x2  }
0x2e7: {  	[tilespmem:v19+s19+$0x0] =	vst.idx.msk $0xffff, v57;
	v19 =	vshll.u32 v58, $0x4  }
0x2e8: {  	v62 =	vshll.u32 v22, $0x4;
	[tilespmem:v20+s19+$0x0] =	vst.idx.msk $0xffff, v25;
	v20 =	vld.idx.msk [tilespmem:v60+s5+$0x0], $0xffff;
	v19 =	vor.u32 v0, v19  }
0x2e9: {  	p3 =	por p2, p2;
	v21 =	vor.u32 v0, v62;
	v63 =	vld.idx.msk [tilespmem:v61+s5+$0x0], $0xffff  }
.Ltmp8:
0x2ea: {  	_ = 	snop;
	(pc) =	sbr.rel @p3 .LBB2_13-.Ltmp8, $3  }
0x2eb: {  	_ =	sdelay $0x1  }
0x2ec: {  	[tilespmem:v19+s19+$0x0] =	vst.idx.msk $0xffff, v20  }
0x2ed: {  	p2 =	por $0x0, $0x0;
	s25 =	simm.s32 $0x20;
	[tilespmem:v21+s19+$0x0] =	vst.idx.msk $0xffff, v63  }
.Ltmp9:
0x2ee: {  	(pc) =	sbr.rel .LBB2_15-.Ltmp9, $4  }
0x2ef: {  	[hbm4b:s11+s5] =	stream.linear.scatter [tilespmem:s19], [sflag:$0x3], $0x400, $0x38;
	[tilespmem:$0x10000] =	vst v63  }
0x2f0: {  	_ =	swait.ge [sflag:s22], $0x400  }
0x2f1: {  	[sflag:s22] =	ssyncset.done $0x0  }
0x2f2: {  	[sflag:s22] =	ssyncadd.s32 $0xFFFFFC00  }
.LBB2_16:
0x2f3: {  	_ =	sfence.sel $0x180000  }
0x2f4: {  	[bflag:$0x0] =	sbarrier.arrive $0xFFFF  }
0x2f5: {  	_ =	strace $0x90000047  }
0x2f6: {  	[bflag:$0x2] =	sbarrier.arrive $0xFFFF  }
0x2f7: {  	p0 =	sne.s32 s4, $0x0;
	s0 =	rddreg [dreg:$0x3]  }
0x2f8: {  	s0 =	sadd.s32 @!p0 $0x100000, s0  }
0x2f9: {  	[sflag:s0] =	ssyncadd.tile.s32 @!p0 $0x1;
	_ =	shalt  }
.Lfunc_end2:
_tile_overlayer_lowered:
.L_overlay_start_2:
0x2fa: {  	(tag) =	ssettag $0x2  }
0x2fb: {  	s0 =	rddreg [dreg:$0x0];
	s2 =	stileid.u32  }
0x2fc: {  	s1 =	rddreg [dreg:$0x1];
	p0 =	sne.s32 s2, $0x0  }
0x2fd: {  	s3 =	rddreg [dreg:$0x2];
	[bflag:$0x3] =	sbarrier.arrive $0xFFFF;
	s2 =	simm.s32 @!p0 $0x1C05  }
0x2fe: {  	[timem:s3], [sflag:s2] =	dma.local @!p0 [hbm:s0], s1  }
0x2ff: {  	s0 =	simm.s32 @!p0 $0x5  }
0x300: {  	_ =	swait.ge @!p0 [sflag:s0], s1  }
0x301: {  	s1 =	ssub.s32 @!p0 $0x0, s1;
	[sflag:s0] =	ssyncset.done @!p0 $0x0  }
0x302: {  	[sflag:s0] =	ssyncadd.s32 @!p0 s1  }
0x303: {  	[bflag:$0x3] =	sbarrier.arrive $0xFFFF  }
0x304: {  	_ =	shalt  }

</sc_bundles>
